<compile_context>
chip_gen: v7x
topology: tpu7x:2x2x1
jax: 0.10.2.dev20260603
libtpu: 0.0.44.dev20260713+nightly
codegen_flags: <defaults>
</compile_context>

<pallas_src>
import functools

import jax
import jax.numpy as jnp
from jax import lax
from jax.experimental import pallas as pl
from jax.experimental.pallas import tpu as pltpu
from jax.experimental.pallas import tpu_sc as plsc

N = 50000
E = 800000
NC = 2
NS = 16
L = 16
W = 16
LCHUNK = 6400
MCHUNK = 800
NCH = E // MCHUNK
BN = 2048

_SC_PARAMS = pltpu.CompilerParams(
    needs_layout_passes=False, use_tc_tiling_on_sc=False)


def _cdiv(a, b):
    return (a + b - 1) // b


def _make_logit_kernel():
    mesh = plsc.VectorSubcoreMesh(core_axis_name="c", subcore_axis_name="s")
    nw = NC * NS
    lnch = E // LCHUNK
    iters = _cdiv(lnch, nw)

    @functools.partial(
        pl.kernel,
        out_type=jax.ShapeDtypeStruct((E,), jnp.float32),
        mesh=mesh,
        compiler_params=_SC_PARAMS,
        scratch_types=[
            pltpu.VMEM((N,), jnp.float32),
            pltpu.VMEM((N,), jnp.float32),
            pltpu.VMEM((LCHUNK,), jnp.int32),
            pltpu.VMEM((LCHUNK,), jnp.int32),
            pltpu.VMEM((LCHUNK,), jnp.float32),
        ],
    )
    def k(asrc_hbm, adst_hbm, src_hbm, dst_hbm, s_hbm, asrc_v, adst_v,
          srcv, dstv, sv):
        c = lax.axis_index("c")
        sid = lax.axis_index("s")
        wid = sid * NC + c
        pltpu.sync_copy(asrc_hbm, asrc_v)
        pltpu.sync_copy(adst_hbm, adst_v)

        def chunk_body(kk, carry):
            cid = wid + nw * kk

            @pl.when(cid < lnch)
            def _():
                off = cid * LCHUNK
                pltpu.sync_copy(src_hbm.at[pl.ds(off, LCHUNK)], srcv)
                pltpu.sync_copy(dst_hbm.at[pl.ds(off, LCHUNK)], dstv)

                def g_body(g, carry2):
                    si = srcv[pl.ds(g * L, L)]
                    di = dstv[pl.ds(g * L, L)]
                    a = plsc.load_gather(asrc_v, [si])
                    b = plsc.load_gather(adst_v, [di])
                    e = a + b
                    e = jnp.where(e >= 0.0, e, 0.2 * e)
                    e = jnp.minimum(e, 60.0)
                    sv[pl.ds(g * L, L)] = jnp.exp(e)
                    return carry2

                lax.fori_loop(0, LCHUNK // L, g_body, 0)
                pltpu.sync_copy(sv, s_hbm.at[pl.ds(off, LCHUNK)])

            return carry

        lax.fori_loop(0, iters, chunk_body, 0)

    return k


def _make_msg_kernel(width, n_tables, schedules, n_out):
    mesh = plsc.VectorSubcoreMesh(core_axis_name="c", subcore_axis_name="s")
    zrows = 400
    nz = N // zrows
    z_iters = _cdiv(nz, NS)
    nblk = MCHUNK * width // 32

    scratch = [pltpu.VMEM_SHARED((N, width), jnp.bfloat16)]
    for _ in range(2):
        scratch += [
            pltpu.VMEM((MCHUNK,), jnp.int32),
            pltpu.VMEM((MCHUNK,), jnp.int32),
            pltpu.VMEM((MCHUNK,), jnp.float32),
            pltpu.VMEM((MCHUNK, width), jnp.bfloat16),
            pltpu.VMEM((MCHUNK, width), jnp.bfloat16),
            pltpu.VMEM((MCHUNK,), jnp.int32),
            pltpu.SemaphoreType.DMA,
            pltpu.SemaphoreType.DMA,
            pltpu.SemaphoreType.DMA,
        ]

    @functools.partial(
        pl.kernel,
        out_type=jax.ShapeDtypeStruct((n_out, N, width), jnp.bfloat16),
        mesh=mesh,
        compiler_params=_SC_PARAMS,
        scratch_types=scratch,
    )
    def k(*refs):
        tabs = refs[:n_tables]
        src_hbm, dst_hbm, s_hbm, out_hbm, acc = refs[n_tables:n_tables + 5]
        slots = [refs[n_tables + 5 + 9 * b:n_tables + 5 + 9 * (b + 1)]
                 for b in range(2)]
        c = lax.axis_index("c")
        sid = lax.axis_index("s")

        def issue_idx(cid, b):
            srcv, dstv, sv = slots[b][:3]
            sem_i = slots[b][6]
            off = cid * MCHUNK
            pltpu.async_copy(src_hbm.at[pl.ds(off, MCHUNK)], srcv, sem_i)
            pltpu.async_copy(dst_hbm.at[pl.ds(off, MCHUNK)], dstv, sem_i)
            pltpu.async_copy(s_hbm.at[pl.ds(off, MCHUNK)], sv, sem_i)

        def wait_idx(cid, b):
            srcv, dstv, sv = slots[b][:3]
            sem_i = slots[b][6]
            off = cid * MCHUNK
            pltpu.make_async_copy(
                src_hbm.at[pl.ds(off, MCHUNK)], srcv, sem_i).wait()
            pltpu.make_async_copy(
                dst_hbm.at[pl.ds(off, MCHUNK)], dstv, sem_i).wait()
            pltpu.make_async_copy(
                s_hbm.at[pl.ds(off, MCHUNK)], sv, sem_i).wait()

        def do_pass(tab_hbm, lo, hi, out_idx):
            iters = _cdiv(hi - lo, NS)

            z0 = slots[0][4]

            def zb32(i, carry):
                if width == 32:
                    z0[i, :] = jnp.zeros((32,), jnp.bfloat16)
                else:
                    z0[pl.ds(2 * i, 2), :] = jnp.zeros(
                        (2, 16), jnp.bfloat16)
                return carry

            lax.fori_loop(0, zrows * width // 32, zb32, 0)
            for t in range(z_iters):
                z = sid + NS * t

                @pl.when(z < nz)
                def _():
                    pltpu.sync_copy(z0.at[pl.ds(0, zrows)],
                                    acc.at[pl.ds(z * zrows, zrows)])
            plsc.subcore_barrier()

            cid0 = lo + sid

            @pl.when(cid0 < hi)
            def _():
                issue_idx(cid0, 0)

            def chunk_pair(kk2, carry):
                for b in (0, 1):
                    kk2b = 2 * kk2 + b
                    cur = lo + sid + NS * kk2b
                    prv = cur - NS
                    old = cur - 3 * NS
                    srcv, dstv, sv, rows, scaled, dss, sem_i, sem_g, \
                        sem_s = slots[b]
                    srcp, dstp, svp, rowsp, scaledp, dssp, _, sem_gp, \
                        sem_sp = slots[1 - b]

                    @pl.when(cur < hi)
                    def _():
                        wait_idx(cur, b)
                        pltpu.async_copy(tab_hbm.at[srcv], rows, sem_g)

                    @pl.when((old >= lo) & (old < hi))
                    def _():
                        pltpu.make_async_copy(
                            scaledp, acc.at[dssp], sem_sp).wait()

                    @pl.when((prv >= lo) & (prv < hi))
                    def _():
                        pltpu.make_async_copy(
                            tab_hbm.at[srcp], rowsp, sem_gp).wait()

                        def g_body(i, carry2):
                            v = rowsp[i, :]
                            eidx = jnp.full((L,), i, jnp.int32)
                            sg = plsc.load_gather(svp, [eidx])
                            a, bb = plsc.unpack(
                                v, format=plsc.PackFormat.INTERLEAVED,
                                preferred_element_type=jnp.float32)
                            scaledp[i, :] = plsc.pack(
                                a * sg, bb * sg,
                                format=plsc.PackFormat.INTERLEAVED)
                            return carry2

                        lax.fori_loop(0, nblk, g_body, 0)

                        def cp_body(i, carry2):
                            dssp[pl.ds(i * L, L)] = dstp[pl.ds(i * L, L)]
                            return carry2

                        lax.fori_loop(0, MCHUNK // L, cp_body, 0)
                        pltpu.async_copy(
                            scaledp, acc.at[dssp], sem_sp, add=True)

                    @pl.when(cur + NS < hi)
                    def _():
                        issue_idx(cur + NS, 1 - b)

                return carry

            lax.fori_loop(0, (iters + 4) // 2, chunk_pair, 0)
            plsc.subcore_barrier()

            for t in range(z_iters):
                z = sid + NS * t

                @pl.when(z < nz)
                def _():
                    pltpu.sync_copy(acc.at[pl.ds(z * zrows, zrows)],
                                    out_hbm.at[out_idx,
                                               pl.ds(z * zrows, zrows)])
            plsc.subcore_barrier()

        for core, sched in enumerate(schedules):
            @pl.when(c == core)
            def _():
                for ti, lo, hi, oi in sched:
                    do_pass(tabs[ti], lo, hi, oi)

    return k


def _tc_a(x, W1, att_src1, att_dst1):
    nb = _cdiv(N, BN)

    def body(x_ref, w_ref, as_ref, ad_ref, g0_ref, g1_ref, als_ref, ald_ref):
        h = jnp.dot(x_ref[...], w_ref[...],
                    preferred_element_type=jnp.float32)
        als_ref[...] = jnp.sum(h * as_ref[...], axis=1)
        ald_ref[...] = jnp.sum(h * ad_ref[...], axis=1)
        g0_ref[...] = h[:, 0:32].astype(jnp.bfloat16)
        ones = jnp.ones((h.shape[0], 1), jnp.float32)
        zeros = jnp.zeros((h.shape[0], 13), jnp.float32)
        g1_ref[...] = jnp.concatenate(
            [h[:, 32:50], ones, zeros], axis=1).astype(jnp.bfloat16)

    tab = jax.ShapeDtypeStruct((N, 32), jnp.bfloat16)
    return pl.pallas_call(
        body,
        grid=(nb,),
        in_specs=[
            pl.BlockSpec((BN, 100), lambda i: (i, 0)),
            pl.BlockSpec((100, 50), lambda i: (0, 0)),
            pl.BlockSpec((1, 50), lambda i: (0, 0)),
            pl.BlockSpec((1, 50), lambda i: (0, 0)),
        ],
        out_specs=[
            pl.BlockSpec((BN, 32), lambda i: (i, 0)),
            pl.BlockSpec((BN, 32), lambda i: (i, 0)),
            pl.BlockSpec((BN,), lambda i: (i,)),
            pl.BlockSpec((BN,), lambda i: (i,)),
        ],
        out_shape=[tab, tab,
                   jax.ShapeDtypeStruct((N,), jnp.float32),
                   jax.ShapeDtypeStruct((N,), jnp.float32)],
    )(x, W1, att_src1.reshape(1, 50), att_dst1.reshape(1, 50))


def _tc_b(o1, b1, W2, att_src2, att_dst2):
    nb = _cdiv(N, BN)

    def body(o1_ref, b1_ref, w2_ref, as2_ref, ad2_ref,
             h2p_ref, als_ref, ald_ref):
        num = jnp.concatenate(
            [o1_ref[0], o1_ref[1][:, :18]], axis=1).astype(jnp.float32)
        den = o1_ref[1][:, 18:19].astype(jnp.float32) + 1e-16
        h1 = jnp.maximum(num / den + b1_ref[...], 0.0)
        h2 = jnp.dot(h1, w2_ref[...], preferred_element_type=jnp.float32)
        als_ref[...] = jnp.sum(h2 * as2_ref[...], axis=1)
        ald_ref[...] = jnp.sum(h2 * ad2_ref[...], axis=1)
        ones = jnp.ones((h2.shape[0], 1), jnp.float32)
        zeros = jnp.zeros((h2.shape[0], 27), jnp.float32)
        h2p_ref[...] = jnp.concatenate(
            [h2, ones, zeros], axis=1).astype(jnp.bfloat16)

    return pl.pallas_call(
        body,
        grid=(nb,),
        in_specs=[
            pl.BlockSpec((2, BN, 32), lambda i: (0, i, 0)),
            pl.BlockSpec((1, 50), lambda i: (0, 0)),
            pl.BlockSpec((50, 4), lambda i: (0, 0)),
            pl.BlockSpec((1, 4), lambda i: (0, 0)),
            pl.BlockSpec((1, 4), lambda i: (0, 0)),
        ],
        out_specs=[
            pl.BlockSpec((BN, 32), lambda i: (i, 0)),
            pl.BlockSpec((BN,), lambda i: (i,)),
            pl.BlockSpec((BN,), lambda i: (i,)),
        ],
        out_shape=[
            jax.ShapeDtypeStruct((N, 32), jnp.bfloat16),
            jax.ShapeDtypeStruct((N,), jnp.float32),
            jax.ShapeDtypeStruct((N,), jnp.float32),
        ],
    )(o1, b1.reshape(1, 50), W2, att_src2.reshape(1, 4),
      att_dst2.reshape(1, 4))


def _tc_c(o2, b2):
    nb = _cdiv(N, BN)

    def body(o2_ref, b2_ref, h_ref):
        s = o2_ref[0].astype(jnp.float32) + o2_ref[1].astype(jnp.float32)
        den = s[:, 4:5] + 1e-16
        h_ref[...] = jnp.maximum(s[:, :4] / den + b2_ref[...], 0.0)

    return pl.pallas_call(
        body,
        grid=(nb,),
        in_specs=[
            pl.BlockSpec((2, BN, 32), lambda i: (0, i, 0)),
            pl.BlockSpec((1, 4), lambda i: (0, 0)),
        ],
        out_specs=pl.BlockSpec((BN, 4), lambda i: (i, 0)),
        out_shape=jax.ShapeDtypeStruct((N, 4), jnp.float32),
    )(o2, b2.reshape(1, 4))


_logit_kernel = _make_logit_kernel()
_msg_kernel_l1 = _make_msg_kernel(
    32, 2,
    [[(0, 0, NCH, 0)],
     [(1, 0, NCH, 1)]],
    2)
_msg_kernel_l2 = _make_msg_kernel(
    32, 1,
    [[(0, 0, NCH // 2, 0)],
     [(0, NCH // 2, NCH, 1)]],
    2)


def kernel(x, edge_index, W1, att_src1, att_dst1, b1,
           W2, att_src2, att_dst2, b2):
    src = edge_index[0]
    dst = edge_index[1]

    g0, g1, as1, ad1 = _tc_a(x, W1, att_src1, att_dst1)
    s1 = _logit_kernel(as1, ad1, src, dst)
    o1 = _msg_kernel_l1(g0, g1, src, dst, s1)

    h2p, as2, ad2 = _tc_b(o1, b1, W2, att_src2, att_dst2)
    s2 = _logit_kernel(as2, ad2, src, dst)
    o2 = _msg_kernel_l2(h2p, src, dst, s2)

    h = _tc_c(o2, b2)
    return (h, edge_index)

# --- scband reference (transcript-rebuilt; emitter-appended) ---
"""Pipeline reference for scband-encoder-35450660061949 (READ-ONLY COPY).

The authoritative reference and input builder live on the scoring server;
editing this copy changes nothing except your own understanding.
"""

import jax, jax.numpy as jnp
import numpy as np

N_NODES = 50000
N_EDGES = 800000


def gat_conv(x, edge_index, W, att_src, att_dst, bias, num_nodes):
    # Linear transform
    h = x @ W  # [N, out]
    src = edge_index[0]
    dst = edge_index[1]
    # Per-node attention logits (PyG GATConv, heads=1)
    alpha_src = (h * att_src).sum(-1)  # [N]
    alpha_dst = (h * att_dst).sum(-1)  # [N]
    e = alpha_src[src] + alpha_dst[dst]  # [E]
    e = jax.nn.leaky_relu(e, negative_slope=0.2)
    # Segment softmax over incoming edges per destination node
    m = jax.ops.segment_max(e, dst, num_segments=num_nodes)  # [N]
    m = jnp.where(jnp.isfinite(m), m, 0.0)
    e = jnp.exp(e - m[dst])
    denom = jax.ops.segment_sum(e, dst, num_segments=num_nodes)  # [N]
    alpha = e / (denom[dst] + 1e-16)  # [E]
    # Weighted message aggregation (scatter-add by dst)
    msg = alpha[:, None] * h[src]  # [E, out]
    out = jax.ops.segment_sum(msg, dst, num_segments=num_nodes)  # [N, out]
    return out + bias


def setup_inputs(seed: int = 0) -> dict:
    key = jax.random.key(seed)
    k = jax.random.split(key, 10)
    x = jax.random.normal(k[0], (N_NODES, 100), dtype=jnp.float32)
    edge_index = jax.random.randint(k[1], (2, N_EDGES), 0, N_NODES, dtype=jnp.int64 if jax.config.read('jax_enable_x64') else jnp.int32)
    edge_index = edge_index.astype(jnp.int32)
    W1 = jax.random.normal(k[2], (100, 50), dtype=jnp.float32) * (1.0 / np.sqrt(100))
    att_src1 = jax.random.normal(k[3], (50,), dtype=jnp.float32) * 0.1
    att_dst1 = jax.random.normal(k[4], (50,), dtype=jnp.float32) * 0.1
    b1 = jnp.zeros((50,), dtype=jnp.float32)
    W2 = jax.random.normal(k[5], (50, 4), dtype=jnp.float32) * (1.0 / np.sqrt(50))
    att_src2 = jax.random.normal(k[6], (4,), dtype=jnp.float32) * 0.1
    att_dst2 = jax.random.normal(k[7], (4,), dtype=jnp.float32) * 0.1
    b2 = jnp.zeros((4,), dtype=jnp.float32)
    return {"x": x, "edge_index": edge_index, "W1": W1, "att_src1": att_src1,
            "att_dst1": att_dst1, "b1": b1, "W2": W2, "att_src2": att_src2,
            "att_dst2": att_dst2, "b2": b2}


def reference(x, edge_index, W1, att_src1, att_dst1, b1, W2, att_src2, att_dst2, b2):
    num_nodes = x.shape[0]
    h = gat_conv(x, edge_index, W1, att_src1, att_dst1, b1, num_nodes)
    h = jax.nn.relu(h)
    h = gat_conv(h, edge_index, W2, att_src2, att_dst2, b2, num_nodes)
    h = jax.nn.relu(h)
    return (h, edge_index)

if __name__ == "__main__":
    import jax
    _d = setup_inputs()
    print(jax.jit(kernel)(*tuple(_d.values())))

</pallas_src>

<mosaic_0001>
#map = affine_map<(d0, d1) -> (0)>
module attributes {stable_mosaic.version = 14 : i64} {
  func.func @k(%arg0: i32, %arg1: i32, %arg2: memref<50000xf32, #tpu.memory_space<hbm>>, %arg3: memref<50000xf32, #tpu.memory_space<hbm>>, %arg4: memref<800000xi32, #tpu.memory_space<hbm>>, %arg5: memref<800000xi32, #tpu.memory_space<hbm>>, %arg6: memref<800000xf32, #tpu.memory_space<hbm>>, %arg7: memref<50000xf32, #tpu.memory_space<vmem>>, %arg8: memref<50000xf32, #tpu.memory_space<vmem>>, %arg9: memref<6400xi32, #tpu.memory_space<vmem>>, %arg10: memref<6400xi32, #tpu.memory_space<vmem>>, %arg11: memref<6400xf32, #tpu.memory_space<vmem>>) attributes {dimension_semantics = [#tpu.dimension_semantics<core_parallel>, #tpu.dimension_semantics<subcore_parallel>], iteration_bounds = array<i64: 2, 16>, scalar_prefetch = 0 : i64, scratch_operands = 5 : i64, tpu.core_type = #tpu.core_type<sc_vector_subcore>, window_params = [{transform_indices = #map}, {transform_indices = #map}, {transform_indices = #map}, {transform_indices = #map}, {transform_indices = #map}]} {
    %mul3A = arith.constant 2 : i32
    %mul3A_0 = arith.muli %arg1, %mul3A : i32
    %add3A = arith.addi %mul3A_0, %arg0 : i32
    "tpu.region"() ({
      %run_scoped3A = tpu.sem_alloc : memref<!tpu.dma_semaphore, #tpu.memory_space<semaphore_mem>>
      tpu.enqueue_dma source(%arg2 : memref<50000xf32, #tpu.memory_space<hbm>>) target(%arg7 : memref<50000xf32, #tpu.memory_space<vmem>>) target_semaphore(%run_scoped3A : memref<!tpu.dma_semaphore, #tpu.memory_space<semaphore_mem>>)
      tpu.wait_dma2 semaphore(%run_scoped3A : memref<!tpu.dma_semaphore, #tpu.memory_space<semaphore_mem>>) src(%arg2 : memref<50000xf32, #tpu.memory_space<hbm>>) dst(%arg7 : memref<50000xf32, #tpu.memory_space<vmem>>)
      tpu.yield
    }) : () -> ()
    "tpu.region"() ({
      %run_scoped3A = tpu.sem_alloc : memref<!tpu.dma_semaphore, #tpu.memory_space<semaphore_mem>>
      tpu.enqueue_dma source(%arg3 : memref<50000xf32, #tpu.memory_space<hbm>>) target(%arg8 : memref<50000xf32, #tpu.memory_space<vmem>>) target_semaphore(%run_scoped3A : memref<!tpu.dma_semaphore, #tpu.memory_space<semaphore_mem>>)
      tpu.wait_dma2 semaphore(%run_scoped3A : memref<!tpu.dma_semaphore, #tpu.memory_space<semaphore_mem>>) src(%arg3 : memref<50000xf32, #tpu.memory_space<hbm>>) dst(%arg8 : memref<50000xf32, #tpu.memory_space<vmem>>)
      tpu.yield
    }) : () -> ()
    %scan3A = arith.constant 0 : i32
    %scan3A_1 = arith.constant 0 : i32
    %scan3A_2 = arith.constant 4 : i32
    %scan3A_3 = arith.addi %scan3A_1, %scan3A_2 : i32
    %scan3A_4 = arith.constant 1 : i32
    scf.for %scan3A_6 = %scan3A_1 to %scan3A_3 step %scan3A_4  : i32 {
      %mul3A_7 = arith.constant 32 : i32
      %mul3A_8 = arith.muli %mul3A_7, %scan3A_6 : i32
      %add3A_9 = arith.addi %add3A, %mul3A_8 : i32
      %lt3A = arith.constant 125 : i32
      %lt3A_10 = arith.cmpi slt, %add3A_9, %lt3A : i32
      %convert_element_type3A = arith.extui %lt3A_10 : i1 to i32
      %cond3A = arith.constant 0 : i32
      %cond3A_11 = arith.cmpi ne, %convert_element_type3A, %cond3A : i32
      scf.if %cond3A_11 {
        %mul3A_12 = arith.constant 6400 : i32
        %mul3A_13 = arith.muli %add3A_9, %mul3A_12 : i32
        "tpu.region"() ({
          %run_scoped3A = tpu.sem_alloc : memref<!tpu.dma_semaphore, #tpu.memory_space<semaphore_mem>>
          %dma_start3A = tpu.memref_slice %arg4[%mul3A_13] : memref<800000xi32, #tpu.memory_space<hbm>> -> memref<6400xi32, #tpu.memory_space<hbm>>
          %dma_start3A_20 = tpu.memref_slice %arg4[%mul3A_13] : memref<800000xi32, #tpu.memory_space<hbm>> -> memref<6400xi32, #tpu.memory_space<hbm>>
          tpu.enqueue_dma source(%dma_start3A_20 : memref<6400xi32, #tpu.memory_space<hbm>>) target(%arg9 : memref<6400xi32, #tpu.memory_space<vmem>>) target_semaphore(%run_scoped3A : memref<!tpu.dma_semaphore, #tpu.memory_space<semaphore_mem>>)
          %dma_wait3A = tpu.memref_slice %arg4[%mul3A_13] : memref<800000xi32, #tpu.memory_space<hbm>> -> memref<6400xi32, #tpu.memory_space<hbm>>
          %dma_wait3A_21 = tpu.memref_slice %arg4[%mul3A_13] : memref<800000xi32, #tpu.memory_space<hbm>> -> memref<6400xi32, #tpu.memory_space<hbm>>
          tpu.wait_dma2 semaphore(%run_scoped3A : memref<!tpu.dma_semaphore, #tpu.memory_space<semaphore_mem>>) src(%dma_wait3A_21 : memref<6400xi32, #tpu.memory_space<hbm>>) dst(%arg9 : memref<6400xi32, #tpu.memory_space<vmem>>)
          tpu.yield
        }) : () -> ()
        "tpu.region"() ({
          %run_scoped3A = tpu.sem_alloc : memref<!tpu.dma_semaphore, #tpu.memory_space<semaphore_mem>>
          %dma_start3A = tpu.memref_slice %arg5[%mul3A_13] : memref<800000xi32, #tpu.memory_space<hbm>> -> memref<6400xi32, #tpu.memory_space<hbm>>
          %dma_start3A_20 = tpu.memref_slice %arg5[%mul3A_13] : memref<800000xi32, #tpu.memory_space<hbm>> -> memref<6400xi32, #tpu.memory_space<hbm>>
          tpu.enqueue_dma source(%dma_start3A_20 : memref<6400xi32, #tpu.memory_space<hbm>>) target(%arg10 : memref<6400xi32, #tpu.memory_space<vmem>>) target_semaphore(%run_scoped3A : memref<!tpu.dma_semaphore, #tpu.memory_space<semaphore_mem>>)
          %dma_wait3A = tpu.memref_slice %arg5[%mul3A_13] : memref<800000xi32, #tpu.memory_space<hbm>> -> memref<6400xi32, #tpu.memory_space<hbm>>
          %dma_wait3A_21 = tpu.memref_slice %arg5[%mul3A_13] : memref<800000xi32, #tpu.memory_space<hbm>> -> memref<6400xi32, #tpu.memory_space<hbm>>
          tpu.wait_dma2 semaphore(%run_scoped3A : memref<!tpu.dma_semaphore, #tpu.memory_space<semaphore_mem>>) src(%dma_wait3A_21 : memref<6400xi32, #tpu.memory_space<hbm>>) dst(%arg10 : memref<6400xi32, #tpu.memory_space<vmem>>)
          tpu.yield
        }) : () -> ()
        %scan3A_14 = arith.constant 0 : i32
        %scan3A_15 = arith.constant 0 : i32
        %scan3A_16 = arith.constant 400 : i32
        %scan3A_17 = arith.addi %scan3A_15, %scan3A_16 : i32
        %scan3A_18 = arith.constant 1 : i32
        scf.for %scan3A_20 = %scan3A_15 to %scan3A_17 step %scan3A_18  : i32 {
          %mul3A_21 = arith.constant 16 : i32
          %mul3A_22 = arith.muli %scan3A_20, %mul3A_21 : i32
          %get3A = arith.index_cast %mul3A_22 : i32 to index
          %get3A_23 = tpu.vector_load %arg9[%get3A] {strides = array<i32>} : memref<6400xi32, #tpu.memory_space<vmem>>, vector<16xi32>,
          %mul3A_24 = arith.constant 16 : i32
          %mul3A_25 = arith.muli %scan3A_20, %mul3A_24 : i32
          %get3A_26 = arith.index_cast %mul3A_25 : i32 to index
          %get3A_27 = tpu.vector_load %arg10[%get3A_26] {strides = array<i32>} : memref<6400xi32, #tpu.memory_space<vmem>>, vector<16xi32>,
          %gather3A = tpu.vector_load_idx %arg7[%get3A_23] : memref<50000xf32, #tpu.memory_space<vmem>>[vector<16xi32>], vector<16xf32>,
          %gather3A_28 = tpu.vector_load_idx %arg8[%get3A_27] : memref<50000xf32, #tpu.memory_space<vmem>>[vector<16xi32>], vector<16xf32>,
          %add3A_29 = arith.addf %gather3A, %gather3A_28 : vector<16xf32>
          %ge3A = arith.constant 0.000000e+00 : f32
          %ge3A_30 = vector.broadcast %ge3A : f32 to vector<16xf32>
          %ge3A_31 = arith.cmpf oge, %add3A_29, %ge3A_30 : vector<16xf32>
          %mul3A_32 = arith.constant 2.000000e-01 : f32
          %mul3A_33 = vector.broadcast %mul3A_32 : f32 to vector<16xf32>
          %mul3A_34 = arith.mulf %mul3A_33, %add3A_29 : vector<16xf32>
          %select_n3A = arith.select %ge3A_31, %add3A_29, %mul3A_34 : vector<16xi1>, vector<16xf32>
          %min3A = arith.constant 6.000000e+01 : f32
          %min3A_35 = vector.broadcast %min3A : f32 to vector<16xf32>
          %min3A_36 = arith.minimumf %select_n3A, %min3A_35 : vector<16xf32>
          %exp3A = math.exp %min3A_36 : vector<16xf32>
          %mul3A_37 = arith.constant 16 : i32
          %mul3A_38 = arith.muli %scan3A_20, %mul3A_37 : i32
          %swap3A = arith.index_cast %mul3A_38 : i32 to index
          %swap3A_39 = tpu.vector_load %arg11[%swap3A] {strides = array<i32>} : memref<6400xf32, #tpu.memory_space<vmem>>, vector<16xf32>,
          tpu.vector_store %arg11[%swap3A], %exp3A {strides = array<i32>} : memref<6400xf32, #tpu.memory_space<vmem>>, vector<16xf32>,
        }
        %scan3A_19 = arith.constant 400 : i32
        "tpu.region"() ({
          %run_scoped3A = tpu.sem_alloc : memref<!tpu.dma_semaphore, #tpu.memory_space<semaphore_mem>>
          %dma_start3A = tpu.memref_slice %arg6[%mul3A_13] : memref<800000xf32, #tpu.memory_space<hbm>> -> memref<6400xf32, #tpu.memory_space<hbm>>
          %dma_start3A_20 = tpu.memref_slice %arg6[%mul3A_13] : memref<800000xf32, #tpu.memory_space<hbm>> -> memref<6400xf32, #tpu.memory_space<hbm>>
          tpu.enqueue_dma source(%arg11 : memref<6400xf32, #tpu.memory_space<vmem>>) target(%dma_start3A_20 : memref<6400xf32, #tpu.memory_space<hbm>>) target_semaphore(%run_scoped3A : memref<!tpu.dma_semaphore, #tpu.memory_space<semaphore_mem>>)
          %dma_wait3A = tpu.memref_slice %arg6[%mul3A_13] : memref<800000xf32, #tpu.memory_space<hbm>> -> memref<6400xf32, #tpu.memory_space<hbm>>
          %dma_wait3A_21 = tpu.memref_slice %arg6[%mul3A_13] : memref<800000xf32, #tpu.memory_space<hbm>> -> memref<6400xf32, #tpu.memory_space<hbm>>
          tpu.wait_dma2 semaphore(%run_scoped3A : memref<!tpu.dma_semaphore, #tpu.memory_space<semaphore_mem>>) src(%arg11 : memref<6400xf32, #tpu.memory_space<vmem>>) dst(%dma_wait3A_21 : memref<6400xf32, #tpu.memory_space<hbm>>)
          tpu.yield
        }) : () -> ()
      } else {
      }
    }
    %scan3A_5 = arith.constant 4 : i32
    return
  }
}

#map = affine_map<(d0, d1) -> (0)>
module attributes {stable_mosaic.version = 14 : i64} {
  func.func @k(%arg0: i32, %arg1: i32, %arg2: memref<50000xf32, #tpu.memory_space<hbm>>, %arg3: memref<50000xf32, #tpu.memory_space<hbm>>, %arg4: memref<800000xi32, #tpu.memory_space<hbm>>, %arg5: memref<800000xi32, #tpu.memory_space<hbm>>, %arg6: memref<800000xf32, #tpu.memory_space<hbm>>, %arg7: memref<50000xf32, #tpu.memory_space<vmem>>, %arg8: memref<50000xf32, #tpu.memory_space<vmem>>, %arg9: memref<6400xi32, #tpu.memory_space<vmem>>, %arg10: memref<6400xi32, #tpu.memory_space<vmem>>, %arg11: memref<6400xf32, #tpu.memory_space<vmem>>) attributes {dimension_semantics = [#tpu.dimension_semantics<core_parallel>, #tpu.dimension_semantics<subcore_parallel>], iteration_bounds = array<i64: 2, 16>, scalar_prefetch = 0 : i64, scratch_operands = 5 : i64, tpu.core_type = #tpu.core_type<sc_vector_subcore>, window_params = [{transform_indices = #map}, {transform_indices = #map}, {transform_indices = #map}, {transform_indices = #map}, {transform_indices = #map}]} {
    %mul3A = arith.constant 2 : i32
    %mul3A_0 = arith.muli %arg1, %mul3A : i32
    %add3A = arith.addi %mul3A_0, %arg0 : i32
    "tpu.region"() ({
      %run_scoped3A = tpu.sem_alloc : memref<!tpu.dma_semaphore, #tpu.memory_space<semaphore_mem>>
      tpu.enqueue_dma source(%arg2 : memref<50000xf32, #tpu.memory_space<hbm>>) target(%arg7 : memref<50000xf32, #tpu.memory_space<vmem>>) target_semaphore(%run_scoped3A : memref<!tpu.dma_semaphore, #tpu.memory_space<semaphore_mem>>)
      tpu.wait_dma2 semaphore(%run_scoped3A : memref<!tpu.dma_semaphore, #tpu.memory_space<semaphore_mem>>) src(%arg2 : memref<50000xf32, #tpu.memory_space<hbm>>) dst(%arg7 : memref<50000xf32, #tpu.memory_space<vmem>>)
      tpu.yield
    }) : () -> ()
    "tpu.region"() ({
      %run_scoped3A = tpu.sem_alloc : memref<!tpu.dma_semaphore, #tpu.memory_space<semaphore_mem>>
      tpu.enqueue_dma source(%arg3 : memref<50000xf32, #tpu.memory_space<hbm>>) target(%arg8 : memref<50000xf32, #tpu.memory_space<vmem>>) target_semaphore(%run_scoped3A : memref<!tpu.dma_semaphore, #tpu.memory_space<semaphore_mem>>)
      tpu.wait_dma2 semaphore(%run_scoped3A : memref<!tpu.dma_semaphore, #tpu.memory_space<semaphore_mem>>) src(%arg3 : memref<50000xf32, #tpu.memory_space<hbm>>) dst(%arg8 : memref<50000xf32, #tpu.memory_space<vmem>>)
      tpu.yield
    }) : () -> ()
    %scan3A = arith.constant 0 : i32
    %scan3A_1 = arith.constant 0 : i32
    %scan3A_2 = arith.constant 4 : i32
    %scan3A_3 = arith.addi %scan3A_1, %scan3A_2 : i32
    %scan3A_4 = arith.constant 1 : i32
    scf.for %scan3A_6 = %scan3A_1 to %scan3A_3 step %scan3A_4  : i32 {
      %mul3A_7 = arith.constant 32 : i32
      %mul3A_8 = arith.muli %mul3A_7, %scan3A_6 : i32
      %add3A_9 = arith.addi %add3A, %mul3A_8 : i32
      %lt3A = arith.constant 125 : i32
      %lt3A_10 = arith.cmpi slt, %add3A_9, %lt3A : i32
      %convert_element_type3A = arith.extui %lt3A_10 : i1 to i32
      %cond3A = arith.constant 0 : i32
      %cond3A_11 = arith.cmpi ne, %convert_element_type3A, %cond3A : i32
      scf.if %cond3A_11 {
        %mul3A_12 = arith.constant 6400 : i32
        %mul3A_13 = arith.muli %add3A_9, %mul3A_12 : i32
        "tpu.region"() ({
          %run_scoped3A = tpu.sem_alloc : memref<!tpu.dma_semaphore, #tpu.memory_space<semaphore_mem>>
          %dma_start3A = tpu.memref_slice %arg4[%mul3A_13] : memref<800000xi32, #tpu.memory_space<hbm>> -> memref<6400xi32, #tpu.memory_space<hbm>>
          %dma_start3A_20 = tpu.memref_slice %arg4[%mul3A_13] : memref<800000xi32, #tpu.memory_space<hbm>> -> memref<6400xi32, #tpu.memory_space<hbm>>
          tpu.enqueue_dma source(%dma_start3A_20 : memref<6400xi32, #tpu.memory_space<hbm>>) target(%arg9 : memref<6400xi32, #tpu.memory_space<vmem>>) target_semaphore(%run_scoped3A : memref<!tpu.dma_semaphore, #tpu.memory_space<semaphore_mem>>)
          %dma_wait3A = tpu.memref_slice %arg4[%mul3A_13] : memref<800000xi32, #tpu.memory_space<hbm>> -> memref<6400xi32, #tpu.memory_space<hbm>>
          %dma_wait3A_21 = tpu.memref_slice %arg4[%mul3A_13] : memref<800000xi32, #tpu.memory_space<hbm>> -> memref<6400xi32, #tpu.memory_space<hbm>>
          tpu.wait_dma2 semaphore(%run_scoped3A : memref<!tpu.dma_semaphore, #tpu.memory_space<semaphore_mem>>) src(%dma_wait3A_21 : memref<6400xi32, #tpu.memory_space<hbm>>) dst(%arg9 : memref<6400xi32, #tpu.memory_space<vmem>>)
          tpu.yield
        }) : () -> ()
        "tpu.region"() ({
          %run_scoped3A = tpu.sem_alloc : memref<!tpu.dma_semaphore, #tpu.memory_space<semaphore_mem>>
          %dma_start3A = tpu.memref_slice %arg5[%mul3A_13] : memref<800000xi32, #tpu.memory_space<hbm>> -> memref<6400xi32, #tpu.memory_space<hbm>>
          %dma_start3A_20 = tpu.memref_slice %arg5[%mul3A_13] : memref<800000xi32, #tpu.memory_space<hbm>> -> memref<6400xi32, #tpu.memory_space<hbm>>
          tpu.enqueue_dma source(%dma_start3A_20 : memref<6400xi32, #tpu.memory_space<hbm>>) target(%arg10 : memref<6400xi32, #tpu.memory_space<vmem>>) target_semaphore(%run_scoped3A : memref<!tpu.dma_semaphore, #tpu.memory_space<semaphore_mem>>)
          %dma_wait3A = tpu.memref_slice %arg5[%mul3A_13] : memref<800000xi32, #tpu.memory_space<hbm>> -> memref<6400xi32, #tpu.memory_space<hbm>>
          %dma_wait3A_21 = tpu.memref_slice %arg5[%mul3A_13] : memref<800000xi32, #tpu.memory_space<hbm>> -> memref<6400xi32, #tpu.memory_space<hbm>>
          tpu.wait_dma2 semaphore(%run_scoped3A : memref<!tpu.dma_semaphore, #tpu.memory_space<semaphore_mem>>) src(%dma_wait3A_21 : memref<6400xi32, #tpu.memory_space<hbm>>) dst(%arg10 : memref<6400xi32, #tpu.memory_space<vmem>>)
          tpu.yield
        }) : () -> ()
        %scan3A_14 = arith.constant 0 : i32
        %scan3A_15 = arith.constant 0 : i32
        %scan3A_16 = arith.constant 400 : i32
        %scan3A_17 = arith.addi %scan3A_15, %scan3A_16 : i32
        %scan3A_18 = arith.constant 1 : i32
        scf.for %scan3A_20 = %scan3A_15 to %scan3A_17 step %scan3A_18  : i32 {
          %mul3A_21 = arith.constant 16 : i32
          %mul3A_22 = arith.muli %scan3A_20, %mul3A_21 : i32
          %get3A = arith.index_cast %mul3A_22 : i32 to index
          %get3A_23 = tpu.vector_load %arg9[%get3A] {strides = array<i32>} : memref<6400xi32, #tpu.memory_space<vmem>>, vector<16xi32>,
          %mul3A_24 = arith.constant 16 : i32
          %mul3A_25 = arith.muli %scan3A_20, %mul3A_24 : i32
          %get3A_26 = arith.index_cast %mul3A_25 : i32 to index
          %get3A_27 = tpu.vector_load %arg10[%get3A_26] {strides = array<i32>} : memref<6400xi32, #tpu.memory_space<vmem>>, vector<16xi32>,
          %gather3A = tpu.vector_load_idx %arg7[%get3A_23] : memref<50000xf32, #tpu.memory_space<vmem>>[vector<16xi32>], vector<16xf32>,
          %gather3A_28 = tpu.vector_load_idx %arg8[%get3A_27] : memref<50000xf32, #tpu.memory_space<vmem>>[vector<16xi32>], vector<16xf32>,
          %add3A_29 = arith.addf %gather3A, %gather3A_28 : vector<16xf32>
          %ge3A = arith.constant 0.000000e+00 : f32
          %ge3A_30 = vector.broadcast %ge3A : f32 to vector<16xf32>
          %ge3A_31 = arith.cmpf oge, %add3A_29, %ge3A_30 : vector<16xf32>
          %mul3A_32 = arith.constant 2.000000e-01 : f32
          %mul3A_33 = vector.broadcast %mul3A_32 : f32 to vector<16xf32>
          %mul3A_34 = arith.mulf %mul3A_33, %add3A_29 : vector<16xf32>
          %select_n3A = arith.select %ge3A_31, %add3A_29, %mul3A_34 : vector<16xi1>, vector<16xf32>
          %min3A = arith.constant 6.000000e+01 : f32
          %min3A_35 = vector.broadcast %min3A : f32 to vector<16xf32>
          %min3A_36 = arith.minimumf %select_n3A, %min3A_35 : vector<16xf32>
          %exp3A = math.exp %min3A_36 : vector<16xf32>
          %mul3A_37 = arith.constant 16 : i32
          %mul3A_38 = arith.muli %scan3A_20, %mul3A_37 : i32
          %swap3A = arith.index_cast %mul3A_38 : i32 to index
          %swap3A_39 = tpu.vector_load %arg11[%swap3A] {strides = array<i32>} : memref<6400xf32, #tpu.memory_space<vmem>>, vector<16xf32>,
          tpu.vector_store %arg11[%swap3A], %exp3A {strides = array<i32>} : memref<6400xf32, #tpu.memory_space<vmem>>, vector<16xf32>,
        }
        %scan3A_19 = arith.constant 400 : i32
        "tpu.region"() ({
          %run_scoped3A = tpu.sem_alloc : memref<!tpu.dma_semaphore, #tpu.memory_space<semaphore_mem>>
          %dma_start3A = tpu.memref_slice %arg6[%mul3A_13] : memref<800000xf32, #tpu.memory_space<hbm>> -> memref<6400xf32, #tpu.memory_space<hbm>>
          %dma_start3A_20 = tpu.memref_slice %arg6[%mul3A_13] : memref<800000xf32, #tpu.memory_space<hbm>> -> memref<6400xf32, #tpu.memory_space<hbm>>
          tpu.enqueue_dma source(%arg11 : memref<6400xf32, #tpu.memory_space<vmem>>) target(%dma_start3A_20 : memref<6400xf32, #tpu.memory_space<hbm>>) target_semaphore(%run_scoped3A : memref<!tpu.dma_semaphore, #tpu.memory_space<semaphore_mem>>)
          %dma_wait3A = tpu.memref_slice %arg6[%mul3A_13] : memref<800000xf32, #tpu.memory_space<hbm>> -> memref<6400xf32, #tpu.memory_space<hbm>>
          %dma_wait3A_21 = tpu.memref_slice %arg6[%mul3A_13] : memref<800000xf32, #tpu.memory_space<hbm>> -> memref<6400xf32, #tpu.memory_space<hbm>>
          tpu.wait_dma2 semaphore(%run_scoped3A : memref<!tpu.dma_semaphore, #tpu.memory_space<semaphore_mem>>) src(%arg11 : memref<6400xf32, #tpu.memory_space<vmem>>) dst(%dma_wait3A_21 : memref<6400xf32, #tpu.memory_space<hbm>>)
          tpu.yield
        }) : () -> ()
      } else {
      }
    }
    %scan3A_5 = arith.constant 4 : i32
    return
  }
}

#map = affine_map<(d0, d1) -> (0, 0)>
#map1 = affine_map<(d0, d1) -> (0)>
#map2 = affine_map<(d0, d1) -> (0, 0, 0)>
module attributes {stable_mosaic.version = 14 : i64} {
  func.func @k(%arg0: i32, %arg1: i32, %arg2: memref<50000x32xbf16, #tpu.memory_space<hbm>>, %arg3: memref<50000x32xbf16, #tpu.memory_space<hbm>>, %arg4: memref<800000xi32, #tpu.memory_space<hbm>>, %arg5: memref<800000xi32, #tpu.memory_space<hbm>>, %arg6: memref<800000xf32, #tpu.memory_space<hbm>>, %arg7: memref<2x50000x32xbf16, #tpu.memory_space<hbm>>, %arg8: memref<50000x32xbf16, #tpu.memory_space<vmem_shared>>, %arg9: memref<800xi32, #tpu.memory_space<vmem>>, %arg10: memref<800xi32, #tpu.memory_space<vmem>>, %arg11: memref<800xf32, #tpu.memory_space<vmem>>, %arg12: memref<800x32xbf16, #tpu.memory_space<vmem>>, %arg13: memref<800x32xbf16, #tpu.memory_space<vmem>>, %arg14: memref<800xi32, #tpu.memory_space<vmem>>, %arg15: memref<!tpu.dma_semaphore, #tpu.memory_space<semaphore_mem>>, %arg16: memref<!tpu.dma_semaphore, #tpu.memory_space<semaphore_mem>>, %arg17: memref<!tpu.dma_semaphore, #tpu.memory_space<semaphore_mem>>, %arg18: memref<800xi32, #tpu.memory_space<vmem>>, %arg19: memref<800xi32, #tpu.memory_space<vmem>>, %arg20: memref<800xf32, #tpu.memory_space<vmem>>, %arg21: memref<800x32xbf16, #tpu.memory_space<vmem>>, %arg22: memref<800x32xbf16, #tpu.memory_space<vmem>>, %arg23: memref<800xi32, #tpu.memory_space<vmem>>, %arg24: memref<!tpu.dma_semaphore, #tpu.memory_space<semaphore_mem>>, %arg25: memref<!tpu.dma_semaphore, #tpu.memory_space<semaphore_mem>>, %arg26: memref<!tpu.dma_semaphore, #tpu.memory_space<semaphore_mem>>) attributes {dimension_semantics = [#tpu.dimension_semantics<core_parallel>, #tpu.dimension_semantics<subcore_parallel>], iteration_bounds = array<i64: 2, 16>, scalar_prefetch = 0 : i64, scratch_operands = 19 : i64, tpu.core_type = #tpu.core_type<sc_vector_subcore>, window_params = [{transform_indices = #map}, {transform_indices = #map}, {transform_indices = #map1}, {transform_indices = #map1}, {transform_indices = #map1}, {transform_indices = #map2}]} {
    %eq3A = arith.constant 0 : i32
    %eq3A_0 = arith.cmpi eq, %arg0, %eq3A : i32
    %convert_element_type3A = arith.extui %eq3A_0 : i1 to i32
    %cond3A = arith.constant 0 : i32
    %cond3A_1 = arith.cmpi ne, %convert_element_type3A, %cond3A : i32
    scf.if %cond3A_1 {
      %scan3A = arith.constant 0 : i32
      %scan3A_7 = arith.constant 0 : i32
      %scan3A_8 = arith.constant 400 : i32
      %scan3A_9 = arith.addi %scan3A_7, %scan3A_8 : i32
      %scan3A_10 = arith.constant 1 : i32
      scf.for %scan3A_137 = %scan3A_7 to %scan3A_9 step %scan3A_10  : i32 {
        %broadcast_in_dim3A = arith.constant 0.000000e+00 : bf16
        %broadcast_in_dim3A_138 = vector.broadcast %broadcast_in_dim3A : bf16 to vector<32xbf16>
        %swap3A = arith.index_cast %scan3A_137 : i32 to index
        %swap3A_139 = arith.constant 0 : index
        %swap3A_140 = tpu.vector_load %arg13[%swap3A, %swap3A_139] {strides = array<i32>} : memref<800x32xbf16, #tpu.memory_space<vmem>>, vector<32xbf16>,
        tpu.vector_store %arg13[%swap3A, %swap3A_139], %broadcast_in_dim3A_138 {strides = array<i32>} : memref<800x32xbf16, #tpu.memory_space<vmem>>, vector<32xbf16>,
      }
      %scan3A_11 = arith.constant 400 : i32
      %add3A = arith.constant 0 : i32
      %add3A_12 = arith.addi %arg1, %add3A : i32
      %lt3A = arith.constant 125 : i32
      %lt3A_13 = arith.cmpi slt, %add3A_12, %lt3A : i32
      %convert_element_type3A_14 = arith.extui %lt3A_13 : i1 to i32
      %cond3A_15 = arith.constant 0 : i32
      %cond3A_16 = arith.cmpi ne, %convert_element_type3A_14, %cond3A_15 : i32
      scf.if %cond3A_16 {
        %mul3A = arith.constant 400 : i32
        %mul3A_137 = arith.muli %add3A_12, %mul3A : i32
        "tpu.region"() ({
          %run_scoped3A = tpu.sem_alloc : memref<!tpu.dma_semaphore, #tpu.memory_space<semaphore_mem>>
          %dma_start3A = arith.constant 0 : i32
          %dma_start3A_138 = arith.constant 0 : i32
          %dma_start3A_139 = tpu.memref_slice %arg13[%dma_start3A, %dma_start3A_138] : memref<800x32xbf16, #tpu.memory_space<vmem>> -> memref<400x32xbf16, #tpu.memory_space<vmem>>
          %dma_start3A_140 = arith.constant 0 : i32
          %dma_start3A_141 = tpu.memref_slice %arg8[%mul3A_137, %dma_start3A_140] : memref<50000x32xbf16, #tpu.memory_space<vmem_shared>> -> memref<400x32xbf16, #tpu.memory_space<vmem_shared>>
          %dma_start3A_142 = arith.constant 0 : i32
          %dma_start3A_143 = tpu.memref_slice %arg8[%mul3A_137, %dma_start3A_142] : memref<50000x32xbf16, #tpu.memory_space<vmem_shared>> -> memref<400x32xbf16, #tpu.memory_space<vmem_shared>>
          %dma_start3A_144 = arith.constant 0 : i32
          %dma_start3A_145 = arith.constant 0 : i32
          %dma_start3A_146 = tpu.memref_slice %arg13[%dma_start3A_144, %dma_start3A_145] : memref<800x32xbf16, #tpu.memory_space<vmem>> -> memref<400x32xbf16, #tpu.memory_space<vmem>>
          tpu.enqueue_dma source(%dma_start3A_146 : memref<400x32xbf16, #tpu.memory_space<vmem>>) target(%dma_start3A_143 : memref<400x32xbf16, #tpu.memory_space<vmem_shared>>) target_semaphore(%run_scoped3A : memref<!tpu.dma_semaphore, #tpu.memory_space<semaphore_mem>>)
          %dma_wait3A = arith.constant 0 : i32
          %dma_wait3A_147 = arith.constant 0 : i32
          %dma_wait3A_148 = tpu.memref_slice %arg13[%dma_wait3A, %dma_wait3A_147] : memref<800x32xbf16, #tpu.memory_space<vmem>> -> memref<400x32xbf16, #tpu.memory_space<vmem>>
          %dma_wait3A_149 = arith.constant 0 : i32
          %dma_wait3A_150 = tpu.memref_slice %arg8[%mul3A_137, %dma_wait3A_149] : memref<50000x32xbf16, #tpu.memory_space<vmem_shared>> -> memref<400x32xbf16, #tpu.memory_space<vmem_shared>>
          %dma_wait3A_151 = arith.constant 0 : i32
          %dma_wait3A_152 = tpu.memref_slice %arg8[%mul3A_137, %dma_wait3A_151] : memref<50000x32xbf16, #tpu.memory_space<vmem_shared>> -> memref<400x32xbf16, #tpu.memory_space<vmem_shared>>
          %dma_wait3A_153 = arith.constant 0 : i32
          %dma_wait3A_154 = arith.constant 0 : i32
          %dma_wait3A_155 = tpu.memref_slice %arg13[%dma_wait3A_153, %dma_wait3A_154] : memref<800x32xbf16, #tpu.memory_space<vmem>> -> memref<400x32xbf16, #tpu.memory_space<vmem>>
          tpu.wait_dma2 semaphore(%run_scoped3A : memref<!tpu.dma_semaphore, #tpu.memory_space<semaphore_mem>>) src(%dma_wait3A_155 : memref<400x32xbf16, #tpu.memory_space<vmem>>) dst(%dma_wait3A_152 : memref<400x32xbf16, #tpu.memory_space<vmem_shared>>)
          tpu.yield
        }) : () -> ()
      } else {
      }
      %add3A_17 = arith.constant 16 : i32
      %add3A_18 = arith.addi %arg1, %add3A_17 : i32
      %lt3A_19 = arith.constant 125 : i32
      %lt3A_20 = arith.cmpi slt, %add3A_18, %lt3A_19 : i32
      %convert_element_type3A_21 = arith.extui %lt3A_20 : i1 to i32
      %cond3A_22 = arith.constant 0 : i32
      %cond3A_23 = arith.cmpi ne, %convert_element_type3A_21, %cond3A_22 : i32
      scf.if %cond3A_23 {
        %mul3A = arith.constant 400 : i32
        %mul3A_137 = arith.muli %add3A_18, %mul3A : i32
        "tpu.region"() ({
          %run_scoped3A = tpu.sem_alloc : memref<!tpu.dma_semaphore, #tpu.memory_space<semaphore_mem>>
          %dma_start3A = arith.constant 0 : i32
          %dma_start3A_138 = arith.constant 0 : i32
          %dma_start3A_139 = tpu.memref_slice %arg13[%dma_start3A, %dma_start3A_138] : memref<800x32xbf16, #tpu.memory_space<vmem>> -> memref<400x32xbf16, #tpu.memory_space<vmem>>
          %dma_start3A_140 = arith.constant 0 : i32
          %dma_start3A_141 = tpu.memref_slice %arg8[%mul3A_137, %dma_start3A_140] : memref<50000x32xbf16, #tpu.memory_space<vmem_shared>> -> memref<400x32xbf16, #tpu.memory_space<vmem_shared>>
          %dma_start3A_142 = arith.constant 0 : i32
          %dma_start3A_143 = tpu.memref_slice %arg8[%mul3A_137, %dma_start3A_142] : memref<50000x32xbf16, #tpu.memory_space<vmem_shared>> -> memref<400x32xbf16, #tpu.memory_space<vmem_shared>>
          %dma_start3A_144 = arith.constant 0 : i32
          %dma_start3A_145 = arith.constant 0 : i32
          %dma_start3A_146 = tpu.memref_slice %arg13[%dma_start3A_144, %dma_start3A_145] : memref<800x32xbf16, #tpu.memory_space<vmem>> -> memref<400x32xbf16, #tpu.memory_space<vmem>>
          tpu.enqueue_dma source(%dma_start3A_146 : memref<400x32xbf16, #tpu.memory_space<vmem>>) target(%dma_start3A_143 : memref<400x32xbf16, #tpu.memory_space<vmem_shared>>) target_semaphore(%run_scoped3A : memref<!tpu.dma_semaphore, #tpu.memory_space<semaphore_mem>>)
          %dma_wait3A = arith.constant 0 : i32
          %dma_wait3A_147 = arith.constant 0 : i32
          %dma_wait3A_148 = tpu.memref_slice %arg13[%dma_wait3A, %dma_wait3A_147] : memref<800x32xbf16, #tpu.memory_space<vmem>> -> memref<400x32xbf16, #tpu.memory_space<vmem>>
          %dma_wait3A_149 = arith.constant 0 : i32
          %dma_wait3A_150 = tpu.memref_slice %arg8[%mul3A_137, %dma_wait3A_149] : memref<50000x32xbf16, #tpu.memory_space<vmem_shared>> -> memref<400x32xbf16, #tpu.memory_space<vmem_shared>>
          %dma_wait3A_151 = arith.constant 0 : i32
          %dma_wait3A_152 = tpu.memref_slice %arg8[%mul3A_137, %dma_wait3A_151] : memref<50000x32xbf16, #tpu.memory_space<vmem_shared>> -> memref<400x32xbf16, #tpu.memory_space<vmem_shared>>
          %dma_wait3A_153 = arith.constant 0 : i32
          %dma_wait3A_154 = arith.constant 0 : i32
          %dma_wait3A_155 = tpu.memref_slice %arg13[%dma_wait3A_153, %dma_wait3A_154] : memref<800x32xbf16, #tpu.memory_space<vmem>> -> memref<400x32xbf16, #tpu.memory_space<vmem>>
          tpu.wait_dma2 semaphore(%run_scoped3A : memref<!tpu.dma_semaphore, #tpu.memory_space<semaphore_mem>>) src(%dma_wait3A_155 : memref<400x32xbf16, #tpu.memory_space<vmem>>) dst(%dma_wait3A_152 : memref<400x32xbf16, #tpu.memory_space<vmem_shared>>)
          tpu.yield
        }) : () -> ()
      } else {
      }
      %add3A_24 = arith.constant 32 : i32
      %add3A_25 = arith.addi %arg1, %add3A_24 : i32
      %lt3A_26 = arith.constant 125 : i32
      %lt3A_27 = arith.cmpi slt, %add3A_25, %lt3A_26 : i32
      %convert_element_type3A_28 = arith.extui %lt3A_27 : i1 to i32
      %cond3A_29 = arith.constant 0 : i32
      %cond3A_30 = arith.cmpi ne, %convert_element_type3A_28, %cond3A_29 : i32
      scf.if %cond3A_30 {
        %mul3A = arith.constant 400 : i32
        %mul3A_137 = arith.muli %add3A_25, %mul3A : i32
        "tpu.region"() ({
          %run_scoped3A = tpu.sem_alloc : memref<!tpu.dma_semaphore, #tpu.memory_space<semaphore_mem>>
          %dma_start3A = arith.constant 0 : i32
          %dma_start3A_138 = arith.constant 0 : i32
          %dma_start3A_139 = tpu.memref_slice %arg13[%dma_start3A, %dma_start3A_138] : memref<800x32xbf16, #tpu.memory_space<vmem>> -> memref<400x32xbf16, #tpu.memory_space<vmem>>
          %dma_start3A_140 = arith.constant 0 : i32
          %dma_start3A_141 = tpu.memref_slice %arg8[%mul3A_137, %dma_start3A_140] : memref<50000x32xbf16, #tpu.memory_space<vmem_shared>> -> memref<400x32xbf16, #tpu.memory_space<vmem_shared>>
          %dma_start3A_142 = arith.constant 0 : i32
          %dma_start3A_143 = tpu.memref_slice %arg8[%mul3A_137, %dma_start3A_142] : memref<50000x32xbf16, #tpu.memory_space<vmem_shared>> -> memref<400x32xbf16, #tpu.memory_space<vmem_shared>>
          %dma_start3A_144 = arith.constant 0 : i32
          %dma_start3A_145 = arith.constant 0 : i32
          %dma_start3A_146 = tpu.memref_slice %arg13[%dma_start3A_144, %dma_start3A_145] : memref<800x32xbf16, #tpu.memory_space<vmem>> -> memref<400x32xbf16, #tpu.memory_space<vmem>>
          tpu.enqueue_dma source(%dma_start3A_146 : memref<400x32xbf16, #tpu.memory_space<vmem>>) target(%dma_start3A_143 : memref<400x32xbf16, #tpu.memory_space<vmem_shared>>) target_semaphore(%run_scoped3A : memref<!tpu.dma_semaphore, #tpu.memory_space<semaphore_mem>>)
          %dma_wait3A = arith.constant 0 : i32
          %dma_wait3A_147 = arith.constant 0 : i32
          %dma_wait3A_148 = tpu.memref_slice %arg13[%dma_wait3A, %dma_wait3A_147] : memref<800x32xbf16, #tpu.memory_space<vmem>> -> memref<400x32xbf16, #tpu.memory_space<vmem>>
          %dma_wait3A_149 = arith.constant 0 : i32
          %dma_wait3A_150 = tpu.memref_slice %arg8[%mul3A_137, %dma_wait3A_149] : memref<50000x32xbf16, #tpu.memory_space<vmem_shared>> -> memref<400x32xbf16, #tpu.memory_space<vmem_shared>>
          %dma_wait3A_151 = arith.constant 0 : i32
          %dma_wait3A_152 = tpu.memref_slice %arg8[%mul3A_137, %dma_wait3A_151] : memref<50000x32xbf16, #tpu.memory_space<vmem_shared>> -> memref<400x32xbf16, #tpu.memory_space<vmem_shared>>
          %dma_wait3A_153 = arith.constant 0 : i32
          %dma_wait3A_154 = arith.constant 0 : i32
          %dma_wait3A_155 = tpu.memref_slice %arg13[%dma_wait3A_153, %dma_wait3A_154] : memref<800x32xbf16, #tpu.memory_space<vmem>> -> memref<400x32xbf16, #tpu.memory_space<vmem>>
          tpu.wait_dma2 semaphore(%run_scoped3A : memref<!tpu.dma_semaphore, #tpu.memory_space<semaphore_mem>>) src(%dma_wait3A_155 : memref<400x32xbf16, #tpu.memory_space<vmem>>) dst(%dma_wait3A_152 : memref<400x32xbf16, #tpu.memory_space<vmem_shared>>)
          tpu.yield
        }) : () -> ()
      } else {
      }
      %add3A_31 = arith.constant 48 : i32
      %add3A_32 = arith.addi %arg1, %add3A_31 : i32
      %lt3A_33 = arith.constant 125 : i32
      %lt3A_34 = arith.cmpi slt, %add3A_32, %lt3A_33 : i32
      %convert_element_type3A_35 = arith.extui %lt3A_34 : i1 to i32
      %cond3A_36 = arith.constant 0 : i32
      %cond3A_37 = arith.cmpi ne, %convert_element_type3A_35, %cond3A_36 : i32
      scf.if %cond3A_37 {
        %mul3A = arith.constant 400 : i32
        %mul3A_137 = arith.muli %add3A_32, %mul3A : i32
        "tpu.region"() ({
          %run_scoped3A = tpu.sem_alloc : memref<!tpu.dma_semaphore, #tpu.memory_space<semaphore_mem>>
          %dma_start3A = arith.constant 0 : i32
          %dma_start3A_138 = arith.constant 0 : i32
          %dma_start3A_139 = tpu.memref_slice %arg13[%dma_start3A, %dma_start3A_138] : memref<800x32xbf16, #tpu.memory_space<vmem>> -> memref<400x32xbf16, #tpu.memory_space<vmem>>
          %dma_start3A_140 = arith.constant 0 : i32
          %dma_start3A_141 = tpu.memref_slice %arg8[%mul3A_137, %dma_start3A_140] : memref<50000x32xbf16, #tpu.memory_space<vmem_shared>> -> memref<400x32xbf16, #tpu.memory_space<vmem_shared>>
          %dma_start3A_142 = arith.constant 0 : i32
          %dma_start3A_143 = tpu.memref_slice %arg8[%mul3A_137, %dma_start3A_142] : memref<50000x32xbf16, #tpu.memory_space<vmem_shared>> -> memref<400x32xbf16, #tpu.memory_space<vmem_shared>>
          %dma_start3A_144 = arith.constant 0 : i32
          %dma_start3A_145 = arith.constant 0 : i32
          %dma_start3A_146 = tpu.memref_slice %arg13[%dma_start3A_144, %dma_start3A_145] : memref<800x32xbf16, #tpu.memory_space<vmem>> -> memref<400x32xbf16, #tpu.memory_space<vmem>>
          tpu.enqueue_dma source(%dma_start3A_146 : memref<400x32xbf16, #tpu.memory_space<vmem>>) target(%dma_start3A_143 : memref<400x32xbf16, #tpu.memory_space<vmem_shared>>) target_semaphore(%run_scoped3A : memref<!tpu.dma_semaphore, #tpu.memory_space<semaphore_mem>>)
          %dma_wait3A = arith.constant 0 : i32
          %dma_wait3A_147 = arith.constant 0 : i32
          %dma_wait3A_148 = tpu.memref_slice %arg13[%dma_wait3A, %dma_wait3A_147] : memref<800x32xbf16, #tpu.memory_space<vmem>> -> memref<400x32xbf16, #tpu.memory_space<vmem>>
          %dma_wait3A_149 = arith.constant 0 : i32
          %dma_wait3A_150 = tpu.memref_slice %arg8[%mul3A_137, %dma_wait3A_149] : memref<50000x32xbf16, #tpu.memory_space<vmem_shared>> -> memref<400x32xbf16, #tpu.memory_space<vmem_shared>>
          %dma_wait3A_151 = arith.constant 0 : i32
          %dma_wait3A_152 = tpu.memref_slice %arg8[%mul3A_137, %dma_wait3A_151] : memref<50000x32xbf16, #tpu.memory_space<vmem_shared>> -> memref<400x32xbf16, #tpu.memory_space<vmem_shared>>
          %dma_wait3A_153 = arith.constant 0 : i32
          %dma_wait3A_154 = arith.constant 0 : i32
          %dma_wait3A_155 = tpu.memref_slice %arg13[%dma_wait3A_153, %dma_wait3A_154] : memref<800x32xbf16, #tpu.memory_space<vmem>> -> memref<400x32xbf16, #tpu.memory_space<vmem>>
          tpu.wait_dma2 semaphore(%run_scoped3A : memref<!tpu.dma_semaphore, #tpu.memory_space<semaphore_mem>>) src(%dma_wait3A_155 : memref<400x32xbf16, #tpu.memory_space<vmem>>) dst(%dma_wait3A_152 : memref<400x32xbf16, #tpu.memory_space<vmem_shared>>)
          tpu.yield
        }) : () -> ()
      } else {
      }
      %add3A_38 = arith.constant 64 : i32
      %add3A_39 = arith.addi %arg1, %add3A_38 : i32
      %lt3A_40 = arith.constant 125 : i32
      %lt3A_41 = arith.cmpi slt, %add3A_39, %lt3A_40 : i32
      %convert_element_type3A_42 = arith.extui %lt3A_41 : i1 to i32
      %cond3A_43 = arith.constant 0 : i32
      %cond3A_44 = arith.cmpi ne, %convert_element_type3A_42, %cond3A_43 : i32
      scf.if %cond3A_44 {
        %mul3A = arith.constant 400 : i32
        %mul3A_137 = arith.muli %add3A_39, %mul3A : i32
        "tpu.region"() ({
          %run_scoped3A = tpu.sem_alloc : memref<!tpu.dma_semaphore, #tpu.memory_space<semaphore_mem>>
          %dma_start3A = arith.constant 0 : i32
          %dma_start3A_138 = arith.constant 0 : i32
          %dma_start3A_139 = tpu.memref_slice %arg13[%dma_start3A, %dma_start3A_138] : memref<800x32xbf16, #tpu.memory_space<vmem>> -> memref<400x32xbf16, #tpu.memory_space<vmem>>
          %dma_start3A_140 = arith.constant 0 : i32
          %dma_start3A_141 = tpu.memref_slice %arg8[%mul3A_137, %dma_start3A_140] : memref<50000x32xbf16, #tpu.memory_space<vmem_shared>> -> memref<400x32xbf16, #tpu.memory_space<vmem_shared>>
          %dma_start3A_142 = arith.constant 0 : i32
          %dma_start3A_143 = tpu.memref_slice %arg8[%mul3A_137, %dma_start3A_142] : memref<50000x32xbf16, #tpu.memory_space<vmem_shared>> -> memref<400x32xbf16, #tpu.memory_space<vmem_shared>>
          %dma_start3A_144 = arith.constant 0 : i32
          %dma_start3A_145 = arith.constant 0 : i32
          %dma_start3A_146 = tpu.memref_slice %arg13[%dma_start3A_144, %dma_start3A_145] : memref<800x32xbf16, #tpu.memory_space<vmem>> -> memref<400x32xbf16, #tpu.memory_space<vmem>>
          tpu.enqueue_dma source(%dma_start3A_146 : memref<400x32xbf16, #tpu.memory_space<vmem>>) target(%dma_start3A_143 : memref<400x32xbf16, #tpu.memory_space<vmem_shared>>) target_semaphore(%run_scoped3A : memref<!tpu.dma_semaphore, #tpu.memory_space<semaphore_mem>>)
          %dma_wait3A = arith.constant 0 : i32
          %dma_wait3A_147 = arith.constant 0 : i32
          %dma_wait3A_148 = tpu.memref_slice %arg13[%dma_wait3A, %dma_wait3A_147] : memref<800x32xbf16, #tpu.memory_space<vmem>> -> memref<400x32xbf16, #tpu.memory_space<vmem>>
          %dma_wait3A_149 = arith.constant 0 : i32
          %dma_wait3A_150 = tpu.memref_slice %arg8[%mul3A_137, %dma_wait3A_149] : memref<50000x32xbf16, #tpu.memory_space<vmem_shared>> -> memref<400x32xbf16, #tpu.memory_space<vmem_shared>>
          %dma_wait3A_151 = arith.constant 0 : i32
          %dma_wait3A_152 = tpu.memref_slice %arg8[%mul3A_137, %dma_wait3A_151] : memref<50000x32xbf16, #tpu.memory_space<vmem_shared>> -> memref<400x32xbf16, #tpu.memory_space<vmem_shared>>
          %dma_wait3A_153 = arith.constant 0 : i32
          %dma_wait3A_154 = arith.constant 0 : i32
          %dma_wait3A_155 = tpu.memref_slice %arg13[%dma_wait3A_153, %dma_wait3A_154] : memref<800x32xbf16, #tpu.memory_space<vmem>> -> memref<400x32xbf16, #tpu.memory_space<vmem>>
          tpu.wait_dma2 semaphore(%run_scoped3A : memref<!tpu.dma_semaphore, #tpu.memory_space<semaphore_mem>>) src(%dma_wait3A_155 : memref<400x32xbf16, #tpu.memory_space<vmem>>) dst(%dma_wait3A_152 : memref<400x32xbf16, #tpu.memory_space<vmem_shared>>)
          tpu.yield
        }) : () -> ()
      } else {
      }
      %add3A_45 = arith.constant 80 : i32
      %add3A_46 = arith.addi %arg1, %add3A_45 : i32
      %lt3A_47 = arith.constant 125 : i32
      %lt3A_48 = arith.cmpi slt, %add3A_46, %lt3A_47 : i32
      %convert_element_type3A_49 = arith.extui %lt3A_48 : i1 to i32
      %cond3A_50 = arith.constant 0 : i32
      %cond3A_51 = arith.cmpi ne, %convert_element_type3A_49, %cond3A_50 : i32
      scf.if %cond3A_51 {
        %mul3A = arith.constant 400 : i32
        %mul3A_137 = arith.muli %add3A_46, %mul3A : i32
        "tpu.region"() ({
          %run_scoped3A = tpu.sem_alloc : memref<!tpu.dma_semaphore, #tpu.memory_space<semaphore_mem>>
          %dma_start3A = arith.constant 0 : i32
          %dma_start3A_138 = arith.constant 0 : i32
          %dma_start3A_139 = tpu.memref_slice %arg13[%dma_start3A, %dma_start3A_138] : memref<800x32xbf16, #tpu.memory_space<vmem>> -> memref<400x32xbf16, #tpu.memory_space<vmem>>
          %dma_start3A_140 = arith.constant 0 : i32
          %dma_start3A_141 = tpu.memref_slice %arg8[%mul3A_137, %dma_start3A_140] : memref<50000x32xbf16, #tpu.memory_space<vmem_shared>> -> memref<400x32xbf16, #tpu.memory_space<vmem_shared>>
          %dma_start3A_142 = arith.constant 0 : i32
          %dma_start3A_143 = tpu.memref_slice %arg8[%mul3A_137, %dma_start3A_142] : memref<50000x32xbf16, #tpu.memory_space<vmem_shared>> -> memref<400x32xbf16, #tpu.memory_space<vmem_shared>>
          %dma_start3A_144 = arith.constant 0 : i32
          %dma_start3A_145 = arith.constant 0 : i32
          %dma_start3A_146 = tpu.memref_slice %arg13[%dma_start3A_144, %dma_start3A_145] : memref<800x32xbf16, #tpu.memory_space<vmem>> -> memref<400x32xbf16, #tpu.memory_space<vmem>>
          tpu.enqueue_dma source(%dma_start3A_146 : memref<400x32xbf16, #tpu.memory_space<vmem>>) target(%dma_start3A_143 : memref<400x32xbf16, #tpu.memory_space<vmem_shared>>) target_semaphore(%run_scoped3A : memref<!tpu.dma_semaphore, #tpu.memory_space<semaphore_mem>>)
          %dma_wait3A = arith.constant 0 : i32
          %dma_wait3A_147 = arith.constant 0 : i32
          %dma_wait3A_148 = tpu.memref_slice %arg13[%dma_wait3A, %dma_wait3A_147] : memref<800x32xbf16, #tpu.memory_space<vmem>> -> memref<400x32xbf16, #tpu.memory_space<vmem>>
          %dma_wait3A_149 = arith.constant 0 : i32
          %dma_wait3A_150 = tpu.memref_slice %arg8[%mul3A_137, %dma_wait3A_149] : memref<50000x32xbf16, #tpu.memory_space<vmem_shared>> -> memref<400x32xbf16, #tpu.memory_space<vmem_shared>>
          %dma_wait3A_151 = arith.constant 0 : i32
          %dma_wait3A_152 = tpu.memref_slice %arg8[%mul3A_137, %dma_wait3A_151] : memref<50000x32xbf16, #tpu.memory_space<vmem_shared>> -> memref<400x32xbf16, #tpu.memory_space<vmem_shared>>
          %dma_wait3A_153 = arith.constant 0 : i32
          %dma_wait3A_154 = arith.constant 0 : i32
          %dma_wait3A_155 = tpu.memref_slice %arg13[%dma_wait3A_153, %dma_wait3A_154] : memref<800x32xbf16, #tpu.memory_space<vmem>> -> memref<400x32xbf16, #tpu.memory_space<vmem>>
          tpu.wait_dma2 semaphore(%run_scoped3A : memref<!tpu.dma_semaphore, #tpu.memory_space<semaphore_mem>>) src(%dma_wait3A_155 : memref<400x32xbf16, #tpu.memory_space<vmem>>) dst(%dma_wait3A_152 : memref<400x32xbf16, #tpu.memory_space<vmem_shared>>)
          tpu.yield
        }) : () -> ()
      } else {
      }
      %add3A_52 = arith.constant 96 : i32
      %add3A_53 = arith.addi %arg1, %add3A_52 : i32
      %lt3A_54 = arith.constant 125 : i32
      %lt3A_55 = arith.cmpi slt, %add3A_53, %lt3A_54 : i32
      %convert_element_type3A_56 = arith.extui %lt3A_55 : i1 to i32
      %cond3A_57 = arith.constant 0 : i32
      %cond3A_58 = arith.cmpi ne, %convert_element_type3A_56, %cond3A_57 : i32
      scf.if %cond3A_58 {
        %mul3A = arith.constant 400 : i32
        %mul3A_137 = arith.muli %add3A_53, %mul3A : i32
        "tpu.region"() ({
          %run_scoped3A = tpu.sem_alloc : memref<!tpu.dma_semaphore, #tpu.memory_space<semaphore_mem>>
          %dma_start3A = arith.constant 0 : i32
          %dma_start3A_138 = arith.constant 0 : i32
          %dma_start3A_139 = tpu.memref_slice %arg13[%dma_start3A, %dma_start3A_138] : memref<800x32xbf16, #tpu.memory_space<vmem>> -> memref<400x32xbf16, #tpu.memory_space<vmem>>
          %dma_start3A_140 = arith.constant 0 : i32
          %dma_start3A_141 = tpu.memref_slice %arg8[%mul3A_137, %dma_start3A_140] : memref<50000x32xbf16, #tpu.memory_space<vmem_shared>> -> memref<400x32xbf16, #tpu.memory_space<vmem_shared>>
          %dma_start3A_142 = arith.constant 0 : i32
          %dma_start3A_143 = tpu.memref_slice %arg8[%mul3A_137, %dma_start3A_142] : memref<50000x32xbf16, #tpu.memory_space<vmem_shared>> -> memref<400x32xbf16, #tpu.memory_space<vmem_shared>>
          %dma_start3A_144 = arith.constant 0 : i32
          %dma_start3A_145 = arith.constant 0 : i32
          %dma_start3A_146 = tpu.memref_slice %arg13[%dma_start3A_144, %dma_start3A_145] : memref<800x32xbf16, #tpu.memory_space<vmem>> -> memref<400x32xbf16, #tpu.memory_space<vmem>>
          tpu.enqueue_dma source(%dma_start3A_146 : memref<400x32xbf16, #tpu.memory_space<vmem>>) target(%dma_start3A_143 : memref<400x32xbf16, #tpu.memory_space<vmem_shared>>) target_semaphore(%run_scoped3A : memref<!tpu.dma_semaphore, #tpu.memory_space<semaphore_mem>>)
          %dma_wait3A = arith.constant 0 : i32
          %dma_wait3A_147 = arith.constant 0 : i32
          %dma_wait3A_148 = tpu.memref_slice %arg13[%dma_wait3A, %dma_wait3A_147] : memref<800x32xbf16, #tpu.memory_space<vmem>> -> memref<400x32xbf16, #tpu.memory_space<vmem>>
          %dma_wait3A_149 = arith.constant 0 : i32
          %dma_wait3A_150 = tpu.memref_slice %arg8[%mul3A_137, %dma_wait3A_149] : memref<50000x32xbf16, #tpu.memory_space<vmem_shared>> -> memref<400x32xbf16, #tpu.memory_space<vmem_shared>>
          %dma_wait3A_151 = arith.constant 0 : i32
          %dma_wait3A_152 = tpu.memref_slice %arg8[%mul3A_137, %dma_wait3A_151] : memref<50000x32xbf16, #tpu.memory_space<vmem_shared>> -> memref<400x32xbf16, #tpu.memory_space<vmem_shared>>
          %dma_wait3A_153 = arith.constant 0 : i32
          %dma_wait3A_154 = arith.constant 0 : i32
          %dma_wait3A_155 = tpu.memref_slice %arg13[%dma_wait3A_153, %dma_wait3A_154] : memref<800x32xbf16, #tpu.memory_space<vmem>> -> memref<400x32xbf16, #tpu.memory_space<vmem>>
          tpu.wait_dma2 semaphore(%run_scoped3A : memref<!tpu.dma_semaphore, #tpu.memory_space<semaphore_mem>>) src(%dma_wait3A_155 : memref<400x32xbf16, #tpu.memory_space<vmem>>) dst(%dma_wait3A_152 : memref<400x32xbf16, #tpu.memory_space<vmem_shared>>)
          tpu.yield
        }) : () -> ()
      } else {
      }
      %add3A_59 = arith.constant 112 : i32
      %add3A_60 = arith.addi %arg1, %add3A_59 : i32
      %lt3A_61 = arith.constant 125 : i32
      %lt3A_62 = arith.cmpi slt, %add3A_60, %lt3A_61 : i32
      %convert_element_type3A_63 = arith.extui %lt3A_62 : i1 to i32
      %cond3A_64 = arith.constant 0 : i32
      %cond3A_65 = arith.cmpi ne, %convert_element_type3A_63, %cond3A_64 : i32
      scf.if %cond3A_65 {
        %mul3A = arith.constant 400 : i32
        %mul3A_137 = arith.muli %add3A_60, %mul3A : i32
        "tpu.region"() ({
          %run_scoped3A = tpu.sem_alloc : memref<!tpu.dma_semaphore, #tpu.memory_space<semaphore_mem>>
          %dma_start3A = arith.constant 0 : i32
          %dma_start3A_138 = arith.constant 0 : i32
          %dma_start3A_139 = tpu.memref_slice %arg13[%dma_start3A, %dma_start3A_138] : memref<800x32xbf16, #tpu.memory_space<vmem>> -> memref<400x32xbf16, #tpu.memory_space<vmem>>
          %dma_start3A_140 = arith.constant 0 : i32
          %dma_start3A_141 = tpu.memref_slice %arg8[%mul3A_137, %dma_start3A_140] : memref<50000x32xbf16, #tpu.memory_space<vmem_shared>> -> memref<400x32xbf16, #tpu.memory_space<vmem_shared>>
          %dma_start3A_142 = arith.constant 0 : i32
          %dma_start3A_143 = tpu.memref_slice %arg8[%mul3A_137, %dma_start3A_142] : memref<50000x32xbf16, #tpu.memory_space<vmem_shared>> -> memref<400x32xbf16, #tpu.memory_space<vmem_shared>>
          %dma_start3A_144 = arith.constant 0 : i32
          %dma_start3A_145 = arith.constant 0 : i32
          %dma_start3A_146 = tpu.memref_slice %arg13[%dma_start3A_144, %dma_start3A_145] : memref<800x32xbf16, #tpu.memory_space<vmem>> -> memref<400x32xbf16, #tpu.memory_space<vmem>>
          tpu.enqueue_dma source(%dma_start3A_146 : memref<400x32xbf16, #tpu.memory_space<vmem>>) target(%dma_start3A_143 : memref<400x32xbf16, #tpu.memory_space<vmem_shared>>) target_semaphore(%run_scoped3A : memref<!tpu.dma_semaphore, #tpu.memory_space<semaphore_mem>>)
          %dma_wait3A = arith.constant 0 : i32
          %dma_wait3A_147 = arith.constant 0 : i32
          %dma_wait3A_148 = tpu.memref_slice %arg13[%dma_wait3A, %dma_wait3A_147] : memref<800x32xbf16, #tpu.memory_space<vmem>> -> memref<400x32xbf16, #tpu.memory_space<vmem>>
          %dma_wait3A_149 = arith.constant 0 : i32
          %dma_wait3A_150 = tpu.memref_slice %arg8[%mul3A_137, %dma_wait3A_149] : memref<50000x32xbf16, #tpu.memory_space<vmem_shared>> -> memref<400x32xbf16, #tpu.memory_space<vmem_shared>>
          %dma_wait3A_151 = arith.constant 0 : i32
          %dma_wait3A_152 = tpu.memref_slice %arg8[%mul3A_137, %dma_wait3A_151] : memref<50000x32xbf16, #tpu.memory_space<vmem_shared>> -> memref<400x32xbf16, #tpu.memory_space<vmem_shared>>
          %dma_wait3A_153 = arith.constant 0 : i32
          %dma_wait3A_154 = arith.constant 0 : i32
          %dma_wait3A_155 = tpu.memref_slice %arg13[%dma_wait3A_153, %dma_wait3A_154] : memref<800x32xbf16, #tpu.memory_space<vmem>> -> memref<400x32xbf16, #tpu.memory_space<vmem>>
          tpu.wait_dma2 semaphore(%run_scoped3A : memref<!tpu.dma_semaphore, #tpu.memory_space<semaphore_mem>>) src(%dma_wait3A_155 : memref<400x32xbf16, #tpu.memory_space<vmem>>) dst(%dma_wait3A_152 : memref<400x32xbf16, #tpu.memory_space<vmem_shared>>)
          tpu.yield
        }) : () -> ()
      } else {
      }
      %barrier3A = arith.constant 0 : index
      tpu.barrier barrier_id(%barrier3A)
      %add3A_66 = arith.constant 0 : i32
      %add3A_67 = arith.addi %add3A_66, %arg1 : i32
      %lt3A_68 = arith.constant 1000 : i32
      %lt3A_69 = arith.cmpi slt, %add3A_67, %lt3A_68 : i32
      %convert_element_type3A_70 = arith.extui %lt3A_69 : i1 to i32
      %cond3A_71 = arith.constant 0 : i32
      %cond3A_72 = arith.cmpi ne, %convert_element_type3A_70, %cond3A_71 : i32
      scf.if %cond3A_72 {
        %mul3A = arith.constant 800 : i32
        %mul3A_137 = arith.muli %add3A_67, %mul3A : i32
        %dma_start3A = tpu.memref_slice %arg4[%mul3A_137] : memref<800000xi32, #tpu.memory_space<hbm>> -> memref<800xi32, #tpu.memory_space<hbm>>
        %dma_start3A_138 = tpu.memref_slice %arg4[%mul3A_137] : memref<800000xi32, #tpu.memory_space<hbm>> -> memref<800xi32, #tpu.memory_space<hbm>>
        tpu.enqueue_dma source(%dma_start3A_138 : memref<800xi32, #tpu.memory_space<hbm>>) target(%arg9 : memref<800xi32, #tpu.memory_space<vmem>>) target_semaphore(%arg15 : memref<!tpu.dma_semaphore, #tpu.memory_space<semaphore_mem>>)
        %dma_start3A_139 = tpu.memref_slice %arg5[%mul3A_137] : memref<800000xi32, #tpu.memory_space<hbm>> -> memref<800xi32, #tpu.memory_space<hbm>>
        %dma_start3A_140 = tpu.memref_slice %arg5[%mul3A_137] : memref<800000xi32, #tpu.memory_space<hbm>> -> memref<800xi32, #tpu.memory_space<hbm>>
        tpu.enqueue_dma source(%dma_start3A_140 : memref<800xi32, #tpu.memory_space<hbm>>) target(%arg10 : memref<800xi32, #tpu.memory_space<vmem>>) target_semaphore(%arg15 : memref<!tpu.dma_semaphore, #tpu.memory_space<semaphore_mem>>)
        %dma_start3A_141 = tpu.memref_slice %arg6[%mul3A_137] : memref<800000xf32, #tpu.memory_space<hbm>> -> memref<800xf32, #tpu.memory_space<hbm>>
        %dma_start3A_142 = tpu.memref_slice %arg6[%mul3A_137] : memref<800000xf32, #tpu.memory_space<hbm>> -> memref<800xf32, #tpu.memory_space<hbm>>
        tpu.enqueue_dma source(%dma_start3A_142 : memref<800xf32, #tpu.memory_space<hbm>>) target(%arg11 : memref<800xf32, #tpu.memory_space<vmem>>) target_semaphore(%arg15 : memref<!tpu.dma_semaphore, #tpu.memory_space<semaphore_mem>>)
      } else {
      }
      %scan3A_73 = arith.constant 0 : i32
      %scan3A_74 = arith.constant 0 : i32
      %scan3A_75 = arith.constant 33 : i32
      %scan3A_76 = arith.addi %scan3A_74, %scan3A_75 : i32
      %scan3A_77 = arith.constant 1 : i32
      scf.for %scan3A_137 = %scan3A_74 to %scan3A_76 step %scan3A_77  : i32 {
        %mul3A = arith.constant 2 : i32
        %mul3A_138 = arith.muli %mul3A, %scan3A_137 : i32
        %add3A_139 = arith.constant 0 : i32
        %add3A_140 = arith.addi %mul3A_138, %add3A_139 : i32
        %add3A_141 = arith.constant 0 : i32
        %add3A_142 = arith.addi %add3A_141, %arg1 : i32
        %mul3A_143 = arith.constant 16 : i32
        %mul3A_144 = arith.muli %mul3A_143, %add3A_140 : i32
        %add3A_145 = arith.addi %add3A_142, %mul3A_144 : i32
        %sub3A = arith.constant 16 : i32
        %sub3A_146 = arith.subi %add3A_145, %sub3A : i32
        %sub3A_147 = arith.constant 48 : i32
        %sub3A_148 = arith.subi %add3A_145, %sub3A_147 : i32
        %lt3A_149 = arith.constant 1000 : i32
        %lt3A_150 = arith.cmpi slt, %add3A_145, %lt3A_149 : i32
        %convert_element_type3A_151 = arith.extui %lt3A_150 : i1 to i32
        %cond3A_152 = arith.constant 0 : i32
        %cond3A_153 = arith.cmpi ne, %convert_element_type3A_151, %cond3A_152 : i32
        scf.if %cond3A_153 {
          %mul3A_216 = arith.constant 800 : i32
          %mul3A_217 = arith.muli %add3A_145, %mul3A_216 : i32
          %dma_wait3A = tpu.memref_slice %arg4[%mul3A_217] : memref<800000xi32, #tpu.memory_space<hbm>> -> memref<800xi32, #tpu.memory_space<hbm>>
          %dma_wait3A_218 = tpu.memref_slice %arg4[%mul3A_217] : memref<800000xi32, #tpu.memory_space<hbm>> -> memref<800xi32, #tpu.memory_space<hbm>>
          tpu.wait_dma2 semaphore(%arg15 : memref<!tpu.dma_semaphore, #tpu.memory_space<semaphore_mem>>) src(%dma_wait3A_218 : memref<800xi32, #tpu.memory_space<hbm>>) dst(%arg9 : memref<800xi32, #tpu.memory_space<vmem>>)
          %dma_wait3A_219 = tpu.memref_slice %arg5[%mul3A_217] : memref<800000xi32, #tpu.memory_space<hbm>> -> memref<800xi32, #tpu.memory_space<hbm>>
          %dma_wait3A_220 = tpu.memref_slice %arg5[%mul3A_217] : memref<800000xi32, #tpu.memory_space<hbm>> -> memref<800xi32, #tpu.memory_space<hbm>>
          tpu.wait_dma2 semaphore(%arg15 : memref<!tpu.dma_semaphore, #tpu.memory_space<semaphore_mem>>) src(%dma_wait3A_220 : memref<800xi32, #tpu.memory_space<hbm>>) dst(%arg10 : memref<800xi32, #tpu.memory_space<vmem>>)
          %dma_wait3A_221 = tpu.memref_slice %arg6[%mul3A_217] : memref<800000xf32, #tpu.memory_space<hbm>> -> memref<800xf32, #tpu.memory_space<hbm>>
          %dma_wait3A_222 = tpu.memref_slice %arg6[%mul3A_217] : memref<800000xf32, #tpu.memory_space<hbm>> -> memref<800xf32, #tpu.memory_space<hbm>>
          tpu.wait_dma2 semaphore(%arg15 : memref<!tpu.dma_semaphore, #tpu.memory_space<semaphore_mem>>) src(%dma_wait3A_222 : memref<800xf32, #tpu.memory_space<hbm>>) dst(%arg11 : memref<800xf32, #tpu.memory_space<vmem>>)
          %dma_start3A = arith.constant 0 : i32
          %dma_start3A_223 = arith.constant 0 : i32
          %dma_start3A_224 = tpu.memref_slice %arg2[%dma_start3A, %dma_start3A_223] : memref<50000x32xbf16, #tpu.memory_space<hbm>> -> memref<50000x32xbf16, #tpu.memory_space<hbm>>
          tpu.enqueue_indirect_dma source(%dma_start3A_224 : memref<50000x32xbf16, #tpu.memory_space<hbm>>) target(%arg12 : memref<800x32xbf16, #tpu.memory_space<vmem>>) offsets(%arg9 : memref<800xi32, #tpu.memory_space<vmem>>) semaphore(%arg16 : memref<!tpu.dma_semaphore, #tpu.memory_space<semaphore_mem>>)
        } else {
        }
        %ge3A = arith.constant 0 : i32
        %ge3A_154 = arith.cmpi sge, %sub3A_148, %ge3A : i32
        %lt3A_155 = arith.constant 1000 : i32
        %lt3A_156 = arith.cmpi slt, %sub3A_148, %lt3A_155 : i32
        %and3A = arith.andi %ge3A_154, %lt3A_156 : i1
        %convert_element_type3A_157 = arith.extui %and3A : i1 to i32
        %cond3A_158 = arith.constant 0 : i32
        %cond3A_159 = arith.cmpi ne, %convert_element_type3A_157, %cond3A_158 : i32
        scf.if %cond3A_159 {
          %dma_wait3A = arith.constant 0 : i32
          %dma_wait3A_216 = arith.constant 0 : i32
          %dma_wait3A_217 = tpu.memref_slice %arg8[%dma_wait3A, %dma_wait3A_216] : memref<50000x32xbf16, #tpu.memory_space<vmem_shared>> -> memref<50000x32xbf16, #tpu.memory_space<vmem_shared>>
          tpu.wait_indirect_dma semaphore(%arg26 : memref<!tpu.dma_semaphore, #tpu.memory_space<semaphore_mem>>) src(%arg22 : memref<800x32xbf16, #tpu.memory_space<vmem>>) dst(%dma_wait3A_217 : memref<50000x32xbf16, #tpu.memory_space<vmem_shared>>)
        } else {
        }
        %ge3A_160 = arith.constant 0 : i32
        %ge3A_161 = arith.cmpi sge, %sub3A_146, %ge3A_160 : i32
        %lt3A_162 = arith.constant 1000 : i32
        %lt3A_163 = arith.cmpi slt, %sub3A_146, %lt3A_162 : i32
        %and3A_164 = arith.andi %ge3A_161, %lt3A_163 : i1
        %convert_element_type3A_165 = arith.extui %and3A_164 : i1 to i32
        %cond3A_166 = arith.constant 0 : i32
        %cond3A_167 = arith.cmpi ne, %convert_element_type3A_165, %cond3A_166 : i32
        scf.if %cond3A_167 {
          %dma_wait3A = arith.constant 0 : i32
          %dma_wait3A_216 = arith.constant 0 : i32
          %dma_wait3A_217 = tpu.memref_slice %arg2[%dma_wait3A, %dma_wait3A_216] : memref<50000x32xbf16, #tpu.memory_space<hbm>> -> memref<50000x32xbf16, #tpu.memory_space<hbm>>
          tpu.wait_indirect_dma semaphore(%arg25 : memref<!tpu.dma_semaphore, #tpu.memory_space<semaphore_mem>>) src(%dma_wait3A_217 : memref<50000x32xbf16, #tpu.memory_space<hbm>>) dst(%arg21 : memref<800x32xbf16, #tpu.memory_space<vmem>>)
          %scan3A_218 = arith.constant 0 : i32
          %scan3A_219 = arith.constant 0 : i32
          %scan3A_220 = arith.constant 800 : i32
          %scan3A_221 = arith.addi %scan3A_219, %scan3A_220 : i32
          %scan3A_222 = arith.constant 1 : i32
          scf.for %scan3A_232 = %scan3A_219 to %scan3A_221 step %scan3A_222  : i32 {
            %get3A = arith.index_cast %scan3A_232 : i32 to index
            %get3A_233 = arith.constant 0 : index
            %get3A_234 = tpu.vector_load %arg21[%get3A, %get3A_233] {strides = array<i32>} : memref<800x32xbf16, #tpu.memory_space<vmem>>, vector<32xbf16>,
            %broadcast_in_dim3A = vector.broadcast %scan3A_232 : i32 to vector<16xi32>
            %gather3A = tpu.vector_load_idx %arg20[%broadcast_in_dim3A] : memref<800xf32, #tpu.memory_space<vmem>>[vector<16xi32>], vector<16xf32>,
            %unpack3A = tpu.unpack_subelements %get3A_234, 0 {pack_format = #tpu.pack_format<interleaved>} : vector<32xbf16> -> vector<16xf32>
            %unpack3A_235 = tpu.unpack_subelements %get3A_234, 1 {pack_format = #tpu.pack_format<interleaved>} : vector<32xbf16> -> vector<16xf32>
            %mul3A_236 = arith.mulf %unpack3A, %gather3A : vector<16xf32>
            %mul3A_237 = arith.mulf %unpack3A_235, %gather3A : vector<16xf32>
            %pack3A = tpu.pack_subelements %mul3A_236, %mul3A_237 {pack_format = #tpu.pack_format<interleaved>, positions = array<i32: 0, 1>} : vector<16xf32>, vector<16xf32> -> vector<32xbf16>
            %swap3A = arith.index_cast %scan3A_232 : i32 to index
            %swap3A_238 = arith.constant 0 : index
            %swap3A_239 = tpu.vector_load %arg22[%swap3A, %swap3A_238] {strides = array<i32>} : memref<800x32xbf16, #tpu.memory_space<vmem>>, vector<32xbf16>,
            tpu.vector_store %arg22[%swap3A, %swap3A_238], %pack3A {strides = array<i32>} : memref<800x32xbf16, #tpu.memory_space<vmem>>, vector<32xbf16>,
          }
          %scan3A_223 = arith.constant 800 : i32
          %scan3A_224 = arith.constant 0 : i32
          %scan3A_225 = arith.constant 0 : i32
          %scan3A_226 = arith.constant 50 : i32
          %scan3A_227 = arith.addi %scan3A_225, %scan3A_226 : i32
          %scan3A_228 = arith.constant 1 : i32
          scf.for %scan3A_232 = %scan3A_225 to %scan3A_227 step %scan3A_228  : i32 {
            %mul3A_233 = arith.constant 16 : i32
            %mul3A_234 = arith.muli %scan3A_232, %mul3A_233 : i32
            %get3A = arith.index_cast %mul3A_234 : i32 to index
            %get3A_235 = tpu.vector_load %arg19[%get3A] {strides = array<i32>} : memref<800xi32, #tpu.memory_space<vmem>>, vector<16xi32>,
            %mul3A_236 = arith.constant 16 : i32
            %mul3A_237 = arith.muli %scan3A_232, %mul3A_236 : i32
            %swap3A = arith.index_cast %mul3A_237 : i32 to index
            %swap3A_238 = tpu.vector_load %arg23[%swap3A] {strides = array<i32>} : memref<800xi32, #tpu.memory_space<vmem>>, vector<16xi32>,
            tpu.vector_store %arg23[%swap3A], %get3A_235 {strides = array<i32>} : memref<800xi32, #tpu.memory_space<vmem>>, vector<16xi32>,
          }
          %scan3A_229 = arith.constant 50 : i32
          %dma_start3A = arith.constant 0 : i32
          %dma_start3A_230 = arith.constant 0 : i32
          %dma_start3A_231 = tpu.memref_slice %arg8[%dma_start3A, %dma_start3A_230] : memref<50000x32xbf16, #tpu.memory_space<vmem_shared>> -> memref<50000x32xbf16, #tpu.memory_space<vmem_shared>>
          tpu.enqueue_indirect_dma source(%arg22 : memref<800x32xbf16, #tpu.memory_space<vmem>>) target(%dma_start3A_231 : memref<50000x32xbf16, #tpu.memory_space<vmem_shared>>) offsets(%arg23 : memref<800xi32, #tpu.memory_space<vmem>>) semaphore(%arg26 : memref<!tpu.dma_semaphore, #tpu.memory_space<semaphore_mem>>) {add = true}
        } else {
        }
        %add3A_168 = arith.constant 16 : i32
        %add3A_169 = arith.addi %add3A_145, %add3A_168 : i32
        %lt3A_170 = arith.constant 1000 : i32
        %lt3A_171 = arith.cmpi slt, %add3A_169, %lt3A_170 : i32
        %convert_element_type3A_172 = arith.extui %lt3A_171 : i1 to i32
        %cond3A_173 = arith.constant 0 : i32
        %cond3A_174 = arith.cmpi ne, %convert_element_type3A_172, %cond3A_173 : i32
        scf.if %cond3A_174 {
          %add3A_216 = arith.constant 16 : i32
          %add3A_217 = arith.addi %add3A_145, %add3A_216 : i32
          %mul3A_218 = arith.constant 800 : i32
          %mul3A_219 = arith.muli %add3A_217, %mul3A_218 : i32
          %dma_start3A = tpu.memref_slice %arg4[%mul3A_219] : memref<800000xi32, #tpu.memory_space<hbm>> -> memref<800xi32, #tpu.memory_space<hbm>>
          %dma_start3A_220 = tpu.memref_slice %arg4[%mul3A_219] : memref<800000xi32, #tpu.memory_space<hbm>> -> memref<800xi32, #tpu.memory_space<hbm>>
          tpu.enqueue_dma source(%dma_start3A_220 : memref<800xi32, #tpu.memory_space<hbm>>) target(%arg18 : memref<800xi32, #tpu.memory_space<vmem>>) target_semaphore(%arg24 : memref<!tpu.dma_semaphore, #tpu.memory_space<semaphore_mem>>)
          %dma_start3A_221 = tpu.memref_slice %arg5[%mul3A_219] : memref<800000xi32, #tpu.memory_space<hbm>> -> memref<800xi32, #tpu.memory_space<hbm>>
          %dma_start3A_222 = tpu.memref_slice %arg5[%mul3A_219] : memref<800000xi32, #tpu.memory_space<hbm>> -> memref<800xi32, #tpu.memory_space<hbm>>
          tpu.enqueue_dma source(%dma_start3A_222 : memref<800xi32, #tpu.memory_space<hbm>>) target(%arg19 : memref<800xi32, #tpu.memory_space<vmem>>) target_semaphore(%arg24 : memref<!tpu.dma_semaphore, #tpu.memory_space<semaphore_mem>>)
          %dma_start3A_223 = tpu.memref_slice %arg6[%mul3A_219] : memref<800000xf32, #tpu.memory_space<hbm>> -> memref<800xf32, #tpu.memory_space<hbm>>
          %dma_start3A_224 = tpu.memref_slice %arg6[%mul3A_219] : memref<800000xf32, #tpu.memory_space<hbm>> -> memref<800xf32, #tpu.memory_space<hbm>>
          tpu.enqueue_dma source(%dma_start3A_224 : memref<800xf32, #tpu.memory_space<hbm>>) target(%arg20 : memref<800xf32, #tpu.memory_space<vmem>>) target_semaphore(%arg24 : memref<!tpu.dma_semaphore, #tpu.memory_space<semaphore_mem>>)
        } else {
        }
        %mul3A_175 = arith.constant 2 : i32
        %mul3A_176 = arith.muli %mul3A_175, %scan3A_137 : i32
        %add3A_177 = arith.constant 1 : i32
        %add3A_178 = arith.addi %mul3A_176, %add3A_177 : i32
        %add3A_179 = arith.constant 0 : i32
        %add3A_180 = arith.addi %add3A_179, %arg1 : i32
        %mul3A_181 = arith.constant 16 : i32
        %mul3A_182 = arith.muli %mul3A_181, %add3A_178 : i32
        %add3A_183 = arith.addi %add3A_180, %mul3A_182 : i32
        %sub3A_184 = arith.constant 16 : i32
        %sub3A_185 = arith.subi %add3A_183, %sub3A_184 : i32
        %sub3A_186 = arith.constant 48 : i32
        %sub3A_187 = arith.subi %add3A_183, %sub3A_186 : i32
        %lt3A_188 = arith.constant 1000 : i32
        %lt3A_189 = arith.cmpi slt, %add3A_183, %lt3A_188 : i32
        %convert_element_type3A_190 = arith.extui %lt3A_189 : i1 to i32
        %cond3A_191 = arith.constant 0 : i32
        %cond3A_192 = arith.cmpi ne, %convert_element_type3A_190, %cond3A_191 : i32
        scf.if %cond3A_192 {
          %mul3A_216 = arith.constant 800 : i32
          %mul3A_217 = arith.muli %add3A_183, %mul3A_216 : i32
          %dma_wait3A = tpu.memref_slice %arg4[%mul3A_217] : memref<800000xi32, #tpu.memory_space<hbm>> -> memref<800xi32, #tpu.memory_space<hbm>>
          %dma_wait3A_218 = tpu.memref_slice %arg4[%mul3A_217] : memref<800000xi32, #tpu.memory_space<hbm>> -> memref<800xi32, #tpu.memory_space<hbm>>
          tpu.wait_dma2 semaphore(%arg24 : memref<!tpu.dma_semaphore, #tpu.memory_space<semaphore_mem>>) src(%dma_wait3A_218 : memref<800xi32, #tpu.memory_space<hbm>>) dst(%arg18 : memref<800xi32, #tpu.memory_space<vmem>>)
          %dma_wait3A_219 = tpu.memref_slice %arg5[%mul3A_217] : memref<800000xi32, #tpu.memory_space<hbm>> -> memref<800xi32, #tpu.memory_space<hbm>>
          %dma_wait3A_220 = tpu.memref_slice %arg5[%mul3A_217] : memref<800000xi32, #tpu.memory_space<hbm>> -> memref<800xi32, #tpu.memory_space<hbm>>
          tpu.wait_dma2 semaphore(%arg24 : memref<!tpu.dma_semaphore, #tpu.memory_space<semaphore_mem>>) src(%dma_wait3A_220 : memref<800xi32, #tpu.memory_space<hbm>>) dst(%arg19 : memref<800xi32, #tpu.memory_space<vmem>>)
          %dma_wait3A_221 = tpu.memref_slice %arg6[%mul3A_217] : memref<800000xf32, #tpu.memory_space<hbm>> -> memref<800xf32, #tpu.memory_space<hbm>>
          %dma_wait3A_222 = tpu.memref_slice %arg6[%mul3A_217] : memref<800000xf32, #tpu.memory_space<hbm>> -> memref<800xf32, #tpu.memory_space<hbm>>
          tpu.wait_dma2 semaphore(%arg24 : memref<!tpu.dma_semaphore, #tpu.memory_space<semaphore_mem>>) src(%dma_wait3A_222 : memref<800xf32, #tpu.memory_space<hbm>>) dst(%arg20 : memref<800xf32, #tpu.memory_space<vmem>>)
          %dma_start3A = arith.constant 0 : i32
          %dma_start3A_223 = arith.constant 0 : i32
          %dma_start3A_224 = tpu.memref_slice %arg2[%dma_start3A, %dma_start3A_223] : memref<50000x32xbf16, #tpu.memory_space<hbm>> -> memref<50000x32xbf16, #tpu.memory_space<hbm>>
          tpu.enqueue_indirect_dma source(%dma_start3A_224 : memref<50000x32xbf16, #tpu.memory_space<hbm>>) target(%arg21 : memref<800x32xbf16, #tpu.memory_space<vmem>>) offsets(%arg18 : memref<800xi32, #tpu.memory_space<vmem>>) semaphore(%arg25 : memref<!tpu.dma_semaphore, #tpu.memory_space<semaphore_mem>>)
        } else {
        }
        %ge3A_193 = arith.constant 0 : i32
        %ge3A_194 = arith.cmpi sge, %sub3A_187, %ge3A_193 : i32
        %lt3A_195 = arith.constant 1000 : i32
        %lt3A_196 = arith.cmpi slt, %sub3A_187, %lt3A_195 : i32
        %and3A_197 = arith.andi %ge3A_194, %lt3A_196 : i1
        %convert_element_type3A_198 = arith.extui %and3A_197 : i1 to i32
        %cond3A_199 = arith.constant 0 : i32
        %cond3A_200 = arith.cmpi ne, %convert_element_type3A_198, %cond3A_199 : i32
        scf.if %cond3A_200 {
          %dma_wait3A = arith.constant 0 : i32
          %dma_wait3A_216 = arith.constant 0 : i32
          %dma_wait3A_217 = tpu.memref_slice %arg8[%dma_wait3A, %dma_wait3A_216] : memref<50000x32xbf16, #tpu.memory_space<vmem_shared>> -> memref<50000x32xbf16, #tpu.memory_space<vmem_shared>>
          tpu.wait_indirect_dma semaphore(%arg17 : memref<!tpu.dma_semaphore, #tpu.memory_space<semaphore_mem>>) src(%arg13 : memref<800x32xbf16, #tpu.memory_space<vmem>>) dst(%dma_wait3A_217 : memref<50000x32xbf16, #tpu.memory_space<vmem_shared>>)
        } else {
        }
        %ge3A_201 = arith.constant 0 : i32
        %ge3A_202 = arith.cmpi sge, %sub3A_185, %ge3A_201 : i32
        %lt3A_203 = arith.constant 1000 : i32
        %lt3A_204 = arith.cmpi slt, %sub3A_185, %lt3A_203 : i32
        %and3A_205 = arith.andi %ge3A_202, %lt3A_204 : i1
        %convert_element_type3A_206 = arith.extui %and3A_205 : i1 to i32
        %cond3A_207 = arith.constant 0 : i32
        %cond3A_208 = arith.cmpi ne, %convert_element_type3A_206, %cond3A_207 : i32
        scf.if %cond3A_208 {
          %dma_wait3A = arith.constant 0 : i32
          %dma_wait3A_216 = arith.constant 0 : i32
          %dma_wait3A_217 = tpu.memref_slice %arg2[%dma_wait3A, %dma_wait3A_216] : memref<50000x32xbf16, #tpu.memory_space<hbm>> -> memref<50000x32xbf16, #tpu.memory_space<hbm>>
          tpu.wait_indirect_dma semaphore(%arg16 : memref<!tpu.dma_semaphore, #tpu.memory_space<semaphore_mem>>) src(%dma_wait3A_217 : memref<50000x32xbf16, #tpu.memory_space<hbm>>) dst(%arg12 : memref<800x32xbf16, #tpu.memory_space<vmem>>)
          %scan3A_218 = arith.constant 0 : i32
          %scan3A_219 = arith.constant 0 : i32
          %scan3A_220 = arith.constant 800 : i32
          %scan3A_221 = arith.addi %scan3A_219, %scan3A_220 : i32
          %scan3A_222 = arith.constant 1 : i32
          scf.for %scan3A_232 = %scan3A_219 to %scan3A_221 step %scan3A_222  : i32 {
            %get3A = arith.index_cast %scan3A_232 : i32 to index
            %get3A_233 = arith.constant 0 : index
            %get3A_234 = tpu.vector_load %arg12[%get3A, %get3A_233] {strides = array<i32>} : memref<800x32xbf16, #tpu.memory_space<vmem>>, vector<32xbf16>,
            %broadcast_in_dim3A = vector.broadcast %scan3A_232 : i32 to vector<16xi32>
            %gather3A = tpu.vector_load_idx %arg11[%broadcast_in_dim3A] : memref<800xf32, #tpu.memory_space<vmem>>[vector<16xi32>], vector<16xf32>,
            %unpack3A = tpu.unpack_subelements %get3A_234, 0 {pack_format = #tpu.pack_format<interleaved>} : vector<32xbf16> -> vector<16xf32>
            %unpack3A_235 = tpu.unpack_subelements %get3A_234, 1 {pack_format = #tpu.pack_format<interleaved>} : vector<32xbf16> -> vector<16xf32>
            %mul3A_236 = arith.mulf %unpack3A, %gather3A : vector<16xf32>
            %mul3A_237 = arith.mulf %unpack3A_235, %gather3A : vector<16xf32>
            %pack3A = tpu.pack_subelements %mul3A_236, %mul3A_237 {pack_format = #tpu.pack_format<interleaved>, positions = array<i32: 0, 1>} : vector<16xf32>, vector<16xf32> -> vector<32xbf16>
            %swap3A = arith.index_cast %scan3A_232 : i32 to index
            %swap3A_238 = arith.constant 0 : index
            %swap3A_239 = tpu.vector_load %arg13[%swap3A, %swap3A_238] {strides = array<i32>} : memref<800x32xbf16, #tpu.memory_space<vmem>>, vector<32xbf16>,
            tpu.vector_store %arg13[%swap3A, %swap3A_238], %pack3A {strides = array<i32>} : memref<800x32xbf16, #tpu.memory_space<vmem>>, vector<32xbf16>,
          }
          %scan3A_223 = arith.constant 800 : i32
          %scan3A_224 = arith.constant 0 : i32
          %scan3A_225 = arith.constant 0 : i32
          %scan3A_226 = arith.constant 50 : i32
          %scan3A_227 = arith.addi %scan3A_225, %scan3A_226 : i32
          %scan3A_228 = arith.constant 1 : i32
          scf.for %scan3A_232 = %scan3A_225 to %scan3A_227 step %scan3A_228  : i32 {
            %mul3A_233 = arith.constant 16 : i32
            %mul3A_234 = arith.muli %scan3A_232, %mul3A_233 : i32
            %get3A = arith.index_cast %mul3A_234 : i32 to index
            %get3A_235 = tpu.vector_load %arg10[%get3A] {strides = array<i32>} : memref<800xi32, #tpu.memory_space<vmem>>, vector<16xi32>,
            %mul3A_236 = arith.constant 16 : i32
            %mul3A_237 = arith.muli %scan3A_232, %mul3A_236 : i32
            %swap3A = arith.index_cast %mul3A_237 : i32 to index
            %swap3A_238 = tpu.vector_load %arg14[%swap3A] {strides = array<i32>} : memref<800xi32, #tpu.memory_space<vmem>>, vector<16xi32>,
            tpu.vector_store %arg14[%swap3A], %get3A_235 {strides = array<i32>} : memref<800xi32, #tpu.memory_space<vmem>>, vector<16xi32>,
          }
          %scan3A_229 = arith.constant 50 : i32
          %dma_start3A = arith.constant 0 : i32
          %dma_start3A_230 = arith.constant 0 : i32
          %dma_start3A_231 = tpu.memref_slice %arg8[%dma_start3A, %dma_start3A_230] : memref<50000x32xbf16, #tpu.memory_space<vmem_shared>> -> memref<50000x32xbf16, #tpu.memory_space<vmem_shared>>
          tpu.enqueue_indirect_dma source(%arg13 : memref<800x32xbf16, #tpu.memory_space<vmem>>) target(%dma_start3A_231 : memref<50000x32xbf16, #tpu.memory_space<vmem_shared>>) offsets(%arg14 : memref<800xi32, #tpu.memory_space<vmem>>) semaphore(%arg17 : memref<!tpu.dma_semaphore, #tpu.memory_space<semaphore_mem>>) {add = true}
        } else {
        }
        %add3A_209 = arith.constant 16 : i32
        %add3A_210 = arith.addi %add3A_183, %add3A_209 : i32
        %lt3A_211 = arith.constant 1000 : i32
        %lt3A_212 = arith.cmpi slt, %add3A_210, %lt3A_211 : i32
        %convert_element_type3A_213 = arith.extui %lt3A_212 : i1 to i32
        %cond3A_214 = arith.constant 0 : i32
        %cond3A_215 = arith.cmpi ne, %convert_element_type3A_213, %cond3A_214 : i32
        scf.if %cond3A_215 {
          %add3A_216 = arith.constant 16 : i32
          %add3A_217 = arith.addi %add3A_183, %add3A_216 : i32
          %mul3A_218 = arith.constant 800 : i32
          %mul3A_219 = arith.muli %add3A_217, %mul3A_218 : i32
          %dma_start3A = tpu.memref_slice %arg4[%mul3A_219] : memref<800000xi32, #tpu.memory_space<hbm>> -> memref<800xi32, #tpu.memory_space<hbm>>
          %dma_start3A_220 = tpu.memref_slice %arg4[%mul3A_219] : memref<800000xi32, #tpu.memory_space<hbm>> -> memref<800xi32, #tpu.memory_space<hbm>>
          tpu.enqueue_dma source(%dma_start3A_220 : memref<800xi32, #tpu.memory_space<hbm>>) target(%arg9 : memref<800xi32, #tpu.memory_space<vmem>>) target_semaphore(%arg15 : memref<!tpu.dma_semaphore, #tpu.memory_space<semaphore_mem>>)
          %dma_start3A_221 = tpu.memref_slice %arg5[%mul3A_219] : memref<800000xi32, #tpu.memory_space<hbm>> -> memref<800xi32, #tpu.memory_space<hbm>>
          %dma_start3A_222 = tpu.memref_slice %arg5[%mul3A_219] : memref<800000xi32, #tpu.memory_space<hbm>> -> memref<800xi32, #tpu.memory_space<hbm>>
          tpu.enqueue_dma source(%dma_start3A_222 : memref<800xi32, #tpu.memory_space<hbm>>) target(%arg10 : memref<800xi32, #tpu.memory_space<vmem>>) target_semaphore(%arg15 : memref<!tpu.dma_semaphore, #tpu.memory_space<semaphore_mem>>)
          %dma_start3A_223 = tpu.memref_slice %arg6[%mul3A_219] : memref<800000xf32, #tpu.memory_space<hbm>> -> memref<800xf32, #tpu.memory_space<hbm>>
          %dma_start3A_224 = tpu.memref_slice %arg6[%mul3A_219] : memref<800000xf32, #tpu.memory_space<hbm>> -> memref<800xf32, #tpu.memory_space<hbm>>
          tpu.enqueue_dma source(%dma_start3A_224 : memref<800xf32, #tpu.memory_space<hbm>>) target(%arg11 : memref<800xf32, #tpu.memory_space<vmem>>) target_semaphore(%arg15 : memref<!tpu.dma_semaphore, #tpu.memory_space<semaphore_mem>>)
        } else {
        }
      }
      %scan3A_78 = arith.constant 33 : i32
      %barrier3A_79 = arith.constant 0 : index
      tpu.barrier barrier_id(%barrier3A_79)
      %add3A_80 = arith.constant 0 : i32
      %add3A_81 = arith.addi %arg1, %add3A_80 : i32
      %lt3A_82 = arith.constant 125 : i32
      %lt3A_83 = arith.cmpi slt, %add3A_81, %lt3A_82 : i32
      %convert_element_type3A_84 = arith.extui %lt3A_83 : i1 to i32
      %cond3A_85 = arith.constant 0 : i32
      %cond3A_86 = arith.cmpi ne, %convert_element_type3A_84, %cond3A_85 : i32
      scf.if %cond3A_86 {
        %mul3A = arith.constant 400 : i32
        %mul3A_137 = arith.muli %add3A_81, %mul3A : i32
        %mul3A_138 = arith.constant 400 : i32
        %mul3A_139 = arith.muli %add3A_81, %mul3A_138 : i32
        %run_scoped3A = arith.constant 0 : i32
        "tpu.region"() ({
          %run_scoped3A_140 = tpu.sem_alloc : memref<!tpu.dma_semaphore, #tpu.memory_space<semaphore_mem>>
          %dma_start3A = arith.constant 0 : i32
          %dma_start3A_141 = tpu.memref_slice %arg7[%run_scoped3A, %mul3A_139, %dma_start3A] : memref<2x50000x32xbf16, #tpu.memory_space<hbm>> -> memref<1x400x32xbf16, #tpu.memory_space<hbm>>
          %dma_start3A_142 = tpu.memref_squeeze %dma_start3A_141 : memref<1x400x32xbf16, #tpu.memory_space<hbm>> -> memref<400x32xbf16, #tpu.memory_space<hbm>>
          %dma_start3A_143 = arith.constant 0 : i32
          %dma_start3A_144 = tpu.memref_slice %arg8[%mul3A_137, %dma_start3A_143] : memref<50000x32xbf16, #tpu.memory_space<vmem_shared>> -> memref<400x32xbf16, #tpu.memory_space<vmem_shared>>
          tpu.enqueue_dma source(%dma_start3A_144 : memref<400x32xbf16, #tpu.memory_space<vmem_shared>>) target(%dma_start3A_142 : memref<400x32xbf16, #tpu.memory_space<hbm>>) target_semaphore(%run_scoped3A_140 : memref<!tpu.dma_semaphore, #tpu.memory_space<semaphore_mem>>)
          %dma_wait3A = arith.constant 0 : i32
          %dma_wait3A_145 = tpu.memref_slice %arg7[%run_scoped3A, %mul3A_139, %dma_wait3A] : memref<2x50000x32xbf16, #tpu.memory_space<hbm>> -> memref<1x400x32xbf16, #tpu.memory_space<hbm>>
          %dma_wait3A_146 = tpu.memref_squeeze %dma_wait3A_145 : memref<1x400x32xbf16, #tpu.memory_space<hbm>> -> memref<400x32xbf16, #tpu.memory_space<hbm>>
          %dma_wait3A_147 = arith.constant 0 : i32
          %dma_wait3A_148 = tpu.memref_slice %arg8[%mul3A_137, %dma_wait3A_147] : memref<50000x32xbf16, #tpu.memory_space<vmem_shared>> -> memref<400x32xbf16, #tpu.memory_space<vmem_shared>>
          tpu.wait_dma2 semaphore(%run_scoped3A_140 : memref<!tpu.dma_semaphore, #tpu.memory_space<semaphore_mem>>) src(%dma_wait3A_148 : memref<400x32xbf16, #tpu.memory_space<vmem_shared>>) dst(%dma_wait3A_146 : memref<400x32xbf16, #tpu.memory_space<hbm>>)
          tpu.yield
        }) : () -> ()
      } else {
      }
      %add3A_87 = arith.constant 16 : i32
      %add3A_88 = arith.addi %arg1, %add3A_87 : i32
      %lt3A_89 = arith.constant 125 : i32
      %lt3A_90 = arith.cmpi slt, %add3A_88, %lt3A_89 : i32
      %convert_element_type3A_91 = arith.extui %lt3A_90 : i1 to i32
      %cond3A_92 = arith.constant 0 : i32
      %cond3A_93 = arith.cmpi ne, %convert_element_type3A_91, %cond3A_92 : i32
      scf.if %cond3A_93 {
        %mul3A = arith.constant 400 : i32
        %mul3A_137 = arith.muli %add3A_88, %mul3A : i32
        %mul3A_138 = arith.constant 400 : i32
        %mul3A_139 = arith.muli %add3A_88, %mul3A_138 : i32
        %run_scoped3A = arith.constant 0 : i32
        "tpu.region"() ({
          %run_scoped3A_140 = tpu.sem_alloc : memref<!tpu.dma_semaphore, #tpu.memory_space<semaphore_mem>>
          %dma_start3A = arith.constant 0 : i32
          %dma_start3A_141 = tpu.memref_slice %arg7[%run_scoped3A, %mul3A_139, %dma_start3A] : memref<2x50000x32xbf16, #tpu.memory_space<hbm>> -> memref<1x400x32xbf16, #tpu.memory_space<hbm>>
          %dma_start3A_142 = tpu.memref_squeeze %dma_start3A_141 : memref<1x400x32xbf16, #tpu.memory_space<hbm>> -> memref<400x32xbf16, #tpu.memory_space<hbm>>
          %dma_start3A_143 = arith.constant 0 : i32
          %dma_start3A_144 = tpu.memref_slice %arg8[%mul3A_137, %dma_start3A_143] : memref<50000x32xbf16, #tpu.memory_space<vmem_shared>> -> memref<400x32xbf16, #tpu.memory_space<vmem_shared>>
          tpu.enqueue_dma source(%dma_start3A_144 : memref<400x32xbf16, #tpu.memory_space<vmem_shared>>) target(%dma_start3A_142 : memref<400x32xbf16, #tpu.memory_space<hbm>>) target_semaphore(%run_scoped3A_140 : memref<!tpu.dma_semaphore, #tpu.memory_space<semaphore_mem>>)
          %dma_wait3A = arith.constant 0 : i32
          %dma_wait3A_145 = tpu.memref_slice %arg7[%run_scoped3A, %mul3A_139, %dma_wait3A] : memref<2x50000x32xbf16, #tpu.memory_space<hbm>> -> memref<1x400x32xbf16, #tpu.memory_space<hbm>>
          %dma_wait3A_146 = tpu.memref_squeeze %dma_wait3A_145 : memref<1x400x32xbf16, #tpu.memory_space<hbm>> -> memref<400x32xbf16, #tpu.memory_space<hbm>>
          %dma_wait3A_147 = arith.constant 0 : i32
          %dma_wait3A_148 = tpu.memref_slice %arg8[%mul3A_137, %dma_wait3A_147] : memref<50000x32xbf16, #tpu.memory_space<vmem_shared>> -> memref<400x32xbf16, #tpu.memory_space<vmem_shared>>
          tpu.wait_dma2 semaphore(%run_scoped3A_140 : memref<!tpu.dma_semaphore, #tpu.memory_space<semaphore_mem>>) src(%dma_wait3A_148 : memref<400x32xbf16, #tpu.memory_space<vmem_shared>>) dst(%dma_wait3A_146 : memref<400x32xbf16, #tpu.memory_space<hbm>>)
          tpu.yield
        }) : () -> ()
      } else {
      }
      %add3A_94 = arith.constant 32 : i32
      %add3A_95 = arith.addi %arg1, %add3A_94 : i32
      %lt3A_96 = arith.constant 125 : i32
      %lt3A_97 = arith.cmpi slt, %add3A_95, %lt3A_96 : i32
      %convert_element_type3A_98 = arith.extui %lt3A_97 : i1 to i32
      %cond3A_99 = arith.constant 0 : i32
      %cond3A_100 = arith.cmpi ne, %convert_element_type3A_98, %cond3A_99 : i32
      scf.if %cond3A_100 {
        %mul3A = arith.constant 400 : i32
        %mul3A_137 = arith.muli %add3A_95, %mul3A : i32
        %mul3A_138 = arith.constant 400 : i32
        %mul3A_139 = arith.muli %add3A_95, %mul3A_138 : i32
        %run_scoped3A = arith.constant 0 : i32
        "tpu.region"() ({
          %run_scoped3A_140 = tpu.sem_alloc : memref<!tpu.dma_semaphore, #tpu.memory_space<semaphore_mem>>
          %dma_start3A = arith.constant 0 : i32
          %dma_start3A_141 = tpu.memref_slice %arg7[%run_scoped3A, %mul3A_139, %dma_start3A] : memref<2x50000x32xbf16, #tpu.memory_space<hbm>> -> memref<1x400x32xbf16, #tpu.memory_space<hbm>>
          %dma_start3A_142 = tpu.memref_squeeze %dma_start3A_141 : memref<1x400x32xbf16, #tpu.memory_space<hbm>> -> memref<400x32xbf16, #tpu.memory_space<hbm>>
          %dma_start3A_143 = arith.constant 0 : i32
          %dma_start3A_144 = tpu.memref_slice %arg8[%mul3A_137, %dma_start3A_143] : memref<50000x32xbf16, #tpu.memory_space<vmem_shared>> -> memref<400x32xbf16, #tpu.memory_space<vmem_shared>>
          tpu.enqueue_dma source(%dma_start3A_144 : memref<400x32xbf16, #tpu.memory_space<vmem_shared>>) target(%dma_start3A_142 : memref<400x32xbf16, #tpu.memory_space<hbm>>) target_semaphore(%run_scoped3A_140 : memref<!tpu.dma_semaphore, #tpu.memory_space<semaphore_mem>>)
          %dma_wait3A = arith.constant 0 : i32
          %dma_wait3A_145 = tpu.memref_slice %arg7[%run_scoped3A, %mul3A_139, %dma_wait3A] : memref<2x50000x32xbf16, #tpu.memory_space<hbm>> -> memref<1x400x32xbf16, #tpu.memory_space<hbm>>
          %dma_wait3A_146 = tpu.memref_squeeze %dma_wait3A_145 : memref<1x400x32xbf16, #tpu.memory_space<hbm>> -> memref<400x32xbf16, #tpu.memory_space<hbm>>
          %dma_wait3A_147 = arith.constant 0 : i32
          %dma_wait3A_148 = tpu.memref_slice %arg8[%mul3A_137, %dma_wait3A_147] : memref<50000x32xbf16, #tpu.memory_space<vmem_shared>> -> memref<400x32xbf16, #tpu.memory_space<vmem_shared>>
          tpu.wait_dma2 semaphore(%run_scoped3A_140 : memref<!tpu.dma_semaphore, #tpu.memory_space<semaphore_mem>>) src(%dma_wait3A_148 : memref<400x32xbf16, #tpu.memory_space<vmem_shared>>) dst(%dma_wait3A_146 : memref<400x32xbf16, #tpu.memory_space<hbm>>)
          tpu.yield
        }) : () -> ()
      } else {
      }
      %add3A_101 = arith.constant 48 : i32
      %add3A_102 = arith.addi %arg1, %add3A_101 : i32
      %lt3A_103 = arith.constant 125 : i32
      %lt3A_104 = arith.cmpi slt, %add3A_102, %lt3A_103 : i32
      %convert_element_type3A_105 = arith.extui %lt3A_104 : i1 to i32
      %cond3A_106 = arith.constant 0 : i32
      %cond3A_107 = arith.cmpi ne, %convert_element_type3A_105, %cond3A_106 : i32
      scf.if %cond3A_107 {
        %mul3A = arith.constant 400 : i32
        %mul3A_137 = arith.muli %add3A_102, %mul3A : i32
        %mul3A_138 = arith.constant 400 : i32
        %mul3A_139 = arith.muli %add3A_102, %mul3A_138 : i32
        %run_scoped3A = arith.constant 0 : i32
        "tpu.region"() ({
          %run_scoped3A_140 = tpu.sem_alloc : memref<!tpu.dma_semaphore, #tpu.memory_space<semaphore_mem>>
          %dma_start3A = arith.constant 0 : i32
          %dma_start3A_141 = tpu.memref_slice %arg7[%run_scoped3A, %mul3A_139, %dma_start3A] : memref<2x50000x32xbf16, #tpu.memory_space<hbm>> -> memref<1x400x32xbf16, #tpu.memory_space<hbm>>
          %dma_start3A_142 = tpu.memref_squeeze %dma_start3A_141 : memref<1x400x32xbf16, #tpu.memory_space<hbm>> -> memref<400x32xbf16, #tpu.memory_space<hbm>>
          %dma_start3A_143 = arith.constant 0 : i32
          %dma_start3A_144 = tpu.memref_slice %arg8[%mul3A_137, %dma_start3A_143] : memref<50000x32xbf16, #tpu.memory_space<vmem_shared>> -> memref<400x32xbf16, #tpu.memory_space<vmem_shared>>
          tpu.enqueue_dma source(%dma_start3A_144 : memref<400x32xbf16, #tpu.memory_space<vmem_shared>>) target(%dma_start3A_142 : memref<400x32xbf16, #tpu.memory_space<hbm>>) target_semaphore(%run_scoped3A_140 : memref<!tpu.dma_semaphore, #tpu.memory_space<semaphore_mem>>)
          %dma_wait3A = arith.constant 0 : i32
          %dma_wait3A_145 = tpu.memref_slice %arg7[%run_scoped3A, %mul3A_139, %dma_wait3A] : memref<2x50000x32xbf16, #tpu.memory_space<hbm>> -> memref<1x400x32xbf16, #tpu.memory_space<hbm>>
          %dma_wait3A_146 = tpu.memref_squeeze %dma_wait3A_145 : memref<1x400x32xbf16, #tpu.memory_space<hbm>> -> memref<400x32xbf16, #tpu.memory_space<hbm>>
          %dma_wait3A_147 = arith.constant 0 : i32
          %dma_wait3A_148 = tpu.memref_slice %arg8[%mul3A_137, %dma_wait3A_147] : memref<50000x32xbf16, #tpu.memory_space<vmem_shared>> -> memref<400x32xbf16, #tpu.memory_space<vmem_shared>>
          tpu.wait_dma2 semaphore(%run_scoped3A_140 : memref<!tpu.dma_semaphore, #tpu.memory_space<semaphore_mem>>) src(%dma_wait3A_148 : memref<400x32xbf16, #tpu.memory_space<vmem_shared>>) dst(%dma_wait3A_146 : memref<400x32xbf16, #tpu.memory_space<hbm>>)
          tpu.yield
        }) : () -> ()
      } else {
      }
      %add3A_108 = arith.constant 64 : i32
      %add3A_109 = arith.addi %arg1, %add3A_108 : i32
      %lt3A_110 = arith.constant 125 : i32
      %lt3A_111 = arith.cmpi slt, %add3A_109, %lt3A_110 : i32
      %convert_element_type3A_112 = arith.extui %lt3A_111 : i1 to i32
      %cond3A_113 = arith.constant 0 : i32
      %cond3A_114 = arith.cmpi ne, %convert_element_type3A_112, %cond3A_113 : i32
      scf.if %cond3A_114 {
        %mul3A = arith.constant 400 : i32
        %mul3A_137 = arith.muli %add3A_109, %mul3A : i32
        %mul3A_138 = arith.constant 400 : i32
        %mul3A_139 = arith.muli %add3A_109, %mul3A_138 : i32
        %run_scoped3A = arith.constant 0 : i32
        "tpu.region"() ({
          %run_scoped3A_140 = tpu.sem_alloc : memref<!tpu.dma_semaphore, #tpu.memory_space<semaphore_mem>>
          %dma_start3A = arith.constant 0 : i32
          %dma_start3A_141 = tpu.memref_slice %arg7[%run_scoped3A, %mul3A_139, %dma_start3A] : memref<2x50000x32xbf16, #tpu.memory_space<hbm>> -> memref<1x400x32xbf16, #tpu.memory_space<hbm>>
          %dma_start3A_142 = tpu.memref_squeeze %dma_start3A_141 : memref<1x400x32xbf16, #tpu.memory_space<hbm>> -> memref<400x32xbf16, #tpu.memory_space<hbm>>
          %dma_start3A_143 = arith.constant 0 : i32
          %dma_start3A_144 = tpu.memref_slice %arg8[%mul3A_137, %dma_start3A_143] : memref<50000x32xbf16, #tpu.memory_space<vmem_shared>> -> memref<400x32xbf16, #tpu.memory_space<vmem_shared>>
          tpu.enqueue_dma source(%dma_start3A_144 : memref<400x32xbf16, #tpu.memory_space<vmem_shared>>) target(%dma_start3A_142 : memref<400x32xbf16, #tpu.memory_space<hbm>>) target_semaphore(%run_scoped3A_140 : memref<!tpu.dma_semaphore, #tpu.memory_space<semaphore_mem>>)
          %dma_wait3A = arith.constant 0 : i32
          %dma_wait3A_145 = tpu.memref_slice %arg7[%run_scoped3A, %mul3A_139, %dma_wait3A] : memref<2x50000x32xbf16, #tpu.memory_space<hbm>> -> memref<1x400x32xbf16, #tpu.memory_space<hbm>>
          %dma_wait3A_146 = tpu.memref_squeeze %dma_wait3A_145 : memref<1x400x32xbf16, #tpu.memory_space<hbm>> -> memref<400x32xbf16, #tpu.memory_space<hbm>>
          %dma_wait3A_147 = arith.constant 0 : i32
          %dma_wait3A_148 = tpu.memref_slice %arg8[%mul3A_137, %dma_wait3A_147] : memref<50000x32xbf16, #tpu.memory_space<vmem_shared>> -> memref<400x32xbf16, #tpu.memory_space<vmem_shared>>
          tpu.wait_dma2 semaphore(%run_scoped3A_140 : memref<!tpu.dma_semaphore, #tpu.memory_space<semaphore_mem>>) src(%dma_wait3A_148 : memref<400x32xbf16, #tpu.memory_space<vmem_shared>>) dst(%dma_wait3A_146 : memref<400x32xbf16, #tpu.memory_space<hbm>>)
          tpu.yield
        }) : () -> ()
      } else {
      }
      %add3A_115 = arith.constant 80 : i32
      %add3A_116 = arith.addi %arg1, %add3A_115 : i32
      %lt3A_117 = arith.constant 125 : i32
      %lt3A_118 = arith.cmpi slt, %add3A_116, %lt3A_117 : i32
      %convert_element_type3A_119 = arith.extui %lt3A_118 : i1 to i32
      %cond3A_120 = arith.constant 0 : i32
      %cond3A_121 = arith.cmpi ne, %convert_element_type3A_119, %cond3A_120 : i32
      scf.if %cond3A_121 {
        %mul3A = arith.constant 400 : i32
        %mul3A_137 = arith.muli %add3A_116, %mul3A : i32
        %mul3A_138 = arith.constant 400 : i32
        %mul3A_139 = arith.muli %add3A_116, %mul3A_138 : i32
        %run_scoped3A = arith.constant 0 : i32
        "tpu.region"() ({
          %run_scoped3A_140 = tpu.sem_alloc : memref<!tpu.dma_semaphore, #tpu.memory_space<semaphore_mem>>
          %dma_start3A = arith.constant 0 : i32
          %dma_start3A_141 = tpu.memref_slice %arg7[%run_scoped3A, %mul3A_139, %dma_start3A] : memref<2x50000x32xbf16, #tpu.memory_space<hbm>> -> memref<1x400x32xbf16, #tpu.memory_space<hbm>>
          %dma_start3A_142 = tpu.memref_squeeze %dma_start3A_141 : memref<1x400x32xbf16, #tpu.memory_space<hbm>> -> memref<400x32xbf16, #tpu.memory_space<hbm>>
          %dma_start3A_143 = arith.constant 0 : i32
          %dma_start3A_144 = tpu.memref_slice %arg8[%mul3A_137, %dma_start3A_143] : memref<50000x32xbf16, #tpu.memory_space<vmem_shared>> -> memref<400x32xbf16, #tpu.memory_space<vmem_shared>>
          tpu.enqueue_dma source(%dma_start3A_144 : memref<400x32xbf16, #tpu.memory_space<vmem_shared>>) target(%dma_start3A_142 : memref<400x32xbf16, #tpu.memory_space<hbm>>) target_semaphore(%run_scoped3A_140 : memref<!tpu.dma_semaphore, #tpu.memory_space<semaphore_mem>>)
          %dma_wait3A = arith.constant 0 : i32
          %dma_wait3A_145 = tpu.memref_slice %arg7[%run_scoped3A, %mul3A_139, %dma_wait3A] : memref<2x50000x32xbf16, #tpu.memory_space<hbm>> -> memref<1x400x32xbf16, #tpu.memory_space<hbm>>
          %dma_wait3A_146 = tpu.memref_squeeze %dma_wait3A_145 : memref<1x400x32xbf16, #tpu.memory_space<hbm>> -> memref<400x32xbf16, #tpu.memory_space<hbm>>
          %dma_wait3A_147 = arith.constant 0 : i32
          %dma_wait3A_148 = tpu.memref_slice %arg8[%mul3A_137, %dma_wait3A_147] : memref<50000x32xbf16, #tpu.memory_space<vmem_shared>> -> memref<400x32xbf16, #tpu.memory_space<vmem_shared>>
          tpu.wait_dma2 semaphore(%run_scoped3A_140 : memref<!tpu.dma_semaphore, #tpu.memory_space<semaphore_mem>>) src(%dma_wait3A_148 : memref<400x32xbf16, #tpu.memory_space<vmem_shared>>) dst(%dma_wait3A_146 : memref<400x32xbf16, #tpu.memory_space<hbm>>)
          tpu.yield
        }) : () -> ()
      } else {
      }
      %add3A_122 = arith.constant 96 : i32
      %add3A_123 = arith.addi %arg1, %add3A_122 : i32
      %lt3A_124 = arith.constant 125 : i32
      %lt3A_125 = arith.cmpi slt, %add3A_123, %lt3A_124 : i32
      %convert_element_type3A_126 = arith.extui %lt3A_125 : i1 to i32
      %cond3A_127 = arith.constant 0 : i32
      %cond3A_128 = arith.cmpi ne, %convert_element_type3A_126, %cond3A_127 : i32
      scf.if %cond3A_128 {
        %mul3A = arith.constant 400 : i32
        %mul3A_137 = arith.muli %add3A_123, %mul3A : i32
        %mul3A_138 = arith.constant 400 : i32
        %mul3A_139 = arith.muli %add3A_123, %mul3A_138 : i32
        %run_scoped3A = arith.constant 0 : i32
        "tpu.region"() ({
          %run_scoped3A_140 = tpu.sem_alloc : memref<!tpu.dma_semaphore, #tpu.memory_space<semaphore_mem>>
          %dma_start3A = arith.constant 0 : i32
          %dma_start3A_141 = tpu.memref_slice %arg7[%run_scoped3A, %mul3A_139, %dma_start3A] : memref<2x50000x32xbf16, #tpu.memory_space<hbm>> -> memref<1x400x32xbf16, #tpu.memory_space<hbm>>
          %dma_start3A_142 = tpu.memref_squeeze %dma_start3A_141 : memref<1x400x32xbf16, #tpu.memory_space<hbm>> -> memref<400x32xbf16, #tpu.memory_space<hbm>>
          %dma_start3A_143 = arith.constant 0 : i32
          %dma_start3A_144 = tpu.memref_slice %arg8[%mul3A_137, %dma_start3A_143] : memref<50000x32xbf16, #tpu.memory_space<vmem_shared>> -> memref<400x32xbf16, #tpu.memory_space<vmem_shared>>
          tpu.enqueue_dma source(%dma_start3A_144 : memref<400x32xbf16, #tpu.memory_space<vmem_shared>>) target(%dma_start3A_142 : memref<400x32xbf16, #tpu.memory_space<hbm>>) target_semaphore(%run_scoped3A_140 : memref<!tpu.dma_semaphore, #tpu.memory_space<semaphore_mem>>)
          %dma_wait3A = arith.constant 0 : i32
          %dma_wait3A_145 = tpu.memref_slice %arg7[%run_scoped3A, %mul3A_139, %dma_wait3A] : memref<2x50000x32xbf16, #tpu.memory_space<hbm>> -> memref<1x400x32xbf16, #tpu.memory_space<hbm>>
          %dma_wait3A_146 = tpu.memref_squeeze %dma_wait3A_145 : memref<1x400x32xbf16, #tpu.memory_space<hbm>> -> memref<400x32xbf16, #tpu.memory_space<hbm>>
          %dma_wait3A_147 = arith.constant 0 : i32
          %dma_wait3A_148 = tpu.memref_slice %arg8[%mul3A_137, %dma_wait3A_147] : memref<50000x32xbf16, #tpu.memory_space<vmem_shared>> -> memref<400x32xbf16, #tpu.memory_space<vmem_shared>>
          tpu.wait_dma2 semaphore(%run_scoped3A_140 : memref<!tpu.dma_semaphore, #tpu.memory_space<semaphore_mem>>) src(%dma_wait3A_148 : memref<400x32xbf16, #tpu.memory_space<vmem_shared>>) dst(%dma_wait3A_146 : memref<400x32xbf16, #tpu.memory_space<hbm>>)
          tpu.yield
        }) : () -> ()
      } else {
      }
      %add3A_129 = arith.constant 112 : i32
      %add3A_130 = arith.addi %arg1, %add3A_129 : i32
      %lt3A_131 = arith.constant 125 : i32
      %lt3A_132 = arith.cmpi slt, %add3A_130, %lt3A_131 : i32
      %convert_element_type3A_133 = arith.extui %lt3A_132 : i1 to i32
      %cond3A_134 = arith.constant 0 : i32
      %cond3A_135 = arith.cmpi ne, %convert_element_type3A_133, %cond3A_134 : i32
      scf.if %cond3A_135 {
        %mul3A = arith.constant 400 : i32
        %mul3A_137 = arith.muli %add3A_130, %mul3A : i32
        %mul3A_138 = arith.constant 400 : i32
        %mul3A_139 = arith.muli %add3A_130, %mul3A_138 : i32
        %run_scoped3A = arith.constant 0 : i32
        "tpu.region"() ({
          %run_scoped3A_140 = tpu.sem_alloc : memref<!tpu.dma_semaphore, #tpu.memory_space<semaphore_mem>>
          %dma_start3A = arith.constant 0 : i32
          %dma_start3A_141 = tpu.memref_slice %arg7[%run_scoped3A, %mul3A_139, %dma_start3A] : memref<2x50000x32xbf16, #tpu.memory_space<hbm>> -> memref<1x400x32xbf16, #tpu.memory_space<hbm>>
          %dma_start3A_142 = tpu.memref_squeeze %dma_start3A_141 : memref<1x400x32xbf16, #tpu.memory_space<hbm>> -> memref<400x32xbf16, #tpu.memory_space<hbm>>
          %dma_start3A_143 = arith.constant 0 : i32
          %dma_start3A_144 = tpu.memref_slice %arg8[%mul3A_137, %dma_start3A_143] : memref<50000x32xbf16, #tpu.memory_space<vmem_shared>> -> memref<400x32xbf16, #tpu.memory_space<vmem_shared>>
          tpu.enqueue_dma source(%dma_start3A_144 : memref<400x32xbf16, #tpu.memory_space<vmem_shared>>) target(%dma_start3A_142 : memref<400x32xbf16, #tpu.memory_space<hbm>>) target_semaphore(%run_scoped3A_140 : memref<!tpu.dma_semaphore, #tpu.memory_space<semaphore_mem>>)
          %dma_wait3A = arith.constant 0 : i32
          %dma_wait3A_145 = tpu.memref_slice %arg7[%run_scoped3A, %mul3A_139, %dma_wait3A] : memref<2x50000x32xbf16, #tpu.memory_space<hbm>> -> memref<1x400x32xbf16, #tpu.memory_space<hbm>>
          %dma_wait3A_146 = tpu.memref_squeeze %dma_wait3A_145 : memref<1x400x32xbf16, #tpu.memory_space<hbm>> -> memref<400x32xbf16, #tpu.memory_space<hbm>>
          %dma_wait3A_147 = arith.constant 0 : i32
          %dma_wait3A_148 = tpu.memref_slice %arg8[%mul3A_137, %dma_wait3A_147] : memref<50000x32xbf16, #tpu.memory_space<vmem_shared>> -> memref<400x32xbf16, #tpu.memory_space<vmem_shared>>
          tpu.wait_dma2 semaphore(%run_scoped3A_140 : memref<!tpu.dma_semaphore, #tpu.memory_space<semaphore_mem>>) src(%dma_wait3A_148 : memref<400x32xbf16, #tpu.memory_space<vmem_shared>>) dst(%dma_wait3A_146 : memref<400x32xbf16, #tpu.memory_space<hbm>>)
          tpu.yield
        }) : () -> ()
      } else {
      }
      %barrier3A_136 = arith.constant 0 : index
      tpu.barrier barrier_id(%barrier3A_136)
    } else {
    }
    %eq3A_2 = arith.constant 1 : i32
    %eq3A_3 = arith.cmpi eq, %arg0, %eq3A_2 : i32
    %convert_element_type3A_4 = arith.extui %eq3A_3 : i1 to i32
    %cond3A_5 = arith.constant 0 : i32
    %cond3A_6 = arith.cmpi ne, %convert_element_type3A_4, %cond3A_5 : i32
    scf.if %cond3A_6 {
      %scan3A = arith.constant 0 : i32
      %scan3A_7 = arith.constant 0 : i32
      %scan3A_8 = arith.constant 400 : i32
      %scan3A_9 = arith.addi %scan3A_7, %scan3A_8 : i32
      %scan3A_10 = arith.constant 1 : i32
      scf.for %scan3A_137 = %scan3A_7 to %scan3A_9 step %scan3A_10  : i32 {
        %broadcast_in_dim3A = arith.constant 0.000000e+00 : bf16
        %broadcast_in_dim3A_138 = vector.broadcast %broadcast_in_dim3A : bf16 to vector<32xbf16>
        %swap3A = arith.index_cast %scan3A_137 : i32 to index
        %swap3A_139 = arith.constant 0 : index
        %swap3A_140 = tpu.vector_load %arg13[%swap3A, %swap3A_139] {strides = array<i32>} : memref<800x32xbf16, #tpu.memory_space<vmem>>, vector<32xbf16>,
        tpu.vector_store %arg13[%swap3A, %swap3A_139], %broadcast_in_dim3A_138 {strides = array<i32>} : memref<800x32xbf16, #tpu.memory_space<vmem>>, vector<32xbf16>,
      }
      %scan3A_11 = arith.constant 400 : i32
      %add3A = arith.constant 0 : i32
      %add3A_12 = arith.addi %arg1, %add3A : i32
      %lt3A = arith.constant 125 : i32
      %lt3A_13 = arith.cmpi slt, %add3A_12, %lt3A : i32
      %convert_element_type3A_14 = arith.extui %lt3A_13 : i1 to i32
      %cond3A_15 = arith.constant 0 : i32
      %cond3A_16 = arith.cmpi ne, %convert_element_type3A_14, %cond3A_15 : i32
      scf.if %cond3A_16 {
        %mul3A = arith.constant 400 : i32
        %mul3A_137 = arith.muli %add3A_12, %mul3A : i32
        "tpu.region"() ({
          %run_scoped3A = tpu.sem_alloc : memref<!tpu.dma_semaphore, #tpu.memory_space<semaphore_mem>>
          %dma_start3A = arith.constant 0 : i32
          %dma_start3A_138 = arith.constant 0 : i32
          %dma_start3A_139 = tpu.memref_slice %arg13[%dma_start3A, %dma_start3A_138] : memref<800x32xbf16, #tpu.memory_space<vmem>> -> memref<400x32xbf16, #tpu.memory_space<vmem>>
          %dma_start3A_140 = arith.constant 0 : i32
          %dma_start3A_141 = tpu.memref_slice %arg8[%mul3A_137, %dma_start3A_140] : memref<50000x32xbf16, #tpu.memory_space<vmem_shared>> -> memref<400x32xbf16, #tpu.memory_space<vmem_shared>>
          %dma_start3A_142 = arith.constant 0 : i32
          %dma_start3A_143 = tpu.memref_slice %arg8[%mul3A_137, %dma_start3A_142] : memref<50000x32xbf16, #tpu.memory_space<vmem_shared>> -> memref<400x32xbf16, #tpu.memory_space<vmem_shared>>
          %dma_start3A_144 = arith.constant 0 : i32
          %dma_start3A_145 = arith.constant 0 : i32
          %dma_start3A_146 = tpu.memref_slice %arg13[%dma_start3A_144, %dma_start3A_145] : memref<800x32xbf16, #tpu.memory_space<vmem>> -> memref<400x32xbf16, #tpu.memory_space<vmem>>
          tpu.enqueue_dma source(%dma_start3A_146 : memref<400x32xbf16, #tpu.memory_space<vmem>>) target(%dma_start3A_143 : memref<400x32xbf16, #tpu.memory_space<vmem_shared>>) target_semaphore(%run_scoped3A : memref<!tpu.dma_semaphore, #tpu.memory_space<semaphore_mem>>)
          %dma_wait3A = arith.constant 0 : i32
          %dma_wait3A_147 = arith.constant 0 : i32
          %dma_wait3A_148 = tpu.memref_slice %arg13[%dma_wait3A, %dma_wait3A_147] : memref<800x32xbf16, #tpu.memory_space<vmem>> -> memref<400x32xbf16, #tpu.memory_space<vmem>>
          %dma_wait3A_149 = arith.constant 0 : i32
          %dma_wait3A_150 = tpu.memref_slice %arg8[%mul3A_137, %dma_wait3A_149] : memref<50000x32xbf16, #tpu.memory_space<vmem_shared>> -> memref<400x32xbf16, #tpu.memory_space<vmem_shared>>
          %dma_wait3A_151 = arith.constant 0 : i32
          %dma_wait3A_152 = tpu.memref_slice %arg8[%mul3A_137, %dma_wait3A_151] : memref<50000x32xbf16, #tpu.memory_space<vmem_shared>> -> memref<400x32xbf16, #tpu.memory_space<vmem_shared>>
          %dma_wait3A_153 = arith.constant 0 : i32
          %dma_wait3A_154 = arith.constant 0 : i32
          %dma_wait3A_155 = tpu.memref_slice %arg13[%dma_wait3A_153, %dma_wait3A_154] : memref<800x32xbf16, #tpu.memory_space<vmem>> -> memref<400x32xbf16, #tpu.memory_space<vmem>>
          tpu.wait_dma2 semaphore(%run_scoped3A : memref<!tpu.dma_semaphore, #tpu.memory_space<semaphore_mem>>) src(%dma_wait3A_155 : memref<400x32xbf16, #tpu.memory_space<vmem>>) dst(%dma_wait3A_152 : memref<400x32xbf16, #tpu.memory_space<vmem_shared>>)
          tpu.yield
        }) : () -> ()
      } else {
      }
      %add3A_17 = arith.constant 16 : i32
      %add3A_18 = arith.addi %arg1, %add3A_17 : i32
      %lt3A_19 = arith.constant 125 : i32
      %lt3A_20 = arith.cmpi slt, %add3A_18, %lt3A_19 : i32
      %convert_element_type3A_21 = arith.extui %lt3A_20 : i1 to i32
      %cond3A_22 = arith.constant 0 : i32
      %cond3A_23 = arith.cmpi ne, %convert_element_type3A_21, %cond3A_22 : i32
      scf.if %cond3A_23 {
        %mul3A = arith.constant 400 : i32
        %mul3A_137 = arith.muli %add3A_18, %mul3A : i32
        "tpu.region"() ({
          %run_scoped3A = tpu.sem_alloc : memref<!tpu.dma_semaphore, #tpu.memory_space<semaphore_mem>>
          %dma_start3A = arith.constant 0 : i32
          %dma_start3A_138 = arith.constant 0 : i32
          %dma_start3A_139 = tpu.memref_slice %arg13[%dma_start3A, %dma_start3A_138] : memref<800x32xbf16, #tpu.memory_space<vmem>> -> memref<400x32xbf16, #tpu.memory_space<vmem>>
          %dma_start3A_140 = arith.constant 0 : i32
          %dma_start3A_141 = tpu.memref_slice %arg8[%mul3A_137, %dma_start3A_140] : memref<50000x32xbf16, #tpu.memory_space<vmem_shared>> -> memref<400x32xbf16, #tpu.memory_space<vmem_shared>>
          %dma_start3A_142 = arith.constant 0 : i32
          %dma_start3A_143 = tpu.memref_slice %arg8[%mul3A_137, %dma_start3A_142] : memref<50000x32xbf16, #tpu.memory_space<vmem_shared>> -> memref<400x32xbf16, #tpu.memory_space<vmem_shared>>
          %dma_start3A_144 = arith.constant 0 : i32
          %dma_start3A_145 = arith.constant 0 : i32
          %dma_start3A_146 = tpu.memref_slice %arg13[%dma_start3A_144, %dma_start3A_145] : memref<800x32xbf16, #tpu.memory_space<vmem>> -> memref<400x32xbf16, #tpu.memory_space<vmem>>
          tpu.enqueue_dma source(%dma_start3A_146 : memref<400x32xbf16, #tpu.memory_space<vmem>>) target(%dma_start3A_143 : memref<400x32xbf16, #tpu.memory_space<vmem_shared>>) target_semaphore(%run_scoped3A : memref<!tpu.dma_semaphore, #tpu.memory_space<semaphore_mem>>)
          %dma_wait3A = arith.constant 0 : i32
          %dma_wait3A_147 = arith.constant 0 : i32
          %dma_wait3A_148 = tpu.memref_slice %arg13[%dma_wait3A, %dma_wait3A_147] : memref<800x32xbf16, #tpu.memory_space<vmem>> -> memref<400x32xbf16, #tpu.memory_space<vmem>>
          %dma_wait3A_149 = arith.constant 0 : i32
          %dma_wait3A_150 = tpu.memref_slice %arg8[%mul3A_137, %dma_wait3A_149] : memref<50000x32xbf16, #tpu.memory_space<vmem_shared>> -> memref<400x32xbf16, #tpu.memory_space<vmem_shared>>
          %dma_wait3A_151 = arith.constant 0 : i32
          %dma_wait3A_152 = tpu.memref_slice %arg8[%mul3A_137, %dma_wait3A_151] : memref<50000x32xbf16, #tpu.memory_space<vmem_shared>> -> memref<400x32xbf16, #tpu.memory_space<vmem_shared>>
          %dma_wait3A_153 = arith.constant 0 : i32
          %dma_wait3A_154 = arith.constant 0 : i32
          %dma_wait3A_155 = tpu.memref_slice %arg13[%dma_wait3A_153, %dma_wait3A_154] : memref<800x32xbf16, #tpu.memory_space<vmem>> -> memref<400x32xbf16, #tpu.memory_space<vmem>>
          tpu.wait_dma2 semaphore(%run_scoped3A : memref<!tpu.dma_semaphore, #tpu.memory_space<semaphore_mem>>) src(%dma_wait3A_155 : memref<400x32xbf16, #tpu.memory_space<vmem>>) dst(%dma_wait3A_152 : memref<400x32xbf16, #tpu.memory_space<vmem_shared>>)
          tpu.yield
        }) : () -> ()
      } else {
      }
      %add3A_24 = arith.constant 32 : i32
      %add3A_25 = arith.addi %arg1, %add3A_24 : i32
      %lt3A_26 = arith.constant 125 : i32
      %lt3A_27 = arith.cmpi slt, %add3A_25, %lt3A_26 : i32
      %convert_element_type3A_28 = arith.extui %lt3A_27 : i1 to i32
      %cond3A_29 = arith.constant 0 : i32
      %cond3A_30 = arith.cmpi ne, %convert_element_type3A_28, %cond3A_29 : i32
      scf.if %cond3A_30 {
        %mul3A = arith.constant 400 : i32
        %mul3A_137 = arith.muli %add3A_25, %mul3A : i32
        "tpu.region"() ({
          %run_scoped3A = tpu.sem_alloc : memref<!tpu.dma_semaphore, #tpu.memory_space<semaphore_mem>>
          %dma_start3A = arith.constant 0 : i32
          %dma_start3A_138 = arith.constant 0 : i32
          %dma_start3A_139 = tpu.memref_slice %arg13[%dma_start3A, %dma_start3A_138] : memref<800x32xbf16, #tpu.memory_space<vmem>> -> memref<400x32xbf16, #tpu.memory_space<vmem>>
          %dma_start3A_140 = arith.constant 0 : i32
          %dma_start3A_141 = tpu.memref_slice %arg8[%mul3A_137, %dma_start3A_140] : memref<50000x32xbf16, #tpu.memory_space<vmem_shared>> -> memref<400x32xbf16, #tpu.memory_space<vmem_shared>>
          %dma_start3A_142 = arith.constant 0 : i32
          %dma_start3A_143 = tpu.memref_slice %arg8[%mul3A_137, %dma_start3A_142] : memref<50000x32xbf16, #tpu.memory_space<vmem_shared>> -> memref<400x32xbf16, #tpu.memory_space<vmem_shared>>
          %dma_start3A_144 = arith.constant 0 : i32
          %dma_start3A_145 = arith.constant 0 : i32
          %dma_start3A_146 = tpu.memref_slice %arg13[%dma_start3A_144, %dma_start3A_145] : memref<800x32xbf16, #tpu.memory_space<vmem>> -> memref<400x32xbf16, #tpu.memory_space<vmem>>
          tpu.enqueue_dma source(%dma_start3A_146 : memref<400x32xbf16, #tpu.memory_space<vmem>>) target(%dma_start3A_143 : memref<400x32xbf16, #tpu.memory_space<vmem_shared>>) target_semaphore(%run_scoped3A : memref<!tpu.dma_semaphore, #tpu.memory_space<semaphore_mem>>)
          %dma_wait3A = arith.constant 0 : i32
          %dma_wait3A_147 = arith.constant 0 : i32
          %dma_wait3A_148 = tpu.memref_slice %arg13[%dma_wait3A, %dma_wait3A_147] : memref<800x32xbf16, #tpu.memory_space<vmem>> -> memref<400x32xbf16, #tpu.memory_space<vmem>>
          %dma_wait3A_149 = arith.constant 0 : i32
          %dma_wait3A_150 = tpu.memref_slice %arg8[%mul3A_137, %dma_wait3A_149] : memref<50000x32xbf16, #tpu.memory_space<vmem_shared>> -> memref<400x32xbf16, #tpu.memory_space<vmem_shared>>
          %dma_wait3A_151 = arith.constant 0 : i32
          %dma_wait3A_152 = tpu.memref_slice %arg8[%mul3A_137, %dma_wait3A_151] : memref<50000x32xbf16, #tpu.memory_space<vmem_shared>> -> memref<400x32xbf16, #tpu.memory_space<vmem_shared>>
          %dma_wait3A_153 = arith.constant 0 : i32
          %dma_wait3A_154 = arith.constant 0 : i32
          %dma_wait3A_155 = tpu.memref_slice %arg13[%dma_wait3A_153, %dma_wait3A_154] : memref<800x32xbf16, #tpu.memory_space<vmem>> -> memref<400x32xbf16, #tpu.memory_space<vmem>>
          tpu.wait_dma2 semaphore(%run_scoped3A : memref<!tpu.dma_semaphore, #tpu.memory_space<semaphore_mem>>) src(%dma_wait3A_155 : memref<400x32xbf16, #tpu.memory_space<vmem>>) dst(%dma_wait3A_152 : memref<400x32xbf16, #tpu.memory_space<vmem_shared>>)
          tpu.yield
        }) : () -> ()
      } else {
      }
      %add3A_31 = arith.constant 48 : i32
      %add3A_32 = arith.addi %arg1, %add3A_31 : i32
      %lt3A_33 = arith.constant 125 : i32
      %lt3A_34 = arith.cmpi slt, %add3A_32, %lt3A_33 : i32
      %convert_element_type3A_35 = arith.extui %lt3A_34 : i1 to i32
      %cond3A_36 = arith.constant 0 : i32
      %cond3A_37 = arith.cmpi ne, %convert_element_type3A_35, %cond3A_36 : i32
      scf.if %cond3A_37 {
        %mul3A = arith.constant 400 : i32
        %mul3A_137 = arith.muli %add3A_32, %mul3A : i32
        "tpu.region"() ({
          %run_scoped3A = tpu.sem_alloc : memref<!tpu.dma_semaphore, #tpu.memory_space<semaphore_mem>>
          %dma_start3A = arith.constant 0 : i32
          %dma_start3A_138 = arith.constant 0 : i32
          %dma_start3A_139 = tpu.memref_slice %arg13[%dma_start3A, %dma_start3A_138] : memref<800x32xbf16, #tpu.memory_space<vmem>> -> memref<400x32xbf16, #tpu.memory_space<vmem>>
          %dma_start3A_140 = arith.constant 0 : i32
          %dma_start3A_141 = tpu.memref_slice %arg8[%mul3A_137, %dma_start3A_140] : memref<50000x32xbf16, #tpu.memory_space<vmem_shared>> -> memref<400x32xbf16, #tpu.memory_space<vmem_shared>>
          %dma_start3A_142 = arith.constant 0 : i32
          %dma_start3A_143 = tpu.memref_slice %arg8[%mul3A_137, %dma_start3A_142] : memref<50000x32xbf16, #tpu.memory_space<vmem_shared>> -> memref<400x32xbf16, #tpu.memory_space<vmem_shared>>
          %dma_start3A_144 = arith.constant 0 : i32
          %dma_start3A_145 = arith.constant 0 : i32
          %dma_start3A_146 = tpu.memref_slice %arg13[%dma_start3A_144, %dma_start3A_145] : memref<800x32xbf16, #tpu.memory_space<vmem>> -> memref<400x32xbf16, #tpu.memory_space<vmem>>
          tpu.enqueue_dma source(%dma_start3A_146 : memref<400x32xbf16, #tpu.memory_space<vmem>>) target(%dma_start3A_143 : memref<400x32xbf16, #tpu.memory_space<vmem_shared>>) target_semaphore(%run_scoped3A : memref<!tpu.dma_semaphore, #tpu.memory_space<semaphore_mem>>)
          %dma_wait3A = arith.constant 0 : i32
          %dma_wait3A_147 = arith.constant 0 : i32
          %dma_wait3A_148 = tpu.memref_slice %arg13[%dma_wait3A, %dma_wait3A_147] : memref<800x32xbf16, #tpu.memory_space<vmem>> -> memref<400x32xbf16, #tpu.memory_space<vmem>>
          %dma_wait3A_149 = arith.constant 0 : i32
          %dma_wait3A_150 = tpu.memref_slice %arg8[%mul3A_137, %dma_wait3A_149] : memref<50000x32xbf16, #tpu.memory_space<vmem_shared>> -> memref<400x32xbf16, #tpu.memory_space<vmem_shared>>
          %dma_wait3A_151 = arith.constant 0 : i32
          %dma_wait3A_152 = tpu.memref_slice %arg8[%mul3A_137, %dma_wait3A_151] : memref<50000x32xbf16, #tpu.memory_space<vmem_shared>> -> memref<400x32xbf16, #tpu.memory_space<vmem_shared>>
          %dma_wait3A_153 = arith.constant 0 : i32
          %dma_wait3A_154 = arith.constant 0 : i32
          %dma_wait3A_155 = tpu.memref_slice %arg13[%dma_wait3A_153, %dma_wait3A_154] : memref<800x32xbf16, #tpu.memory_space<vmem>> -> memref<400x32xbf16, #tpu.memory_space<vmem>>
          tpu.wait_dma2 semaphore(%run_scoped3A : memref<!tpu.dma_semaphore, #tpu.memory_space<semaphore_mem>>) src(%dma_wait3A_155 : memref<400x32xbf16, #tpu.memory_space<vmem>>) dst(%dma_wait3A_152 : memref<400x32xbf16, #tpu.memory_space<vmem_shared>>)
          tpu.yield
        }) : () -> ()
      } else {
      }
      %add3A_38 = arith.constant 64 : i32
      %add3A_39 = arith.addi %arg1, %add3A_38 : i32
      %lt3A_40 = arith.constant 125 : i32
      %lt3A_41 = arith.cmpi slt, %add3A_39, %lt3A_40 : i32
      %convert_element_type3A_42 = arith.extui %lt3A_41 : i1 to i32
      %cond3A_43 = arith.constant 0 : i32
      %cond3A_44 = arith.cmpi ne, %convert_element_type3A_42, %cond3A_43 : i32
      scf.if %cond3A_44 {
        %mul3A = arith.constant 400 : i32
        %mul3A_137 = arith.muli %add3A_39, %mul3A : i32
        "tpu.region"() ({
          %run_scoped3A = tpu.sem_alloc : memref<!tpu.dma_semaphore, #tpu.memory_space<semaphore_mem>>
          %dma_start3A = arith.constant 0 : i32
          %dma_start3A_138 = arith.constant 0 : i32
          %dma_start3A_139 = tpu.memref_slice %arg13[%dma_start3A, %dma_start3A_138] : memref<800x32xbf16, #tpu.memory_space<vmem>> -> memref<400x32xbf16, #tpu.memory_space<vmem>>
          %dma_start3A_140 = arith.constant 0 : i32
          %dma_start3A_141 = tpu.memref_slice %arg8[%mul3A_137, %dma_start3A_140] : memref<50000x32xbf16, #tpu.memory_space<vmem_shared>> -> memref<400x32xbf16, #tpu.memory_space<vmem_shared>>
          %dma_start3A_142 = arith.constant 0 : i32
          %dma_start3A_143 = tpu.memref_slice %arg8[%mul3A_137, %dma_start3A_142] : memref<50000x32xbf16, #tpu.memory_space<vmem_shared>> -> memref<400x32xbf16, #tpu.memory_space<vmem_shared>>
          %dma_start3A_144 = arith.constant 0 : i32
          %dma_start3A_145 = arith.constant 0 : i32
          %dma_start3A_146 = tpu.memref_slice %arg13[%dma_start3A_144, %dma_start3A_145] : memref<800x32xbf16, #tpu.memory_space<vmem>> -> memref<400x32xbf16, #tpu.memory_space<vmem>>
          tpu.enqueue_dma source(%dma_start3A_146 : memref<400x32xbf16, #tpu.memory_space<vmem>>) target(%dma_start3A_143 : memref<400x32xbf16, #tpu.memory_space<vmem_shared>>) target_semaphore(%run_scoped3A : memref<!tpu.dma_semaphore, #tpu.memory_space<semaphore_mem>>)
          %dma_wait3A = arith.constant 0 : i32
          %dma_wait3A_147 = arith.constant 0 : i32
          %dma_wait3A_148 = tpu.memref_slice %arg13[%dma_wait3A, %dma_wait3A_147] : memref<800x32xbf16, #tpu.memory_space<vmem>> -> memref<400x32xbf16, #tpu.memory_space<vmem>>
          %dma_wait3A_149 = arith.constant 0 : i32
          %dma_wait3A_150 = tpu.memref_slice %arg8[%mul3A_137, %dma_wait3A_149] : memref<50000x32xbf16, #tpu.memory_space<vmem_shared>> -> memref<400x32xbf16, #tpu.memory_space<vmem_shared>>
          %dma_wait3A_151 = arith.constant 0 : i32
          %dma_wait3A_152 = tpu.memref_slice %arg8[%mul3A_137, %dma_wait3A_151] : memref<50000x32xbf16, #tpu.memory_space<vmem_shared>> -> memref<400x32xbf16, #tpu.memory_space<vmem_shared>>
          %dma_wait3A_153 = arith.constant 0 : i32
          %dma_wait3A_154 = arith.constant 0 : i32
          %dma_wait3A_155 = tpu.memref_slice %arg13[%dma_wait3A_153, %dma_wait3A_154] : memref<800x32xbf16, #tpu.memory_space<vmem>> -> memref<400x32xbf16, #tpu.memory_space<vmem>>
          tpu.wait_dma2 semaphore(%run_scoped3A : memref<!tpu.dma_semaphore, #tpu.memory_space<semaphore_mem>>) src(%dma_wait3A_155 : memref<400x32xbf16, #tpu.memory_space<vmem>>) dst(%dma_wait3A_152 : memref<400x32xbf16, #tpu.memory_space<vmem_shared>>)
          tpu.yield
        }) : () -> ()
      } else {
      }
      %add3A_45 = arith.constant 80 : i32
      %add3A_46 = arith.addi %arg1, %add3A_45 : i32
      %lt3A_47 = arith.constant 125 : i32
      %lt3A_48 = arith.cmpi slt, %add3A_46, %lt3A_47 : i32
      %convert_element_type3A_49 = arith.extui %lt3A_48 : i1 to i32
      %cond3A_50 = arith.constant 0 : i32
      %cond3A_51 = arith.cmpi ne, %convert_element_type3A_49, %cond3A_50 : i32
      scf.if %cond3A_51 {
        %mul3A = arith.constant 400 : i32
        %mul3A_137 = arith.muli %add3A_46, %mul3A : i32
        "tpu.region"() ({
          %run_scoped3A = tpu.sem_alloc : memref<!tpu.dma_semaphore, #tpu.memory_space<semaphore_mem>>
          %dma_start3A = arith.constant 0 : i32
          %dma_start3A_138 = arith.constant 0 : i32
          %dma_start3A_139 = tpu.memref_slice %arg13[%dma_start3A, %dma_start3A_138] : memref<800x32xbf16, #tpu.memory_space<vmem>> -> memref<400x32xbf16, #tpu.memory_space<vmem>>
          %dma_start3A_140 = arith.constant 0 : i32
          %dma_start3A_141 = tpu.memref_slice %arg8[%mul3A_137, %dma_start3A_140] : memref<50000x32xbf16, #tpu.memory_space<vmem_shared>> -> memref<400x32xbf16, #tpu.memory_space<vmem_shared>>
          %dma_start3A_142 = arith.constant 0 : i32
          %dma_start3A_143 = tpu.memref_slice %arg8[%mul3A_137, %dma_start3A_142] : memref<50000x32xbf16, #tpu.memory_space<vmem_shared>> -> memref<400x32xbf16, #tpu.memory_space<vmem_shared>>
          %dma_start3A_144 = arith.constant 0 : i32
          %dma_start3A_145 = arith.constant 0 : i32
          %dma_start3A_146 = tpu.memref_slice %arg13[%dma_start3A_144, %dma_start3A_145] : memref<800x32xbf16, #tpu.memory_space<vmem>> -> memref<400x32xbf16, #tpu.memory_space<vmem>>
          tpu.enqueue_dma source(%dma_start3A_146 : memref<400x32xbf16, #tpu.memory_space<vmem>>) target(%dma_start3A_143 : memref<400x32xbf16, #tpu.memory_space<vmem_shared>>) target_semaphore(%run_scoped3A : memref<!tpu.dma_semaphore, #tpu.memory_space<semaphore_mem>>)
          %dma_wait3A = arith.constant 0 : i32
          %dma_wait3A_147 = arith.constant 0 : i32
          %dma_wait3A_148 = tpu.memref_slice %arg13[%dma_wait3A, %dma_wait3A_147] : memref<800x32xbf16, #tpu.memory_space<vmem>> -> memref<400x32xbf16, #tpu.memory_space<vmem>>
          %dma_wait3A_149 = arith.constant 0 : i32
          %dma_wait3A_150 = tpu.memref_slice %arg8[%mul3A_137, %dma_wait3A_149] : memref<50000x32xbf16, #tpu.memory_space<vmem_shared>> -> memref<400x32xbf16, #tpu.memory_space<vmem_shared>>
          %dma_wait3A_151 = arith.constant 0 : i32
          %dma_wait3A_152 = tpu.memref_slice %arg8[%mul3A_137, %dma_wait3A_151] : memref<50000x32xbf16, #tpu.memory_space<vmem_shared>> -> memref<400x32xbf16, #tpu.memory_space<vmem_shared>>
          %dma_wait3A_153 = arith.constant 0 : i32
          %dma_wait3A_154 = arith.constant 0 : i32
          %dma_wait3A_155 = tpu.memref_slice %arg13[%dma_wait3A_153, %dma_wait3A_154] : memref<800x32xbf16, #tpu.memory_space<vmem>> -> memref<400x32xbf16, #tpu.memory_space<vmem>>
          tpu.wait_dma2 semaphore(%run_scoped3A : memref<!tpu.dma_semaphore, #tpu.memory_space<semaphore_mem>>) src(%dma_wait3A_155 : memref<400x32xbf16, #tpu.memory_space<vmem>>) dst(%dma_wait3A_152 : memref<400x32xbf16, #tpu.memory_space<vmem_shared>>)
          tpu.yield
        }) : () -> ()
      } else {
      }
      %add3A_52 = arith.constant 96 : i32
      %add3A_53 = arith.addi %arg1, %add3A_52 : i32
      %lt3A_54 = arith.constant 125 : i32
      %lt3A_55 = arith.cmpi slt, %add3A_53, %lt3A_54 : i32
      %convert_element_type3A_56 = arith.extui %lt3A_55 : i1 to i32
      %cond3A_57 = arith.constant 0 : i32
      %cond3A_58 = arith.cmpi ne, %convert_element_type3A_56, %cond3A_57 : i32
      scf.if %cond3A_58 {
        %mul3A = arith.constant 400 : i32
        %mul3A_137 = arith.muli %add3A_53, %mul3A : i32
        "tpu.region"() ({
          %run_scoped3A = tpu.sem_alloc : memref<!tpu.dma_semaphore, #tpu.memory_space<semaphore_mem>>
          %dma_start3A = arith.constant 0 : i32
          %dma_start3A_138 = arith.constant 0 : i32
          %dma_start3A_139 = tpu.memref_slice %arg13[%dma_start3A, %dma_start3A_138] : memref<800x32xbf16, #tpu.memory_space<vmem>> -> memref<400x32xbf16, #tpu.memory_space<vmem>>
          %dma_start3A_140 = arith.constant 0 : i32
          %dma_start3A_141 = tpu.memref_slice %arg8[%mul3A_137, %dma_start3A_140] : memref<50000x32xbf16, #tpu.memory_space<vmem_shared>> -> memref<400x32xbf16, #tpu.memory_space<vmem_shared>>
          %dma_start3A_142 = arith.constant 0 : i32
          %dma_start3A_143 = tpu.memref_slice %arg8[%mul3A_137, %dma_start3A_142] : memref<50000x32xbf16, #tpu.memory_space<vmem_shared>> -> memref<400x32xbf16, #tpu.memory_space<vmem_shared>>
          %dma_start3A_144 = arith.constant 0 : i32
          %dma_start3A_145 = arith.constant 0 : i32
          %dma_start3A_146 = tpu.memref_slice %arg13[%dma_start3A_144, %dma_start3A_145] : memref<800x32xbf16, #tpu.memory_space<vmem>> -> memref<400x32xbf16, #tpu.memory_space<vmem>>
          tpu.enqueue_dma source(%dma_start3A_146 : memref<400x32xbf16, #tpu.memory_space<vmem>>) target(%dma_start3A_143 : memref<400x32xbf16, #tpu.memory_space<vmem_shared>>) target_semaphore(%run_scoped3A : memref<!tpu.dma_semaphore, #tpu.memory_space<semaphore_mem>>)
          %dma_wait3A = arith.constant 0 : i32
          %dma_wait3A_147 = arith.constant 0 : i32
          %dma_wait3A_148 = tpu.memref_slice %arg13[%dma_wait3A, %dma_wait3A_147] : memref<800x32xbf16, #tpu.memory_space<vmem>> -> memref<400x32xbf16, #tpu.memory_space<vmem>>
          %dma_wait3A_149 = arith.constant 0 : i32
          %dma_wait3A_150 = tpu.memref_slice %arg8[%mul3A_137, %dma_wait3A_149] : memref<50000x32xbf16, #tpu.memory_space<vmem_shared>> -> memref<400x32xbf16, #tpu.memory_space<vmem_shared>>
          %dma_wait3A_151 = arith.constant 0 : i32
          %dma_wait3A_152 = tpu.memref_slice %arg8[%mul3A_137, %dma_wait3A_151] : memref<50000x32xbf16, #tpu.memory_space<vmem_shared>> -> memref<400x32xbf16, #tpu.memory_space<vmem_shared>>
          %dma_wait3A_153 = arith.constant 0 : i32
          %dma_wait3A_154 = arith.constant 0 : i32
          %dma_wait3A_155 = tpu.memref_slice %arg13[%dma_wait3A_153, %dma_wait3A_154] : memref<800x32xbf16, #tpu.memory_space<vmem>> -> memref<400x32xbf16, #tpu.memory_space<vmem>>
          tpu.wait_dma2 semaphore(%run_scoped3A : memref<!tpu.dma_semaphore, #tpu.memory_space<semaphore_mem>>) src(%dma_wait3A_155 : memref<400x32xbf16, #tpu.memory_space<vmem>>) dst(%dma_wait3A_152 : memref<400x32xbf16, #tpu.memory_space<vmem_shared>>)
          tpu.yield
        }) : () -> ()
      } else {
      }
      %add3A_59 = arith.constant 112 : i32
      %add3A_60 = arith.addi %arg1, %add3A_59 : i32
      %lt3A_61 = arith.constant 125 : i32
      %lt3A_62 = arith.cmpi slt, %add3A_60, %lt3A_61 : i32
      %convert_element_type3A_63 = arith.extui %lt3A_62 : i1 to i32
      %cond3A_64 = arith.constant 0 : i32
      %cond3A_65 = arith.cmpi ne, %convert_element_type3A_63, %cond3A_64 : i32
      scf.if %cond3A_65 {
        %mul3A = arith.constant 400 : i32
        %mul3A_137 = arith.muli %add3A_60, %mul3A : i32
        "tpu.region"() ({
          %run_scoped3A = tpu.sem_alloc : memref<!tpu.dma_semaphore, #tpu.memory_space<semaphore_mem>>
          %dma_start3A = arith.constant 0 : i32
          %dma_start3A_138 = arith.constant 0 : i32
          %dma_start3A_139 = tpu.memref_slice %arg13[%dma_start3A, %dma_start3A_138] : memref<800x32xbf16, #tpu.memory_space<vmem>> -> memref<400x32xbf16, #tpu.memory_space<vmem>>
          %dma_start3A_140 = arith.constant 0 : i32
          %dma_start3A_141 = tpu.memref_slice %arg8[%mul3A_137, %dma_start3A_140] : memref<50000x32xbf16, #tpu.memory_space<vmem_shared>> -> memref<400x32xbf16, #tpu.memory_space<vmem_shared>>
          %dma_start3A_142 = arith.constant 0 : i32
          %dma_start3A_143 = tpu.memref_slice %arg8[%mul3A_137, %dma_start3A_142] : memref<50000x32xbf16, #tpu.memory_space<vmem_shared>> -> memref<400x32xbf16, #tpu.memory_space<vmem_shared>>
          %dma_start3A_144 = arith.constant 0 : i32
          %dma_start3A_145 = arith.constant 0 : i32
          %dma_start3A_146 = tpu.memref_slice %arg13[%dma_start3A_144, %dma_start3A_145] : memref<800x32xbf16, #tpu.memory_space<vmem>> -> memref<400x32xbf16, #tpu.memory_space<vmem>>
          tpu.enqueue_dma source(%dma_start3A_146 : memref<400x32xbf16, #tpu.memory_space<vmem>>) target(%dma_start3A_143 : memref<400x32xbf16, #tpu.memory_space<vmem_shared>>) target_semaphore(%run_scoped3A : memref<!tpu.dma_semaphore, #tpu.memory_space<semaphore_mem>>)
          %dma_wait3A = arith.constant 0 : i32
          %dma_wait3A_147 = arith.constant 0 : i32
          %dma_wait3A_148 = tpu.memref_slice %arg13[%dma_wait3A, %dma_wait3A_147] : memref<800x32xbf16, #tpu.memory_space<vmem>> -> memref<400x32xbf16, #tpu.memory_space<vmem>>
          %dma_wait3A_149 = arith.constant 0 : i32
          %dma_wait3A_150 = tpu.memref_slice %arg8[%mul3A_137, %dma_wait3A_149] : memref<50000x32xbf16, #tpu.memory_space<vmem_shared>> -> memref<400x32xbf16, #tpu.memory_space<vmem_shared>>
          %dma_wait3A_151 = arith.constant 0 : i32
          %dma_wait3A_152 = tpu.memref_slice %arg8[%mul3A_137, %dma_wait3A_151] : memref<50000x32xbf16, #tpu.memory_space<vmem_shared>> -> memref<400x32xbf16, #tpu.memory_space<vmem_shared>>
          %dma_wait3A_153 = arith.constant 0 : i32
          %dma_wait3A_154 = arith.constant 0 : i32
          %dma_wait3A_155 = tpu.memref_slice %arg13[%dma_wait3A_153, %dma_wait3A_154] : memref<800x32xbf16, #tpu.memory_space<vmem>> -> memref<400x32xbf16, #tpu.memory_space<vmem>>
          tpu.wait_dma2 semaphore(%run_scoped3A : memref<!tpu.dma_semaphore, #tpu.memory_space<semaphore_mem>>) src(%dma_wait3A_155 : memref<400x32xbf16, #tpu.memory_space<vmem>>) dst(%dma_wait3A_152 : memref<400x32xbf16, #tpu.memory_space<vmem_shared>>)
          tpu.yield
        }) : () -> ()
      } else {
      }
      %barrier3A = arith.constant 0 : index
      tpu.barrier barrier_id(%barrier3A)
      %add3A_66 = arith.constant 0 : i32
      %add3A_67 = arith.addi %add3A_66, %arg1 : i32
      %lt3A_68 = arith.constant 1000 : i32
      %lt3A_69 = arith.cmpi slt, %add3A_67, %lt3A_68 : i32
      %convert_element_type3A_70 = arith.extui %lt3A_69 : i1 to i32
      %cond3A_71 = arith.constant 0 : i32
      %cond3A_72 = arith.cmpi ne, %convert_element_type3A_70, %cond3A_71 : i32
      scf.if %cond3A_72 {
        %mul3A = arith.constant 800 : i32
        %mul3A_137 = arith.muli %add3A_67, %mul3A : i32
        %dma_start3A = tpu.memref_slice %arg4[%mul3A_137] : memref<800000xi32, #tpu.memory_space<hbm>> -> memref<800xi32, #tpu.memory_space<hbm>>
        %dma_start3A_138 = tpu.memref_slice %arg4[%mul3A_137] : memref<800000xi32, #tpu.memory_space<hbm>> -> memref<800xi32, #tpu.memory_space<hbm>>
        tpu.enqueue_dma source(%dma_start3A_138 : memref<800xi32, #tpu.memory_space<hbm>>) target(%arg9 : memref<800xi32, #tpu.memory_space<vmem>>) target_semaphore(%arg15 : memref<!tpu.dma_semaphore, #tpu.memory_space<semaphore_mem>>)
        %dma_start3A_139 = tpu.memref_slice %arg5[%mul3A_137] : memref<800000xi32, #tpu.memory_space<hbm>> -> memref<800xi32, #tpu.memory_space<hbm>>
        %dma_start3A_140 = tpu.memref_slice %arg5[%mul3A_137] : memref<800000xi32, #tpu.memory_space<hbm>> -> memref<800xi32, #tpu.memory_space<hbm>>
        tpu.enqueue_dma source(%dma_start3A_140 : memref<800xi32, #tpu.memory_space<hbm>>) target(%arg10 : memref<800xi32, #tpu.memory_space<vmem>>) target_semaphore(%arg15 : memref<!tpu.dma_semaphore, #tpu.memory_space<semaphore_mem>>)
        %dma_start3A_141 = tpu.memref_slice %arg6[%mul3A_137] : memref<800000xf32, #tpu.memory_space<hbm>> -> memref<800xf32, #tpu.memory_space<hbm>>
        %dma_start3A_142 = tpu.memref_slice %arg6[%mul3A_137] : memref<800000xf32, #tpu.memory_space<hbm>> -> memref<800xf32, #tpu.memory_space<hbm>>
        tpu.enqueue_dma source(%dma_start3A_142 : memref<800xf32, #tpu.memory_space<hbm>>) target(%arg11 : memref<800xf32, #tpu.memory_space<vmem>>) target_semaphore(%arg15 : memref<!tpu.dma_semaphore, #tpu.memory_space<semaphore_mem>>)
      } else {
      }
      %scan3A_73 = arith.constant 0 : i32
      %scan3A_74 = arith.constant 0 : i32
      %scan3A_75 = arith.constant 33 : i32
      %scan3A_76 = arith.addi %scan3A_74, %scan3A_75 : i32
      %scan3A_77 = arith.constant 1 : i32
      scf.for %scan3A_137 = %scan3A_74 to %scan3A_76 step %scan3A_77  : i32 {
        %mul3A = arith.constant 2 : i32
        %mul3A_138 = arith.muli %mul3A, %scan3A_137 : i32
        %add3A_139 = arith.constant 0 : i32
        %add3A_140 = arith.addi %mul3A_138, %add3A_139 : i32
        %add3A_141 = arith.constant 0 : i32
        %add3A_142 = arith.addi %add3A_141, %arg1 : i32
        %mul3A_143 = arith.constant 16 : i32
        %mul3A_144 = arith.muli %mul3A_143, %add3A_140 : i32
        %add3A_145 = arith.addi %add3A_142, %mul3A_144 : i32
        %sub3A = arith.constant 16 : i32
        %sub3A_146 = arith.subi %add3A_145, %sub3A : i32
        %sub3A_147 = arith.constant 48 : i32
        %sub3A_148 = arith.subi %add3A_145, %sub3A_147 : i32
        %lt3A_149 = arith.constant 1000 : i32
        %lt3A_150 = arith.cmpi slt, %add3A_145, %lt3A_149 : i32
        %convert_element_type3A_151 = arith.extui %lt3A_150 : i1 to i32
        %cond3A_152 = arith.constant 0 : i32
        %cond3A_153 = arith.cmpi ne, %convert_element_type3A_151, %cond3A_152 : i32
        scf.if %cond3A_153 {
          %mul3A_216 = arith.constant 800 : i32
          %mul3A_217 = arith.muli %add3A_145, %mul3A_216 : i32
          %dma_wait3A = tpu.memref_slice %arg4[%mul3A_217] : memref<800000xi32, #tpu.memory_space<hbm>> -> memref<800xi32, #tpu.memory_space<hbm>>
          %dma_wait3A_218 = tpu.memref_slice %arg4[%mul3A_217] : memref<800000xi32, #tpu.memory_space<hbm>> -> memref<800xi32, #tpu.memory_space<hbm>>
          tpu.wait_dma2 semaphore(%arg15 : memref<!tpu.dma_semaphore, #tpu.memory_space<semaphore_mem>>) src(%dma_wait3A_218 : memref<800xi32, #tpu.memory_space<hbm>>) dst(%arg9 : memref<800xi32, #tpu.memory_space<vmem>>)
          %dma_wait3A_219 = tpu.memref_slice %arg5[%mul3A_217] : memref<800000xi32, #tpu.memory_space<hbm>> -> memref<800xi32, #tpu.memory_space<hbm>>
          %dma_wait3A_220 = tpu.memref_slice %arg5[%mul3A_217] : memref<800000xi32, #tpu.memory_space<hbm>> -> memref<800xi32, #tpu.memory_space<hbm>>
          tpu.wait_dma2 semaphore(%arg15 : memref<!tpu.dma_semaphore, #tpu.memory_space<semaphore_mem>>) src(%dma_wait3A_220 : memref<800xi32, #tpu.memory_space<hbm>>) dst(%arg10 : memref<800xi32, #tpu.memory_space<vmem>>)
          %dma_wait3A_221 = tpu.memref_slice %arg6[%mul3A_217] : memref<800000xf32, #tpu.memory_space<hbm>> -> memref<800xf32, #tpu.memory_space<hbm>>
          %dma_wait3A_222 = tpu.memref_slice %arg6[%mul3A_217] : memref<800000xf32, #tpu.memory_space<hbm>> -> memref<800xf32, #tpu.memory_space<hbm>>
          tpu.wait_dma2 semaphore(%arg15 : memref<!tpu.dma_semaphore, #tpu.memory_space<semaphore_mem>>) src(%dma_wait3A_222 : memref<800xf32, #tpu.memory_space<hbm>>) dst(%arg11 : memref<800xf32, #tpu.memory_space<vmem>>)
          %dma_start3A = arith.constant 0 : i32
          %dma_start3A_223 = arith.constant 0 : i32
          %dma_start3A_224 = tpu.memref_slice %arg3[%dma_start3A, %dma_start3A_223] : memref<50000x32xbf16, #tpu.memory_space<hbm>> -> memref<50000x32xbf16, #tpu.memory_space<hbm>>
          tpu.enqueue_indirect_dma source(%dma_start3A_224 : memref<50000x32xbf16, #tpu.memory_space<hbm>>) target(%arg12 : memref<800x32xbf16, #tpu.memory_space<vmem>>) offsets(%arg9 : memref<800xi32, #tpu.memory_space<vmem>>) semaphore(%arg16 : memref<!tpu.dma_semaphore, #tpu.memory_space<semaphore_mem>>)
        } else {
        }
        %ge3A = arith.constant 0 : i32
        %ge3A_154 = arith.cmpi sge, %sub3A_148, %ge3A : i32
        %lt3A_155 = arith.constant 1000 : i32
        %lt3A_156 = arith.cmpi slt, %sub3A_148, %lt3A_155 : i32
        %and3A = arith.andi %ge3A_154, %lt3A_156 : i1
        %convert_element_type3A_157 = arith.extui %and3A : i1 to i32
        %cond3A_158 = arith.constant 0 : i32
        %cond3A_159 = arith.cmpi ne, %convert_element_type3A_157, %cond3A_158 : i32
        scf.if %cond3A_159 {
          %dma_wait3A = arith.constant 0 : i32
          %dma_wait3A_216 = arith.constant 0 : i32
          %dma_wait3A_217 = tpu.memref_slice %arg8[%dma_wait3A, %dma_wait3A_216] : memref<50000x32xbf16, #tpu.memory_space<vmem_shared>> -> memref<50000x32xbf16, #tpu.memory_space<vmem_shared>>
          tpu.wait_indirect_dma semaphore(%arg26 : memref<!tpu.dma_semaphore, #tpu.memory_space<semaphore_mem>>) src(%arg22 : memref<800x32xbf16, #tpu.memory_space<vmem>>) dst(%dma_wait3A_217 : memref<50000x32xbf16, #tpu.memory_space<vmem_shared>>)
        } else {
        }
        %ge3A_160 = arith.constant 0 : i32
        %ge3A_161 = arith.cmpi sge, %sub3A_146, %ge3A_160 : i32
        %lt3A_162 = arith.constant 1000 : i32
        %lt3A_163 = arith.cmpi slt, %sub3A_146, %lt3A_162 : i32
        %and3A_164 = arith.andi %ge3A_161, %lt3A_163 : i1
        %convert_element_type3A_165 = arith.extui %and3A_164 : i1 to i32
        %cond3A_166 = arith.constant 0 : i32
        %cond3A_167 = arith.cmpi ne, %convert_element_type3A_165, %cond3A_166 : i32
        scf.if %cond3A_167 {
          %dma_wait3A = arith.constant 0 : i32
          %dma_wait3A_216 = arith.constant 0 : i32
          %dma_wait3A_217 = tpu.memref_slice %arg3[%dma_wait3A, %dma_wait3A_216] : memref<50000x32xbf16, #tpu.memory_space<hbm>> -> memref<50000x32xbf16, #tpu.memory_space<hbm>>
          tpu.wait_indirect_dma semaphore(%arg25 : memref<!tpu.dma_semaphore, #tpu.memory_space<semaphore_mem>>) src(%dma_wait3A_217 : memref<50000x32xbf16, #tpu.memory_space<hbm>>) dst(%arg21 : memref<800x32xbf16, #tpu.memory_space<vmem>>)
          %scan3A_218 = arith.constant 0 : i32
          %scan3A_219 = arith.constant 0 : i32
          %scan3A_220 = arith.constant 800 : i32
          %scan3A_221 = arith.addi %scan3A_219, %scan3A_220 : i32
          %scan3A_222 = arith.constant 1 : i32
          scf.for %scan3A_232 = %scan3A_219 to %scan3A_221 step %scan3A_222  : i32 {
            %get3A = arith.index_cast %scan3A_232 : i32 to index
            %get3A_233 = arith.constant 0 : index
            %get3A_234 = tpu.vector_load %arg21[%get3A, %get3A_233] {strides = array<i32>} : memref<800x32xbf16, #tpu.memory_space<vmem>>, vector<32xbf16>,
            %broadcast_in_dim3A = vector.broadcast %scan3A_232 : i32 to vector<16xi32>
            %gather3A = tpu.vector_load_idx %arg20[%broadcast_in_dim3A] : memref<800xf32, #tpu.memory_space<vmem>>[vector<16xi32>], vector<16xf32>,
            %unpack3A = tpu.unpack_subelements %get3A_234, 0 {pack_format = #tpu.pack_format<interleaved>} : vector<32xbf16> -> vector<16xf32>
            %unpack3A_235 = tpu.unpack_subelements %get3A_234, 1 {pack_format = #tpu.pack_format<interleaved>} : vector<32xbf16> -> vector<16xf32>
            %mul3A_236 = arith.mulf %unpack3A, %gather3A : vector<16xf32>
            %mul3A_237 = arith.mulf %unpack3A_235, %gather3A : vector<16xf32>
            %pack3A = tpu.pack_subelements %mul3A_236, %mul3A_237 {pack_format = #tpu.pack_format<interleaved>, positions = array<i32: 0, 1>} : vector<16xf32>, vector<16xf32> -> vector<32xbf16>
            %swap3A = arith.index_cast %scan3A_232 : i32 to index
            %swap3A_238 = arith.constant 0 : index
            %swap3A_239 = tpu.vector_load %arg22[%swap3A, %swap3A_238] {strides = array<i32>} : memref<800x32xbf16, #tpu.memory_space<vmem>>, vector<32xbf16>,
            tpu.vector_store %arg22[%swap3A, %swap3A_238], %pack3A {strides = array<i32>} : memref<800x32xbf16, #tpu.memory_space<vmem>>, vector<32xbf16>,
          }
          %scan3A_223 = arith.constant 800 : i32
          %scan3A_224 = arith.constant 0 : i32
          %scan3A_225 = arith.constant 0 : i32
          %scan3A_226 = arith.constant 50 : i32
          %scan3A_227 = arith.addi %scan3A_225, %scan3A_226 : i32
          %scan3A_228 = arith.constant 1 : i32
          scf.for %scan3A_232 = %scan3A_225 to %scan3A_227 step %scan3A_228  : i32 {
            %mul3A_233 = arith.constant 16 : i32
            %mul3A_234 = arith.muli %scan3A_232, %mul3A_233 : i32
            %get3A = arith.index_cast %mul3A_234 : i32 to index
            %get3A_235 = tpu.vector_load %arg19[%get3A] {strides = array<i32>} : memref<800xi32, #tpu.memory_space<vmem>>, vector<16xi32>,
            %mul3A_236 = arith.constant 16 : i32
            %mul3A_237 = arith.muli %scan3A_232, %mul3A_236 : i32
            %swap3A = arith.index_cast %mul3A_237 : i32 to index
            %swap3A_238 = tpu.vector_load %arg23[%swap3A] {strides = array<i32>} : memref<800xi32, #tpu.memory_space<vmem>>, vector<16xi32>,
            tpu.vector_store %arg23[%swap3A], %get3A_235 {strides = array<i32>} : memref<800xi32, #tpu.memory_space<vmem>>, vector<16xi32>,
          }
          %scan3A_229 = arith.constant 50 : i32
          %dma_start3A = arith.constant 0 : i32
          %dma_start3A_230 = arith.constant 0 : i32
          %dma_start3A_231 = tpu.memref_slice %arg8[%dma_start3A, %dma_start3A_230] : memref<50000x32xbf16, #tpu.memory_space<vmem_shared>> -> memref<50000x32xbf16, #tpu.memory_space<vmem_shared>>
          tpu.enqueue_indirect_dma source(%arg22 : memref<800x32xbf16, #tpu.memory_space<vmem>>) target(%dma_start3A_231 : memref<50000x32xbf16, #tpu.memory_space<vmem_shared>>) offsets(%arg23 : memref<800xi32, #tpu.memory_space<vmem>>) semaphore(%arg26 : memref<!tpu.dma_semaphore, #tpu.memory_space<semaphore_mem>>) {add = true}
        } else {
        }
        %add3A_168 = arith.constant 16 : i32
        %add3A_169 = arith.addi %add3A_145, %add3A_168 : i32
        %lt3A_170 = arith.constant 1000 : i32
        %lt3A_171 = arith.cmpi slt, %add3A_169, %lt3A_170 : i32
        %convert_element_type3A_172 = arith.extui %lt3A_171 : i1 to i32
        %cond3A_173 = arith.constant 0 : i32
        %cond3A_174 = arith.cmpi ne, %convert_element_type3A_172, %cond3A_173 : i32
        scf.if %cond3A_174 {
          %add3A_216 = arith.constant 16 : i32
          %add3A_217 = arith.addi %add3A_145, %add3A_216 : i32
          %mul3A_218 = arith.constant 800 : i32
          %mul3A_219 = arith.muli %add3A_217, %mul3A_218 : i32
          %dma_start3A = tpu.memref_slice %arg4[%mul3A_219] : memref<800000xi32, #tpu.memory_space<hbm>> -> memref<800xi32, #tpu.memory_space<hbm>>
          %dma_start3A_220 = tpu.memref_slice %arg4[%mul3A_219] : memref<800000xi32, #tpu.memory_space<hbm>> -> memref<800xi32, #tpu.memory_space<hbm>>
          tpu.enqueue_dma source(%dma_start3A_220 : memref<800xi32, #tpu.memory_space<hbm>>) target(%arg18 : memref<800xi32, #tpu.memory_space<vmem>>) target_semaphore(%arg24 : memref<!tpu.dma_semaphore, #tpu.memory_space<semaphore_mem>>)
          %dma_start3A_221 = tpu.memref_slice %arg5[%mul3A_219] : memref<800000xi32, #tpu.memory_space<hbm>> -> memref<800xi32, #tpu.memory_space<hbm>>
          %dma_start3A_222 = tpu.memref_slice %arg5[%mul3A_219] : memref<800000xi32, #tpu.memory_space<hbm>> -> memref<800xi32, #tpu.memory_space<hbm>>
          tpu.enqueue_dma source(%dma_start3A_222 : memref<800xi32, #tpu.memory_space<hbm>>) target(%arg19 : memref<800xi32, #tpu.memory_space<vmem>>) target_semaphore(%arg24 : memref<!tpu.dma_semaphore, #tpu.memory_space<semaphore_mem>>)
          %dma_start3A_223 = tpu.memref_slice %arg6[%mul3A_219] : memref<800000xf32, #tpu.memory_space<hbm>> -> memref<800xf32, #tpu.memory_space<hbm>>
          %dma_start3A_224 = tpu.memref_slice %arg6[%mul3A_219] : memref<800000xf32, #tpu.memory_space<hbm>> -> memref<800xf32, #tpu.memory_space<hbm>>
          tpu.enqueue_dma source(%dma_start3A_224 : memref<800xf32, #tpu.memory_space<hbm>>) target(%arg20 : memref<800xf32, #tpu.memory_space<vmem>>) target_semaphore(%arg24 : memref<!tpu.dma_semaphore, #tpu.memory_space<semaphore_mem>>)
        } else {
        }
        %mul3A_175 = arith.constant 2 : i32
        %mul3A_176 = arith.muli %mul3A_175, %scan3A_137 : i32
        %add3A_177 = arith.constant 1 : i32
        %add3A_178 = arith.addi %mul3A_176, %add3A_177 : i32
        %add3A_179 = arith.constant 0 : i32
        %add3A_180 = arith.addi %add3A_179, %arg1 : i32
        %mul3A_181 = arith.constant 16 : i32
        %mul3A_182 = arith.muli %mul3A_181, %add3A_178 : i32
        %add3A_183 = arith.addi %add3A_180, %mul3A_182 : i32
        %sub3A_184 = arith.constant 16 : i32
        %sub3A_185 = arith.subi %add3A_183, %sub3A_184 : i32
        %sub3A_186 = arith.constant 48 : i32
        %sub3A_187 = arith.subi %add3A_183, %sub3A_186 : i32
        %lt3A_188 = arith.constant 1000 : i32
        %lt3A_189 = arith.cmpi slt, %add3A_183, %lt3A_188 : i32
        %convert_element_type3A_190 = arith.extui %lt3A_189 : i1 to i32
        %cond3A_191 = arith.constant 0 : i32
        %cond3A_192 = arith.cmpi ne, %convert_element_type3A_190, %cond3A_191 : i32
        scf.if %cond3A_192 {
          %mul3A_216 = arith.constant 800 : i32
          %mul3A_217 = arith.muli %add3A_183, %mul3A_216 : i32
          %dma_wait3A = tpu.memref_slice %arg4[%mul3A_217] : memref<800000xi32, #tpu.memory_space<hbm>> -> memref<800xi32, #tpu.memory_space<hbm>>
          %dma_wait3A_218 = tpu.memref_slice %arg4[%mul3A_217] : memref<800000xi32, #tpu.memory_space<hbm>> -> memref<800xi32, #tpu.memory_space<hbm>>
          tpu.wait_dma2 semaphore(%arg24 : memref<!tpu.dma_semaphore, #tpu.memory_space<semaphore_mem>>) src(%dma_wait3A_218 : memref<800xi32, #tpu.memory_space<hbm>>) dst(%arg18 : memref<800xi32, #tpu.memory_space<vmem>>)
          %dma_wait3A_219 = tpu.memref_slice %arg5[%mul3A_217] : memref<800000xi32, #tpu.memory_space<hbm>> -> memref<800xi32, #tpu.memory_space<hbm>>
          %dma_wait3A_220 = tpu.memref_slice %arg5[%mul3A_217] : memref<800000xi32, #tpu.memory_space<hbm>> -> memref<800xi32, #tpu.memory_space<hbm>>
          tpu.wait_dma2 semaphore(%arg24 : memref<!tpu.dma_semaphore, #tpu.memory_space<semaphore_mem>>) src(%dma_wait3A_220 : memref<800xi32, #tpu.memory_space<hbm>>) dst(%arg19 : memref<800xi32, #tpu.memory_space<vmem>>)
          %dma_wait3A_221 = tpu.memref_slice %arg6[%mul3A_217] : memref<800000xf32, #tpu.memory_space<hbm>> -> memref<800xf32, #tpu.memory_space<hbm>>
          %dma_wait3A_222 = tpu.memref_slice %arg6[%mul3A_217] : memref<800000xf32, #tpu.memory_space<hbm>> -> memref<800xf32, #tpu.memory_space<hbm>>
          tpu.wait_dma2 semaphore(%arg24 : memref<!tpu.dma_semaphore, #tpu.memory_space<semaphore_mem>>) src(%dma_wait3A_222 : memref<800xf32, #tpu.memory_space<hbm>>) dst(%arg20 : memref<800xf32, #tpu.memory_space<vmem>>)
          %dma_start3A = arith.constant 0 : i32
          %dma_start3A_223 = arith.constant 0 : i32
          %dma_start3A_224 = tpu.memref_slice %arg3[%dma_start3A, %dma_start3A_223] : memref<50000x32xbf16, #tpu.memory_space<hbm>> -> memref<50000x32xbf16, #tpu.memory_space<hbm>>
          tpu.enqueue_indirect_dma source(%dma_start3A_224 : memref<50000x32xbf16, #tpu.memory_space<hbm>>) target(%arg21 : memref<800x32xbf16, #tpu.memory_space<vmem>>) offsets(%arg18 : memref<800xi32, #tpu.memory_space<vmem>>) semaphore(%arg25 : memref<!tpu.dma_semaphore, #tpu.memory_space<semaphore_mem>>)
        } else {
        }
        %ge3A_193 = arith.constant 0 : i32
        %ge3A_194 = arith.cmpi sge, %sub3A_187, %ge3A_193 : i32
        %lt3A_195 = arith.constant 1000 : i32
        %lt3A_196 = arith.cmpi slt, %sub3A_187, %lt3A_195 : i32
        %and3A_197 = arith.andi %ge3A_194, %lt3A_196 : i1
        %convert_element_type3A_198 = arith.extui %and3A_197 : i1 to i32
        %cond3A_199 = arith.constant 0 : i32
        %cond3A_200 = arith.cmpi ne, %convert_element_type3A_198, %cond3A_199 : i32
        scf.if %cond3A_200 {
          %dma_wait3A = arith.constant 0 : i32
          %dma_wait3A_216 = arith.constant 0 : i32
          %dma_wait3A_217 = tpu.memref_slice %arg8[%dma_wait3A, %dma_wait3A_216] : memref<50000x32xbf16, #tpu.memory_space<vmem_shared>> -> memref<50000x32xbf16, #tpu.memory_space<vmem_shared>>
          tpu.wait_indirect_dma semaphore(%arg17 : memref<!tpu.dma_semaphore, #tpu.memory_space<semaphore_mem>>) src(%arg13 : memref<800x32xbf16, #tpu.memory_space<vmem>>) dst(%dma_wait3A_217 : memref<50000x32xbf16, #tpu.memory_space<vmem_shared>>)
        } else {
        }
        %ge3A_201 = arith.constant 0 : i32
        %ge3A_202 = arith.cmpi sge, %sub3A_185, %ge3A_201 : i32
        %lt3A_203 = arith.constant 1000 : i32
        %lt3A_204 = arith.cmpi slt, %sub3A_185, %lt3A_203 : i32
        %and3A_205 = arith.andi %ge3A_202, %lt3A_204 : i1
        %convert_element_type3A_206 = arith.extui %and3A_205 : i1 to i32
        %cond3A_207 = arith.constant 0 : i32
        %cond3A_208 = arith.cmpi ne, %convert_element_type3A_206, %cond3A_207 : i32
        scf.if %cond3A_208 {
          %dma_wait3A = arith.constant 0 : i32
          %dma_wait3A_216 = arith.constant 0 : i32
          %dma_wait3A_217 = tpu.memref_slice %arg3[%dma_wait3A, %dma_wait3A_216] : memref<50000x32xbf16, #tpu.memory_space<hbm>> -> memref<50000x32xbf16, #tpu.memory_space<hbm>>
          tpu.wait_indirect_dma semaphore(%arg16 : memref<!tpu.dma_semaphore, #tpu.memory_space<semaphore_mem>>) src(%dma_wait3A_217 : memref<50000x32xbf16, #tpu.memory_space<hbm>>) dst(%arg12 : memref<800x32xbf16, #tpu.memory_space<vmem>>)
          %scan3A_218 = arith.constant 0 : i32
          %scan3A_219 = arith.constant 0 : i32
          %scan3A_220 = arith.constant 800 : i32
          %scan3A_221 = arith.addi %scan3A_219, %scan3A_220 : i32
          %scan3A_222 = arith.constant 1 : i32
          scf.for %scan3A_232 = %scan3A_219 to %scan3A_221 step %scan3A_222  : i32 {
            %get3A = arith.index_cast %scan3A_232 : i32 to index
            %get3A_233 = arith.constant 0 : index
            %get3A_234 = tpu.vector_load %arg12[%get3A, %get3A_233] {strides = array<i32>} : memref<800x32xbf16, #tpu.memory_space<vmem>>, vector<32xbf16>,
            %broadcast_in_dim3A = vector.broadcast %scan3A_232 : i32 to vector<16xi32>
            %gather3A = tpu.vector_load_idx %arg11[%broadcast_in_dim3A] : memref<800xf32, #tpu.memory_space<vmem>>[vector<16xi32>], vector<16xf32>,
            %unpack3A = tpu.unpack_subelements %get3A_234, 0 {pack_format = #tpu.pack_format<interleaved>} : vector<32xbf16> -> vector<16xf32>
            %unpack3A_235 = tpu.unpack_subelements %get3A_234, 1 {pack_format = #tpu.pack_format<interleaved>} : vector<32xbf16> -> vector<16xf32>
            %mul3A_236 = arith.mulf %unpack3A, %gather3A : vector<16xf32>
            %mul3A_237 = arith.mulf %unpack3A_235, %gather3A : vector<16xf32>
            %pack3A = tpu.pack_subelements %mul3A_236, %mul3A_237 {pack_format = #tpu.pack_format<interleaved>, positions = array<i32: 0, 1>} : vector<16xf32>, vector<16xf32> -> vector<32xbf16>
            %swap3A = arith.index_cast %scan3A_232 : i32 to index
            %swap3A_238 = arith.constant 0 : index
            %swap3A_239 = tpu.vector_load %arg13[%swap3A, %swap3A_238] {strides = array<i32>} : memref<800x32xbf16, #tpu.memory_space<vmem>>, vector<32xbf16>,
            tpu.vector_store %arg13[%swap3A, %swap3A_238], %pack3A {strides = array<i32>} : memref<800x32xbf16, #tpu.memory_space<vmem>>, vector<32xbf16>,
          }
          %scan3A_223 = arith.constant 800 : i32
          %scan3A_224 = arith.constant 0 : i32
          %scan3A_225 = arith.constant 0 : i32
          %scan3A_226 = arith.constant 50 : i32
          %scan3A_227 = arith.addi %scan3A_225, %scan3A_226 : i32
          %scan3A_228 = arith.constant 1 : i32
          scf.for %scan3A_232 = %scan3A_225 to %scan3A_227 step %scan3A_228  : i32 {
            %mul3A_233 = arith.constant 16 : i32
            %mul3A_234 = arith.muli %scan3A_232, %mul3A_233 : i32
            %get3A = arith.index_cast %mul3A_234 : i32 to index
            %get3A_235 = tpu.vector_load %arg10[%get3A] {strides = array<i32>} : memref<800xi32, #tpu.memory_space<vmem>>, vector<16xi32>,
            %mul3A_236 = arith.constant 16 : i32
            %mul3A_237 = arith.muli %scan3A_232, %mul3A_236 : i32
            %swap3A = arith.index_cast %mul3A_237 : i32 to index
            %swap3A_238 = tpu.vector_load %arg14[%swap3A] {strides = array<i32>} : memref<800xi32, #tpu.memory_space<vmem>>, vector<16xi32>,
            tpu.vector_store %arg14[%swap3A], %get3A_235 {strides = array<i32>} : memref<800xi32, #tpu.memory_space<vmem>>, vector<16xi32>,
          }
          %scan3A_229 = arith.constant 50 : i32
          %dma_start3A = arith.constant 0 : i32
          %dma_start3A_230 = arith.constant 0 : i32
          %dma_start3A_231 = tpu.memref_slice %arg8[%dma_start3A, %dma_start3A_230] : memref<50000x32xbf16, #tpu.memory_space<vmem_shared>> -> memref<50000x32xbf16, #tpu.memory_space<vmem_shared>>
          tpu.enqueue_indirect_dma source(%arg13 : memref<800x32xbf16, #tpu.memory_space<vmem>>) target(%dma_start3A_231 : memref<50000x32xbf16, #tpu.memory_space<vmem_shared>>) offsets(%arg14 : memref<800xi32, #tpu.memory_space<vmem>>) semaphore(%arg17 : memref<!tpu.dma_semaphore, #tpu.memory_space<semaphore_mem>>) {add = true}
        } else {
        }
        %add3A_209 = arith.constant 16 : i32
        %add3A_210 = arith.addi %add3A_183, %add3A_209 : i32
        %lt3A_211 = arith.constant 1000 : i32
        %lt3A_212 = arith.cmpi slt, %add3A_210, %lt3A_211 : i32
        %convert_element_type3A_213 = arith.extui %lt3A_212 : i1 to i32
        %cond3A_214 = arith.constant 0 : i32
        %cond3A_215 = arith.cmpi ne, %convert_element_type3A_213, %cond3A_214 : i32
        scf.if %cond3A_215 {
          %add3A_216 = arith.constant 16 : i32
          %add3A_217 = arith.addi %add3A_183, %add3A_216 : i32
          %mul3A_218 = arith.constant 800 : i32
          %mul3A_219 = arith.muli %add3A_217, %mul3A_218 : i32
          %dma_start3A = tpu.memref_slice %arg4[%mul3A_219] : memref<800000xi32, #tpu.memory_space<hbm>> -> memref<800xi32, #tpu.memory_space<hbm>>
          %dma_start3A_220 = tpu.memref_slice %arg4[%mul3A_219] : memref<800000xi32, #tpu.memory_space<hbm>> -> memref<800xi32, #tpu.memory_space<hbm>>
          tpu.enqueue_dma source(%dma_start3A_220 : memref<800xi32, #tpu.memory_space<hbm>>) target(%arg9 : memref<800xi32, #tpu.memory_space<vmem>>) target_semaphore(%arg15 : memref<!tpu.dma_semaphore, #tpu.memory_space<semaphore_mem>>)
          %dma_start3A_221 = tpu.memref_slice %arg5[%mul3A_219] : memref<800000xi32, #tpu.memory_space<hbm>> -> memref<800xi32, #tpu.memory_space<hbm>>
          %dma_start3A_222 = tpu.memref_slice %arg5[%mul3A_219] : memref<800000xi32, #tpu.memory_space<hbm>> -> memref<800xi32, #tpu.memory_space<hbm>>
          tpu.enqueue_dma source(%dma_start3A_222 : memref<800xi32, #tpu.memory_space<hbm>>) target(%arg10 : memref<800xi32, #tpu.memory_space<vmem>>) target_semaphore(%arg15 : memref<!tpu.dma_semaphore, #tpu.memory_space<semaphore_mem>>)
          %dma_start3A_223 = tpu.memref_slice %arg6[%mul3A_219] : memref<800000xf32, #tpu.memory_space<hbm>> -> memref<800xf32, #tpu.memory_space<hbm>>
          %dma_start3A_224 = tpu.memref_slice %arg6[%mul3A_219] : memref<800000xf32, #tpu.memory_space<hbm>> -> memref<800xf32, #tpu.memory_space<hbm>>
          tpu.enqueue_dma source(%dma_start3A_224 : memref<800xf32, #tpu.memory_space<hbm>>) target(%arg11 : memref<800xf32, #tpu.memory_space<vmem>>) target_semaphore(%arg15 : memref<!tpu.dma_semaphore, #tpu.memory_space<semaphore_mem>>)
        } else {
        }
      }
      %scan3A_78 = arith.constant 33 : i32
      %barrier3A_79 = arith.constant 0 : index
      tpu.barrier barrier_id(%barrier3A_79)
      %add3A_80 = arith.constant 0 : i32
      %add3A_81 = arith.addi %arg1, %add3A_80 : i32
      %lt3A_82 = arith.constant 125 : i32
      %lt3A_83 = arith.cmpi slt, %add3A_81, %lt3A_82 : i32
      %convert_element_type3A_84 = arith.extui %lt3A_83 : i1 to i32
      %cond3A_85 = arith.constant 0 : i32
      %cond3A_86 = arith.cmpi ne, %convert_element_type3A_84, %cond3A_85 : i32
      scf.if %cond3A_86 {
        %mul3A = arith.constant 400 : i32
        %mul3A_137 = arith.muli %add3A_81, %mul3A : i32
        %mul3A_138 = arith.constant 400 : i32
        %mul3A_139 = arith.muli %add3A_81, %mul3A_138 : i32
        %run_scoped3A = arith.constant 1 : i32
        "tpu.region"() ({
          %run_scoped3A_140 = tpu.sem_alloc : memref<!tpu.dma_semaphore, #tpu.memory_space<semaphore_mem>>
          %dma_start3A = arith.constant 0 : i32
          %dma_start3A_141 = tpu.memref_slice %arg7[%run_scoped3A, %mul3A_139, %dma_start3A] : memref<2x50000x32xbf16, #tpu.memory_space<hbm>> -> memref<1x400x32xbf16, #tpu.memory_space<hbm>>
          %dma_start3A_142 = tpu.memref_squeeze %dma_start3A_141 : memref<1x400x32xbf16, #tpu.memory_space<hbm>> -> memref<400x32xbf16, #tpu.memory_space<hbm>>
          %dma_start3A_143 = arith.constant 0 : i32
          %dma_start3A_144 = tpu.memref_slice %arg8[%mul3A_137, %dma_start3A_143] : memref<50000x32xbf16, #tpu.memory_space<vmem_shared>> -> memref<400x32xbf16, #tpu.memory_space<vmem_shared>>
          tpu.enqueue_dma source(%dma_start3A_144 : memref<400x32xbf16, #tpu.memory_space<vmem_shared>>) target(%dma_start3A_142 : memref<400x32xbf16, #tpu.memory_space<hbm>>) target_semaphore(%run_scoped3A_140 : memref<!tpu.dma_semaphore, #tpu.memory_space<semaphore_mem>>)
          %dma_wait3A = arith.constant 0 : i32
          %dma_wait3A_145 = tpu.memref_slice %arg7[%run_scoped3A, %mul3A_139, %dma_wait3A] : memref<2x50000x32xbf16, #tpu.memory_space<hbm>> -> memref<1x400x32xbf16, #tpu.memory_space<hbm>>
          %dma_wait3A_146 = tpu.memref_squeeze %dma_wait3A_145 : memref<1x400x32xbf16, #tpu.memory_space<hbm>> -> memref<400x32xbf16, #tpu.memory_space<hbm>>
          %dma_wait3A_147 = arith.constant 0 : i32
          %dma_wait3A_148 = tpu.memref_slice %arg8[%mul3A_137, %dma_wait3A_147] : memref<50000x32xbf16, #tpu.memory_space<vmem_shared>> -> memref<400x32xbf16, #tpu.memory_space<vmem_shared>>
          tpu.wait_dma2 semaphore(%run_scoped3A_140 : memref<!tpu.dma_semaphore, #tpu.memory_space<semaphore_mem>>) src(%dma_wait3A_148 : memref<400x32xbf16, #tpu.memory_space<vmem_shared>>) dst(%dma_wait3A_146 : memref<400x32xbf16, #tpu.memory_space<hbm>>)
          tpu.yield
        }) : () -> ()
      } else {
      }
      %add3A_87 = arith.constant 16 : i32
      %add3A_88 = arith.addi %arg1, %add3A_87 : i32
      %lt3A_89 = arith.constant 125 : i32
      %lt3A_90 = arith.cmpi slt, %add3A_88, %lt3A_89 : i32
      %convert_element_type3A_91 = arith.extui %lt3A_90 : i1 to i32
      %cond3A_92 = arith.constant 0 : i32
      %cond3A_93 = arith.cmpi ne, %convert_element_type3A_91, %cond3A_92 : i32
      scf.if %cond3A_93 {
        %mul3A = arith.constant 400 : i32
        %mul3A_137 = arith.muli %add3A_88, %mul3A : i32
        %mul3A_138 = arith.constant 400 : i32
        %mul3A_139 = arith.muli %add3A_88, %mul3A_138 : i32
        %run_scoped3A = arith.constant 1 : i32
        "tpu.region"() ({
          %run_scoped3A_140 = tpu.sem_alloc : memref<!tpu.dma_semaphore, #tpu.memory_space<semaphore_mem>>
          %dma_start3A = arith.constant 0 : i32
          %dma_start3A_141 = tpu.memref_slice %arg7[%run_scoped3A, %mul3A_139, %dma_start3A] : memref<2x50000x32xbf16, #tpu.memory_space<hbm>> -> memref<1x400x32xbf16, #tpu.memory_space<hbm>>
          %dma_start3A_142 = tpu.memref_squeeze %dma_start3A_141 : memref<1x400x32xbf16, #tpu.memory_space<hbm>> -> memref<400x32xbf16, #tpu.memory_space<hbm>>
          %dma_start3A_143 = arith.constant 0 : i32
          %dma_start3A_144 = tpu.memref_slice %arg8[%mul3A_137, %dma_start3A_143] : memref<50000x32xbf16, #tpu.memory_space<vmem_shared>> -> memref<400x32xbf16, #tpu.memory_space<vmem_shared>>
          tpu.enqueue_dma source(%dma_start3A_144 : memref<400x32xbf16, #tpu.memory_space<vmem_shared>>) target(%dma_start3A_142 : memref<400x32xbf16, #tpu.memory_space<hbm>>) target_semaphore(%run_scoped3A_140 : memref<!tpu.dma_semaphore, #tpu.memory_space<semaphore_mem>>)
          %dma_wait3A = arith.constant 0 : i32
          %dma_wait3A_145 = tpu.memref_slice %arg7[%run_scoped3A, %mul3A_139, %dma_wait3A] : memref<2x50000x32xbf16, #tpu.memory_space<hbm>> -> memref<1x400x32xbf16, #tpu.memory_space<hbm>>
          %dma_wait3A_146 = tpu.memref_squeeze %dma_wait3A_145 : memref<1x400x32xbf16, #tpu.memory_space<hbm>> -> memref<400x32xbf16, #tpu.memory_space<hbm>>
          %dma_wait3A_147 = arith.constant 0 : i32
          %dma_wait3A_148 = tpu.memref_slice %arg8[%mul3A_137, %dma_wait3A_147] : memref<50000x32xbf16, #tpu.memory_space<vmem_shared>> -> memref<400x32xbf16, #tpu.memory_space<vmem_shared>>
          tpu.wait_dma2 semaphore(%run_scoped3A_140 : memref<!tpu.dma_semaphore, #tpu.memory_space<semaphore_mem>>) src(%dma_wait3A_148 : memref<400x32xbf16, #tpu.memory_space<vmem_shared>>) dst(%dma_wait3A_146 : memref<400x32xbf16, #tpu.memory_space<hbm>>)
          tpu.yield
        }) : () -> ()
      } else {
      }
      %add3A_94 = arith.constant 32 : i32
      %add3A_95 = arith.addi %arg1, %add3A_94 : i32
      %lt3A_96 = arith.constant 125 : i32
      %lt3A_97 = arith.cmpi slt, %add3A_95, %lt3A_96 : i32
      %convert_element_type3A_98 = arith.extui %lt3A_97 : i1 to i32
      %cond3A_99 = arith.constant 0 : i32
      %cond3A_100 = arith.cmpi ne, %convert_element_type3A_98, %cond3A_99 : i32
      scf.if %cond3A_100 {
        %mul3A = arith.constant 400 : i32
        %mul3A_137 = arith.muli %add3A_95, %mul3A : i32
        %mul3A_138 = arith.constant 400 : i32
        %mul3A_139 = arith.muli %add3A_95, %mul3A_138 : i32
        %run_scoped3A = arith.constant 1 : i32
        "tpu.region"() ({
          %run_scoped3A_140 = tpu.sem_alloc : memref<!tpu.dma_semaphore, #tpu.memory_space<semaphore_mem>>
          %dma_start3A = arith.constant 0 : i32
          %dma_start3A_141 = tpu.memref_slice %arg7[%run_scoped3A, %mul3A_139, %dma_start3A] : memref<2x50000x32xbf16, #tpu.memory_space<hbm>> -> memref<1x400x32xbf16, #tpu.memory_space<hbm>>
          %dma_start3A_142 = tpu.memref_squeeze %dma_start3A_141 : memref<1x400x32xbf16, #tpu.memory_space<hbm>> -> memref<400x32xbf16, #tpu.memory_space<hbm>>
          %dma_start3A_143 = arith.constant 0 : i32
          %dma_start3A_144 = tpu.memref_slice %arg8[%mul3A_137, %dma_start3A_143] : memref<50000x32xbf16, #tpu.memory_space<vmem_shared>> -> memref<400x32xbf16, #tpu.memory_space<vmem_shared>>
          tpu.enqueue_dma source(%dma_start3A_144 : memref<400x32xbf16, #tpu.memory_space<vmem_shared>>) target(%dma_start3A_142 : memref<400x32xbf16, #tpu.memory_space<hbm>>) target_semaphore(%run_scoped3A_140 : memref<!tpu.dma_semaphore, #tpu.memory_space<semaphore_mem>>)
          %dma_wait3A = arith.constant 0 : i32
          %dma_wait3A_145 = tpu.memref_slice %arg7[%run_scoped3A, %mul3A_139, %dma_wait3A] : memref<2x50000x32xbf16, #tpu.memory_space<hbm>> -> memref<1x400x32xbf16, #tpu.memory_space<hbm>>
          %dma_wait3A_146 = tpu.memref_squeeze %dma_wait3A_145 : memref<1x400x32xbf16, #tpu.memory_space<hbm>> -> memref<400x32xbf16, #tpu.memory_space<hbm>>
          %dma_wait3A_147 = arith.constant 0 : i32
          %dma_wait3A_148 = tpu.memref_slice %arg8[%mul3A_137, %dma_wait3A_147] : memref<50000x32xbf16, #tpu.memory_space<vmem_shared>> -> memref<400x32xbf16, #tpu.memory_space<vmem_shared>>
          tpu.wait_dma2 semaphore(%run_scoped3A_140 : memref<!tpu.dma_semaphore, #tpu.memory_space<semaphore_mem>>) src(%dma_wait3A_148 : memref<400x32xbf16, #tpu.memory_space<vmem_shared>>) dst(%dma_wait3A_146 : memref<400x32xbf16, #tpu.memory_space<hbm>>)
          tpu.yield
        }) : () -> ()
      } else {
      }
      %add3A_101 = arith.constant 48 : i32
      %add3A_102 = arith.addi %arg1, %add3A_101 : i32
      %lt3A_103 = arith.constant 125 : i32
      %lt3A_104 = arith.cmpi slt, %add3A_102, %lt3A_103 : i32
      %convert_element_type3A_105 = arith.extui %lt3A_104 : i1 to i32
      %cond3A_106 = arith.constant 0 : i32
      %cond3A_107 = arith.cmpi ne, %convert_element_type3A_105, %cond3A_106 : i32
      scf.if %cond3A_107 {
        %mul3A = arith.constant 400 : i32
        %mul3A_137 = arith.muli %add3A_102, %mul3A : i32
        %mul3A_138 = arith.constant 400 : i32
        %mul3A_139 = arith.muli %add3A_102, %mul3A_138 : i32
        %run_scoped3A = arith.constant 1 : i32
        "tpu.region"() ({
          %run_scoped3A_140 = tpu.sem_alloc : memref<!tpu.dma_semaphore, #tpu.memory_space<semaphore_mem>>
          %dma_start3A = arith.constant 0 : i32
          %dma_start3A_141 = tpu.memref_slice %arg7[%run_scoped3A, %mul3A_139, %dma_start3A] : memref<2x50000x32xbf16, #tpu.memory_space<hbm>> -> memref<1x400x32xbf16, #tpu.memory_space<hbm>>
          %dma_start3A_142 = tpu.memref_squeeze %dma_start3A_141 : memref<1x400x32xbf16, #tpu.memory_space<hbm>> -> memref<400x32xbf16, #tpu.memory_space<hbm>>
          %dma_start3A_143 = arith.constant 0 : i32
          %dma_start3A_144 = tpu.memref_slice %arg8[%mul3A_137, %dma_start3A_143] : memref<50000x32xbf16, #tpu.memory_space<vmem_shared>> -> memref<400x32xbf16, #tpu.memory_space<vmem_shared>>
          tpu.enqueue_dma source(%dma_start3A_144 : memref<400x32xbf16, #tpu.memory_space<vmem_shared>>) target(%dma_start3A_142 : memref<400x32xbf16, #tpu.memory_space<hbm>>) target_semaphore(%run_scoped3A_140 : memref<!tpu.dma_semaphore, #tpu.memory_space<semaphore_mem>>)
          %dma_wait3A = arith.constant 0 : i32
          %dma_wait3A_145 = tpu.memref_slice %arg7[%run_scoped3A, %mul3A_139, %dma_wait3A] : memref<2x50000x32xbf16, #tpu.memory_space<hbm>> -> memref<1x400x32xbf16, #tpu.memory_space<hbm>>
          %dma_wait3A_146 = tpu.memref_squeeze %dma_wait3A_145 : memref<1x400x32xbf16, #tpu.memory_space<hbm>> -> memref<400x32xbf16, #tpu.memory_space<hbm>>
          %dma_wait3A_147 = arith.constant 0 : i32
          %dma_wait3A_148 = tpu.memref_slice %arg8[%mul3A_137, %dma_wait3A_147] : memref<50000x32xbf16, #tpu.memory_space<vmem_shared>> -> memref<400x32xbf16, #tpu.memory_space<vmem_shared>>
          tpu.wait_dma2 semaphore(%run_scoped3A_140 : memref<!tpu.dma_semaphore, #tpu.memory_space<semaphore_mem>>) src(%dma_wait3A_148 : memref<400x32xbf16, #tpu.memory_space<vmem_shared>>) dst(%dma_wait3A_146 : memref<400x32xbf16, #tpu.memory_space<hbm>>)
          tpu.yield
        }) : () -> ()
      } else {
      }
      %add3A_108 = arith.constant 64 : i32
      %add3A_109 = arith.addi %arg1, %add3A_108 : i32
      %lt3A_110 = arith.constant 125 : i32
      %lt3A_111 = arith.cmpi slt, %add3A_109, %lt3A_110 : i32
      %convert_element_type3A_112 = arith.extui %lt3A_111 : i1 to i32
      %cond3A_113 = arith.constant 0 : i32
      %cond3A_114 = arith.cmpi ne, %convert_element_type3A_112, %cond3A_113 : i32
      scf.if %cond3A_114 {
        %mul3A = arith.constant 400 : i32
        %mul3A_137 = arith.muli %add3A_109, %mul3A : i32
        %mul3A_138 = arith.constant 400 : i32
        %mul3A_139 = arith.muli %add3A_109, %mul3A_138 : i32
        %run_scoped3A = arith.constant 1 : i32
        "tpu.region"() ({
          %run_scoped3A_140 = tpu.sem_alloc : memref<!tpu.dma_semaphore, #tpu.memory_space<semaphore_mem>>
          %dma_start3A = arith.constant 0 : i32
          %dma_start3A_141 = tpu.memref_slice %arg7[%run_scoped3A, %mul3A_139, %dma_start3A] : memref<2x50000x32xbf16, #tpu.memory_space<hbm>> -> memref<1x400x32xbf16, #tpu.memory_space<hbm>>
          %dma_start3A_142 = tpu.memref_squeeze %dma_start3A_141 : memref<1x400x32xbf16, #tpu.memory_space<hbm>> -> memref<400x32xbf16, #tpu.memory_space<hbm>>
          %dma_start3A_143 = arith.constant 0 : i32
          %dma_start3A_144 = tpu.memref_slice %arg8[%mul3A_137, %dma_start3A_143] : memref<50000x32xbf16, #tpu.memory_space<vmem_shared>> -> memref<400x32xbf16, #tpu.memory_space<vmem_shared>>
          tpu.enqueue_dma source(%dma_start3A_144 : memref<400x32xbf16, #tpu.memory_space<vmem_shared>>) target(%dma_start3A_142 : memref<400x32xbf16, #tpu.memory_space<hbm>>) target_semaphore(%run_scoped3A_140 : memref<!tpu.dma_semaphore, #tpu.memory_space<semaphore_mem>>)
          %dma_wait3A = arith.constant 0 : i32
          %dma_wait3A_145 = tpu.memref_slice %arg7[%run_scoped3A, %mul3A_139, %dma_wait3A] : memref<2x50000x32xbf16, #tpu.memory_space<hbm>> -> memref<1x400x32xbf16, #tpu.memory_space<hbm>>
          %dma_wait3A_146 = tpu.memref_squeeze %dma_wait3A_145 : memref<1x400x32xbf16, #tpu.memory_space<hbm>> -> memref<400x32xbf16, #tpu.memory_space<hbm>>
          %dma_wait3A_147 = arith.constant 0 : i32
          %dma_wait3A_148 = tpu.memref_slice %arg8[%mul3A_137, %dma_wait3A_147] : memref<50000x32xbf16, #tpu.memory_space<vmem_shared>> -> memref<400x32xbf16, #tpu.memory_space<vmem_shared>>
          tpu.wait_dma2 semaphore(%run_scoped3A_140 : memref<!tpu.dma_semaphore, #tpu.memory_space<semaphore_mem>>) src(%dma_wait3A_148 : memref<400x32xbf16, #tpu.memory_space<vmem_shared>>) dst(%dma_wait3A_146 : memref<400x32xbf16, #tpu.memory_space<hbm>>)
          tpu.yield
        }) : () -> ()
      } else {
      }
      %add3A_115 = arith.constant 80 : i32
      %add3A_116 = arith.addi %arg1, %add3A_115 : i32
      %lt3A_117 = arith.constant 125 : i32
      %lt3A_118 = arith.cmpi slt, %add3A_116, %lt3A_117 : i32
      %convert_element_type3A_119 = arith.extui %lt3A_118 : i1 to i32
      %cond3A_120 = arith.constant 0 : i32
      %cond3A_121 = arith.cmpi ne, %convert_element_type3A_119, %cond3A_120 : i32
      scf.if %cond3A_121 {
        %mul3A = arith.constant 400 : i32
        %mul3A_137 = arith.muli %add3A_116, %mul3A : i32
        %mul3A_138 = arith.constant 400 : i32
        %mul3A_139 = arith.muli %add3A_116, %mul3A_138 : i32
        %run_scoped3A = arith.constant 1 : i32
        "tpu.region"() ({
          %run_scoped3A_140 = tpu.sem_alloc : memref<!tpu.dma_semaphore, #tpu.memory_space<semaphore_mem>>
          %dma_start3A = arith.constant 0 : i32
          %dma_start3A_141 = tpu.memref_slice %arg7[%run_scoped3A, %mul3A_139, %dma_start3A] : memref<2x50000x32xbf16, #tpu.memory_space<hbm>> -> memref<1x400x32xbf16, #tpu.memory_space<hbm>>
          %dma_start3A_142 = tpu.memref_squeeze %dma_start3A_141 : memref<1x400x32xbf16, #tpu.memory_space<hbm>> -> memref<400x32xbf16, #tpu.memory_space<hbm>>
          %dma_start3A_143 = arith.constant 0 : i32
          %dma_start3A_144 = tpu.memref_slice %arg8[%mul3A_137, %dma_start3A_143] : memref<50000x32xbf16, #tpu.memory_space<vmem_shared>> -> memref<400x32xbf16, #tpu.memory_space<vmem_shared>>
          tpu.enqueue_dma source(%dma_start3A_144 : memref<400x32xbf16, #tpu.memory_space<vmem_shared>>) target(%dma_start3A_142 : memref<400x32xbf16, #tpu.memory_space<hbm>>) target_semaphore(%run_scoped3A_140 : memref<!tpu.dma_semaphore, #tpu.memory_space<semaphore_mem>>)
          %dma_wait3A = arith.constant 0 : i32
          %dma_wait3A_145 = tpu.memref_slice %arg7[%run_scoped3A, %mul3A_139, %dma_wait3A] : memref<2x50000x32xbf16, #tpu.memory_space<hbm>> -> memref<1x400x32xbf16, #tpu.memory_space<hbm>>
          %dma_wait3A_146 = tpu.memref_squeeze %dma_wait3A_145 : memref<1x400x32xbf16, #tpu.memory_space<hbm>> -> memref<400x32xbf16, #tpu.memory_space<hbm>>
          %dma_wait3A_147 = arith.constant 0 : i32
          %dma_wait3A_148 = tpu.memref_slice %arg8[%mul3A_137, %dma_wait3A_147] : memref<50000x32xbf16, #tpu.memory_space<vmem_shared>> -> memref<400x32xbf16, #tpu.memory_space<vmem_shared>>
          tpu.wait_dma2 semaphore(%run_scoped3A_140 : memref<!tpu.dma_semaphore, #tpu.memory_space<semaphore_mem>>) src(%dma_wait3A_148 : memref<400x32xbf16, #tpu.memory_space<vmem_shared>>) dst(%dma_wait3A_146 : memref<400x32xbf16, #tpu.memory_space<hbm>>)
          tpu.yield
        }) : () -> ()
      } else {
      }
      %add3A_122 = arith.constant 96 : i32
      %add3A_123 = arith.addi %arg1, %add3A_122 : i32
      %lt3A_124 = arith.constant 125 : i32
      %lt3A_125 = arith.cmpi slt, %add3A_123, %lt3A_124 : i32
      %convert_element_type3A_126 = arith.extui %lt3A_125 : i1 to i32
      %cond3A_127 = arith.constant 0 : i32
      %cond3A_128 = arith.cmpi ne, %convert_element_type3A_126, %cond3A_127 : i32
      scf.if %cond3A_128 {
        %mul3A = arith.constant 400 : i32
        %mul3A_137 = arith.muli %add3A_123, %mul3A : i32
        %mul3A_138 = arith.constant 400 : i32
        %mul3A_139 = arith.muli %add3A_123, %mul3A_138 : i32
        %run_scoped3A = arith.constant 1 : i32
        "tpu.region"() ({
          %run_scoped3A_140 = tpu.sem_alloc : memref<!tpu.dma_semaphore, #tpu.memory_space<semaphore_mem>>
          %dma_start3A = arith.constant 0 : i32
          %dma_start3A_141 = tpu.memref_slice %arg7[%run_scoped3A, %mul3A_139, %dma_start3A] : memref<2x50000x32xbf16, #tpu.memory_space<hbm>> -> memref<1x400x32xbf16, #tpu.memory_space<hbm>>
          %dma_start3A_142 = tpu.memref_squeeze %dma_start3A_141 : memref<1x400x32xbf16, #tpu.memory_space<hbm>> -> memref<400x32xbf16, #tpu.memory_space<hbm>>
          %dma_start3A_143 = arith.constant 0 : i32
          %dma_start3A_144 = tpu.memref_slice %arg8[%mul3A_137, %dma_start3A_143] : memref<50000x32xbf16, #tpu.memory_space<vmem_shared>> -> memref<400x32xbf16, #tpu.memory_space<vmem_shared>>
          tpu.enqueue_dma source(%dma_start3A_144 : memref<400x32xbf16, #tpu.memory_space<vmem_shared>>) target(%dma_start3A_142 : memref<400x32xbf16, #tpu.memory_space<hbm>>) target_semaphore(%run_scoped3A_140 : memref<!tpu.dma_semaphore, #tpu.memory_space<semaphore_mem>>)
          %dma_wait3A = arith.constant 0 : i32
          %dma_wait3A_145 = tpu.memref_slice %arg7[%run_scoped3A, %mul3A_139, %dma_wait3A] : memref<2x50000x32xbf16, #tpu.memory_space<hbm>> -> memref<1x400x32xbf16, #tpu.memory_space<hbm>>
          %dma_wait3A_146 = tpu.memref_squeeze %dma_wait3A_145 : memref<1x400x32xbf16, #tpu.memory_space<hbm>> -> memref<400x32xbf16, #tpu.memory_space<hbm>>
          %dma_wait3A_147 = arith.constant 0 : i32
          %dma_wait3A_148 = tpu.memref_slice %arg8[%mul3A_137, %dma_wait3A_147] : memref<50000x32xbf16, #tpu.memory_space<vmem_shared>> -> memref<400x32xbf16, #tpu.memory_space<vmem_shared>>
          tpu.wait_dma2 semaphore(%run_scoped3A_140 : memref<!tpu.dma_semaphore, #tpu.memory_space<semaphore_mem>>) src(%dma_wait3A_148 : memref<400x32xbf16, #tpu.memory_space<vmem_shared>>) dst(%dma_wait3A_146 : memref<400x32xbf16, #tpu.memory_space<hbm>>)
          tpu.yield
        }) : () -> ()
      } else {
      }
      %add3A_129 = arith.constant 112 : i32
      %add3A_130 = arith.addi %arg1, %add3A_129 : i32
      %lt3A_131 = arith.constant 125 : i32
      %lt3A_132 = arith.cmpi slt, %add3A_130, %lt3A_131 : i32
      %convert_element_type3A_133 = arith.extui %lt3A_132 : i1 to i32
      %cond3A_134 = arith.constant 0 : i32
      %cond3A_135 = arith.cmpi ne, %convert_element_type3A_133, %cond3A_134 : i32
      scf.if %cond3A_135 {
        %mul3A = arith.constant 400 : i32
        %mul3A_137 = arith.muli %add3A_130, %mul3A : i32
        %mul3A_138 = arith.constant 400 : i32
        %mul3A_139 = arith.muli %add3A_130, %mul3A_138 : i32
        %run_scoped3A = arith.constant 1 : i32
        "tpu.region"() ({
          %run_scoped3A_140 = tpu.sem_alloc : memref<!tpu.dma_semaphore, #tpu.memory_space<semaphore_mem>>
          %dma_start3A = arith.constant 0 : i32
          %dma_start3A_141 = tpu.memref_slice %arg7[%run_scoped3A, %mul3A_139, %dma_start3A] : memref<2x50000x32xbf16, #tpu.memory_space<hbm>> -> memref<1x400x32xbf16, #tpu.memory_space<hbm>>
          %dma_start3A_142 = tpu.memref_squeeze %dma_start3A_141 : memref<1x400x32xbf16, #tpu.memory_space<hbm>> -> memref<400x32xbf16, #tpu.memory_space<hbm>>
          %dma_start3A_143 = arith.constant 0 : i32
          %dma_start3A_144 = tpu.memref_slice %arg8[%mul3A_137, %dma_start3A_143] : memref<50000x32xbf16, #tpu.memory_space<vmem_shared>> -> memref<400x32xbf16, #tpu.memory_space<vmem_shared>>
          tpu.enqueue_dma source(%dma_start3A_144 : memref<400x32xbf16, #tpu.memory_space<vmem_shared>>) target(%dma_start3A_142 : memref<400x32xbf16, #tpu.memory_space<hbm>>) target_semaphore(%run_scoped3A_140 : memref<!tpu.dma_semaphore, #tpu.memory_space<semaphore_mem>>)
          %dma_wait3A = arith.constant 0 : i32
          %dma_wait3A_145 = tpu.memref_slice %arg7[%run_scoped3A, %mul3A_139, %dma_wait3A] : memref<2x50000x32xbf16, #tpu.memory_space<hbm>> -> memref<1x400x32xbf16, #tpu.memory_space<hbm>>
          %dma_wait3A_146 = tpu.memref_squeeze %dma_wait3A_145 : memref<1x400x32xbf16, #tpu.memory_space<hbm>> -> memref<400x32xbf16, #tpu.memory_space<hbm>>
          %dma_wait3A_147 = arith.constant 0 : i32
          %dma_wait3A_148 = tpu.memref_slice %arg8[%mul3A_137, %dma_wait3A_147] : memref<50000x32xbf16, #tpu.memory_space<vmem_shared>> -> memref<400x32xbf16, #tpu.memory_space<vmem_shared>>
          tpu.wait_dma2 semaphore(%run_scoped3A_140 : memref<!tpu.dma_semaphore, #tpu.memory_space<semaphore_mem>>) src(%dma_wait3A_148 : memref<400x32xbf16, #tpu.memory_space<vmem_shared>>) dst(%dma_wait3A_146 : memref<400x32xbf16, #tpu.memory_space<hbm>>)
          tpu.yield
        }) : () -> ()
      } else {
      }
      %barrier3A_136 = arith.constant 0 : index
      tpu.barrier barrier_id(%barrier3A_136)
    } else {
    }
    return
  }
}

#map = affine_map<(d0, d1) -> (0, 0)>
#map1 = affine_map<(d0, d1) -> (0)>
#map2 = affine_map<(d0, d1) -> (0, 0, 0)>
module attributes {stable_mosaic.version = 14 : i64} {
  func.func @k(%arg0: i32, %arg1: i32, %arg2: memref<50000x32xbf16, #tpu.memory_space<hbm>>, %arg3: memref<800000xi32, #tpu.memory_space<hbm>>, %arg4: memref<800000xi32, #tpu.memory_space<hbm>>, %arg5: memref<800000xf32, #tpu.memory_space<hbm>>, %arg6: memref<2x50000x32xbf16, #tpu.memory_space<hbm>>, %arg7: memref<50000x32xbf16, #tpu.memory_space<vmem_shared>>, %arg8: memref<800xi32, #tpu.memory_space<vmem>>, %arg9: memref<800xi32, #tpu.memory_space<vmem>>, %arg10: memref<800xf32, #tpu.memory_space<vmem>>, %arg11: memref<800x32xbf16, #tpu.memory_space<vmem>>, %arg12: memref<800x32xbf16, #tpu.memory_space<vmem>>, %arg13: memref<800xi32, #tpu.memory_space<vmem>>, %arg14: memref<!tpu.dma_semaphore, #tpu.memory_space<semaphore_mem>>, %arg15: memref<!tpu.dma_semaphore, #tpu.memory_space<semaphore_mem>>, %arg16: memref<!tpu.dma_semaphore, #tpu.memory_space<semaphore_mem>>, %arg17: memref<800xi32, #tpu.memory_space<vmem>>, %arg18: memref<800xi32, #tpu.memory_space<vmem>>, %arg19: memref<800xf32, #tpu.memory_space<vmem>>, %arg20: memref<800x32xbf16, #tpu.memory_space<vmem>>, %arg21: memref<800x32xbf16, #tpu.memory_space<vmem>>, %arg22: memref<800xi32, #tpu.memory_space<vmem>>, %arg23: memref<!tpu.dma_semaphore, #tpu.memory_space<semaphore_mem>>, %arg24: memref<!tpu.dma_semaphore, #tpu.memory_space<semaphore_mem>>, %arg25: memref<!tpu.dma_semaphore, #tpu.memory_space<semaphore_mem>>) attributes {dimension_semantics = [#tpu.dimension_semantics<core_parallel>, #tpu.dimension_semantics<subcore_parallel>], iteration_bounds = array<i64: 2, 16>, scalar_prefetch = 0 : i64, scratch_operands = 19 : i64, tpu.core_type = #tpu.core_type<sc_vector_subcore>, window_params = [{transform_indices = #map}, {transform_indices = #map1}, {transform_indices = #map1}, {transform_indices = #map1}, {transform_indices = #map2}]} {
    %eq3A = arith.constant 0 : i32
    %eq3A_0 = arith.cmpi eq, %arg0, %eq3A : i32
    %convert_element_type3A = arith.extui %eq3A_0 : i1 to i32
    %cond3A = arith.constant 0 : i32
    %cond3A_1 = arith.cmpi ne, %convert_element_type3A, %cond3A : i32
    scf.if %cond3A_1 {
      %scan3A = arith.constant 0 : i32
      %scan3A_7 = arith.constant 0 : i32
      %scan3A_8 = arith.constant 400 : i32
      %scan3A_9 = arith.addi %scan3A_7, %scan3A_8 : i32
      %scan3A_10 = arith.constant 1 : i32
      scf.for %scan3A_137 = %scan3A_7 to %scan3A_9 step %scan3A_10  : i32 {
        %broadcast_in_dim3A = arith.constant 0.000000e+00 : bf16
        %broadcast_in_dim3A_138 = vector.broadcast %broadcast_in_dim3A : bf16 to vector<32xbf16>
        %swap3A = arith.index_cast %scan3A_137 : i32 to index
        %swap3A_139 = arith.constant 0 : index
        %swap3A_140 = tpu.vector_load %arg12[%swap3A, %swap3A_139] {strides = array<i32>} : memref<800x32xbf16, #tpu.memory_space<vmem>>, vector<32xbf16>,
        tpu.vector_store %arg12[%swap3A, %swap3A_139], %broadcast_in_dim3A_138 {strides = array<i32>} : memref<800x32xbf16, #tpu.memory_space<vmem>>, vector<32xbf16>,
      }
      %scan3A_11 = arith.constant 400 : i32
      %add3A = arith.constant 0 : i32
      %add3A_12 = arith.addi %arg1, %add3A : i32
      %lt3A = arith.constant 125 : i32
      %lt3A_13 = arith.cmpi slt, %add3A_12, %lt3A : i32
      %convert_element_type3A_14 = arith.extui %lt3A_13 : i1 to i32
      %cond3A_15 = arith.constant 0 : i32
      %cond3A_16 = arith.cmpi ne, %convert_element_type3A_14, %cond3A_15 : i32
      scf.if %cond3A_16 {
        %mul3A = arith.constant 400 : i32
        %mul3A_137 = arith.muli %add3A_12, %mul3A : i32
        "tpu.region"() ({
          %run_scoped3A = tpu.sem_alloc : memref<!tpu.dma_semaphore, #tpu.memory_space<semaphore_mem>>
          %dma_start3A = arith.constant 0 : i32
          %dma_start3A_138 = arith.constant 0 : i32
          %dma_start3A_139 = tpu.memref_slice %arg12[%dma_start3A, %dma_start3A_138] : memref<800x32xbf16, #tpu.memory_space<vmem>> -> memref<400x32xbf16, #tpu.memory_space<vmem>>
          %dma_start3A_140 = arith.constant 0 : i32
          %dma_start3A_141 = tpu.memref_slice %arg7[%mul3A_137, %dma_start3A_140] : memref<50000x32xbf16, #tpu.memory_space<vmem_shared>> -> memref<400x32xbf16, #tpu.memory_space<vmem_shared>>
          %dma_start3A_142 = arith.constant 0 : i32
          %dma_start3A_143 = tpu.memref_slice %arg7[%mul3A_137, %dma_start3A_142] : memref<50000x32xbf16, #tpu.memory_space<vmem_shared>> -> memref<400x32xbf16, #tpu.memory_space<vmem_shared>>
          %dma_start3A_144 = arith.constant 0 : i32
          %dma_start3A_145 = arith.constant 0 : i32
          %dma_start3A_146 = tpu.memref_slice %arg12[%dma_start3A_144, %dma_start3A_145] : memref<800x32xbf16, #tpu.memory_space<vmem>> -> memref<400x32xbf16, #tpu.memory_space<vmem>>
          tpu.enqueue_dma source(%dma_start3A_146 : memref<400x32xbf16, #tpu.memory_space<vmem>>) target(%dma_start3A_143 : memref<400x32xbf16, #tpu.memory_space<vmem_shared>>) target_semaphore(%run_scoped3A : memref<!tpu.dma_semaphore, #tpu.memory_space<semaphore_mem>>)
          %dma_wait3A = arith.constant 0 : i32
          %dma_wait3A_147 = arith.constant 0 : i32
          %dma_wait3A_148 = tpu.memref_slice %arg12[%dma_wait3A, %dma_wait3A_147] : memref<800x32xbf16, #tpu.memory_space<vmem>> -> memref<400x32xbf16, #tpu.memory_space<vmem>>
          %dma_wait3A_149 = arith.constant 0 : i32
          %dma_wait3A_150 = tpu.memref_slice %arg7[%mul3A_137, %dma_wait3A_149] : memref<50000x32xbf16, #tpu.memory_space<vmem_shared>> -> memref<400x32xbf16, #tpu.memory_space<vmem_shared>>
          %dma_wait3A_151 = arith.constant 0 : i32
          %dma_wait3A_152 = tpu.memref_slice %arg7[%mul3A_137, %dma_wait3A_151] : memref<50000x32xbf16, #tpu.memory_space<vmem_shared>> -> memref<400x32xbf16, #tpu.memory_space<vmem_shared>>
          %dma_wait3A_153 = arith.constant 0 : i32
          %dma_wait3A_154 = arith.constant 0 : i32
          %dma_wait3A_155 = tpu.memref_slice %arg12[%dma_wait3A_153, %dma_wait3A_154] : memref<800x32xbf16, #tpu.memory_space<vmem>> -> memref<400x32xbf16, #tpu.memory_space<vmem>>
          tpu.wait_dma2 semaphore(%run_scoped3A : memref<!tpu.dma_semaphore, #tpu.memory_space<semaphore_mem>>) src(%dma_wait3A_155 : memref<400x32xbf16, #tpu.memory_space<vmem>>) dst(%dma_wait3A_152 : memref<400x32xbf16, #tpu.memory_space<vmem_shared>>)
          tpu.yield
        }) : () -> ()
      } else {
      }
      %add3A_17 = arith.constant 16 : i32
      %add3A_18 = arith.addi %arg1, %add3A_17 : i32
      %lt3A_19 = arith.constant 125 : i32
      %lt3A_20 = arith.cmpi slt, %add3A_18, %lt3A_19 : i32
      %convert_element_type3A_21 = arith.extui %lt3A_20 : i1 to i32
      %cond3A_22 = arith.constant 0 : i32
      %cond3A_23 = arith.cmpi ne, %convert_element_type3A_21, %cond3A_22 : i32
      scf.if %cond3A_23 {
        %mul3A = arith.constant 400 : i32
        %mul3A_137 = arith.muli %add3A_18, %mul3A : i32
        "tpu.region"() ({
          %run_scoped3A = tpu.sem_alloc : memref<!tpu.dma_semaphore, #tpu.memory_space<semaphore_mem>>
          %dma_start3A = arith.constant 0 : i32
          %dma_start3A_138 = arith.constant 0 : i32
          %dma_start3A_139 = tpu.memref_slice %arg12[%dma_start3A, %dma_start3A_138] : memref<800x32xbf16, #tpu.memory_space<vmem>> -> memref<400x32xbf16, #tpu.memory_space<vmem>>
          %dma_start3A_140 = arith.constant 0 : i32
          %dma_start3A_141 = tpu.memref_slice %arg7[%mul3A_137, %dma_start3A_140] : memref<50000x32xbf16, #tpu.memory_space<vmem_shared>> -> memref<400x32xbf16, #tpu.memory_space<vmem_shared>>
          %dma_start3A_142 = arith.constant 0 : i32
          %dma_start3A_143 = tpu.memref_slice %arg7[%mul3A_137, %dma_start3A_142] : memref<50000x32xbf16, #tpu.memory_space<vmem_shared>> -> memref<400x32xbf16, #tpu.memory_space<vmem_shared>>
          %dma_start3A_144 = arith.constant 0 : i32
          %dma_start3A_145 = arith.constant 0 : i32
          %dma_start3A_146 = tpu.memref_slice %arg12[%dma_start3A_144, %dma_start3A_145] : memref<800x32xbf16, #tpu.memory_space<vmem>> -> memref<400x32xbf16, #tpu.memory_space<vmem>>
          tpu.enqueue_dma source(%dma_start3A_146 : memref<400x32xbf16, #tpu.memory_space<vmem>>) target(%dma_start3A_143 : memref<400x32xbf16, #tpu.memory_space<vmem_shared>>) target_semaphore(%run_scoped3A : memref<!tpu.dma_semaphore, #tpu.memory_space<semaphore_mem>>)
          %dma_wait3A = arith.constant 0 : i32
          %dma_wait3A_147 = arith.constant 0 : i32
          %dma_wait3A_148 = tpu.memref_slice %arg12[%dma_wait3A, %dma_wait3A_147] : memref<800x32xbf16, #tpu.memory_space<vmem>> -> memref<400x32xbf16, #tpu.memory_space<vmem>>
          %dma_wait3A_149 = arith.constant 0 : i32
          %dma_wait3A_150 = tpu.memref_slice %arg7[%mul3A_137, %dma_wait3A_149] : memref<50000x32xbf16, #tpu.memory_space<vmem_shared>> -> memref<400x32xbf16, #tpu.memory_space<vmem_shared>>
          %dma_wait3A_151 = arith.constant 0 : i32
          %dma_wait3A_152 = tpu.memref_slice %arg7[%mul3A_137, %dma_wait3A_151] : memref<50000x32xbf16, #tpu.memory_space<vmem_shared>> -> memref<400x32xbf16, #tpu.memory_space<vmem_shared>>
          %dma_wait3A_153 = arith.constant 0 : i32
          %dma_wait3A_154 = arith.constant 0 : i32
          %dma_wait3A_155 = tpu.memref_slice %arg12[%dma_wait3A_153, %dma_wait3A_154] : memref<800x32xbf16, #tpu.memory_space<vmem>> -> memref<400x32xbf16, #tpu.memory_space<vmem>>
          tpu.wait_dma2 semaphore(%run_scoped3A : memref<!tpu.dma_semaphore, #tpu.memory_space<semaphore_mem>>) src(%dma_wait3A_155 : memref<400x32xbf16, #tpu.memory_space<vmem>>) dst(%dma_wait3A_152 : memref<400x32xbf16, #tpu.memory_space<vmem_shared>>)
          tpu.yield
        }) : () -> ()
      } else {
      }
      %add3A_24 = arith.constant 32 : i32
      %add3A_25 = arith.addi %arg1, %add3A_24 : i32
      %lt3A_26 = arith.constant 125 : i32
      %lt3A_27 = arith.cmpi slt, %add3A_25, %lt3A_26 : i32
      %convert_element_type3A_28 = arith.extui %lt3A_27 : i1 to i32
      %cond3A_29 = arith.constant 0 : i32
      %cond3A_30 = arith.cmpi ne, %convert_element_type3A_28, %cond3A_29 : i32
      scf.if %cond3A_30 {
        %mul3A = arith.constant 400 : i32
        %mul3A_137 = arith.muli %add3A_25, %mul3A : i32
        "tpu.region"() ({
          %run_scoped3A = tpu.sem_alloc : memref<!tpu.dma_semaphore, #tpu.memory_space<semaphore_mem>>
          %dma_start3A = arith.constant 0 : i32
          %dma_start3A_138 = arith.constant 0 : i32
          %dma_start3A_139 = tpu.memref_slice %arg12[%dma_start3A, %dma_start3A_138] : memref<800x32xbf16, #tpu.memory_space<vmem>> -> memref<400x32xbf16, #tpu.memory_space<vmem>>
          %dma_start3A_140 = arith.constant 0 : i32
          %dma_start3A_141 = tpu.memref_slice %arg7[%mul3A_137, %dma_start3A_140] : memref<50000x32xbf16, #tpu.memory_space<vmem_shared>> -> memref<400x32xbf16, #tpu.memory_space<vmem_shared>>
          %dma_start3A_142 = arith.constant 0 : i32
          %dma_start3A_143 = tpu.memref_slice %arg7[%mul3A_137, %dma_start3A_142] : memref<50000x32xbf16, #tpu.memory_space<vmem_shared>> -> memref<400x32xbf16, #tpu.memory_space<vmem_shared>>
          %dma_start3A_144 = arith.constant 0 : i32
          %dma_start3A_145 = arith.constant 0 : i32
          %dma_start3A_146 = tpu.memref_slice %arg12[%dma_start3A_144, %dma_start3A_145] : memref<800x32xbf16, #tpu.memory_space<vmem>> -> memref<400x32xbf16, #tpu.memory_space<vmem>>
          tpu.enqueue_dma source(%dma_start3A_146 : memref<400x32xbf16, #tpu.memory_space<vmem>>) target(%dma_start3A_143 : memref<400x32xbf16, #tpu.memory_space<vmem_shared>>) target_semaphore(%run_scoped3A : memref<!tpu.dma_semaphore, #tpu.memory_space<semaphore_mem>>)
          %dma_wait3A = arith.constant 0 : i32
          %dma_wait3A_147 = arith.constant 0 : i32
          %dma_wait3A_148 = tpu.memref_slice %arg12[%dma_wait3A, %dma_wait3A_147] : memref<800x32xbf16, #tpu.memory_space<vmem>> -> memref<400x32xbf16, #tpu.memory_space<vmem>>
          %dma_wait3A_149 = arith.constant 0 : i32
          %dma_wait3A_150 = tpu.memref_slice %arg7[%mul3A_137, %dma_wait3A_149] : memref<50000x32xbf16, #tpu.memory_space<vmem_shared>> -> memref<400x32xbf16, #tpu.memory_space<vmem_shared>>
          %dma_wait3A_151 = arith.constant 0 : i32
          %dma_wait3A_152 = tpu.memref_slice %arg7[%mul3A_137, %dma_wait3A_151] : memref<50000x32xbf16, #tpu.memory_space<vmem_shared>> -> memref<400x32xbf16, #tpu.memory_space<vmem_shared>>
          %dma_wait3A_153 = arith.constant 0 : i32
          %dma_wait3A_154 = arith.constant 0 : i32
          %dma_wait3A_155 = tpu.memref_slice %arg12[%dma_wait3A_153, %dma_wait3A_154] : memref<800x32xbf16, #tpu.memory_space<vmem>> -> memref<400x32xbf16, #tpu.memory_space<vmem>>
          tpu.wait_dma2 semaphore(%run_scoped3A : memref<!tpu.dma_semaphore, #tpu.memory_space<semaphore_mem>>) src(%dma_wait3A_155 : memref<400x32xbf16, #tpu.memory_space<vmem>>) dst(%dma_wait3A_152 : memref<400x32xbf16, #tpu.memory_space<vmem_shared>>)
          tpu.yield
        }) : () -> ()
      } else {
      }
      %add3A_31 = arith.constant 48 : i32
      %add3A_32 = arith.addi %arg1, %add3A_31 : i32
      %lt3A_33 = arith.constant 125 : i32
      %lt3A_34 = arith.cmpi slt, %add3A_32, %lt3A_33 : i32
      %convert_element_type3A_35 = arith.extui %lt3A_34 : i1 to i32
      %cond3A_36 = arith.constant 0 : i32
      %cond3A_37 = arith.cmpi ne, %convert_element_type3A_35, %cond3A_36 : i32
      scf.if %cond3A_37 {
        %mul3A = arith.constant 400 : i32
        %mul3A_137 = arith.muli %add3A_32, %mul3A : i32
        "tpu.region"() ({
          %run_scoped3A = tpu.sem_alloc : memref<!tpu.dma_semaphore, #tpu.memory_space<semaphore_mem>>
          %dma_start3A = arith.constant 0 : i32
          %dma_start3A_138 = arith.constant 0 : i32
          %dma_start3A_139 = tpu.memref_slice %arg12[%dma_start3A, %dma_start3A_138] : memref<800x32xbf16, #tpu.memory_space<vmem>> -> memref<400x32xbf16, #tpu.memory_space<vmem>>
          %dma_start3A_140 = arith.constant 0 : i32
          %dma_start3A_141 = tpu.memref_slice %arg7[%mul3A_137, %dma_start3A_140] : memref<50000x32xbf16, #tpu.memory_space<vmem_shared>> -> memref<400x32xbf16, #tpu.memory_space<vmem_shared>>
          %dma_start3A_142 = arith.constant 0 : i32
          %dma_start3A_143 = tpu.memref_slice %arg7[%mul3A_137, %dma_start3A_142] : memref<50000x32xbf16, #tpu.memory_space<vmem_shared>> -> memref<400x32xbf16, #tpu.memory_space<vmem_shared>>
          %dma_start3A_144 = arith.constant 0 : i32
          %dma_start3A_145 = arith.constant 0 : i32
          %dma_start3A_146 = tpu.memref_slice %arg12[%dma_start3A_144, %dma_start3A_145] : memref<800x32xbf16, #tpu.memory_space<vmem>> -> memref<400x32xbf16, #tpu.memory_space<vmem>>
          tpu.enqueue_dma source(%dma_start3A_146 : memref<400x32xbf16, #tpu.memory_space<vmem>>) target(%dma_start3A_143 : memref<400x32xbf16, #tpu.memory_space<vmem_shared>>) target_semaphore(%run_scoped3A : memref<!tpu.dma_semaphore, #tpu.memory_space<semaphore_mem>>)
          %dma_wait3A = arith.constant 0 : i32
          %dma_wait3A_147 = arith.constant 0 : i32
          %dma_wait3A_148 = tpu.memref_slice %arg12[%dma_wait3A, %dma_wait3A_147] : memref<800x32xbf16, #tpu.memory_space<vmem>> -> memref<400x32xbf16, #tpu.memory_space<vmem>>
          %dma_wait3A_149 = arith.constant 0 : i32
          %dma_wait3A_150 = tpu.memref_slice %arg7[%mul3A_137, %dma_wait3A_149] : memref<50000x32xbf16, #tpu.memory_space<vmem_shared>> -> memref<400x32xbf16, #tpu.memory_space<vmem_shared>>
          %dma_wait3A_151 = arith.constant 0 : i32
          %dma_wait3A_152 = tpu.memref_slice %arg7[%mul3A_137, %dma_wait3A_151] : memref<50000x32xbf16, #tpu.memory_space<vmem_shared>> -> memref<400x32xbf16, #tpu.memory_space<vmem_shared>>
          %dma_wait3A_153 = arith.constant 0 : i32
          %dma_wait3A_154 = arith.constant 0 : i32
          %dma_wait3A_155 = tpu.memref_slice %arg12[%dma_wait3A_153, %dma_wait3A_154] : memref<800x32xbf16, #tpu.memory_space<vmem>> -> memref<400x32xbf16, #tpu.memory_space<vmem>>
          tpu.wait_dma2 semaphore(%run_scoped3A : memref<!tpu.dma_semaphore, #tpu.memory_space<semaphore_mem>>) src(%dma_wait3A_155 : memref<400x32xbf16, #tpu.memory_space<vmem>>) dst(%dma_wait3A_152 : memref<400x32xbf16, #tpu.memory_space<vmem_shared>>)
          tpu.yield
        }) : () -> ()
      } else {
      }
      %add3A_38 = arith.constant 64 : i32
      %add3A_39 = arith.addi %arg1, %add3A_38 : i32
      %lt3A_40 = arith.constant 125 : i32
      %lt3A_41 = arith.cmpi slt, %add3A_39, %lt3A_40 : i32
      %convert_element_type3A_42 = arith.extui %lt3A_41 : i1 to i32
      %cond3A_43 = arith.constant 0 : i32
      %cond3A_44 = arith.cmpi ne, %convert_element_type3A_42, %cond3A_43 : i32
      scf.if %cond3A_44 {
        %mul3A = arith.constant 400 : i32
        %mul3A_137 = arith.muli %add3A_39, %mul3A : i32
        "tpu.region"() ({
          %run_scoped3A = tpu.sem_alloc : memref<!tpu.dma_semaphore, #tpu.memory_space<semaphore_mem>>
          %dma_start3A = arith.constant 0 : i32
          %dma_start3A_138 = arith.constant 0 : i32
          %dma_start3A_139 = tpu.memref_slice %arg12[%dma_start3A, %dma_start3A_138] : memref<800x32xbf16, #tpu.memory_space<vmem>> -> memref<400x32xbf16, #tpu.memory_space<vmem>>
          %dma_start3A_140 = arith.constant 0 : i32
          %dma_start3A_141 = tpu.memref_slice %arg7[%mul3A_137, %dma_start3A_140] : memref<50000x32xbf16, #tpu.memory_space<vmem_shared>> -> memref<400x32xbf16, #tpu.memory_space<vmem_shared>>
          %dma_start3A_142 = arith.constant 0 : i32
          %dma_start3A_143 = tpu.memref_slice %arg7[%mul3A_137, %dma_start3A_142] : memref<50000x32xbf16, #tpu.memory_space<vmem_shared>> -> memref<400x32xbf16, #tpu.memory_space<vmem_shared>>
          %dma_start3A_144 = arith.constant 0 : i32
          %dma_start3A_145 = arith.constant 0 : i32
          %dma_start3A_146 = tpu.memref_slice %arg12[%dma_start3A_144, %dma_start3A_145] : memref<800x32xbf16, #tpu.memory_space<vmem>> -> memref<400x32xbf16, #tpu.memory_space<vmem>>
          tpu.enqueue_dma source(%dma_start3A_146 : memref<400x32xbf16, #tpu.memory_space<vmem>>) target(%dma_start3A_143 : memref<400x32xbf16, #tpu.memory_space<vmem_shared>>) target_semaphore(%run_scoped3A : memref<!tpu.dma_semaphore, #tpu.memory_space<semaphore_mem>>)
          %dma_wait3A = arith.constant 0 : i32
          %dma_wait3A_147 = arith.constant 0 : i32
          %dma_wait3A_148 = tpu.memref_slice %arg12[%dma_wait3A, %dma_wait3A_147] : memref<800x32xbf16, #tpu.memory_space<vmem>> -> memref<400x32xbf16, #tpu.memory_space<vmem>>
          %dma_wait3A_149 = arith.constant 0 : i32
          %dma_wait3A_150 = tpu.memref_slice %arg7[%mul3A_137, %dma_wait3A_149] : memref<50000x32xbf16, #tpu.memory_space<vmem_shared>> -> memref<400x32xbf16, #tpu.memory_space<vmem_shared>>
          %dma_wait3A_151 = arith.constant 0 : i32
          %dma_wait3A_152 = tpu.memref_slice %arg7[%mul3A_137, %dma_wait3A_151] : memref<50000x32xbf16, #tpu.memory_space<vmem_shared>> -> memref<400x32xbf16, #tpu.memory_space<vmem_shared>>
          %dma_wait3A_153 = arith.constant 0 : i32
          %dma_wait3A_154 = arith.constant 0 : i32
          %dma_wait3A_155 = tpu.memref_slice %arg12[%dma_wait3A_153, %dma_wait3A_154] : memref<800x32xbf16, #tpu.memory_space<vmem>> -> memref<400x32xbf16, #tpu.memory_space<vmem>>
          tpu.wait_dma2 semaphore(%run_scoped3A : memref<!tpu.dma_semaphore, #tpu.memory_space<semaphore_mem>>) src(%dma_wait3A_155 : memref<400x32xbf16, #tpu.memory_space<vmem>>) dst(%dma_wait3A_152 : memref<400x32xbf16, #tpu.memory_space<vmem_shared>>)
          tpu.yield
        }) : () -> ()
      } else {
      }
      %add3A_45 = arith.constant 80 : i32
      %add3A_46 = arith.addi %arg1, %add3A_45 : i32
      %lt3A_47 = arith.constant 125 : i32
      %lt3A_48 = arith.cmpi slt, %add3A_46, %lt3A_47 : i32
      %convert_element_type3A_49 = arith.extui %lt3A_48 : i1 to i32
      %cond3A_50 = arith.constant 0 : i32
      %cond3A_51 = arith.cmpi ne, %convert_element_type3A_49, %cond3A_50 : i32
      scf.if %cond3A_51 {
        %mul3A = arith.constant 400 : i32
        %mul3A_137 = arith.muli %add3A_46, %mul3A : i32
        "tpu.region"() ({
          %run_scoped3A = tpu.sem_alloc : memref<!tpu.dma_semaphore, #tpu.memory_space<semaphore_mem>>
          %dma_start3A = arith.constant 0 : i32
          %dma_start3A_138 = arith.constant 0 : i32
          %dma_start3A_139 = tpu.memref_slice %arg12[%dma_start3A, %dma_start3A_138] : memref<800x32xbf16, #tpu.memory_space<vmem>> -> memref<400x32xbf16, #tpu.memory_space<vmem>>
          %dma_start3A_140 = arith.constant 0 : i32
          %dma_start3A_141 = tpu.memref_slice %arg7[%mul3A_137, %dma_start3A_140] : memref<50000x32xbf16, #tpu.memory_space<vmem_shared>> -> memref<400x32xbf16, #tpu.memory_space<vmem_shared>>
          %dma_start3A_142 = arith.constant 0 : i32
          %dma_start3A_143 = tpu.memref_slice %arg7[%mul3A_137, %dma_start3A_142] : memref<50000x32xbf16, #tpu.memory_space<vmem_shared>> -> memref<400x32xbf16, #tpu.memory_space<vmem_shared>>
          %dma_start3A_144 = arith.constant 0 : i32
          %dma_start3A_145 = arith.constant 0 : i32
          %dma_start3A_146 = tpu.memref_slice %arg12[%dma_start3A_144, %dma_start3A_145] : memref<800x32xbf16, #tpu.memory_space<vmem>> -> memref<400x32xbf16, #tpu.memory_space<vmem>>
          tpu.enqueue_dma source(%dma_start3A_146 : memref<400x32xbf16, #tpu.memory_space<vmem>>) target(%dma_start3A_143 : memref<400x32xbf16, #tpu.memory_space<vmem_shared>>) target_semaphore(%run_scoped3A : memref<!tpu.dma_semaphore, #tpu.memory_space<semaphore_mem>>)
          %dma_wait3A = arith.constant 0 : i32
          %dma_wait3A_147 = arith.constant 0 : i32
          %dma_wait3A_148 = tpu.memref_slice %arg12[%dma_wait3A, %dma_wait3A_147] : memref<800x32xbf16, #tpu.memory_space<vmem>> -> memref<400x32xbf16, #tpu.memory_space<vmem>>
          %dma_wait3A_149 = arith.constant 0 : i32
          %dma_wait3A_150 = tpu.memref_slice %arg7[%mul3A_137, %dma_wait3A_149] : memref<50000x32xbf16, #tpu.memory_space<vmem_shared>> -> memref<400x32xbf16, #tpu.memory_space<vmem_shared>>
          %dma_wait3A_151 = arith.constant 0 : i32
          %dma_wait3A_152 = tpu.memref_slice %arg7[%mul3A_137, %dma_wait3A_151] : memref<50000x32xbf16, #tpu.memory_space<vmem_shared>> -> memref<400x32xbf16, #tpu.memory_space<vmem_shared>>
          %dma_wait3A_153 = arith.constant 0 : i32
          %dma_wait3A_154 = arith.constant 0 : i32
          %dma_wait3A_155 = tpu.memref_slice %arg12[%dma_wait3A_153, %dma_wait3A_154] : memref<800x32xbf16, #tpu.memory_space<vmem>> -> memref<400x32xbf16, #tpu.memory_space<vmem>>
          tpu.wait_dma2 semaphore(%run_scoped3A : memref<!tpu.dma_semaphore, #tpu.memory_space<semaphore_mem>>) src(%dma_wait3A_155 : memref<400x32xbf16, #tpu.memory_space<vmem>>) dst(%dma_wait3A_152 : memref<400x32xbf16, #tpu.memory_space<vmem_shared>>)
          tpu.yield
        }) : () -> ()
      } else {
      }
      %add3A_52 = arith.constant 96 : i32
      %add3A_53 = arith.addi %arg1, %add3A_52 : i32
      %lt3A_54 = arith.constant 125 : i32
      %lt3A_55 = arith.cmpi slt, %add3A_53, %lt3A_54 : i32
      %convert_element_type3A_56 = arith.extui %lt3A_55 : i1 to i32
      %cond3A_57 = arith.constant 0 : i32
      %cond3A_58 = arith.cmpi ne, %convert_element_type3A_56, %cond3A_57 : i32
      scf.if %cond3A_58 {
        %mul3A = arith.constant 400 : i32
        %mul3A_137 = arith.muli %add3A_53, %mul3A : i32
        "tpu.region"() ({
          %run_scoped3A = tpu.sem_alloc : memref<!tpu.dma_semaphore, #tpu.memory_space<semaphore_mem>>
          %dma_start3A = arith.constant 0 : i32
          %dma_start3A_138 = arith.constant 0 : i32
          %dma_start3A_139 = tpu.memref_slice %arg12[%dma_start3A, %dma_start3A_138] : memref<800x32xbf16, #tpu.memory_space<vmem>> -> memref<400x32xbf16, #tpu.memory_space<vmem>>
          %dma_start3A_140 = arith.constant 0 : i32
          %dma_start3A_141 = tpu.memref_slice %arg7[%mul3A_137, %dma_start3A_140] : memref<50000x32xbf16, #tpu.memory_space<vmem_shared>> -> memref<400x32xbf16, #tpu.memory_space<vmem_shared>>
          %dma_start3A_142 = arith.constant 0 : i32
          %dma_start3A_143 = tpu.memref_slice %arg7[%mul3A_137, %dma_start3A_142] : memref<50000x32xbf16, #tpu.memory_space<vmem_shared>> -> memref<400x32xbf16, #tpu.memory_space<vmem_shared>>
          %dma_start3A_144 = arith.constant 0 : i32
          %dma_start3A_145 = arith.constant 0 : i32
          %dma_start3A_146 = tpu.memref_slice %arg12[%dma_start3A_144, %dma_start3A_145] : memref<800x32xbf16, #tpu.memory_space<vmem>> -> memref<400x32xbf16, #tpu.memory_space<vmem>>
          tpu.enqueue_dma source(%dma_start3A_146 : memref<400x32xbf16, #tpu.memory_space<vmem>>) target(%dma_start3A_143 : memref<400x32xbf16, #tpu.memory_space<vmem_shared>>) target_semaphore(%run_scoped3A : memref<!tpu.dma_semaphore, #tpu.memory_space<semaphore_mem>>)
          %dma_wait3A = arith.constant 0 : i32
          %dma_wait3A_147 = arith.constant 0 : i32
          %dma_wait3A_148 = tpu.memref_slice %arg12[%dma_wait3A, %dma_wait3A_147] : memref<800x32xbf16, #tpu.memory_space<vmem>> -> memref<400x32xbf16, #tpu.memory_space<vmem>>
          %dma_wait3A_149 = arith.constant 0 : i32
          %dma_wait3A_150 = tpu.memref_slice %arg7[%mul3A_137, %dma_wait3A_149] : memref<50000x32xbf16, #tpu.memory_space<vmem_shared>> -> memref<400x32xbf16, #tpu.memory_space<vmem_shared>>
          %dma_wait3A_151 = arith.constant 0 : i32
          %dma_wait3A_152 = tpu.memref_slice %arg7[%mul3A_137, %dma_wait3A_151] : memref<50000x32xbf16, #tpu.memory_space<vmem_shared>> -> memref<400x32xbf16, #tpu.memory_space<vmem_shared>>
          %dma_wait3A_153 = arith.constant 0 : i32
          %dma_wait3A_154 = arith.constant 0 : i32
          %dma_wait3A_155 = tpu.memref_slice %arg12[%dma_wait3A_153, %dma_wait3A_154] : memref<800x32xbf16, #tpu.memory_space<vmem>> -> memref<400x32xbf16, #tpu.memory_space<vmem>>
          tpu.wait_dma2 semaphore(%run_scoped3A : memref<!tpu.dma_semaphore, #tpu.memory_space<semaphore_mem>>) src(%dma_wait3A_155 : memref<400x32xbf16, #tpu.memory_space<vmem>>) dst(%dma_wait3A_152 : memref<400x32xbf16, #tpu.memory_space<vmem_shared>>)
          tpu.yield
        }) : () -> ()
      } else {
      }
      %add3A_59 = arith.constant 112 : i32
      %add3A_60 = arith.addi %arg1, %add3A_59 : i32
      %lt3A_61 = arith.constant 125 : i32
      %lt3A_62 = arith.cmpi slt, %add3A_60, %lt3A_61 : i32
      %convert_element_type3A_63 = arith.extui %lt3A_62 : i1 to i32
      %cond3A_64 = arith.constant 0 : i32
      %cond3A_65 = arith.cmpi ne, %convert_element_type3A_63, %cond3A_64 : i32
      scf.if %cond3A_65 {
        %mul3A = arith.constant 400 : i32
        %mul3A_137 = arith.muli %add3A_60, %mul3A : i32
        "tpu.region"() ({
          %run_scoped3A = tpu.sem_alloc : memref<!tpu.dma_semaphore, #tpu.memory_space<semaphore_mem>>
          %dma_start3A = arith.constant 0 : i32
          %dma_start3A_138 = arith.constant 0 : i32
          %dma_start3A_139 = tpu.memref_slice %arg12[%dma_start3A, %dma_start3A_138] : memref<800x32xbf16, #tpu.memory_space<vmem>> -> memref<400x32xbf16, #tpu.memory_space<vmem>>
          %dma_start3A_140 = arith.constant 0 : i32
          %dma_start3A_141 = tpu.memref_slice %arg7[%mul3A_137, %dma_start3A_140] : memref<50000x32xbf16, #tpu.memory_space<vmem_shared>> -> memref<400x32xbf16, #tpu.memory_space<vmem_shared>>
          %dma_start3A_142 = arith.constant 0 : i32
          %dma_start3A_143 = tpu.memref_slice %arg7[%mul3A_137, %dma_start3A_142] : memref<50000x32xbf16, #tpu.memory_space<vmem_shared>> -> memref<400x32xbf16, #tpu.memory_space<vmem_shared>>
          %dma_start3A_144 = arith.constant 0 : i32
          %dma_start3A_145 = arith.constant 0 : i32
          %dma_start3A_146 = tpu.memref_slice %arg12[%dma_start3A_144, %dma_start3A_145] : memref<800x32xbf16, #tpu.memory_space<vmem>> -> memref<400x32xbf16, #tpu.memory_space<vmem>>
          tpu.enqueue_dma source(%dma_start3A_146 : memref<400x32xbf16, #tpu.memory_space<vmem>>) target(%dma_start3A_143 : memref<400x32xbf16, #tpu.memory_space<vmem_shared>>) target_semaphore(%run_scoped3A : memref<!tpu.dma_semaphore, #tpu.memory_space<semaphore_mem>>)
          %dma_wait3A = arith.constant 0 : i32
          %dma_wait3A_147 = arith.constant 0 : i32
          %dma_wait3A_148 = tpu.memref_slice %arg12[%dma_wait3A, %dma_wait3A_147] : memref<800x32xbf16, #tpu.memory_space<vmem>> -> memref<400x32xbf16, #tpu.memory_space<vmem>>
          %dma_wait3A_149 = arith.constant 0 : i32
          %dma_wait3A_150 = tpu.memref_slice %arg7[%mul3A_137, %dma_wait3A_149] : memref<50000x32xbf16, #tpu.memory_space<vmem_shared>> -> memref<400x32xbf16, #tpu.memory_space<vmem_shared>>
          %dma_wait3A_151 = arith.constant 0 : i32
          %dma_wait3A_152 = tpu.memref_slice %arg7[%mul3A_137, %dma_wait3A_151] : memref<50000x32xbf16, #tpu.memory_space<vmem_shared>> -> memref<400x32xbf16, #tpu.memory_space<vmem_shared>>
          %dma_wait3A_153 = arith.constant 0 : i32
          %dma_wait3A_154 = arith.constant 0 : i32
          %dma_wait3A_155 = tpu.memref_slice %arg12[%dma_wait3A_153, %dma_wait3A_154] : memref<800x32xbf16, #tpu.memory_space<vmem>> -> memref<400x32xbf16, #tpu.memory_space<vmem>>
          tpu.wait_dma2 semaphore(%run_scoped3A : memref<!tpu.dma_semaphore, #tpu.memory_space<semaphore_mem>>) src(%dma_wait3A_155 : memref<400x32xbf16, #tpu.memory_space<vmem>>) dst(%dma_wait3A_152 : memref<400x32xbf16, #tpu.memory_space<vmem_shared>>)
          tpu.yield
        }) : () -> ()
      } else {
      }
      %barrier3A = arith.constant 0 : index
      tpu.barrier barrier_id(%barrier3A)
      %add3A_66 = arith.constant 0 : i32
      %add3A_67 = arith.addi %add3A_66, %arg1 : i32
      %lt3A_68 = arith.constant 500 : i32
      %lt3A_69 = arith.cmpi slt, %add3A_67, %lt3A_68 : i32
      %convert_element_type3A_70 = arith.extui %lt3A_69 : i1 to i32
      %cond3A_71 = arith.constant 0 : i32
      %cond3A_72 = arith.cmpi ne, %convert_element_type3A_70, %cond3A_71 : i32
      scf.if %cond3A_72 {
        %mul3A = arith.constant 800 : i32
        %mul3A_137 = arith.muli %add3A_67, %mul3A : i32
        %dma_start3A = tpu.memref_slice %arg3[%mul3A_137] : memref<800000xi32, #tpu.memory_space<hbm>> -> memref<800xi32, #tpu.memory_space<hbm>>
        %dma_start3A_138 = tpu.memref_slice %arg3[%mul3A_137] : memref<800000xi32, #tpu.memory_space<hbm>> -> memref<800xi32, #tpu.memory_space<hbm>>
        tpu.enqueue_dma source(%dma_start3A_138 : memref<800xi32, #tpu.memory_space<hbm>>) target(%arg8 : memref<800xi32, #tpu.memory_space<vmem>>) target_semaphore(%arg14 : memref<!tpu.dma_semaphore, #tpu.memory_space<semaphore_mem>>)
        %dma_start3A_139 = tpu.memref_slice %arg4[%mul3A_137] : memref<800000xi32, #tpu.memory_space<hbm>> -> memref<800xi32, #tpu.memory_space<hbm>>
        %dma_start3A_140 = tpu.memref_slice %arg4[%mul3A_137] : memref<800000xi32, #tpu.memory_space<hbm>> -> memref<800xi32, #tpu.memory_space<hbm>>
        tpu.enqueue_dma source(%dma_start3A_140 : memref<800xi32, #tpu.memory_space<hbm>>) target(%arg9 : memref<800xi32, #tpu.memory_space<vmem>>) target_semaphore(%arg14 : memref<!tpu.dma_semaphore, #tpu.memory_space<semaphore_mem>>)
        %dma_start3A_141 = tpu.memref_slice %arg5[%mul3A_137] : memref<800000xf32, #tpu.memory_space<hbm>> -> memref<800xf32, #tpu.memory_space<hbm>>
        %dma_start3A_142 = tpu.memref_slice %arg5[%mul3A_137] : memref<800000xf32, #tpu.memory_space<hbm>> -> memref<800xf32, #tpu.memory_space<hbm>>
        tpu.enqueue_dma source(%dma_start3A_142 : memref<800xf32, #tpu.memory_space<hbm>>) target(%arg10 : memref<800xf32, #tpu.memory_space<vmem>>) target_semaphore(%arg14 : memref<!tpu.dma_semaphore, #tpu.memory_space<semaphore_mem>>)
      } else {
      }
      %scan3A_73 = arith.constant 0 : i32
      %scan3A_74 = arith.constant 0 : i32
      %scan3A_75 = arith.constant 18 : i32
      %scan3A_76 = arith.addi %scan3A_74, %scan3A_75 : i32
      %scan3A_77 = arith.constant 1 : i32
      scf.for %scan3A_137 = %scan3A_74 to %scan3A_76 step %scan3A_77  : i32 {
        %mul3A = arith.constant 2 : i32
        %mul3A_138 = arith.muli %mul3A, %scan3A_137 : i32
        %add3A_139 = arith.constant 0 : i32
        %add3A_140 = arith.addi %mul3A_138, %add3A_139 : i32
        %add3A_141 = arith.constant 0 : i32
        %add3A_142 = arith.addi %add3A_141, %arg1 : i32
        %mul3A_143 = arith.constant 16 : i32
        %mul3A_144 = arith.muli %mul3A_143, %add3A_140 : i32
        %add3A_145 = arith.addi %add3A_142, %mul3A_144 : i32
        %sub3A = arith.constant 16 : i32
        %sub3A_146 = arith.subi %add3A_145, %sub3A : i32
        %sub3A_147 = arith.constant 48 : i32
        %sub3A_148 = arith.subi %add3A_145, %sub3A_147 : i32
        %lt3A_149 = arith.constant 500 : i32
        %lt3A_150 = arith.cmpi slt, %add3A_145, %lt3A_149 : i32
        %convert_element_type3A_151 = arith.extui %lt3A_150 : i1 to i32
        %cond3A_152 = arith.constant 0 : i32
        %cond3A_153 = arith.cmpi ne, %convert_element_type3A_151, %cond3A_152 : i32
        scf.if %cond3A_153 {
          %mul3A_216 = arith.constant 800 : i32
          %mul3A_217 = arith.muli %add3A_145, %mul3A_216 : i32
          %dma_wait3A = tpu.memref_slice %arg3[%mul3A_217] : memref<800000xi32, #tpu.memory_space<hbm>> -> memref<800xi32, #tpu.memory_space<hbm>>
          %dma_wait3A_218 = tpu.memref_slice %arg3[%mul3A_217] : memref<800000xi32, #tpu.memory_space<hbm>> -> memref<800xi32, #tpu.memory_space<hbm>>
          tpu.wait_dma2 semaphore(%arg14 : memref<!tpu.dma_semaphore, #tpu.memory_space<semaphore_mem>>) src(%dma_wait3A_218 : memref<800xi32, #tpu.memory_space<hbm>>) dst(%arg8 : memref<800xi32, #tpu.memory_space<vmem>>)
          %dma_wait3A_219 = tpu.memref_slice %arg4[%mul3A_217] : memref<800000xi32, #tpu.memory_space<hbm>> -> memref<800xi32, #tpu.memory_space<hbm>>
          %dma_wait3A_220 = tpu.memref_slice %arg4[%mul3A_217] : memref<800000xi32, #tpu.memory_space<hbm>> -> memref<800xi32, #tpu.memory_space<hbm>>
          tpu.wait_dma2 semaphore(%arg14 : memref<!tpu.dma_semaphore, #tpu.memory_space<semaphore_mem>>) src(%dma_wait3A_220 : memref<800xi32, #tpu.memory_space<hbm>>) dst(%arg9 : memref<800xi32, #tpu.memory_space<vmem>>)
          %dma_wait3A_221 = tpu.memref_slice %arg5[%mul3A_217] : memref<800000xf32, #tpu.memory_space<hbm>> -> memref<800xf32, #tpu.memory_space<hbm>>
          %dma_wait3A_222 = tpu.memref_slice %arg5[%mul3A_217] : memref<800000xf32, #tpu.memory_space<hbm>> -> memref<800xf32, #tpu.memory_space<hbm>>
          tpu.wait_dma2 semaphore(%arg14 : memref<!tpu.dma_semaphore, #tpu.memory_space<semaphore_mem>>) src(%dma_wait3A_222 : memref<800xf32, #tpu.memory_space<hbm>>) dst(%arg10 : memref<800xf32, #tpu.memory_space<vmem>>)
          %dma_start3A = arith.constant 0 : i32
          %dma_start3A_223 = arith.constant 0 : i32
          %dma_start3A_224 = tpu.memref_slice %arg2[%dma_start3A, %dma_start3A_223] : memref<50000x32xbf16, #tpu.memory_space<hbm>> -> memref<50000x32xbf16, #tpu.memory_space<hbm>>
          tpu.enqueue_indirect_dma source(%dma_start3A_224 : memref<50000x32xbf16, #tpu.memory_space<hbm>>) target(%arg11 : memref<800x32xbf16, #tpu.memory_space<vmem>>) offsets(%arg8 : memref<800xi32, #tpu.memory_space<vmem>>) semaphore(%arg15 : memref<!tpu.dma_semaphore, #tpu.memory_space<semaphore_mem>>)
        } else {
        }
        %ge3A = arith.constant 0 : i32
        %ge3A_154 = arith.cmpi sge, %sub3A_148, %ge3A : i32
        %lt3A_155 = arith.constant 500 : i32
        %lt3A_156 = arith.cmpi slt, %sub3A_148, %lt3A_155 : i32
        %and3A = arith.andi %ge3A_154, %lt3A_156 : i1
        %convert_element_type3A_157 = arith.extui %and3A : i1 to i32
        %cond3A_158 = arith.constant 0 : i32
        %cond3A_159 = arith.cmpi ne, %convert_element_type3A_157, %cond3A_158 : i32
        scf.if %cond3A_159 {
          %dma_wait3A = arith.constant 0 : i32
          %dma_wait3A_216 = arith.constant 0 : i32
          %dma_wait3A_217 = tpu.memref_slice %arg7[%dma_wait3A, %dma_wait3A_216] : memref<50000x32xbf16, #tpu.memory_space<vmem_shared>> -> memref<50000x32xbf16, #tpu.memory_space<vmem_shared>>
          tpu.wait_indirect_dma semaphore(%arg25 : memref<!tpu.dma_semaphore, #tpu.memory_space<semaphore_mem>>) src(%arg21 : memref<800x32xbf16, #tpu.memory_space<vmem>>) dst(%dma_wait3A_217 : memref<50000x32xbf16, #tpu.memory_space<vmem_shared>>)
        } else {
        }
        %ge3A_160 = arith.constant 0 : i32
        %ge3A_161 = arith.cmpi sge, %sub3A_146, %ge3A_160 : i32
        %lt3A_162 = arith.constant 500 : i32
        %lt3A_163 = arith.cmpi slt, %sub3A_146, %lt3A_162 : i32
        %and3A_164 = arith.andi %ge3A_161, %lt3A_163 : i1
        %convert_element_type3A_165 = arith.extui %and3A_164 : i1 to i32
        %cond3A_166 = arith.constant 0 : i32
        %cond3A_167 = arith.cmpi ne, %convert_element_type3A_165, %cond3A_166 : i32
        scf.if %cond3A_167 {
          %dma_wait3A = arith.constant 0 : i32
          %dma_wait3A_216 = arith.constant 0 : i32
          %dma_wait3A_217 = tpu.memref_slice %arg2[%dma_wait3A, %dma_wait3A_216] : memref<50000x32xbf16, #tpu.memory_space<hbm>> -> memref<50000x32xbf16, #tpu.memory_space<hbm>>
          tpu.wait_indirect_dma semaphore(%arg24 : memref<!tpu.dma_semaphore, #tpu.memory_space<semaphore_mem>>) src(%dma_wait3A_217 : memref<50000x32xbf16, #tpu.memory_space<hbm>>) dst(%arg20 : memref<800x32xbf16, #tpu.memory_space<vmem>>)
          %scan3A_218 = arith.constant 0 : i32
          %scan3A_219 = arith.constant 0 : i32
          %scan3A_220 = arith.constant 800 : i32
          %scan3A_221 = arith.addi %scan3A_219, %scan3A_220 : i32
          %scan3A_222 = arith.constant 1 : i32
          scf.for %scan3A_232 = %scan3A_219 to %scan3A_221 step %scan3A_222  : i32 {
            %get3A = arith.index_cast %scan3A_232 : i32 to index
            %get3A_233 = arith.constant 0 : index
            %get3A_234 = tpu.vector_load %arg20[%get3A, %get3A_233] {strides = array<i32>} : memref<800x32xbf16, #tpu.memory_space<vmem>>, vector<32xbf16>,
            %broadcast_in_dim3A = vector.broadcast %scan3A_232 : i32 to vector<16xi32>
            %gather3A = tpu.vector_load_idx %arg19[%broadcast_in_dim3A] : memref<800xf32, #tpu.memory_space<vmem>>[vector<16xi32>], vector<16xf32>,
            %unpack3A = tpu.unpack_subelements %get3A_234, 0 {pack_format = #tpu.pack_format<interleaved>} : vector<32xbf16> -> vector<16xf32>
            %unpack3A_235 = tpu.unpack_subelements %get3A_234, 1 {pack_format = #tpu.pack_format<interleaved>} : vector<32xbf16> -> vector<16xf32>
            %mul3A_236 = arith.mulf %unpack3A, %gather3A : vector<16xf32>
            %mul3A_237 = arith.mulf %unpack3A_235, %gather3A : vector<16xf32>
            %pack3A = tpu.pack_subelements %mul3A_236, %mul3A_237 {pack_format = #tpu.pack_format<interleaved>, positions = array<i32: 0, 1>} : vector<16xf32>, vector<16xf32> -> vector<32xbf16>
            %swap3A = arith.index_cast %scan3A_232 : i32 to index
            %swap3A_238 = arith.constant 0 : index
            %swap3A_239 = tpu.vector_load %arg21[%swap3A, %swap3A_238] {strides = array<i32>} : memref<800x32xbf16, #tpu.memory_space<vmem>>, vector<32xbf16>,
            tpu.vector_store %arg21[%swap3A, %swap3A_238], %pack3A {strides = array<i32>} : memref<800x32xbf16, #tpu.memory_space<vmem>>, vector<32xbf16>,
          }
          %scan3A_223 = arith.constant 800 : i32
          %scan3A_224 = arith.constant 0 : i32
          %scan3A_225 = arith.constant 0 : i32
          %scan3A_226 = arith.constant 50 : i32
          %scan3A_227 = arith.addi %scan3A_225, %scan3A_226 : i32
          %scan3A_228 = arith.constant 1 : i32
          scf.for %scan3A_232 = %scan3A_225 to %scan3A_227 step %scan3A_228  : i32 {
            %mul3A_233 = arith.constant 16 : i32
            %mul3A_234 = arith.muli %scan3A_232, %mul3A_233 : i32
            %get3A = arith.index_cast %mul3A_234 : i32 to index
            %get3A_235 = tpu.vector_load %arg18[%get3A] {strides = array<i32>} : memref<800xi32, #tpu.memory_space<vmem>>, vector<16xi32>,
            %mul3A_236 = arith.constant 16 : i32
            %mul3A_237 = arith.muli %scan3A_232, %mul3A_236 : i32
            %swap3A = arith.index_cast %mul3A_237 : i32 to index
            %swap3A_238 = tpu.vector_load %arg22[%swap3A] {strides = array<i32>} : memref<800xi32, #tpu.memory_space<vmem>>, vector<16xi32>,
            tpu.vector_store %arg22[%swap3A], %get3A_235 {strides = array<i32>} : memref<800xi32, #tpu.memory_space<vmem>>, vector<16xi32>,
          }
          %scan3A_229 = arith.constant 50 : i32
          %dma_start3A = arith.constant 0 : i32
          %dma_start3A_230 = arith.constant 0 : i32
          %dma_start3A_231 = tpu.memref_slice %arg7[%dma_start3A, %dma_start3A_230] : memref<50000x32xbf16, #tpu.memory_space<vmem_shared>> -> memref<50000x32xbf16, #tpu.memory_space<vmem_shared>>
          tpu.enqueue_indirect_dma source(%arg21 : memref<800x32xbf16, #tpu.memory_space<vmem>>) target(%dma_start3A_231 : memref<50000x32xbf16, #tpu.memory_space<vmem_shared>>) offsets(%arg22 : memref<800xi32, #tpu.memory_space<vmem>>) semaphore(%arg25 : memref<!tpu.dma_semaphore, #tpu.memory_space<semaphore_mem>>) {add = true}
        } else {
        }
        %add3A_168 = arith.constant 16 : i32
        %add3A_169 = arith.addi %add3A_145, %add3A_168 : i32
        %lt3A_170 = arith.constant 500 : i32
        %lt3A_171 = arith.cmpi slt, %add3A_169, %lt3A_170 : i32
        %convert_element_type3A_172 = arith.extui %lt3A_171 : i1 to i32
        %cond3A_173 = arith.constant 0 : i32
        %cond3A_174 = arith.cmpi ne, %convert_element_type3A_172, %cond3A_173 : i32
        scf.if %cond3A_174 {
          %add3A_216 = arith.constant 16 : i32
          %add3A_217 = arith.addi %add3A_145, %add3A_216 : i32
          %mul3A_218 = arith.constant 800 : i32
          %mul3A_219 = arith.muli %add3A_217, %mul3A_218 : i32
          %dma_start3A = tpu.memref_slice %arg3[%mul3A_219] : memref<800000xi32, #tpu.memory_space<hbm>> -> memref<800xi32, #tpu.memory_space<hbm>>
          %dma_start3A_220 = tpu.memref_slice %arg3[%mul3A_219] : memref<800000xi32, #tpu.memory_space<hbm>> -> memref<800xi32, #tpu.memory_space<hbm>>
          tpu.enqueue_dma source(%dma_start3A_220 : memref<800xi32, #tpu.memory_space<hbm>>) target(%arg17 : memref<800xi32, #tpu.memory_space<vmem>>) target_semaphore(%arg23 : memref<!tpu.dma_semaphore, #tpu.memory_space<semaphore_mem>>)
          %dma_start3A_221 = tpu.memref_slice %arg4[%mul3A_219] : memref<800000xi32, #tpu.memory_space<hbm>> -> memref<800xi32, #tpu.memory_space<hbm>>
          %dma_start3A_222 = tpu.memref_slice %arg4[%mul3A_219] : memref<800000xi32, #tpu.memory_space<hbm>> -> memref<800xi32, #tpu.memory_space<hbm>>
          tpu.enqueue_dma source(%dma_start3A_222 : memref<800xi32, #tpu.memory_space<hbm>>) target(%arg18 : memref<800xi32, #tpu.memory_space<vmem>>) target_semaphore(%arg23 : memref<!tpu.dma_semaphore, #tpu.memory_space<semaphore_mem>>)
          %dma_start3A_223 = tpu.memref_slice %arg5[%mul3A_219] : memref<800000xf32, #tpu.memory_space<hbm>> -> memref<800xf32, #tpu.memory_space<hbm>>
          %dma_start3A_224 = tpu.memref_slice %arg5[%mul3A_219] : memref<800000xf32, #tpu.memory_space<hbm>> -> memref<800xf32, #tpu.memory_space<hbm>>
          tpu.enqueue_dma source(%dma_start3A_224 : memref<800xf32, #tpu.memory_space<hbm>>) target(%arg19 : memref<800xf32, #tpu.memory_space<vmem>>) target_semaphore(%arg23 : memref<!tpu.dma_semaphore, #tpu.memory_space<semaphore_mem>>)
        } else {
        }
        %mul3A_175 = arith.constant 2 : i32
        %mul3A_176 = arith.muli %mul3A_175, %scan3A_137 : i32
        %add3A_177 = arith.constant 1 : i32
        %add3A_178 = arith.addi %mul3A_176, %add3A_177 : i32
        %add3A_179 = arith.constant 0 : i32
        %add3A_180 = arith.addi %add3A_179, %arg1 : i32
        %mul3A_181 = arith.constant 16 : i32
        %mul3A_182 = arith.muli %mul3A_181, %add3A_178 : i32
        %add3A_183 = arith.addi %add3A_180, %mul3A_182 : i32
        %sub3A_184 = arith.constant 16 : i32
        %sub3A_185 = arith.subi %add3A_183, %sub3A_184 : i32
        %sub3A_186 = arith.constant 48 : i32
        %sub3A_187 = arith.subi %add3A_183, %sub3A_186 : i32
        %lt3A_188 = arith.constant 500 : i32
        %lt3A_189 = arith.cmpi slt, %add3A_183, %lt3A_188 : i32
        %convert_element_type3A_190 = arith.extui %lt3A_189 : i1 to i32
        %cond3A_191 = arith.constant 0 : i32
        %cond3A_192 = arith.cmpi ne, %convert_element_type3A_190, %cond3A_191 : i32
        scf.if %cond3A_192 {
          %mul3A_216 = arith.constant 800 : i32
          %mul3A_217 = arith.muli %add3A_183, %mul3A_216 : i32
          %dma_wait3A = tpu.memref_slice %arg3[%mul3A_217] : memref<800000xi32, #tpu.memory_space<hbm>> -> memref<800xi32, #tpu.memory_space<hbm>>
          %dma_wait3A_218 = tpu.memref_slice %arg3[%mul3A_217] : memref<800000xi32, #tpu.memory_space<hbm>> -> memref<800xi32, #tpu.memory_space<hbm>>
          tpu.wait_dma2 semaphore(%arg23 : memref<!tpu.dma_semaphore, #tpu.memory_space<semaphore_mem>>) src(%dma_wait3A_218 : memref<800xi32, #tpu.memory_space<hbm>>) dst(%arg17 : memref<800xi32, #tpu.memory_space<vmem>>)
          %dma_wait3A_219 = tpu.memref_slice %arg4[%mul3A_217] : memref<800000xi32, #tpu.memory_space<hbm>> -> memref<800xi32, #tpu.memory_space<hbm>>
          %dma_wait3A_220 = tpu.memref_slice %arg4[%mul3A_217] : memref<800000xi32, #tpu.memory_space<hbm>> -> memref<800xi32, #tpu.memory_space<hbm>>
          tpu.wait_dma2 semaphore(%arg23 : memref<!tpu.dma_semaphore, #tpu.memory_space<semaphore_mem>>) src(%dma_wait3A_220 : memref<800xi32, #tpu.memory_space<hbm>>) dst(%arg18 : memref<800xi32, #tpu.memory_space<vmem>>)
          %dma_wait3A_221 = tpu.memref_slice %arg5[%mul3A_217] : memref<800000xf32, #tpu.memory_space<hbm>> -> memref<800xf32, #tpu.memory_space<hbm>>
          %dma_wait3A_222 = tpu.memref_slice %arg5[%mul3A_217] : memref<800000xf32, #tpu.memory_space<hbm>> -> memref<800xf32, #tpu.memory_space<hbm>>
          tpu.wait_dma2 semaphore(%arg23 : memref<!tpu.dma_semaphore, #tpu.memory_space<semaphore_mem>>) src(%dma_wait3A_222 : memref<800xf32, #tpu.memory_space<hbm>>) dst(%arg19 : memref<800xf32, #tpu.memory_space<vmem>>)
          %dma_start3A = arith.constant 0 : i32
          %dma_start3A_223 = arith.constant 0 : i32
          %dma_start3A_224 = tpu.memref_slice %arg2[%dma_start3A, %dma_start3A_223] : memref<50000x32xbf16, #tpu.memory_space<hbm>> -> memref<50000x32xbf16, #tpu.memory_space<hbm>>
          tpu.enqueue_indirect_dma source(%dma_start3A_224 : memref<50000x32xbf16, #tpu.memory_space<hbm>>) target(%arg20 : memref<800x32xbf16, #tpu.memory_space<vmem>>) offsets(%arg17 : memref<800xi32, #tpu.memory_space<vmem>>) semaphore(%arg24 : memref<!tpu.dma_semaphore, #tpu.memory_space<semaphore_mem>>)
        } else {
        }
        %ge3A_193 = arith.constant 0 : i32
        %ge3A_194 = arith.cmpi sge, %sub3A_187, %ge3A_193 : i32
        %lt3A_195 = arith.constant 500 : i32
        %lt3A_196 = arith.cmpi slt, %sub3A_187, %lt3A_195 : i32
        %and3A_197 = arith.andi %ge3A_194, %lt3A_196 : i1
        %convert_element_type3A_198 = arith.extui %and3A_197 : i1 to i32
        %cond3A_199 = arith.constant 0 : i32
        %cond3A_200 = arith.cmpi ne, %convert_element_type3A_198, %cond3A_199 : i32
        scf.if %cond3A_200 {
          %dma_wait3A = arith.constant 0 : i32
          %dma_wait3A_216 = arith.constant 0 : i32
          %dma_wait3A_217 = tpu.memref_slice %arg7[%dma_wait3A, %dma_wait3A_216] : memref<50000x32xbf16, #tpu.memory_space<vmem_shared>> -> memref<50000x32xbf16, #tpu.memory_space<vmem_shared>>
          tpu.wait_indirect_dma semaphore(%arg16 : memref<!tpu.dma_semaphore, #tpu.memory_space<semaphore_mem>>) src(%arg12 : memref<800x32xbf16, #tpu.memory_space<vmem>>) dst(%dma_wait3A_217 : memref<50000x32xbf16, #tpu.memory_space<vmem_shared>>)
        } else {
        }
        %ge3A_201 = arith.constant 0 : i32
        %ge3A_202 = arith.cmpi sge, %sub3A_185, %ge3A_201 : i32
        %lt3A_203 = arith.constant 500 : i32
        %lt3A_204 = arith.cmpi slt, %sub3A_185, %lt3A_203 : i32
        %and3A_205 = arith.andi %ge3A_202, %lt3A_204 : i1
        %convert_element_type3A_206 = arith.extui %and3A_205 : i1 to i32
        %cond3A_207 = arith.constant 0 : i32
        %cond3A_208 = arith.cmpi ne, %convert_element_type3A_206, %cond3A_207 : i32
        scf.if %cond3A_208 {
          %dma_wait3A = arith.constant 0 : i32
          %dma_wait3A_216 = arith.constant 0 : i32
          %dma_wait3A_217 = tpu.memref_slice %arg2[%dma_wait3A, %dma_wait3A_216] : memref<50000x32xbf16, #tpu.memory_space<hbm>> -> memref<50000x32xbf16, #tpu.memory_space<hbm>>
          tpu.wait_indirect_dma semaphore(%arg15 : memref<!tpu.dma_semaphore, #tpu.memory_space<semaphore_mem>>) src(%dma_wait3A_217 : memref<50000x32xbf16, #tpu.memory_space<hbm>>) dst(%arg11 : memref<800x32xbf16, #tpu.memory_space<vmem>>)
          %scan3A_218 = arith.constant 0 : i32
          %scan3A_219 = arith.constant 0 : i32
          %scan3A_220 = arith.constant 800 : i32
          %scan3A_221 = arith.addi %scan3A_219, %scan3A_220 : i32
          %scan3A_222 = arith.constant 1 : i32
          scf.for %scan3A_232 = %scan3A_219 to %scan3A_221 step %scan3A_222  : i32 {
            %get3A = arith.index_cast %scan3A_232 : i32 to index
            %get3A_233 = arith.constant 0 : index
            %get3A_234 = tpu.vector_load %arg11[%get3A, %get3A_233] {strides = array<i32>} : memref<800x32xbf16, #tpu.memory_space<vmem>>, vector<32xbf16>,
            %broadcast_in_dim3A = vector.broadcast %scan3A_232 : i32 to vector<16xi32>
            %gather3A = tpu.vector_load_idx %arg10[%broadcast_in_dim3A] : memref<800xf32, #tpu.memory_space<vmem>>[vector<16xi32>], vector<16xf32>,
            %unpack3A = tpu.unpack_subelements %get3A_234, 0 {pack_format = #tpu.pack_format<interleaved>} : vector<32xbf16> -> vector<16xf32>
            %unpack3A_235 = tpu.unpack_subelements %get3A_234, 1 {pack_format = #tpu.pack_format<interleaved>} : vector<32xbf16> -> vector<16xf32>
            %mul3A_236 = arith.mulf %unpack3A, %gather3A : vector<16xf32>
            %mul3A_237 = arith.mulf %unpack3A_235, %gather3A : vector<16xf32>
            %pack3A = tpu.pack_subelements %mul3A_236, %mul3A_237 {pack_format = #tpu.pack_format<interleaved>, positions = array<i32: 0, 1>} : vector<16xf32>, vector<16xf32> -> vector<32xbf16>
            %swap3A = arith.index_cast %scan3A_232 : i32 to index
            %swap3A_238 = arith.constant 0 : index
            %swap3A_239 = tpu.vector_load %arg12[%swap3A, %swap3A_238] {strides = array<i32>} : memref<800x32xbf16, #tpu.memory_space<vmem>>, vector<32xbf16>,
            tpu.vector_store %arg12[%swap3A, %swap3A_238], %pack3A {strides = array<i32>} : memref<800x32xbf16, #tpu.memory_space<vmem>>, vector<32xbf16>,
          }
          %scan3A_223 = arith.constant 800 : i32
          %scan3A_224 = arith.constant 0 : i32
          %scan3A_225 = arith.constant 0 : i32
          %scan3A_226 = arith.constant 50 : i32
          %scan3A_227 = arith.addi %scan3A_225, %scan3A_226 : i32
          %scan3A_228 = arith.constant 1 : i32
          scf.for %scan3A_232 = %scan3A_225 to %scan3A_227 step %scan3A_228  : i32 {
            %mul3A_233 = arith.constant 16 : i32
            %mul3A_234 = arith.muli %scan3A_232, %mul3A_233 : i32
            %get3A = arith.index_cast %mul3A_234 : i32 to index
            %get3A_235 = tpu.vector_load %arg9[%get3A] {strides = array<i32>} : memref<800xi32, #tpu.memory_space<vmem>>, vector<16xi32>,
            %mul3A_236 = arith.constant 16 : i32
            %mul3A_237 = arith.muli %scan3A_232, %mul3A_236 : i32
            %swap3A = arith.index_cast %mul3A_237 : i32 to index
            %swap3A_238 = tpu.vector_load %arg13[%swap3A] {strides = array<i32>} : memref<800xi32, #tpu.memory_space<vmem>>, vector<16xi32>,
            tpu.vector_store %arg13[%swap3A], %get3A_235 {strides = array<i32>} : memref<800xi32, #tpu.memory_space<vmem>>, vector<16xi32>,
          }
          %scan3A_229 = arith.constant 50 : i32
          %dma_start3A = arith.constant 0 : i32
          %dma_start3A_230 = arith.constant 0 : i32
          %dma_start3A_231 = tpu.memref_slice %arg7[%dma_start3A, %dma_start3A_230] : memref<50000x32xbf16, #tpu.memory_space<vmem_shared>> -> memref<50000x32xbf16, #tpu.memory_space<vmem_shared>>
          tpu.enqueue_indirect_dma source(%arg12 : memref<800x32xbf16, #tpu.memory_space<vmem>>) target(%dma_start3A_231 : memref<50000x32xbf16, #tpu.memory_space<vmem_shared>>) offsets(%arg13 : memref<800xi32, #tpu.memory_space<vmem>>) semaphore(%arg16 : memref<!tpu.dma_semaphore, #tpu.memory_space<semaphore_mem>>) {add = true}
        } else {
        }
        %add3A_209 = arith.constant 16 : i32
        %add3A_210 = arith.addi %add3A_183, %add3A_209 : i32
        %lt3A_211 = arith.constant 500 : i32
        %lt3A_212 = arith.cmpi slt, %add3A_210, %lt3A_211 : i32
        %convert_element_type3A_213 = arith.extui %lt3A_212 : i1 to i32
        %cond3A_214 = arith.constant 0 : i32
        %cond3A_215 = arith.cmpi ne, %convert_element_type3A_213, %cond3A_214 : i32
        scf.if %cond3A_215 {
          %add3A_216 = arith.constant 16 : i32
          %add3A_217 = arith.addi %add3A_183, %add3A_216 : i32
          %mul3A_218 = arith.constant 800 : i32
          %mul3A_219 = arith.muli %add3A_217, %mul3A_218 : i32
          %dma_start3A = tpu.memref_slice %arg3[%mul3A_219] : memref<800000xi32, #tpu.memory_space<hbm>> -> memref<800xi32, #tpu.memory_space<hbm>>
          %dma_start3A_220 = tpu.memref_slice %arg3[%mul3A_219] : memref<800000xi32, #tpu.memory_space<hbm>> -> memref<800xi32, #tpu.memory_space<hbm>>
          tpu.enqueue_dma source(%dma_start3A_220 : memref<800xi32, #tpu.memory_space<hbm>>) target(%arg8 : memref<800xi32, #tpu.memory_space<vmem>>) target_semaphore(%arg14 : memref<!tpu.dma_semaphore, #tpu.memory_space<semaphore_mem>>)
          %dma_start3A_221 = tpu.memref_slice %arg4[%mul3A_219] : memref<800000xi32, #tpu.memory_space<hbm>> -> memref<800xi32, #tpu.memory_space<hbm>>
          %dma_start3A_222 = tpu.memref_slice %arg4[%mul3A_219] : memref<800000xi32, #tpu.memory_space<hbm>> -> memref<800xi32, #tpu.memory_space<hbm>>
          tpu.enqueue_dma source(%dma_start3A_222 : memref<800xi32, #tpu.memory_space<hbm>>) target(%arg9 : memref<800xi32, #tpu.memory_space<vmem>>) target_semaphore(%arg14 : memref<!tpu.dma_semaphore, #tpu.memory_space<semaphore_mem>>)
          %dma_start3A_223 = tpu.memref_slice %arg5[%mul3A_219] : memref<800000xf32, #tpu.memory_space<hbm>> -> memref<800xf32, #tpu.memory_space<hbm>>
          %dma_start3A_224 = tpu.memref_slice %arg5[%mul3A_219] : memref<800000xf32, #tpu.memory_space<hbm>> -> memref<800xf32, #tpu.memory_space<hbm>>
          tpu.enqueue_dma source(%dma_start3A_224 : memref<800xf32, #tpu.memory_space<hbm>>) target(%arg10 : memref<800xf32, #tpu.memory_space<vmem>>) target_semaphore(%arg14 : memref<!tpu.dma_semaphore, #tpu.memory_space<semaphore_mem>>)
        } else {
        }
      }
      %scan3A_78 = arith.constant 18 : i32
      %barrier3A_79 = arith.constant 0 : index
      tpu.barrier barrier_id(%barrier3A_79)
      %add3A_80 = arith.constant 0 : i32
      %add3A_81 = arith.addi %arg1, %add3A_80 : i32
      %lt3A_82 = arith.constant 125 : i32
      %lt3A_83 = arith.cmpi slt, %add3A_81, %lt3A_82 : i32
      %convert_element_type3A_84 = arith.extui %lt3A_83 : i1 to i32
      %cond3A_85 = arith.constant 0 : i32
      %cond3A_86 = arith.cmpi ne, %convert_element_type3A_84, %cond3A_85 : i32
      scf.if %cond3A_86 {
        %mul3A = arith.constant 400 : i32
        %mul3A_137 = arith.muli %add3A_81, %mul3A : i32
        %mul3A_138 = arith.constant 400 : i32
        %mul3A_139 = arith.muli %add3A_81, %mul3A_138 : i32
        %run_scoped3A = arith.constant 0 : i32
        "tpu.region"() ({
          %run_scoped3A_140 = tpu.sem_alloc : memref<!tpu.dma_semaphore, #tpu.memory_space<semaphore_mem>>
          %dma_start3A = arith.constant 0 : i32
          %dma_start3A_141 = tpu.memref_slice %arg6[%run_scoped3A, %mul3A_139, %dma_start3A] : memref<2x50000x32xbf16, #tpu.memory_space<hbm>> -> memref<1x400x32xbf16, #tpu.memory_space<hbm>>
          %dma_start3A_142 = tpu.memref_squeeze %dma_start3A_141 : memref<1x400x32xbf16, #tpu.memory_space<hbm>> -> memref<400x32xbf16, #tpu.memory_space<hbm>>
          %dma_start3A_143 = arith.constant 0 : i32
          %dma_start3A_144 = tpu.memref_slice %arg7[%mul3A_137, %dma_start3A_143] : memref<50000x32xbf16, #tpu.memory_space<vmem_shared>> -> memref<400x32xbf16, #tpu.memory_space<vmem_shared>>
          tpu.enqueue_dma source(%dma_start3A_144 : memref<400x32xbf16, #tpu.memory_space<vmem_shared>>) target(%dma_start3A_142 : memref<400x32xbf16, #tpu.memory_space<hbm>>) target_semaphore(%run_scoped3A_140 : memref<!tpu.dma_semaphore, #tpu.memory_space<semaphore_mem>>)
          %dma_wait3A = arith.constant 0 : i32
          %dma_wait3A_145 = tpu.memref_slice %arg6[%run_scoped3A, %mul3A_139, %dma_wait3A] : memref<2x50000x32xbf16, #tpu.memory_space<hbm>> -> memref<1x400x32xbf16, #tpu.memory_space<hbm>>
          %dma_wait3A_146 = tpu.memref_squeeze %dma_wait3A_145 : memref<1x400x32xbf16, #tpu.memory_space<hbm>> -> memref<400x32xbf16, #tpu.memory_space<hbm>>
          %dma_wait3A_147 = arith.constant 0 : i32
          %dma_wait3A_148 = tpu.memref_slice %arg7[%mul3A_137, %dma_wait3A_147] : memref<50000x32xbf16, #tpu.memory_space<vmem_shared>> -> memref<400x32xbf16, #tpu.memory_space<vmem_shared>>
          tpu.wait_dma2 semaphore(%run_scoped3A_140 : memref<!tpu.dma_semaphore, #tpu.memory_space<semaphore_mem>>) src(%dma_wait3A_148 : memref<400x32xbf16, #tpu.memory_space<vmem_shared>>) dst(%dma_wait3A_146 : memref<400x32xbf16, #tpu.memory_space<hbm>>)
          tpu.yield
        }) : () -> ()
      } else {
      }
      %add3A_87 = arith.constant 16 : i32
      %add3A_88 = arith.addi %arg1, %add3A_87 : i32
      %lt3A_89 = arith.constant 125 : i32
      %lt3A_90 = arith.cmpi slt, %add3A_88, %lt3A_89 : i32
      %convert_element_type3A_91 = arith.extui %lt3A_90 : i1 to i32
      %cond3A_92 = arith.constant 0 : i32
      %cond3A_93 = arith.cmpi ne, %convert_element_type3A_91, %cond3A_92 : i32
      scf.if %cond3A_93 {
        %mul3A = arith.constant 400 : i32
        %mul3A_137 = arith.muli %add3A_88, %mul3A : i32
        %mul3A_138 = arith.constant 400 : i32
        %mul3A_139 = arith.muli %add3A_88, %mul3A_138 : i32
        %run_scoped3A = arith.constant 0 : i32
        "tpu.region"() ({
          %run_scoped3A_140 = tpu.sem_alloc : memref<!tpu.dma_semaphore, #tpu.memory_space<semaphore_mem>>
          %dma_start3A = arith.constant 0 : i32
          %dma_start3A_141 = tpu.memref_slice %arg6[%run_scoped3A, %mul3A_139, %dma_start3A] : memref<2x50000x32xbf16, #tpu.memory_space<hbm>> -> memref<1x400x32xbf16, #tpu.memory_space<hbm>>
          %dma_start3A_142 = tpu.memref_squeeze %dma_start3A_141 : memref<1x400x32xbf16, #tpu.memory_space<hbm>> -> memref<400x32xbf16, #tpu.memory_space<hbm>>
          %dma_start3A_143 = arith.constant 0 : i32
          %dma_start3A_144 = tpu.memref_slice %arg7[%mul3A_137, %dma_start3A_143] : memref<50000x32xbf16, #tpu.memory_space<vmem_shared>> -> memref<400x32xbf16, #tpu.memory_space<vmem_shared>>
          tpu.enqueue_dma source(%dma_start3A_144 : memref<400x32xbf16, #tpu.memory_space<vmem_shared>>) target(%dma_start3A_142 : memref<400x32xbf16, #tpu.memory_space<hbm>>) target_semaphore(%run_scoped3A_140 : memref<!tpu.dma_semaphore, #tpu.memory_space<semaphore_mem>>)
          %dma_wait3A = arith.constant 0 : i32
          %dma_wait3A_145 = tpu.memref_slice %arg6[%run_scoped3A, %mul3A_139, %dma_wait3A] : memref<2x50000x32xbf16, #tpu.memory_space<hbm>> -> memref<1x400x32xbf16, #tpu.memory_space<hbm>>
          %dma_wait3A_146 = tpu.memref_squeeze %dma_wait3A_145 : memref<1x400x32xbf16, #tpu.memory_space<hbm>> -> memref<400x32xbf16, #tpu.memory_space<hbm>>
          %dma_wait3A_147 = arith.constant 0 : i32
          %dma_wait3A_148 = tpu.memref_slice %arg7[%mul3A_137, %dma_wait3A_147] : memref<50000x32xbf16, #tpu.memory_space<vmem_shared>> -> memref<400x32xbf16, #tpu.memory_space<vmem_shared>>
          tpu.wait_dma2 semaphore(%run_scoped3A_140 : memref<!tpu.dma_semaphore, #tpu.memory_space<semaphore_mem>>) src(%dma_wait3A_148 : memref<400x32xbf16, #tpu.memory_space<vmem_shared>>) dst(%dma_wait3A_146 : memref<400x32xbf16, #tpu.memory_space<hbm>>)
          tpu.yield
        }) : () -> ()
      } else {
      }
      %add3A_94 = arith.constant 32 : i32
      %add3A_95 = arith.addi %arg1, %add3A_94 : i32
      %lt3A_96 = arith.constant 125 : i32
      %lt3A_97 = arith.cmpi slt, %add3A_95, %lt3A_96 : i32
      %convert_element_type3A_98 = arith.extui %lt3A_97 : i1 to i32
      %cond3A_99 = arith.constant 0 : i32
      %cond3A_100 = arith.cmpi ne, %convert_element_type3A_98, %cond3A_99 : i32
      scf.if %cond3A_100 {
        %mul3A = arith.constant 400 : i32
        %mul3A_137 = arith.muli %add3A_95, %mul3A : i32
        %mul3A_138 = arith.constant 400 : i32
        %mul3A_139 = arith.muli %add3A_95, %mul3A_138 : i32
        %run_scoped3A = arith.constant 0 : i32
        "tpu.region"() ({
          %run_scoped3A_140 = tpu.sem_alloc : memref<!tpu.dma_semaphore, #tpu.memory_space<semaphore_mem>>
          %dma_start3A = arith.constant 0 : i32
          %dma_start3A_141 = tpu.memref_slice %arg6[%run_scoped3A, %mul3A_139, %dma_start3A] : memref<2x50000x32xbf16, #tpu.memory_space<hbm>> -> memref<1x400x32xbf16, #tpu.memory_space<hbm>>
          %dma_start3A_142 = tpu.memref_squeeze %dma_start3A_141 : memref<1x400x32xbf16, #tpu.memory_space<hbm>> -> memref<400x32xbf16, #tpu.memory_space<hbm>>
          %dma_start3A_143 = arith.constant 0 : i32
          %dma_start3A_144 = tpu.memref_slice %arg7[%mul3A_137, %dma_start3A_143] : memref<50000x32xbf16, #tpu.memory_space<vmem_shared>> -> memref<400x32xbf16, #tpu.memory_space<vmem_shared>>
          tpu.enqueue_dma source(%dma_start3A_144 : memref<400x32xbf16, #tpu.memory_space<vmem_shared>>) target(%dma_start3A_142 : memref<400x32xbf16, #tpu.memory_space<hbm>>) target_semaphore(%run_scoped3A_140 : memref<!tpu.dma_semaphore, #tpu.memory_space<semaphore_mem>>)
          %dma_wait3A = arith.constant 0 : i32
          %dma_wait3A_145 = tpu.memref_slice %arg6[%run_scoped3A, %mul3A_139, %dma_wait3A] : memref<2x50000x32xbf16, #tpu.memory_space<hbm>> -> memref<1x400x32xbf16, #tpu.memory_space<hbm>>
          %dma_wait3A_146 = tpu.memref_squeeze %dma_wait3A_145 : memref<1x400x32xbf16, #tpu.memory_space<hbm>> -> memref<400x32xbf16, #tpu.memory_space<hbm>>
          %dma_wait3A_147 = arith.constant 0 : i32
          %dma_wait3A_148 = tpu.memref_slice %arg7[%mul3A_137, %dma_wait3A_147] : memref<50000x32xbf16, #tpu.memory_space<vmem_shared>> -> memref<400x32xbf16, #tpu.memory_space<vmem_shared>>
          tpu.wait_dma2 semaphore(%run_scoped3A_140 : memref<!tpu.dma_semaphore, #tpu.memory_space<semaphore_mem>>) src(%dma_wait3A_148 : memref<400x32xbf16, #tpu.memory_space<vmem_shared>>) dst(%dma_wait3A_146 : memref<400x32xbf16, #tpu.memory_space<hbm>>)
          tpu.yield
        }) : () -> ()
      } else {
      }
      %add3A_101 = arith.constant 48 : i32
      %add3A_102 = arith.addi %arg1, %add3A_101 : i32
      %lt3A_103 = arith.constant 125 : i32
      %lt3A_104 = arith.cmpi slt, %add3A_102, %lt3A_103 : i32
      %convert_element_type3A_105 = arith.extui %lt3A_104 : i1 to i32
      %cond3A_106 = arith.constant 0 : i32
      %cond3A_107 = arith.cmpi ne, %convert_element_type3A_105, %cond3A_106 : i32
      scf.if %cond3A_107 {
        %mul3A = arith.constant 400 : i32
        %mul3A_137 = arith.muli %add3A_102, %mul3A : i32
        %mul3A_138 = arith.constant 400 : i32
        %mul3A_139 = arith.muli %add3A_102, %mul3A_138 : i32
        %run_scoped3A = arith.constant 0 : i32
        "tpu.region"() ({
          %run_scoped3A_140 = tpu.sem_alloc : memref<!tpu.dma_semaphore, #tpu.memory_space<semaphore_mem>>
          %dma_start3A = arith.constant 0 : i32
          %dma_start3A_141 = tpu.memref_slice %arg6[%run_scoped3A, %mul3A_139, %dma_start3A] : memref<2x50000x32xbf16, #tpu.memory_space<hbm>> -> memref<1x400x32xbf16, #tpu.memory_space<hbm>>
          %dma_start3A_142 = tpu.memref_squeeze %dma_start3A_141 : memref<1x400x32xbf16, #tpu.memory_space<hbm>> -> memref<400x32xbf16, #tpu.memory_space<hbm>>
          %dma_start3A_143 = arith.constant 0 : i32
          %dma_start3A_144 = tpu.memref_slice %arg7[%mul3A_137, %dma_start3A_143] : memref<50000x32xbf16, #tpu.memory_space<vmem_shared>> -> memref<400x32xbf16, #tpu.memory_space<vmem_shared>>
          tpu.enqueue_dma source(%dma_start3A_144 : memref<400x32xbf16, #tpu.memory_space<vmem_shared>>) target(%dma_start3A_142 : memref<400x32xbf16, #tpu.memory_space<hbm>>) target_semaphore(%run_scoped3A_140 : memref<!tpu.dma_semaphore, #tpu.memory_space<semaphore_mem>>)
          %dma_wait3A = arith.constant 0 : i32
          %dma_wait3A_145 = tpu.memref_slice %arg6[%run_scoped3A, %mul3A_139, %dma_wait3A] : memref<2x50000x32xbf16, #tpu.memory_space<hbm>> -> memref<1x400x32xbf16, #tpu.memory_space<hbm>>
          %dma_wait3A_146 = tpu.memref_squeeze %dma_wait3A_145 : memref<1x400x32xbf16, #tpu.memory_space<hbm>> -> memref<400x32xbf16, #tpu.memory_space<hbm>>
          %dma_wait3A_147 = arith.constant 0 : i32
          %dma_wait3A_148 = tpu.memref_slice %arg7[%mul3A_137, %dma_wait3A_147] : memref<50000x32xbf16, #tpu.memory_space<vmem_shared>> -> memref<400x32xbf16, #tpu.memory_space<vmem_shared>>
          tpu.wait_dma2 semaphore(%run_scoped3A_140 : memref<!tpu.dma_semaphore, #tpu.memory_space<semaphore_mem>>) src(%dma_wait3A_148 : memref<400x32xbf16, #tpu.memory_space<vmem_shared>>) dst(%dma_wait3A_146 : memref<400x32xbf16, #tpu.memory_space<hbm>>)
          tpu.yield
        }) : () -> ()
      } else {
      }
      %add3A_108 = arith.constant 64 : i32
      %add3A_109 = arith.addi %arg1, %add3A_108 : i32
      %lt3A_110 = arith.constant 125 : i32
      %lt3A_111 = arith.cmpi slt, %add3A_109, %lt3A_110 : i32
      %convert_element_type3A_112 = arith.extui %lt3A_111 : i1 to i32
      %cond3A_113 = arith.constant 0 : i32
      %cond3A_114 = arith.cmpi ne, %convert_element_type3A_112, %cond3A_113 : i32
      scf.if %cond3A_114 {
        %mul3A = arith.constant 400 : i32
        %mul3A_137 = arith.muli %add3A_109, %mul3A : i32
        %mul3A_138 = arith.constant 400 : i32
        %mul3A_139 = arith.muli %add3A_109, %mul3A_138 : i32
        %run_scoped3A = arith.constant 0 : i32
        "tpu.region"() ({
          %run_scoped3A_140 = tpu.sem_alloc : memref<!tpu.dma_semaphore, #tpu.memory_space<semaphore_mem>>
          %dma_start3A = arith.constant 0 : i32
          %dma_start3A_141 = tpu.memref_slice %arg6[%run_scoped3A, %mul3A_139, %dma_start3A] : memref<2x50000x32xbf16, #tpu.memory_space<hbm>> -> memref<1x400x32xbf16, #tpu.memory_space<hbm>>
          %dma_start3A_142 = tpu.memref_squeeze %dma_start3A_141 : memref<1x400x32xbf16, #tpu.memory_space<hbm>> -> memref<400x32xbf16, #tpu.memory_space<hbm>>
          %dma_start3A_143 = arith.constant 0 : i32
          %dma_start3A_144 = tpu.memref_slice %arg7[%mul3A_137, %dma_start3A_143] : memref<50000x32xbf16, #tpu.memory_space<vmem_shared>> -> memref<400x32xbf16, #tpu.memory_space<vmem_shared>>
          tpu.enqueue_dma source(%dma_start3A_144 : memref<400x32xbf16, #tpu.memory_space<vmem_shared>>) target(%dma_start3A_142 : memref<400x32xbf16, #tpu.memory_space<hbm>>) target_semaphore(%run_scoped3A_140 : memref<!tpu.dma_semaphore, #tpu.memory_space<semaphore_mem>>)
          %dma_wait3A = arith.constant 0 : i32
          %dma_wait3A_145 = tpu.memref_slice %arg6[%run_scoped3A, %mul3A_139, %dma_wait3A] : memref<2x50000x32xbf16, #tpu.memory_space<hbm>> -> memref<1x400x32xbf16, #tpu.memory_space<hbm>>
          %dma_wait3A_146 = tpu.memref_squeeze %dma_wait3A_145 : memref<1x400x32xbf16, #tpu.memory_space<hbm>> -> memref<400x32xbf16, #tpu.memory_space<hbm>>
          %dma_wait3A_147 = arith.constant 0 : i32
          %dma_wait3A_148 = tpu.memref_slice %arg7[%mul3A_137, %dma_wait3A_147] : memref<50000x32xbf16, #tpu.memory_space<vmem_shared>> -> memref<400x32xbf16, #tpu.memory_space<vmem_shared>>
          tpu.wait_dma2 semaphore(%run_scoped3A_140 : memref<!tpu.dma_semaphore, #tpu.memory_space<semaphore_mem>>) src(%dma_wait3A_148 : memref<400x32xbf16, #tpu.memory_space<vmem_shared>>) dst(%dma_wait3A_146 : memref<400x32xbf16, #tpu.memory_space<hbm>>)
          tpu.yield
        }) : () -> ()
      } else {
      }
      %add3A_115 = arith.constant 80 : i32
      %add3A_116 = arith.addi %arg1, %add3A_115 : i32
      %lt3A_117 = arith.constant 125 : i32
      %lt3A_118 = arith.cmpi slt, %add3A_116, %lt3A_117 : i32
      %convert_element_type3A_119 = arith.extui %lt3A_118 : i1 to i32
      %cond3A_120 = arith.constant 0 : i32
      %cond3A_121 = arith.cmpi ne, %convert_element_type3A_119, %cond3A_120 : i32
      scf.if %cond3A_121 {
        %mul3A = arith.constant 400 : i32
        %mul3A_137 = arith.muli %add3A_116, %mul3A : i32
        %mul3A_138 = arith.constant 400 : i32
        %mul3A_139 = arith.muli %add3A_116, %mul3A_138 : i32
        %run_scoped3A = arith.constant 0 : i32
        "tpu.region"() ({
          %run_scoped3A_140 = tpu.sem_alloc : memref<!tpu.dma_semaphore, #tpu.memory_space<semaphore_mem>>
          %dma_start3A = arith.constant 0 : i32
          %dma_start3A_141 = tpu.memref_slice %arg6[%run_scoped3A, %mul3A_139, %dma_start3A] : memref<2x50000x32xbf16, #tpu.memory_space<hbm>> -> memref<1x400x32xbf16, #tpu.memory_space<hbm>>
          %dma_start3A_142 = tpu.memref_squeeze %dma_start3A_141 : memref<1x400x32xbf16, #tpu.memory_space<hbm>> -> memref<400x32xbf16, #tpu.memory_space<hbm>>
          %dma_start3A_143 = arith.constant 0 : i32
          %dma_start3A_144 = tpu.memref_slice %arg7[%mul3A_137, %dma_start3A_143] : memref<50000x32xbf16, #tpu.memory_space<vmem_shared>> -> memref<400x32xbf16, #tpu.memory_space<vmem_shared>>
          tpu.enqueue_dma source(%dma_start3A_144 : memref<400x32xbf16, #tpu.memory_space<vmem_shared>>) target(%dma_start3A_142 : memref<400x32xbf16, #tpu.memory_space<hbm>>) target_semaphore(%run_scoped3A_140 : memref<!tpu.dma_semaphore, #tpu.memory_space<semaphore_mem>>)
          %dma_wait3A = arith.constant 0 : i32
          %dma_wait3A_145 = tpu.memref_slice %arg6[%run_scoped3A, %mul3A_139, %dma_wait3A] : memref<2x50000x32xbf16, #tpu.memory_space<hbm>> -> memref<1x400x32xbf16, #tpu.memory_space<hbm>>
          %dma_wait3A_146 = tpu.memref_squeeze %dma_wait3A_145 : memref<1x400x32xbf16, #tpu.memory_space<hbm>> -> memref<400x32xbf16, #tpu.memory_space<hbm>>
          %dma_wait3A_147 = arith.constant 0 : i32
          %dma_wait3A_148 = tpu.memref_slice %arg7[%mul3A_137, %dma_wait3A_147] : memref<50000x32xbf16, #tpu.memory_space<vmem_shared>> -> memref<400x32xbf16, #tpu.memory_space<vmem_shared>>
          tpu.wait_dma2 semaphore(%run_scoped3A_140 : memref<!tpu.dma_semaphore, #tpu.memory_space<semaphore_mem>>) src(%dma_wait3A_148 : memref<400x32xbf16, #tpu.memory_space<vmem_shared>>) dst(%dma_wait3A_146 : memref<400x32xbf16, #tpu.memory_space<hbm>>)
          tpu.yield
        }) : () -> ()
      } else {
      }
      %add3A_122 = arith.constant 96 : i32
      %add3A_123 = arith.addi %arg1, %add3A_122 : i32
      %lt3A_124 = arith.constant 125 : i32
      %lt3A_125 = arith.cmpi slt, %add3A_123, %lt3A_124 : i32
      %convert_element_type3A_126 = arith.extui %lt3A_125 : i1 to i32
      %cond3A_127 = arith.constant 0 : i32
      %cond3A_128 = arith.cmpi ne, %convert_element_type3A_126, %cond3A_127 : i32
      scf.if %cond3A_128 {
        %mul3A = arith.constant 400 : i32
        %mul3A_137 = arith.muli %add3A_123, %mul3A : i32
        %mul3A_138 = arith.constant 400 : i32
        %mul3A_139 = arith.muli %add3A_123, %mul3A_138 : i32
        %run_scoped3A = arith.constant 0 : i32
        "tpu.region"() ({
          %run_scoped3A_140 = tpu.sem_alloc : memref<!tpu.dma_semaphore, #tpu.memory_space<semaphore_mem>>
          %dma_start3A = arith.constant 0 : i32
          %dma_start3A_141 = tpu.memref_slice %arg6[%run_scoped3A, %mul3A_139, %dma_start3A] : memref<2x50000x32xbf16, #tpu.memory_space<hbm>> -> memref<1x400x32xbf16, #tpu.memory_space<hbm>>
          %dma_start3A_142 = tpu.memref_squeeze %dma_start3A_141 : memref<1x400x32xbf16, #tpu.memory_space<hbm>> -> memref<400x32xbf16, #tpu.memory_space<hbm>>
          %dma_start3A_143 = arith.constant 0 : i32
          %dma_start3A_144 = tpu.memref_slice %arg7[%mul3A_137, %dma_start3A_143] : memref<50000x32xbf16, #tpu.memory_space<vmem_shared>> -> memref<400x32xbf16, #tpu.memory_space<vmem_shared>>
          tpu.enqueue_dma source(%dma_start3A_144 : memref<400x32xbf16, #tpu.memory_space<vmem_shared>>) target(%dma_start3A_142 : memref<400x32xbf16, #tpu.memory_space<hbm>>) target_semaphore(%run_scoped3A_140 : memref<!tpu.dma_semaphore, #tpu.memory_space<semaphore_mem>>)
          %dma_wait3A = arith.constant 0 : i32
          %dma_wait3A_145 = tpu.memref_slice %arg6[%run_scoped3A, %mul3A_139, %dma_wait3A] : memref<2x50000x32xbf16, #tpu.memory_space<hbm>> -> memref<1x400x32xbf16, #tpu.memory_space<hbm>>
          %dma_wait3A_146 = tpu.memref_squeeze %dma_wait3A_145 : memref<1x400x32xbf16, #tpu.memory_space<hbm>> -> memref<400x32xbf16, #tpu.memory_space<hbm>>
          %dma_wait3A_147 = arith.constant 0 : i32
          %dma_wait3A_148 = tpu.memref_slice %arg7[%mul3A_137, %dma_wait3A_147] : memref<50000x32xbf16, #tpu.memory_space<vmem_shared>> -> memref<400x32xbf16, #tpu.memory_space<vmem_shared>>
          tpu.wait_dma2 semaphore(%run_scoped3A_140 : memref<!tpu.dma_semaphore, #tpu.memory_space<semaphore_mem>>) src(%dma_wait3A_148 : memref<400x32xbf16, #tpu.memory_space<vmem_shared>>) dst(%dma_wait3A_146 : memref<400x32xbf16, #tpu.memory_space<hbm>>)
          tpu.yield
        }) : () -> ()
      } else {
      }
      %add3A_129 = arith.constant 112 : i32
      %add3A_130 = arith.addi %arg1, %add3A_129 : i32
      %lt3A_131 = arith.constant 125 : i32
      %lt3A_132 = arith.cmpi slt, %add3A_130, %lt3A_131 : i32
      %convert_element_type3A_133 = arith.extui %lt3A_132 : i1 to i32
      %cond3A_134 = arith.constant 0 : i32
      %cond3A_135 = arith.cmpi ne, %convert_element_type3A_133, %cond3A_134 : i32
      scf.if %cond3A_135 {
        %mul3A = arith.constant 400 : i32
        %mul3A_137 = arith.muli %add3A_130, %mul3A : i32
        %mul3A_138 = arith.constant 400 : i32
        %mul3A_139 = arith.muli %add3A_130, %mul3A_138 : i32
        %run_scoped3A = arith.constant 0 : i32
        "tpu.region"() ({
          %run_scoped3A_140 = tpu.sem_alloc : memref<!tpu.dma_semaphore, #tpu.memory_space<semaphore_mem>>
          %dma_start3A = arith.constant 0 : i32
          %dma_start3A_141 = tpu.memref_slice %arg6[%run_scoped3A, %mul3A_139, %dma_start3A] : memref<2x50000x32xbf16, #tpu.memory_space<hbm>> -> memref<1x400x32xbf16, #tpu.memory_space<hbm>>
          %dma_start3A_142 = tpu.memref_squeeze %dma_start3A_141 : memref<1x400x32xbf16, #tpu.memory_space<hbm>> -> memref<400x32xbf16, #tpu.memory_space<hbm>>
          %dma_start3A_143 = arith.constant 0 : i32
          %dma_start3A_144 = tpu.memref_slice %arg7[%mul3A_137, %dma_start3A_143] : memref<50000x32xbf16, #tpu.memory_space<vmem_shared>> -> memref<400x32xbf16, #tpu.memory_space<vmem_shared>>
          tpu.enqueue_dma source(%dma_start3A_144 : memref<400x32xbf16, #tpu.memory_space<vmem_shared>>) target(%dma_start3A_142 : memref<400x32xbf16, #tpu.memory_space<hbm>>) target_semaphore(%run_scoped3A_140 : memref<!tpu.dma_semaphore, #tpu.memory_space<semaphore_mem>>)
          %dma_wait3A = arith.constant 0 : i32
          %dma_wait3A_145 = tpu.memref_slice %arg6[%run_scoped3A, %mul3A_139, %dma_wait3A] : memref<2x50000x32xbf16, #tpu.memory_space<hbm>> -> memref<1x400x32xbf16, #tpu.memory_space<hbm>>
          %dma_wait3A_146 = tpu.memref_squeeze %dma_wait3A_145 : memref<1x400x32xbf16, #tpu.memory_space<hbm>> -> memref<400x32xbf16, #tpu.memory_space<hbm>>
          %dma_wait3A_147 = arith.constant 0 : i32
          %dma_wait3A_148 = tpu.memref_slice %arg7[%mul3A_137, %dma_wait3A_147] : memref<50000x32xbf16, #tpu.memory_space<vmem_shared>> -> memref<400x32xbf16, #tpu.memory_space<vmem_shared>>
          tpu.wait_dma2 semaphore(%run_scoped3A_140 : memref<!tpu.dma_semaphore, #tpu.memory_space<semaphore_mem>>) src(%dma_wait3A_148 : memref<400x32xbf16, #tpu.memory_space<vmem_shared>>) dst(%dma_wait3A_146 : memref<400x32xbf16, #tpu.memory_space<hbm>>)
          tpu.yield
        }) : () -> ()
      } else {
      }
      %barrier3A_136 = arith.constant 0 : index
      tpu.barrier barrier_id(%barrier3A_136)
    } else {
    }
    %eq3A_2 = arith.constant 1 : i32
    %eq3A_3 = arith.cmpi eq, %arg0, %eq3A_2 : i32
    %convert_element_type3A_4 = arith.extui %eq3A_3 : i1 to i32
    %cond3A_5 = arith.constant 0 : i32
    %cond3A_6 = arith.cmpi ne, %convert_element_type3A_4, %cond3A_5 : i32
    scf.if %cond3A_6 {
      %scan3A = arith.constant 0 : i32
      %scan3A_7 = arith.constant 0 : i32
      %scan3A_8 = arith.constant 400 : i32
      %scan3A_9 = arith.addi %scan3A_7, %scan3A_8 : i32
      %scan3A_10 = arith.constant 1 : i32
      scf.for %scan3A_137 = %scan3A_7 to %scan3A_9 step %scan3A_10  : i32 {
        %broadcast_in_dim3A = arith.constant 0.000000e+00 : bf16
        %broadcast_in_dim3A_138 = vector.broadcast %broadcast_in_dim3A : bf16 to vector<32xbf16>
        %swap3A = arith.index_cast %scan3A_137 : i32 to index
        %swap3A_139 = arith.constant 0 : index
        %swap3A_140 = tpu.vector_load %arg12[%swap3A, %swap3A_139] {strides = array<i32>} : memref<800x32xbf16, #tpu.memory_space<vmem>>, vector<32xbf16>,
        tpu.vector_store %arg12[%swap3A, %swap3A_139], %broadcast_in_dim3A_138 {strides = array<i32>} : memref<800x32xbf16, #tpu.memory_space<vmem>>, vector<32xbf16>,
      }
      %scan3A_11 = arith.constant 400 : i32
      %add3A = arith.constant 0 : i32
      %add3A_12 = arith.addi %arg1, %add3A : i32
      %lt3A = arith.constant 125 : i32
      %lt3A_13 = arith.cmpi slt, %add3A_12, %lt3A : i32
      %convert_element_type3A_14 = arith.extui %lt3A_13 : i1 to i32
      %cond3A_15 = arith.constant 0 : i32
      %cond3A_16 = arith.cmpi ne, %convert_element_type3A_14, %cond3A_15 : i32
      scf.if %cond3A_16 {
        %mul3A = arith.constant 400 : i32
        %mul3A_137 = arith.muli %add3A_12, %mul3A : i32
        "tpu.region"() ({
          %run_scoped3A = tpu.sem_alloc : memref<!tpu.dma_semaphore, #tpu.memory_space<semaphore_mem>>
          %dma_start3A = arith.constant 0 : i32
          %dma_start3A_138 = arith.constant 0 : i32
          %dma_start3A_139 = tpu.memref_slice %arg12[%dma_start3A, %dma_start3A_138] : memref<800x32xbf16, #tpu.memory_space<vmem>> -> memref<400x32xbf16, #tpu.memory_space<vmem>>
          %dma_start3A_140 = arith.constant 0 : i32
          %dma_start3A_141 = tpu.memref_slice %arg7[%mul3A_137, %dma_start3A_140] : memref<50000x32xbf16, #tpu.memory_space<vmem_shared>> -> memref<400x32xbf16, #tpu.memory_space<vmem_shared>>
          %dma_start3A_142 = arith.constant 0 : i32
          %dma_start3A_143 = tpu.memref_slice %arg7[%mul3A_137, %dma_start3A_142] : memref<50000x32xbf16, #tpu.memory_space<vmem_shared>> -> memref<400x32xbf16, #tpu.memory_space<vmem_shared>>
          %dma_start3A_144 = arith.constant 0 : i32
          %dma_start3A_145 = arith.constant 0 : i32
          %dma_start3A_146 = tpu.memref_slice %arg12[%dma_start3A_144, %dma_start3A_145] : memref<800x32xbf16, #tpu.memory_space<vmem>> -> memref<400x32xbf16, #tpu.memory_space<vmem>>
          tpu.enqueue_dma source(%dma_start3A_146 : memref<400x32xbf16, #tpu.memory_space<vmem>>) target(%dma_start3A_143 : memref<400x32xbf16, #tpu.memory_space<vmem_shared>>) target_semaphore(%run_scoped3A : memref<!tpu.dma_semaphore, #tpu.memory_space<semaphore_mem>>)
          %dma_wait3A = arith.constant 0 : i32
          %dma_wait3A_147 = arith.constant 0 : i32
          %dma_wait3A_148 = tpu.memref_slice %arg12[%dma_wait3A, %dma_wait3A_147] : memref<800x32xbf16, #tpu.memory_space<vmem>> -> memref<400x32xbf16, #tpu.memory_space<vmem>>
          %dma_wait3A_149 = arith.constant 0 : i32
          %dma_wait3A_150 = tpu.memref_slice %arg7[%mul3A_137, %dma_wait3A_149] : memref<50000x32xbf16, #tpu.memory_space<vmem_shared>> -> memref<400x32xbf16, #tpu.memory_space<vmem_shared>>
          %dma_wait3A_151 = arith.constant 0 : i32
          %dma_wait3A_152 = tpu.memref_slice %arg7[%mul3A_137, %dma_wait3A_151] : memref<50000x32xbf16, #tpu.memory_space<vmem_shared>> -> memref<400x32xbf16, #tpu.memory_space<vmem_shared>>
          %dma_wait3A_153 = arith.constant 0 : i32
          %dma_wait3A_154 = arith.constant 0 : i32
          %dma_wait3A_155 = tpu.memref_slice %arg12[%dma_wait3A_153, %dma_wait3A_154] : memref<800x32xbf16, #tpu.memory_space<vmem>> -> memref<400x32xbf16, #tpu.memory_space<vmem>>
          tpu.wait_dma2 semaphore(%run_scoped3A : memref<!tpu.dma_semaphore, #tpu.memory_space<semaphore_mem>>) src(%dma_wait3A_155 : memref<400x32xbf16, #tpu.memory_space<vmem>>) dst(%dma_wait3A_152 : memref<400x32xbf16, #tpu.memory_space<vmem_shared>>)
          tpu.yield
        }) : () -> ()
      } else {
      }
      %add3A_17 = arith.constant 16 : i32
      %add3A_18 = arith.addi %arg1, %add3A_17 : i32
      %lt3A_19 = arith.constant 125 : i32
      %lt3A_20 = arith.cmpi slt, %add3A_18, %lt3A_19 : i32
      %convert_element_type3A_21 = arith.extui %lt3A_20 : i1 to i32
      %cond3A_22 = arith.constant 0 : i32
      %cond3A_23 = arith.cmpi ne, %convert_element_type3A_21, %cond3A_22 : i32
      scf.if %cond3A_23 {
        %mul3A = arith.constant 400 : i32
        %mul3A_137 = arith.muli %add3A_18, %mul3A : i32
        "tpu.region"() ({
          %run_scoped3A = tpu.sem_alloc : memref<!tpu.dma_semaphore, #tpu.memory_space<semaphore_mem>>
          %dma_start3A = arith.constant 0 : i32
          %dma_start3A_138 = arith.constant 0 : i32
          %dma_start3A_139 = tpu.memref_slice %arg12[%dma_start3A, %dma_start3A_138] : memref<800x32xbf16, #tpu.memory_space<vmem>> -> memref<400x32xbf16, #tpu.memory_space<vmem>>
          %dma_start3A_140 = arith.constant 0 : i32
          %dma_start3A_141 = tpu.memref_slice %arg7[%mul3A_137, %dma_start3A_140] : memref<50000x32xbf16, #tpu.memory_space<vmem_shared>> -> memref<400x32xbf16, #tpu.memory_space<vmem_shared>>
          %dma_start3A_142 = arith.constant 0 : i32
          %dma_start3A_143 = tpu.memref_slice %arg7[%mul3A_137, %dma_start3A_142] : memref<50000x32xbf16, #tpu.memory_space<vmem_shared>> -> memref<400x32xbf16, #tpu.memory_space<vmem_shared>>
          %dma_start3A_144 = arith.constant 0 : i32
          %dma_start3A_145 = arith.constant 0 : i32
          %dma_start3A_146 = tpu.memref_slice %arg12[%dma_start3A_144, %dma_start3A_145] : memref<800x32xbf16, #tpu.memory_space<vmem>> -> memref<400x32xbf16, #tpu.memory_space<vmem>>
          tpu.enqueue_dma source(%dma_start3A_146 : memref<400x32xbf16, #tpu.memory_space<vmem>>) target(%dma_start3A_143 : memref<400x32xbf16, #tpu.memory_space<vmem_shared>>) target_semaphore(%run_scoped3A : memref<!tpu.dma_semaphore, #tpu.memory_space<semaphore_mem>>)
          %dma_wait3A = arith.constant 0 : i32
          %dma_wait3A_147 = arith.constant 0 : i32
          %dma_wait3A_148 = tpu.memref_slice %arg12[%dma_wait3A, %dma_wait3A_147] : memref<800x32xbf16, #tpu.memory_space<vmem>> -> memref<400x32xbf16, #tpu.memory_space<vmem>>
          %dma_wait3A_149 = arith.constant 0 : i32
          %dma_wait3A_150 = tpu.memref_slice %arg7[%mul3A_137, %dma_wait3A_149] : memref<50000x32xbf16, #tpu.memory_space<vmem_shared>> -> memref<400x32xbf16, #tpu.memory_space<vmem_shared>>
          %dma_wait3A_151 = arith.constant 0 : i32
          %dma_wait3A_152 = tpu.memref_slice %arg7[%mul3A_137, %dma_wait3A_151] : memref<50000x32xbf16, #tpu.memory_space<vmem_shared>> -> memref<400x32xbf16, #tpu.memory_space<vmem_shared>>
          %dma_wait3A_153 = arith.constant 0 : i32
          %dma_wait3A_154 = arith.constant 0 : i32
          %dma_wait3A_155 = tpu.memref_slice %arg12[%dma_wait3A_153, %dma_wait3A_154] : memref<800x32xbf16, #tpu.memory_space<vmem>> -> memref<400x32xbf16, #tpu.memory_space<vmem>>
          tpu.wait_dma2 semaphore(%run_scoped3A : memref<!tpu.dma_semaphore, #tpu.memory_space<semaphore_mem>>) src(%dma_wait3A_155 : memref<400x32xbf16, #tpu.memory_space<vmem>>) dst(%dma_wait3A_152 : memref<400x32xbf16, #tpu.memory_space<vmem_shared>>)
          tpu.yield
        }) : () -> ()
      } else {
      }
      %add3A_24 = arith.constant 32 : i32
      %add3A_25 = arith.addi %arg1, %add3A_24 : i32
      %lt3A_26 = arith.constant 125 : i32
      %lt3A_27 = arith.cmpi slt, %add3A_25, %lt3A_26 : i32
      %convert_element_type3A_28 = arith.extui %lt3A_27 : i1 to i32
      %cond3A_29 = arith.constant 0 : i32
      %cond3A_30 = arith.cmpi ne, %convert_element_type3A_28, %cond3A_29 : i32
      scf.if %cond3A_30 {
        %mul3A = arith.constant 400 : i32
        %mul3A_137 = arith.muli %add3A_25, %mul3A : i32
        "tpu.region"() ({
          %run_scoped3A = tpu.sem_alloc : memref<!tpu.dma_semaphore, #tpu.memory_space<semaphore_mem>>
          %dma_start3A = arith.constant 0 : i32
          %dma_start3A_138 = arith.constant 0 : i32
          %dma_start3A_139 = tpu.memref_slice %arg12[%dma_start3A, %dma_start3A_138] : memref<800x32xbf16, #tpu.memory_space<vmem>> -> memref<400x32xbf16, #tpu.memory_space<vmem>>
          %dma_start3A_140 = arith.constant 0 : i32
          %dma_start3A_141 = tpu.memref_slice %arg7[%mul3A_137, %dma_start3A_140] : memref<50000x32xbf16, #tpu.memory_space<vmem_shared>> -> memref<400x32xbf16, #tpu.memory_space<vmem_shared>>
          %dma_start3A_142 = arith.constant 0 : i32
          %dma_start3A_143 = tpu.memref_slice %arg7[%mul3A_137, %dma_start3A_142] : memref<50000x32xbf16, #tpu.memory_space<vmem_shared>> -> memref<400x32xbf16, #tpu.memory_space<vmem_shared>>
          %dma_start3A_144 = arith.constant 0 : i32
          %dma_start3A_145 = arith.constant 0 : i32
          %dma_start3A_146 = tpu.memref_slice %arg12[%dma_start3A_144, %dma_start3A_145] : memref<800x32xbf16, #tpu.memory_space<vmem>> -> memref<400x32xbf16, #tpu.memory_space<vmem>>
          tpu.enqueue_dma source(%dma_start3A_146 : memref<400x32xbf16, #tpu.memory_space<vmem>>) target(%dma_start3A_143 : memref<400x32xbf16, #tpu.memory_space<vmem_shared>>) target_semaphore(%run_scoped3A : memref<!tpu.dma_semaphore, #tpu.memory_space<semaphore_mem>>)
          %dma_wait3A = arith.constant 0 : i32
          %dma_wait3A_147 = arith.constant 0 : i32
          %dma_wait3A_148 = tpu.memref_slice %arg12[%dma_wait3A, %dma_wait3A_147] : memref<800x32xbf16, #tpu.memory_space<vmem>> -> memref<400x32xbf16, #tpu.memory_space<vmem>>
          %dma_wait3A_149 = arith.constant 0 : i32
          %dma_wait3A_150 = tpu.memref_slice %arg7[%mul3A_137, %dma_wait3A_149] : memref<50000x32xbf16, #tpu.memory_space<vmem_shared>> -> memref<400x32xbf16, #tpu.memory_space<vmem_shared>>
          %dma_wait3A_151 = arith.constant 0 : i32
          %dma_wait3A_152 = tpu.memref_slice %arg7[%mul3A_137, %dma_wait3A_151] : memref<50000x32xbf16, #tpu.memory_space<vmem_shared>> -> memref<400x32xbf16, #tpu.memory_space<vmem_shared>>
          %dma_wait3A_153 = arith.constant 0 : i32
          %dma_wait3A_154 = arith.constant 0 : i32
          %dma_wait3A_155 = tpu.memref_slice %arg12[%dma_wait3A_153, %dma_wait3A_154] : memref<800x32xbf16, #tpu.memory_space<vmem>> -> memref<400x32xbf16, #tpu.memory_space<vmem>>
          tpu.wait_dma2 semaphore(%run_scoped3A : memref<!tpu.dma_semaphore, #tpu.memory_space<semaphore_mem>>) src(%dma_wait3A_155 : memref<400x32xbf16, #tpu.memory_space<vmem>>) dst(%dma_wait3A_152 : memref<400x32xbf16, #tpu.memory_space<vmem_shared>>)
          tpu.yield
        }) : () -> ()
      } else {
      }
      %add3A_31 = arith.constant 48 : i32
      %add3A_32 = arith.addi %arg1, %add3A_31 : i32
      %lt3A_33 = arith.constant 125 : i32
      %lt3A_34 = arith.cmpi slt, %add3A_32, %lt3A_33 : i32
      %convert_element_type3A_35 = arith.extui %lt3A_34 : i1 to i32
      %cond3A_36 = arith.constant 0 : i32
      %cond3A_37 = arith.cmpi ne, %convert_element_type3A_35, %cond3A_36 : i32
      scf.if %cond3A_37 {
        %mul3A = arith.constant 400 : i32
        %mul3A_137 = arith.muli %add3A_32, %mul3A : i32
        "tpu.region"() ({
          %run_scoped3A = tpu.sem_alloc : memref<!tpu.dma_semaphore, #tpu.memory_space<semaphore_mem>>
          %dma_start3A = arith.constant 0 : i32
          %dma_start3A_138 = arith.constant 0 : i32
          %dma_start3A_139 = tpu.memref_slice %arg12[%dma_start3A, %dma_start3A_138] : memref<800x32xbf16, #tpu.memory_space<vmem>> -> memref<400x32xbf16, #tpu.memory_space<vmem>>
          %dma_start3A_140 = arith.constant 0 : i32
          %dma_start3A_141 = tpu.memref_slice %arg7[%mul3A_137, %dma_start3A_140] : memref<50000x32xbf16, #tpu.memory_space<vmem_shared>> -> memref<400x32xbf16, #tpu.memory_space<vmem_shared>>
          %dma_start3A_142 = arith.constant 0 : i32
          %dma_start3A_143 = tpu.memref_slice %arg7[%mul3A_137, %dma_start3A_142] : memref<50000x32xbf16, #tpu.memory_space<vmem_shared>> -> memref<400x32xbf16, #tpu.memory_space<vmem_shared>>
          %dma_start3A_144 = arith.constant 0 : i32
          %dma_start3A_145 = arith.constant 0 : i32
          %dma_start3A_146 = tpu.memref_slice %arg12[%dma_start3A_144, %dma_start3A_145] : memref<800x32xbf16, #tpu.memory_space<vmem>> -> memref<400x32xbf16, #tpu.memory_space<vmem>>
          tpu.enqueue_dma source(%dma_start3A_146 : memref<400x32xbf16, #tpu.memory_space<vmem>>) target(%dma_start3A_143 : memref<400x32xbf16, #tpu.memory_space<vmem_shared>>) target_semaphore(%run_scoped3A : memref<!tpu.dma_semaphore, #tpu.memory_space<semaphore_mem>>)
          %dma_wait3A = arith.constant 0 : i32
          %dma_wait3A_147 = arith.constant 0 : i32
          %dma_wait3A_148 = tpu.memref_slice %arg12[%dma_wait3A, %dma_wait3A_147] : memref<800x32xbf16, #tpu.memory_space<vmem>> -> memref<400x32xbf16, #tpu.memory_space<vmem>>
          %dma_wait3A_149 = arith.constant 0 : i32
          %dma_wait3A_150 = tpu.memref_slice %arg7[%mul3A_137, %dma_wait3A_149] : memref<50000x32xbf16, #tpu.memory_space<vmem_shared>> -> memref<400x32xbf16, #tpu.memory_space<vmem_shared>>
          %dma_wait3A_151 = arith.constant 0 : i32
          %dma_wait3A_152 = tpu.memref_slice %arg7[%mul3A_137, %dma_wait3A_151] : memref<50000x32xbf16, #tpu.memory_space<vmem_shared>> -> memref<400x32xbf16, #tpu.memory_space<vmem_shared>>
          %dma_wait3A_153 = arith.constant 0 : i32
          %dma_wait3A_154 = arith.constant 0 : i32
          %dma_wait3A_155 = tpu.memref_slice %arg12[%dma_wait3A_153, %dma_wait3A_154] : memref<800x32xbf16, #tpu.memory_space<vmem>> -> memref<400x32xbf16, #tpu.memory_space<vmem>>
          tpu.wait_dma2 semaphore(%run_scoped3A : memref<!tpu.dma_semaphore, #tpu.memory_space<semaphore_mem>>) src(%dma_wait3A_155 : memref<400x32xbf16, #tpu.memory_space<vmem>>) dst(%dma_wait3A_152 : memref<400x32xbf16, #tpu.memory_space<vmem_shared>>)
          tpu.yield
        }) : () -> ()
      } else {
      }
      %add3A_38 = arith.constant 64 : i32
      %add3A_39 = arith.addi %arg1, %add3A_38 : i32
      %lt3A_40 = arith.constant 125 : i32
      %lt3A_41 = arith.cmpi slt, %add3A_39, %lt3A_40 : i32
      %convert_element_type3A_42 = arith.extui %lt3A_41 : i1 to i32
      %cond3A_43 = arith.constant 0 : i32
      %cond3A_44 = arith.cmpi ne, %convert_element_type3A_42, %cond3A_43 : i32
      scf.if %cond3A_44 {
        %mul3A = arith.constant 400 : i32
        %mul3A_137 = arith.muli %add3A_39, %mul3A : i32
        "tpu.region"() ({
          %run_scoped3A = tpu.sem_alloc : memref<!tpu.dma_semaphore, #tpu.memory_space<semaphore_mem>>
          %dma_start3A = arith.constant 0 : i32
          %dma_start3A_138 = arith.constant 0 : i32
          %dma_start3A_139 = tpu.memref_slice %arg12[%dma_start3A, %dma_start3A_138] : memref<800x32xbf16, #tpu.memory_space<vmem>> -> memref<400x32xbf16, #tpu.memory_space<vmem>>
          %dma_start3A_140 = arith.constant 0 : i32
          %dma_start3A_141 = tpu.memref_slice %arg7[%mul3A_137, %dma_start3A_140] : memref<50000x32xbf16, #tpu.memory_space<vmem_shared>> -> memref<400x32xbf16, #tpu.memory_space<vmem_shared>>
          %dma_start3A_142 = arith.constant 0 : i32
          %dma_start3A_143 = tpu.memref_slice %arg7[%mul3A_137, %dma_start3A_142] : memref<50000x32xbf16, #tpu.memory_space<vmem_shared>> -> memref<400x32xbf16, #tpu.memory_space<vmem_shared>>
          %dma_start3A_144 = arith.constant 0 : i32
          %dma_start3A_145 = arith.constant 0 : i32
          %dma_start3A_146 = tpu.memref_slice %arg12[%dma_start3A_144, %dma_start3A_145] : memref<800x32xbf16, #tpu.memory_space<vmem>> -> memref<400x32xbf16, #tpu.memory_space<vmem>>
          tpu.enqueue_dma source(%dma_start3A_146 : memref<400x32xbf16, #tpu.memory_space<vmem>>) target(%dma_start3A_143 : memref<400x32xbf16, #tpu.memory_space<vmem_shared>>) target_semaphore(%run_scoped3A : memref<!tpu.dma_semaphore, #tpu.memory_space<semaphore_mem>>)
          %dma_wait3A = arith.constant 0 : i32
          %dma_wait3A_147 = arith.constant 0 : i32
          %dma_wait3A_148 = tpu.memref_slice %arg12[%dma_wait3A, %dma_wait3A_147] : memref<800x32xbf16, #tpu.memory_space<vmem>> -> memref<400x32xbf16, #tpu.memory_space<vmem>>
          %dma_wait3A_149 = arith.constant 0 : i32
          %dma_wait3A_150 = tpu.memref_slice %arg7[%mul3A_137, %dma_wait3A_149] : memref<50000x32xbf16, #tpu.memory_space<vmem_shared>> -> memref<400x32xbf16, #tpu.memory_space<vmem_shared>>
          %dma_wait3A_151 = arith.constant 0 : i32
          %dma_wait3A_152 = tpu.memref_slice %arg7[%mul3A_137, %dma_wait3A_151] : memref<50000x32xbf16, #tpu.memory_space<vmem_shared>> -> memref<400x32xbf16, #tpu.memory_space<vmem_shared>>
          %dma_wait3A_153 = arith.constant 0 : i32
          %dma_wait3A_154 = arith.constant 0 : i32
          %dma_wait3A_155 = tpu.memref_slice %arg12[%dma_wait3A_153, %dma_wait3A_154] : memref<800x32xbf16, #tpu.memory_space<vmem>> -> memref<400x32xbf16, #tpu.memory_space<vmem>>
          tpu.wait_dma2 semaphore(%run_scoped3A : memref<!tpu.dma_semaphore, #tpu.memory_space<semaphore_mem>>) src(%dma_wait3A_155 : memref<400x32xbf16, #tpu.memory_space<vmem>>) dst(%dma_wait3A_152 : memref<400x32xbf16, #tpu.memory_space<vmem_shared>>)
          tpu.yield
        }) : () -> ()
      } else {
      }
      %add3A_45 = arith.constant 80 : i32
      %add3A_46 = arith.addi %arg1, %add3A_45 : i32
      %lt3A_47 = arith.constant 125 : i32
      %lt3A_48 = arith.cmpi slt, %add3A_46, %lt3A_47 : i32
      %convert_element_type3A_49 = arith.extui %lt3A_48 : i1 to i32
      %cond3A_50 = arith.constant 0 : i32
      %cond3A_51 = arith.cmpi ne, %convert_element_type3A_49, %cond3A_50 : i32
      scf.if %cond3A_51 {
        %mul3A = arith.constant 400 : i32
        %mul3A_137 = arith.muli %add3A_46, %mul3A : i32
        "tpu.region"() ({
          %run_scoped3A = tpu.sem_alloc : memref<!tpu.dma_semaphore, #tpu.memory_space<semaphore_mem>>
          %dma_start3A = arith.constant 0 : i32
          %dma_start3A_138 = arith.constant 0 : i32
          %dma_start3A_139 = tpu.memref_slice %arg12[%dma_start3A, %dma_start3A_138] : memref<800x32xbf16, #tpu.memory_space<vmem>> -> memref<400x32xbf16, #tpu.memory_space<vmem>>
          %dma_start3A_140 = arith.constant 0 : i32
          %dma_start3A_141 = tpu.memref_slice %arg7[%mul3A_137, %dma_start3A_140] : memref<50000x32xbf16, #tpu.memory_space<vmem_shared>> -> memref<400x32xbf16, #tpu.memory_space<vmem_shared>>
          %dma_start3A_142 = arith.constant 0 : i32
          %dma_start3A_143 = tpu.memref_slice %arg7[%mul3A_137, %dma_start3A_142] : memref<50000x32xbf16, #tpu.memory_space<vmem_shared>> -> memref<400x32xbf16, #tpu.memory_space<vmem_shared>>
          %dma_start3A_144 = arith.constant 0 : i32
          %dma_start3A_145 = arith.constant 0 : i32
          %dma_start3A_146 = tpu.memref_slice %arg12[%dma_start3A_144, %dma_start3A_145] : memref<800x32xbf16, #tpu.memory_space<vmem>> -> memref<400x32xbf16, #tpu.memory_space<vmem>>
          tpu.enqueue_dma source(%dma_start3A_146 : memref<400x32xbf16, #tpu.memory_space<vmem>>) target(%dma_start3A_143 : memref<400x32xbf16, #tpu.memory_space<vmem_shared>>) target_semaphore(%run_scoped3A : memref<!tpu.dma_semaphore, #tpu.memory_space<semaphore_mem>>)
          %dma_wait3A = arith.constant 0 : i32
          %dma_wait3A_147 = arith.constant 0 : i32
          %dma_wait3A_148 = tpu.memref_slice %arg12[%dma_wait3A, %dma_wait3A_147] : memref<800x32xbf16, #tpu.memory_space<vmem>> -> memref<400x32xbf16, #tpu.memory_space<vmem>>
          %dma_wait3A_149 = arith.constant 0 : i32
          %dma_wait3A_150 = tpu.memref_slice %arg7[%mul3A_137, %dma_wait3A_149] : memref<50000x32xbf16, #tpu.memory_space<vmem_shared>> -> memref<400x32xbf16, #tpu.memory_space<vmem_shared>>
          %dma_wait3A_151 = arith.constant 0 : i32
          %dma_wait3A_152 = tpu.memref_slice %arg7[%mul3A_137, %dma_wait3A_151] : memref<50000x32xbf16, #tpu.memory_space<vmem_shared>> -> memref<400x32xbf16, #tpu.memory_space<vmem_shared>>
          %dma_wait3A_153 = arith.constant 0 : i32
          %dma_wait3A_154 = arith.constant 0 : i32
          %dma_wait3A_155 = tpu.memref_slice %arg12[%dma_wait3A_153, %dma_wait3A_154] : memref<800x32xbf16, #tpu.memory_space<vmem>> -> memref<400x32xbf16, #tpu.memory_space<vmem>>
          tpu.wait_dma2 semaphore(%run_scoped3A : memref<!tpu.dma_semaphore, #tpu.memory_space<semaphore_mem>>) src(%dma_wait3A_155 : memref<400x32xbf16, #tpu.memory_space<vmem>>) dst(%dma_wait3A_152 : memref<400x32xbf16, #tpu.memory_space<vmem_shared>>)
          tpu.yield
        }) : () -> ()
      } else {
      }
      %add3A_52 = arith.constant 96 : i32
      %add3A_53 = arith.addi %arg1, %add3A_52 : i32
      %lt3A_54 = arith.constant 125 : i32
      %lt3A_55 = arith.cmpi slt, %add3A_53, %lt3A_54 : i32
      %convert_element_type3A_56 = arith.extui %lt3A_55 : i1 to i32
      %cond3A_57 = arith.constant 0 : i32
      %cond3A_58 = arith.cmpi ne, %convert_element_type3A_56, %cond3A_57 : i32
      scf.if %cond3A_58 {
        %mul3A = arith.constant 400 : i32
        %mul3A_137 = arith.muli %add3A_53, %mul3A : i32
        "tpu.region"() ({
          %run_scoped3A = tpu.sem_alloc : memref<!tpu.dma_semaphore, #tpu.memory_space<semaphore_mem>>
          %dma_start3A = arith.constant 0 : i32
          %dma_start3A_138 = arith.constant 0 : i32
          %dma_start3A_139 = tpu.memref_slice %arg12[%dma_start3A, %dma_start3A_138] : memref<800x32xbf16, #tpu.memory_space<vmem>> -> memref<400x32xbf16, #tpu.memory_space<vmem>>
          %dma_start3A_140 = arith.constant 0 : i32
          %dma_start3A_141 = tpu.memref_slice %arg7[%mul3A_137, %dma_start3A_140] : memref<50000x32xbf16, #tpu.memory_space<vmem_shared>> -> memref<400x32xbf16, #tpu.memory_space<vmem_shared>>
          %dma_start3A_142 = arith.constant 0 : i32
          %dma_start3A_143 = tpu.memref_slice %arg7[%mul3A_137, %dma_start3A_142] : memref<50000x32xbf16, #tpu.memory_space<vmem_shared>> -> memref<400x32xbf16, #tpu.memory_space<vmem_shared>>
          %dma_start3A_144 = arith.constant 0 : i32
          %dma_start3A_145 = arith.constant 0 : i32
          %dma_start3A_146 = tpu.memref_slice %arg12[%dma_start3A_144, %dma_start3A_145] : memref<800x32xbf16, #tpu.memory_space<vmem>> -> memref<400x32xbf16, #tpu.memory_space<vmem>>
          tpu.enqueue_dma source(%dma_start3A_146 : memref<400x32xbf16, #tpu.memory_space<vmem>>) target(%dma_start3A_143 : memref<400x32xbf16, #tpu.memory_space<vmem_shared>>) target_semaphore(%run_scoped3A : memref<!tpu.dma_semaphore, #tpu.memory_space<semaphore_mem>>)
          %dma_wait3A = arith.constant 0 : i32
          %dma_wait3A_147 = arith.constant 0 : i32
          %dma_wait3A_148 = tpu.memref_slice %arg12[%dma_wait3A, %dma_wait3A_147] : memref<800x32xbf16, #tpu.memory_space<vmem>> -> memref<400x32xbf16, #tpu.memory_space<vmem>>
          %dma_wait3A_149 = arith.constant 0 : i32
          %dma_wait3A_150 = tpu.memref_slice %arg7[%mul3A_137, %dma_wait3A_149] : memref<50000x32xbf16, #tpu.memory_space<vmem_shared>> -> memref<400x32xbf16, #tpu.memory_space<vmem_shared>>
          %dma_wait3A_151 = arith.constant 0 : i32
          %dma_wait3A_152 = tpu.memref_slice %arg7[%mul3A_137, %dma_wait3A_151] : memref<50000x32xbf16, #tpu.memory_space<vmem_shared>> -> memref<400x32xbf16, #tpu.memory_space<vmem_shared>>
          %dma_wait3A_153 = arith.constant 0 : i32
          %dma_wait3A_154 = arith.constant 0 : i32
          %dma_wait3A_155 = tpu.memref_slice %arg12[%dma_wait3A_153, %dma_wait3A_154] : memref<800x32xbf16, #tpu.memory_space<vmem>> -> memref<400x32xbf16, #tpu.memory_space<vmem>>
          tpu.wait_dma2 semaphore(%run_scoped3A : memref<!tpu.dma_semaphore, #tpu.memory_space<semaphore_mem>>) src(%dma_wait3A_155 : memref<400x32xbf16, #tpu.memory_space<vmem>>) dst(%dma_wait3A_152 : memref<400x32xbf16, #tpu.memory_space<vmem_shared>>)
          tpu.yield
        }) : () -> ()
      } else {
      }
      %add3A_59 = arith.constant 112 : i32
      %add3A_60 = arith.addi %arg1, %add3A_59 : i32
      %lt3A_61 = arith.constant 125 : i32
      %lt3A_62 = arith.cmpi slt, %add3A_60, %lt3A_61 : i32
      %convert_element_type3A_63 = arith.extui %lt3A_62 : i1 to i32
      %cond3A_64 = arith.constant 0 : i32
      %cond3A_65 = arith.cmpi ne, %convert_element_type3A_63, %cond3A_64 : i32
      scf.if %cond3A_65 {
        %mul3A = arith.constant 400 : i32
        %mul3A_137 = arith.muli %add3A_60, %mul3A : i32
        "tpu.region"() ({
          %run_scoped3A = tpu.sem_alloc : memref<!tpu.dma_semaphore, #tpu.memory_space<semaphore_mem>>
          %dma_start3A = arith.constant 0 : i32
          %dma_start3A_138 = arith.constant 0 : i32
          %dma_start3A_139 = tpu.memref_slice %arg12[%dma_start3A, %dma_start3A_138] : memref<800x32xbf16, #tpu.memory_space<vmem>> -> memref<400x32xbf16, #tpu.memory_space<vmem>>
          %dma_start3A_140 = arith.constant 0 : i32
          %dma_start3A_141 = tpu.memref_slice %arg7[%mul3A_137, %dma_start3A_140] : memref<50000x32xbf16, #tpu.memory_space<vmem_shared>> -> memref<400x32xbf16, #tpu.memory_space<vmem_shared>>
          %dma_start3A_142 = arith.constant 0 : i32
          %dma_start3A_143 = tpu.memref_slice %arg7[%mul3A_137, %dma_start3A_142] : memref<50000x32xbf16, #tpu.memory_space<vmem_shared>> -> memref<400x32xbf16, #tpu.memory_space<vmem_shared>>
          %dma_start3A_144 = arith.constant 0 : i32
          %dma_start3A_145 = arith.constant 0 : i32
          %dma_start3A_146 = tpu.memref_slice %arg12[%dma_start3A_144, %dma_start3A_145] : memref<800x32xbf16, #tpu.memory_space<vmem>> -> memref<400x32xbf16, #tpu.memory_space<vmem>>
          tpu.enqueue_dma source(%dma_start3A_146 : memref<400x32xbf16, #tpu.memory_space<vmem>>) target(%dma_start3A_143 : memref<400x32xbf16, #tpu.memory_space<vmem_shared>>) target_semaphore(%run_scoped3A : memref<!tpu.dma_semaphore, #tpu.memory_space<semaphore_mem>>)
          %dma_wait3A = arith.constant 0 : i32
          %dma_wait3A_147 = arith.constant 0 : i32
          %dma_wait3A_148 = tpu.memref_slice %arg12[%dma_wait3A, %dma_wait3A_147] : memref<800x32xbf16, #tpu.memory_space<vmem>> -> memref<400x32xbf16, #tpu.memory_space<vmem>>
          %dma_wait3A_149 = arith.constant 0 : i32
          %dma_wait3A_150 = tpu.memref_slice %arg7[%mul3A_137, %dma_wait3A_149] : memref<50000x32xbf16, #tpu.memory_space<vmem_shared>> -> memref<400x32xbf16, #tpu.memory_space<vmem_shared>>
          %dma_wait3A_151 = arith.constant 0 : i32
          %dma_wait3A_152 = tpu.memref_slice %arg7[%mul3A_137, %dma_wait3A_151] : memref<50000x32xbf16, #tpu.memory_space<vmem_shared>> -> memref<400x32xbf16, #tpu.memory_space<vmem_shared>>
          %dma_wait3A_153 = arith.constant 0 : i32
          %dma_wait3A_154 = arith.constant 0 : i32
          %dma_wait3A_155 = tpu.memref_slice %arg12[%dma_wait3A_153, %dma_wait3A_154] : memref<800x32xbf16, #tpu.memory_space<vmem>> -> memref<400x32xbf16, #tpu.memory_space<vmem>>
          tpu.wait_dma2 semaphore(%run_scoped3A : memref<!tpu.dma_semaphore, #tpu.memory_space<semaphore_mem>>) src(%dma_wait3A_155 : memref<400x32xbf16, #tpu.memory_space<vmem>>) dst(%dma_wait3A_152 : memref<400x32xbf16, #tpu.memory_space<vmem_shared>>)
          tpu.yield
        }) : () -> ()
      } else {
      }
      %barrier3A = arith.constant 0 : index
      tpu.barrier barrier_id(%barrier3A)
      %add3A_66 = arith.constant 500 : i32
      %add3A_67 = arith.addi %add3A_66, %arg1 : i32
      %lt3A_68 = arith.constant 1000 : i32
      %lt3A_69 = arith.cmpi slt, %add3A_67, %lt3A_68 : i32
      %convert_element_type3A_70 = arith.extui %lt3A_69 : i1 to i32
      %cond3A_71 = arith.constant 0 : i32
      %cond3A_72 = arith.cmpi ne, %convert_element_type3A_70, %cond3A_71 : i32
      scf.if %cond3A_72 {
        %mul3A = arith.constant 800 : i32
        %mul3A_137 = arith.muli %add3A_67, %mul3A : i32
        %dma_start3A = tpu.memref_slice %arg3[%mul3A_137] : memref<800000xi32, #tpu.memory_space<hbm>> -> memref<800xi32, #tpu.memory_space<hbm>>
        %dma_start3A_138 = tpu.memref_slice %arg3[%mul3A_137] : memref<800000xi32, #tpu.memory_space<hbm>> -> memref<800xi32, #tpu.memory_space<hbm>>
        tpu.enqueue_dma source(%dma_start3A_138 : memref<800xi32, #tpu.memory_space<hbm>>) target(%arg8 : memref<800xi32, #tpu.memory_space<vmem>>) target_semaphore(%arg14 : memref<!tpu.dma_semaphore, #tpu.memory_space<semaphore_mem>>)
        %dma_start3A_139 = tpu.memref_slice %arg4[%mul3A_137] : memref<800000xi32, #tpu.memory_space<hbm>> -> memref<800xi32, #tpu.memory_space<hbm>>
        %dma_start3A_140 = tpu.memref_slice %arg4[%mul3A_137] : memref<800000xi32, #tpu.memory_space<hbm>> -> memref<800xi32, #tpu.memory_space<hbm>>
        tpu.enqueue_dma source(%dma_start3A_140 : memref<800xi32, #tpu.memory_space<hbm>>) target(%arg9 : memref<800xi32, #tpu.memory_space<vmem>>) target_semaphore(%arg14 : memref<!tpu.dma_semaphore, #tpu.memory_space<semaphore_mem>>)
        %dma_start3A_141 = tpu.memref_slice %arg5[%mul3A_137] : memref<800000xf32, #tpu.memory_space<hbm>> -> memref<800xf32, #tpu.memory_space<hbm>>
        %dma_start3A_142 = tpu.memref_slice %arg5[%mul3A_137] : memref<800000xf32, #tpu.memory_space<hbm>> -> memref<800xf32, #tpu.memory_space<hbm>>
        tpu.enqueue_dma source(%dma_start3A_142 : memref<800xf32, #tpu.memory_space<hbm>>) target(%arg10 : memref<800xf32, #tpu.memory_space<vmem>>) target_semaphore(%arg14 : memref<!tpu.dma_semaphore, #tpu.memory_space<semaphore_mem>>)
      } else {
      }
      %scan3A_73 = arith.constant 0 : i32
      %scan3A_74 = arith.constant 0 : i32
      %scan3A_75 = arith.constant 18 : i32
      %scan3A_76 = arith.addi %scan3A_74, %scan3A_75 : i32
      %scan3A_77 = arith.constant 1 : i32
      scf.for %scan3A_137 = %scan3A_74 to %scan3A_76 step %scan3A_77  : i32 {
        %mul3A = arith.constant 2 : i32
        %mul3A_138 = arith.muli %mul3A, %scan3A_137 : i32
        %add3A_139 = arith.constant 0 : i32
        %add3A_140 = arith.addi %mul3A_138, %add3A_139 : i32
        %add3A_141 = arith.constant 500 : i32
        %add3A_142 = arith.addi %add3A_141, %arg1 : i32
        %mul3A_143 = arith.constant 16 : i32
        %mul3A_144 = arith.muli %mul3A_143, %add3A_140 : i32
        %add3A_145 = arith.addi %add3A_142, %mul3A_144 : i32
        %sub3A = arith.constant 16 : i32
        %sub3A_146 = arith.subi %add3A_145, %sub3A : i32
        %sub3A_147 = arith.constant 48 : i32
        %sub3A_148 = arith.subi %add3A_145, %sub3A_147 : i32
        %lt3A_149 = arith.constant 1000 : i32
        %lt3A_150 = arith.cmpi slt, %add3A_145, %lt3A_149 : i32
        %convert_element_type3A_151 = arith.extui %lt3A_150 : i1 to i32
        %cond3A_152 = arith.constant 0 : i32
        %cond3A_153 = arith.cmpi ne, %convert_element_type3A_151, %cond3A_152 : i32
        scf.if %cond3A_153 {
          %mul3A_216 = arith.constant 800 : i32
          %mul3A_217 = arith.muli %add3A_145, %mul3A_216 : i32
          %dma_wait3A = tpu.memref_slice %arg3[%mul3A_217] : memref<800000xi32, #tpu.memory_space<hbm>> -> memref<800xi32, #tpu.memory_space<hbm>>
          %dma_wait3A_218 = tpu.memref_slice %arg3[%mul3A_217] : memref<800000xi32, #tpu.memory_space<hbm>> -> memref<800xi32, #tpu.memory_space<hbm>>
          tpu.wait_dma2 semaphore(%arg14 : memref<!tpu.dma_semaphore, #tpu.memory_space<semaphore_mem>>) src(%dma_wait3A_218 : memref<800xi32, #tpu.memory_space<hbm>>) dst(%arg8 : memref<800xi32, #tpu.memory_space<vmem>>)
          %dma_wait3A_219 = tpu.memref_slice %arg4[%mul3A_217] : memref<800000xi32, #tpu.memory_space<hbm>> -> memref<800xi32, #tpu.memory_space<hbm>>
          %dma_wait3A_220 = tpu.memref_slice %arg4[%mul3A_217] : memref<800000xi32, #tpu.memory_space<hbm>> -> memref<800xi32, #tpu.memory_space<hbm>>
          tpu.wait_dma2 semaphore(%arg14 : memref<!tpu.dma_semaphore, #tpu.memory_space<semaphore_mem>>) src(%dma_wait3A_220 : memref<800xi32, #tpu.memory_space<hbm>>) dst(%arg9 : memref<800xi32, #tpu.memory_space<vmem>>)
          %dma_wait3A_221 = tpu.memref_slice %arg5[%mul3A_217] : memref<800000xf32, #tpu.memory_space<hbm>> -> memref<800xf32, #tpu.memory_space<hbm>>
          %dma_wait3A_222 = tpu.memref_slice %arg5[%mul3A_217] : memref<800000xf32, #tpu.memory_space<hbm>> -> memref<800xf32, #tpu.memory_space<hbm>>
          tpu.wait_dma2 semaphore(%arg14 : memref<!tpu.dma_semaphore, #tpu.memory_space<semaphore_mem>>) src(%dma_wait3A_222 : memref<800xf32, #tpu.memory_space<hbm>>) dst(%arg10 : memref<800xf32, #tpu.memory_space<vmem>>)
          %dma_start3A = arith.constant 0 : i32
          %dma_start3A_223 = arith.constant 0 : i32
          %dma_start3A_224 = tpu.memref_slice %arg2[%dma_start3A, %dma_start3A_223] : memref<50000x32xbf16, #tpu.memory_space<hbm>> -> memref<50000x32xbf16, #tpu.memory_space<hbm>>
          tpu.enqueue_indirect_dma source(%dma_start3A_224 : memref<50000x32xbf16, #tpu.memory_space<hbm>>) target(%arg11 : memref<800x32xbf16, #tpu.memory_space<vmem>>) offsets(%arg8 : memref<800xi32, #tpu.memory_space<vmem>>) semaphore(%arg15 : memref<!tpu.dma_semaphore, #tpu.memory_space<semaphore_mem>>)
        } else {
        }
        %ge3A = arith.constant 500 : i32
        %ge3A_154 = arith.cmpi sge, %sub3A_148, %ge3A : i32
        %lt3A_155 = arith.constant 1000 : i32
        %lt3A_156 = arith.cmpi slt, %sub3A_148, %lt3A_155 : i32
        %and3A = arith.andi %ge3A_154, %lt3A_156 : i1
        %convert_element_type3A_157 = arith.extui %and3A : i1 to i32
        %cond3A_158 = arith.constant 0 : i32
        %cond3A_159 = arith.cmpi ne, %convert_element_type3A_157, %cond3A_158 : i32
        scf.if %cond3A_159 {
          %dma_wait3A = arith.constant 0 : i32
          %dma_wait3A_216 = arith.constant 0 : i32
          %dma_wait3A_217 = tpu.memref_slice %arg7[%dma_wait3A, %dma_wait3A_216] : memref<50000x32xbf16, #tpu.memory_space<vmem_shared>> -> memref<50000x32xbf16, #tpu.memory_space<vmem_shared>>
          tpu.wait_indirect_dma semaphore(%arg25 : memref<!tpu.dma_semaphore, #tpu.memory_space<semaphore_mem>>) src(%arg21 : memref<800x32xbf16, #tpu.memory_space<vmem>>) dst(%dma_wait3A_217 : memref<50000x32xbf16, #tpu.memory_space<vmem_shared>>)
        } else {
        }
        %ge3A_160 = arith.constant 500 : i32
        %ge3A_161 = arith.cmpi sge, %sub3A_146, %ge3A_160 : i32
        %lt3A_162 = arith.constant 1000 : i32
        %lt3A_163 = arith.cmpi slt, %sub3A_146, %lt3A_162 : i32
        %and3A_164 = arith.andi %ge3A_161, %lt3A_163 : i1
        %convert_element_type3A_165 = arith.extui %and3A_164 : i1 to i32
        %cond3A_166 = arith.constant 0 : i32
        %cond3A_167 = arith.cmpi ne, %convert_element_type3A_165, %cond3A_166 : i32
        scf.if %cond3A_167 {
          %dma_wait3A = arith.constant 0 : i32
          %dma_wait3A_216 = arith.constant 0 : i32
          %dma_wait3A_217 = tpu.memref_slice %arg2[%dma_wait3A, %dma_wait3A_216] : memref<50000x32xbf16, #tpu.memory_space<hbm>> -> memref<50000x32xbf16, #tpu.memory_space<hbm>>
          tpu.wait_indirect_dma semaphore(%arg24 : memref<!tpu.dma_semaphore, #tpu.memory_space<semaphore_mem>>) src(%dma_wait3A_217 : memref<50000x32xbf16, #tpu.memory_space<hbm>>) dst(%arg20 : memref<800x32xbf16, #tpu.memory_space<vmem>>)
          %scan3A_218 = arith.constant 0 : i32
          %scan3A_219 = arith.constant 0 : i32
          %scan3A_220 = arith.constant 800 : i32
          %scan3A_221 = arith.addi %scan3A_219, %scan3A_220 : i32
          %scan3A_222 = arith.constant 1 : i32
          scf.for %scan3A_232 = %scan3A_219 to %scan3A_221 step %scan3A_222  : i32 {
            %get3A = arith.index_cast %scan3A_232 : i32 to index
            %get3A_233 = arith.constant 0 : index
            %get3A_234 = tpu.vector_load %arg20[%get3A, %get3A_233] {strides = array<i32>} : memref<800x32xbf16, #tpu.memory_space<vmem>>, vector<32xbf16>,
            %broadcast_in_dim3A = vector.broadcast %scan3A_232 : i32 to vector<16xi32>
            %gather3A = tpu.vector_load_idx %arg19[%broadcast_in_dim3A] : memref<800xf32, #tpu.memory_space<vmem>>[vector<16xi32>], vector<16xf32>,
            %unpack3A = tpu.unpack_subelements %get3A_234, 0 {pack_format = #tpu.pack_format<interleaved>} : vector<32xbf16> -> vector<16xf32>
            %unpack3A_235 = tpu.unpack_subelements %get3A_234, 1 {pack_format = #tpu.pack_format<interleaved>} : vector<32xbf16> -> vector<16xf32>
            %mul3A_236 = arith.mulf %unpack3A, %gather3A : vector<16xf32>
            %mul3A_237 = arith.mulf %unpack3A_235, %gather3A : vector<16xf32>
            %pack3A = tpu.pack_subelements %mul3A_236, %mul3A_237 {pack_format = #tpu.pack_format<interleaved>, positions = array<i32: 0, 1>} : vector<16xf32>, vector<16xf32> -> vector<32xbf16>
            %swap3A = arith.index_cast %scan3A_232 : i32 to index
            %swap3A_238 = arith.constant 0 : index
            %swap3A_239 = tpu.vector_load %arg21[%swap3A, %swap3A_238] {strides = array<i32>} : memref<800x32xbf16, #tpu.memory_space<vmem>>, vector<32xbf16>,
            tpu.vector_store %arg21[%swap3A, %swap3A_238], %pack3A {strides = array<i32>} : memref<800x32xbf16, #tpu.memory_space<vmem>>, vector<32xbf16>,
          }
          %scan3A_223 = arith.constant 800 : i32
          %scan3A_224 = arith.constant 0 : i32
          %scan3A_225 = arith.constant 0 : i32
          %scan3A_226 = arith.constant 50 : i32
          %scan3A_227 = arith.addi %scan3A_225, %scan3A_226 : i32
          %scan3A_228 = arith.constant 1 : i32
          scf.for %scan3A_232 = %scan3A_225 to %scan3A_227 step %scan3A_228  : i32 {
            %mul3A_233 = arith.constant 16 : i32
            %mul3A_234 = arith.muli %scan3A_232, %mul3A_233 : i32
            %get3A = arith.index_cast %mul3A_234 : i32 to index
            %get3A_235 = tpu.vector_load %arg18[%get3A] {strides = array<i32>} : memref<800xi32, #tpu.memory_space<vmem>>, vector<16xi32>,
            %mul3A_236 = arith.constant 16 : i32
            %mul3A_237 = arith.muli %scan3A_232, %mul3A_236 : i32
            %swap3A = arith.index_cast %mul3A_237 : i32 to index
            %swap3A_238 = tpu.vector_load %arg22[%swap3A] {strides = array<i32>} : memref<800xi32, #tpu.memory_space<vmem>>, vector<16xi32>,
            tpu.vector_store %arg22[%swap3A], %get3A_235 {strides = array<i32>} : memref<800xi32, #tpu.memory_space<vmem>>, vector<16xi32>,
          }
          %scan3A_229 = arith.constant 50 : i32
          %dma_start3A = arith.constant 0 : i32
          %dma_start3A_230 = arith.constant 0 : i32
          %dma_start3A_231 = tpu.memref_slice %arg7[%dma_start3A, %dma_start3A_230] : memref<50000x32xbf16, #tpu.memory_space<vmem_shared>> -> memref<50000x32xbf16, #tpu.memory_space<vmem_shared>>
          tpu.enqueue_indirect_dma source(%arg21 : memref<800x32xbf16, #tpu.memory_space<vmem>>) target(%dma_start3A_231 : memref<50000x32xbf16, #tpu.memory_space<vmem_shared>>) offsets(%arg22 : memref<800xi32, #tpu.memory_space<vmem>>) semaphore(%arg25 : memref<!tpu.dma_semaphore, #tpu.memory_space<semaphore_mem>>) {add = true}
        } else {
        }
        %add3A_168 = arith.constant 16 : i32
        %add3A_169 = arith.addi %add3A_145, %add3A_168 : i32
        %lt3A_170 = arith.constant 1000 : i32
        %lt3A_171 = arith.cmpi slt, %add3A_169, %lt3A_170 : i32
        %convert_element_type3A_172 = arith.extui %lt3A_171 : i1 to i32
        %cond3A_173 = arith.constant 0 : i32
        %cond3A_174 = arith.cmpi ne, %convert_element_type3A_172, %cond3A_173 : i32
        scf.if %cond3A_174 {
          %add3A_216 = arith.constant 16 : i32
          %add3A_217 = arith.addi %add3A_145, %add3A_216 : i32
          %mul3A_218 = arith.constant 800 : i32
          %mul3A_219 = arith.muli %add3A_217, %mul3A_218 : i32
          %dma_start3A = tpu.memref_slice %arg3[%mul3A_219] : memref<800000xi32, #tpu.memory_space<hbm>> -> memref<800xi32, #tpu.memory_space<hbm>>
          %dma_start3A_220 = tpu.memref_slice %arg3[%mul3A_219] : memref<800000xi32, #tpu.memory_space<hbm>> -> memref<800xi32, #tpu.memory_space<hbm>>
          tpu.enqueue_dma source(%dma_start3A_220 : memref<800xi32, #tpu.memory_space<hbm>>) target(%arg17 : memref<800xi32, #tpu.memory_space<vmem>>) target_semaphore(%arg23 : memref<!tpu.dma_semaphore, #tpu.memory_space<semaphore_mem>>)
          %dma_start3A_221 = tpu.memref_slice %arg4[%mul3A_219] : memref<800000xi32, #tpu.memory_space<hbm>> -> memref<800xi32, #tpu.memory_space<hbm>>
          %dma_start3A_222 = tpu.memref_slice %arg4[%mul3A_219] : memref<800000xi32, #tpu.memory_space<hbm>> -> memref<800xi32, #tpu.memory_space<hbm>>
          tpu.enqueue_dma source(%dma_start3A_222 : memref<800xi32, #tpu.memory_space<hbm>>) target(%arg18 : memref<800xi32, #tpu.memory_space<vmem>>) target_semaphore(%arg23 : memref<!tpu.dma_semaphore, #tpu.memory_space<semaphore_mem>>)
          %dma_start3A_223 = tpu.memref_slice %arg5[%mul3A_219] : memref<800000xf32, #tpu.memory_space<hbm>> -> memref<800xf32, #tpu.memory_space<hbm>>
          %dma_start3A_224 = tpu.memref_slice %arg5[%mul3A_219] : memref<800000xf32, #tpu.memory_space<hbm>> -> memref<800xf32, #tpu.memory_space<hbm>>
          tpu.enqueue_dma source(%dma_start3A_224 : memref<800xf32, #tpu.memory_space<hbm>>) target(%arg19 : memref<800xf32, #tpu.memory_space<vmem>>) target_semaphore(%arg23 : memref<!tpu.dma_semaphore, #tpu.memory_space<semaphore_mem>>)
        } else {
        }
        %mul3A_175 = arith.constant 2 : i32
        %mul3A_176 = arith.muli %mul3A_175, %scan3A_137 : i32
        %add3A_177 = arith.constant 1 : i32
        %add3A_178 = arith.addi %mul3A_176, %add3A_177 : i32
        %add3A_179 = arith.constant 500 : i32
        %add3A_180 = arith.addi %add3A_179, %arg1 : i32
        %mul3A_181 = arith.constant 16 : i32
        %mul3A_182 = arith.muli %mul3A_181, %add3A_178 : i32
        %add3A_183 = arith.addi %add3A_180, %mul3A_182 : i32
        %sub3A_184 = arith.constant 16 : i32
        %sub3A_185 = arith.subi %add3A_183, %sub3A_184 : i32
        %sub3A_186 = arith.constant 48 : i32
        %sub3A_187 = arith.subi %add3A_183, %sub3A_186 : i32
        %lt3A_188 = arith.constant 1000 : i32
        %lt3A_189 = arith.cmpi slt, %add3A_183, %lt3A_188 : i32
        %convert_element_type3A_190 = arith.extui %lt3A_189 : i1 to i32
        %cond3A_191 = arith.constant 0 : i32
        %cond3A_192 = arith.cmpi ne, %convert_element_type3A_190, %cond3A_191 : i32
        scf.if %cond3A_192 {
          %mul3A_216 = arith.constant 800 : i32
          %mul3A_217 = arith.muli %add3A_183, %mul3A_216 : i32
          %dma_wait3A = tpu.memref_slice %arg3[%mul3A_217] : memref<800000xi32, #tpu.memory_space<hbm>> -> memref<800xi32, #tpu.memory_space<hbm>>
          %dma_wait3A_218 = tpu.memref_slice %arg3[%mul3A_217] : memref<800000xi32, #tpu.memory_space<hbm>> -> memref<800xi32, #tpu.memory_space<hbm>>
          tpu.wait_dma2 semaphore(%arg23 : memref<!tpu.dma_semaphore, #tpu.memory_space<semaphore_mem>>) src(%dma_wait3A_218 : memref<800xi32, #tpu.memory_space<hbm>>) dst(%arg17 : memref<800xi32, #tpu.memory_space<vmem>>)
          %dma_wait3A_219 = tpu.memref_slice %arg4[%mul3A_217] : memref<800000xi32, #tpu.memory_space<hbm>> -> memref<800xi32, #tpu.memory_space<hbm>>
          %dma_wait3A_220 = tpu.memref_slice %arg4[%mul3A_217] : memref<800000xi32, #tpu.memory_space<hbm>> -> memref<800xi32, #tpu.memory_space<hbm>>
          tpu.wait_dma2 semaphore(%arg23 : memref<!tpu.dma_semaphore, #tpu.memory_space<semaphore_mem>>) src(%dma_wait3A_220 : memref<800xi32, #tpu.memory_space<hbm>>) dst(%arg18 : memref<800xi32, #tpu.memory_space<vmem>>)
          %dma_wait3A_221 = tpu.memref_slice %arg5[%mul3A_217] : memref<800000xf32, #tpu.memory_space<hbm>> -> memref<800xf32, #tpu.memory_space<hbm>>
          %dma_wait3A_222 = tpu.memref_slice %arg5[%mul3A_217] : memref<800000xf32, #tpu.memory_space<hbm>> -> memref<800xf32, #tpu.memory_space<hbm>>
          tpu.wait_dma2 semaphore(%arg23 : memref<!tpu.dma_semaphore, #tpu.memory_space<semaphore_mem>>) src(%dma_wait3A_222 : memref<800xf32, #tpu.memory_space<hbm>>) dst(%arg19 : memref<800xf32, #tpu.memory_space<vmem>>)
          %dma_start3A = arith.constant 0 : i32
          %dma_start3A_223 = arith.constant 0 : i32
          %dma_start3A_224 = tpu.memref_slice %arg2[%dma_start3A, %dma_start3A_223] : memref<50000x32xbf16, #tpu.memory_space<hbm>> -> memref<50000x32xbf16, #tpu.memory_space<hbm>>
          tpu.enqueue_indirect_dma source(%dma_start3A_224 : memref<50000x32xbf16, #tpu.memory_space<hbm>>) target(%arg20 : memref<800x32xbf16, #tpu.memory_space<vmem>>) offsets(%arg17 : memref<800xi32, #tpu.memory_space<vmem>>) semaphore(%arg24 : memref<!tpu.dma_semaphore, #tpu.memory_space<semaphore_mem>>)
        } else {
        }
        %ge3A_193 = arith.constant 500 : i32
        %ge3A_194 = arith.cmpi sge, %sub3A_187, %ge3A_193 : i32
        %lt3A_195 = arith.constant 1000 : i32
        %lt3A_196 = arith.cmpi slt, %sub3A_187, %lt3A_195 : i32
        %and3A_197 = arith.andi %ge3A_194, %lt3A_196 : i1
        %convert_element_type3A_198 = arith.extui %and3A_197 : i1 to i32
        %cond3A_199 = arith.constant 0 : i32
        %cond3A_200 = arith.cmpi ne, %convert_element_type3A_198, %cond3A_199 : i32
        scf.if %cond3A_200 {
          %dma_wait3A = arith.constant 0 : i32
          %dma_wait3A_216 = arith.constant 0 : i32
          %dma_wait3A_217 = tpu.memref_slice %arg7[%dma_wait3A, %dma_wait3A_216] : memref<50000x32xbf16, #tpu.memory_space<vmem_shared>> -> memref<50000x32xbf16, #tpu.memory_space<vmem_shared>>
          tpu.wait_indirect_dma semaphore(%arg16 : memref<!tpu.dma_semaphore, #tpu.memory_space<semaphore_mem>>) src(%arg12 : memref<800x32xbf16, #tpu.memory_space<vmem>>) dst(%dma_wait3A_217 : memref<50000x32xbf16, #tpu.memory_space<vmem_shared>>)
        } else {
        }
        %ge3A_201 = arith.constant 500 : i32
        %ge3A_202 = arith.cmpi sge, %sub3A_185, %ge3A_201 : i32
        %lt3A_203 = arith.constant 1000 : i32
        %lt3A_204 = arith.cmpi slt, %sub3A_185, %lt3A_203 : i32
        %and3A_205 = arith.andi %ge3A_202, %lt3A_204 : i1
        %convert_element_type3A_206 = arith.extui %and3A_205 : i1 to i32
        %cond3A_207 = arith.constant 0 : i32
        %cond3A_208 = arith.cmpi ne, %convert_element_type3A_206, %cond3A_207 : i32
        scf.if %cond3A_208 {
          %dma_wait3A = arith.constant 0 : i32
          %dma_wait3A_216 = arith.constant 0 : i32
          %dma_wait3A_217 = tpu.memref_slice %arg2[%dma_wait3A, %dma_wait3A_216] : memref<50000x32xbf16, #tpu.memory_space<hbm>> -> memref<50000x32xbf16, #tpu.memory_space<hbm>>
          tpu.wait_indirect_dma semaphore(%arg15 : memref<!tpu.dma_semaphore, #tpu.memory_space<semaphore_mem>>) src(%dma_wait3A_217 : memref<50000x32xbf16, #tpu.memory_space<hbm>>) dst(%arg11 : memref<800x32xbf16, #tpu.memory_space<vmem>>)
          %scan3A_218 = arith.constant 0 : i32
          %scan3A_219 = arith.constant 0 : i32
          %scan3A_220 = arith.constant 800 : i32
          %scan3A_221 = arith.addi %scan3A_219, %scan3A_220 : i32
          %scan3A_222 = arith.constant 1 : i32
          scf.for %scan3A_232 = %scan3A_219 to %scan3A_221 step %scan3A_222  : i32 {
            %get3A = arith.index_cast %scan3A_232 : i32 to index
            %get3A_233 = arith.constant 0 : index
            %get3A_234 = tpu.vector_load %arg11[%get3A, %get3A_233] {strides = array<i32>} : memref<800x32xbf16, #tpu.memory_space<vmem>>, vector<32xbf16>,
            %broadcast_in_dim3A = vector.broadcast %scan3A_232 : i32 to vector<16xi32>
            %gather3A = tpu.vector_load_idx %arg10[%broadcast_in_dim3A] : memref<800xf32, #tpu.memory_space<vmem>>[vector<16xi32>], vector<16xf32>,
            %unpack3A = tpu.unpack_subelements %get3A_234, 0 {pack_format = #tpu.pack_format<interleaved>} : vector<32xbf16> -> vector<16xf32>
            %unpack3A_235 = tpu.unpack_subelements %get3A_234, 1 {pack_format = #tpu.pack_format<interleaved>} : vector<32xbf16> -> vector<16xf32>
            %mul3A_236 = arith.mulf %unpack3A, %gather3A : vector<16xf32>
            %mul3A_237 = arith.mulf %unpack3A_235, %gather3A : vector<16xf32>
            %pack3A = tpu.pack_subelements %mul3A_236, %mul3A_237 {pack_format = #tpu.pack_format<interleaved>, positions = array<i32: 0, 1>} : vector<16xf32>, vector<16xf32> -> vector<32xbf16>
            %swap3A = arith.index_cast %scan3A_232 : i32 to index
            %swap3A_238 = arith.constant 0 : index
            %swap3A_239 = tpu.vector_load %arg12[%swap3A, %swap3A_238] {strides = array<i32>} : memref<800x32xbf16, #tpu.memory_space<vmem>>, vector<32xbf16>,
            tpu.vector_store %arg12[%swap3A, %swap3A_238], %pack3A {strides = array<i32>} : memref<800x32xbf16, #tpu.memory_space<vmem>>, vector<32xbf16>,
          }
          %scan3A_223 = arith.constant 800 : i32
          %scan3A_224 = arith.constant 0 : i32
          %scan3A_225 = arith.constant 0 : i32
          %scan3A_226 = arith.constant 50 : i32
          %scan3A_227 = arith.addi %scan3A_225, %scan3A_226 : i32
          %scan3A_228 = arith.constant 1 : i32
          scf.for %scan3A_232 = %scan3A_225 to %scan3A_227 step %scan3A_228  : i32 {
            %mul3A_233 = arith.constant 16 : i32
            %mul3A_234 = arith.muli %scan3A_232, %mul3A_233 : i32
            %get3A = arith.index_cast %mul3A_234 : i32 to index
            %get3A_235 = tpu.vector_load %arg9[%get3A] {strides = array<i32>} : memref<800xi32, #tpu.memory_space<vmem>>, vector<16xi32>,
            %mul3A_236 = arith.constant 16 : i32
            %mul3A_237 = arith.muli %scan3A_232, %mul3A_236 : i32
            %swap3A = arith.index_cast %mul3A_237 : i32 to index
            %swap3A_238 = tpu.vector_load %arg13[%swap3A] {strides = array<i32>} : memref<800xi32, #tpu.memory_space<vmem>>, vector<16xi32>,
            tpu.vector_store %arg13[%swap3A], %get3A_235 {strides = array<i32>} : memref<800xi32, #tpu.memory_space<vmem>>, vector<16xi32>,
          }
          %scan3A_229 = arith.constant 50 : i32
          %dma_start3A = arith.constant 0 : i32
          %dma_start3A_230 = arith.constant 0 : i32
          %dma_start3A_231 = tpu.memref_slice %arg7[%dma_start3A, %dma_start3A_230] : memref<50000x32xbf16, #tpu.memory_space<vmem_shared>> -> memref<50000x32xbf16, #tpu.memory_space<vmem_shared>>
          tpu.enqueue_indirect_dma source(%arg12 : memref<800x32xbf16, #tpu.memory_space<vmem>>) target(%dma_start3A_231 : memref<50000x32xbf16, #tpu.memory_space<vmem_shared>>) offsets(%arg13 : memref<800xi32, #tpu.memory_space<vmem>>) semaphore(%arg16 : memref<!tpu.dma_semaphore, #tpu.memory_space<semaphore_mem>>) {add = true}
        } else {
        }
        %add3A_209 = arith.constant 16 : i32
        %add3A_210 = arith.addi %add3A_183, %add3A_209 : i32
        %lt3A_211 = arith.constant 1000 : i32
        %lt3A_212 = arith.cmpi slt, %add3A_210, %lt3A_211 : i32
        %convert_element_type3A_213 = arith.extui %lt3A_212 : i1 to i32
        %cond3A_214 = arith.constant 0 : i32
        %cond3A_215 = arith.cmpi ne, %convert_element_type3A_213, %cond3A_214 : i32
        scf.if %cond3A_215 {
          %add3A_216 = arith.constant 16 : i32
          %add3A_217 = arith.addi %add3A_183, %add3A_216 : i32
          %mul3A_218 = arith.constant 800 : i32
          %mul3A_219 = arith.muli %add3A_217, %mul3A_218 : i32
          %dma_start3A = tpu.memref_slice %arg3[%mul3A_219] : memref<800000xi32, #tpu.memory_space<hbm>> -> memref<800xi32, #tpu.memory_space<hbm>>
          %dma_start3A_220 = tpu.memref_slice %arg3[%mul3A_219] : memref<800000xi32, #tpu.memory_space<hbm>> -> memref<800xi32, #tpu.memory_space<hbm>>
          tpu.enqueue_dma source(%dma_start3A_220 : memref<800xi32, #tpu.memory_space<hbm>>) target(%arg8 : memref<800xi32, #tpu.memory_space<vmem>>) target_semaphore(%arg14 : memref<!tpu.dma_semaphore, #tpu.memory_space<semaphore_mem>>)
          %dma_start3A_221 = tpu.memref_slice %arg4[%mul3A_219] : memref<800000xi32, #tpu.memory_space<hbm>> -> memref<800xi32, #tpu.memory_space<hbm>>
          %dma_start3A_222 = tpu.memref_slice %arg4[%mul3A_219] : memref<800000xi32, #tpu.memory_space<hbm>> -> memref<800xi32, #tpu.memory_space<hbm>>
          tpu.enqueue_dma source(%dma_start3A_222 : memref<800xi32, #tpu.memory_space<hbm>>) target(%arg9 : memref<800xi32, #tpu.memory_space<vmem>>) target_semaphore(%arg14 : memref<!tpu.dma_semaphore, #tpu.memory_space<semaphore_mem>>)
          %dma_start3A_223 = tpu.memref_slice %arg5[%mul3A_219] : memref<800000xf32, #tpu.memory_space<hbm>> -> memref<800xf32, #tpu.memory_space<hbm>>
          %dma_start3A_224 = tpu.memref_slice %arg5[%mul3A_219] : memref<800000xf32, #tpu.memory_space<hbm>> -> memref<800xf32, #tpu.memory_space<hbm>>
          tpu.enqueue_dma source(%dma_start3A_224 : memref<800xf32, #tpu.memory_space<hbm>>) target(%arg10 : memref<800xf32, #tpu.memory_space<vmem>>) target_semaphore(%arg14 : memref<!tpu.dma_semaphore, #tpu.memory_space<semaphore_mem>>)
        } else {
        }
      }
      %scan3A_78 = arith.constant 18 : i32
      %barrier3A_79 = arith.constant 0 : index
      tpu.barrier barrier_id(%barrier3A_79)
      %add3A_80 = arith.constant 0 : i32
      %add3A_81 = arith.addi %arg1, %add3A_80 : i32
      %lt3A_82 = arith.constant 125 : i32
      %lt3A_83 = arith.cmpi slt, %add3A_81, %lt3A_82 : i32
      %convert_element_type3A_84 = arith.extui %lt3A_83 : i1 to i32
      %cond3A_85 = arith.constant 0 : i32
      %cond3A_86 = arith.cmpi ne, %convert_element_type3A_84, %cond3A_85 : i32
      scf.if %cond3A_86 {
        %mul3A = arith.constant 400 : i32
        %mul3A_137 = arith.muli %add3A_81, %mul3A : i32
        %mul3A_138 = arith.constant 400 : i32
        %mul3A_139 = arith.muli %add3A_81, %mul3A_138 : i32
        %run_scoped3A = arith.constant 1 : i32
        "tpu.region"() ({
          %run_scoped3A_140 = tpu.sem_alloc : memref<!tpu.dma_semaphore, #tpu.memory_space<semaphore_mem>>
          %dma_start3A = arith.constant 0 : i32
          %dma_start3A_141 = tpu.memref_slice %arg6[%run_scoped3A, %mul3A_139, %dma_start3A] : memref<2x50000x32xbf16, #tpu.memory_space<hbm>> -> memref<1x400x32xbf16, #tpu.memory_space<hbm>>
          %dma_start3A_142 = tpu.memref_squeeze %dma_start3A_141 : memref<1x400x32xbf16, #tpu.memory_space<hbm>> -> memref<400x32xbf16, #tpu.memory_space<hbm>>
          %dma_start3A_143 = arith.constant 0 : i32
          %dma_start3A_144 = tpu.memref_slice %arg7[%mul3A_137, %dma_start3A_143] : memref<50000x32xbf16, #tpu.memory_space<vmem_shared>> -> memref<400x32xbf16, #tpu.memory_space<vmem_shared>>
          tpu.enqueue_dma source(%dma_start3A_144 : memref<400x32xbf16, #tpu.memory_space<vmem_shared>>) target(%dma_start3A_142 : memref<400x32xbf16, #tpu.memory_space<hbm>>) target_semaphore(%run_scoped3A_140 : memref<!tpu.dma_semaphore, #tpu.memory_space<semaphore_mem>>)
          %dma_wait3A = arith.constant 0 : i32
          %dma_wait3A_145 = tpu.memref_slice %arg6[%run_scoped3A, %mul3A_139, %dma_wait3A] : memref<2x50000x32xbf16, #tpu.memory_space<hbm>> -> memref<1x400x32xbf16, #tpu.memory_space<hbm>>
          %dma_wait3A_146 = tpu.memref_squeeze %dma_wait3A_145 : memref<1x400x32xbf16, #tpu.memory_space<hbm>> -> memref<400x32xbf16, #tpu.memory_space<hbm>>
          %dma_wait3A_147 = arith.constant 0 : i32
          %dma_wait3A_148 = tpu.memref_slice %arg7[%mul3A_137, %dma_wait3A_147] : memref<50000x32xbf16, #tpu.memory_space<vmem_shared>> -> memref<400x32xbf16, #tpu.memory_space<vmem_shared>>
          tpu.wait_dma2 semaphore(%run_scoped3A_140 : memref<!tpu.dma_semaphore, #tpu.memory_space<semaphore_mem>>) src(%dma_wait3A_148 : memref<400x32xbf16, #tpu.memory_space<vmem_shared>>) dst(%dma_wait3A_146 : memref<400x32xbf16, #tpu.memory_space<hbm>>)
          tpu.yield
        }) : () -> ()
      } else {
      }
      %add3A_87 = arith.constant 16 : i32
      %add3A_88 = arith.addi %arg1, %add3A_87 : i32
      %lt3A_89 = arith.constant 125 : i32
      %lt3A_90 = arith.cmpi slt, %add3A_88, %lt3A_89 : i32
      %convert_element_type3A_91 = arith.extui %lt3A_90 : i1 to i32
      %cond3A_92 = arith.constant 0 : i32
      %cond3A_93 = arith.cmpi ne, %convert_element_type3A_91, %cond3A_92 : i32
      scf.if %cond3A_93 {
        %mul3A = arith.constant 400 : i32
        %mul3A_137 = arith.muli %add3A_88, %mul3A : i32
        %mul3A_138 = arith.constant 400 : i32
        %mul3A_139 = arith.muli %add3A_88, %mul3A_138 : i32
        %run_scoped3A = arith.constant 1 : i32
        "tpu.region"() ({
          %run_scoped3A_140 = tpu.sem_alloc : memref<!tpu.dma_semaphore, #tpu.memory_space<semaphore_mem>>
          %dma_start3A = arith.constant 0 : i32
          %dma_start3A_141 = tpu.memref_slice %arg6[%run_scoped3A, %mul3A_139, %dma_start3A] : memref<2x50000x32xbf16, #tpu.memory_space<hbm>> -> memref<1x400x32xbf16, #tpu.memory_space<hbm>>
          %dma_start3A_142 = tpu.memref_squeeze %dma_start3A_141 : memref<1x400x32xbf16, #tpu.memory_space<hbm>> -> memref<400x32xbf16, #tpu.memory_space<hbm>>
          %dma_start3A_143 = arith.constant 0 : i32
          %dma_start3A_144 = tpu.memref_slice %arg7[%mul3A_137, %dma_start3A_143] : memref<50000x32xbf16, #tpu.memory_space<vmem_shared>> -> memref<400x32xbf16, #tpu.memory_space<vmem_shared>>
          tpu.enqueue_dma source(%dma_start3A_144 : memref<400x32xbf16, #tpu.memory_space<vmem_shared>>) target(%dma_start3A_142 : memref<400x32xbf16, #tpu.memory_space<hbm>>) target_semaphore(%run_scoped3A_140 : memref<!tpu.dma_semaphore, #tpu.memory_space<semaphore_mem>>)
          %dma_wait3A = arith.constant 0 : i32
          %dma_wait3A_145 = tpu.memref_slice %arg6[%run_scoped3A, %mul3A_139, %dma_wait3A] : memref<2x50000x32xbf16, #tpu.memory_space<hbm>> -> memref<1x400x32xbf16, #tpu.memory_space<hbm>>
          %dma_wait3A_146 = tpu.memref_squeeze %dma_wait3A_145 : memref<1x400x32xbf16, #tpu.memory_space<hbm>> -> memref<400x32xbf16, #tpu.memory_space<hbm>>
          %dma_wait3A_147 = arith.constant 0 : i32
          %dma_wait3A_148 = tpu.memref_slice %arg7[%mul3A_137, %dma_wait3A_147] : memref<50000x32xbf16, #tpu.memory_space<vmem_shared>> -> memref<400x32xbf16, #tpu.memory_space<vmem_shared>>
          tpu.wait_dma2 semaphore(%run_scoped3A_140 : memref<!tpu.dma_semaphore, #tpu.memory_space<semaphore_mem>>) src(%dma_wait3A_148 : memref<400x32xbf16, #tpu.memory_space<vmem_shared>>) dst(%dma_wait3A_146 : memref<400x32xbf16, #tpu.memory_space<hbm>>)
          tpu.yield
        }) : () -> ()
      } else {
      }
      %add3A_94 = arith.constant 32 : i32
      %add3A_95 = arith.addi %arg1, %add3A_94 : i32
      %lt3A_96 = arith.constant 125 : i32
      %lt3A_97 = arith.cmpi slt, %add3A_95, %lt3A_96 : i32
      %convert_element_type3A_98 = arith.extui %lt3A_97 : i1 to i32
      %cond3A_99 = arith.constant 0 : i32
      %cond3A_100 = arith.cmpi ne, %convert_element_type3A_98, %cond3A_99 : i32
      scf.if %cond3A_100 {
        %mul3A = arith.constant 400 : i32
        %mul3A_137 = arith.muli %add3A_95, %mul3A : i32
        %mul3A_138 = arith.constant 400 : i32
        %mul3A_139 = arith.muli %add3A_95, %mul3A_138 : i32
        %run_scoped3A = arith.constant 1 : i32
        "tpu.region"() ({
          %run_scoped3A_140 = tpu.sem_alloc : memref<!tpu.dma_semaphore, #tpu.memory_space<semaphore_mem>>
          %dma_start3A = arith.constant 0 : i32
          %dma_start3A_141 = tpu.memref_slice %arg6[%run_scoped3A, %mul3A_139, %dma_start3A] : memref<2x50000x32xbf16, #tpu.memory_space<hbm>> -> memref<1x400x32xbf16, #tpu.memory_space<hbm>>
          %dma_start3A_142 = tpu.memref_squeeze %dma_start3A_141 : memref<1x400x32xbf16, #tpu.memory_space<hbm>> -> memref<400x32xbf16, #tpu.memory_space<hbm>>
          %dma_start3A_143 = arith.constant 0 : i32
          %dma_start3A_144 = tpu.memref_slice %arg7[%mul3A_137, %dma_start3A_143] : memref<50000x32xbf16, #tpu.memory_space<vmem_shared>> -> memref<400x32xbf16, #tpu.memory_space<vmem_shared>>
          tpu.enqueue_dma source(%dma_start3A_144 : memref<400x32xbf16, #tpu.memory_space<vmem_shared>>) target(%dma_start3A_142 : memref<400x32xbf16, #tpu.memory_space<hbm>>) target_semaphore(%run_scoped3A_140 : memref<!tpu.dma_semaphore, #tpu.memory_space<semaphore_mem>>)
          %dma_wait3A = arith.constant 0 : i32
          %dma_wait3A_145 = tpu.memref_slice %arg6[%run_scoped3A, %mul3A_139, %dma_wait3A] : memref<2x50000x32xbf16, #tpu.memory_space<hbm>> -> memref<1x400x32xbf16, #tpu.memory_space<hbm>>
          %dma_wait3A_146 = tpu.memref_squeeze %dma_wait3A_145 : memref<1x400x32xbf16, #tpu.memory_space<hbm>> -> memref<400x32xbf16, #tpu.memory_space<hbm>>
          %dma_wait3A_147 = arith.constant 0 : i32
          %dma_wait3A_148 = tpu.memref_slice %arg7[%mul3A_137, %dma_wait3A_147] : memref<50000x32xbf16, #tpu.memory_space<vmem_shared>> -> memref<400x32xbf16, #tpu.memory_space<vmem_shared>>
          tpu.wait_dma2 semaphore(%run_scoped3A_140 : memref<!tpu.dma_semaphore, #tpu.memory_space<semaphore_mem>>) src(%dma_wait3A_148 : memref<400x32xbf16, #tpu.memory_space<vmem_shared>>) dst(%dma_wait3A_146 : memref<400x32xbf16, #tpu.memory_space<hbm>>)
          tpu.yield
        }) : () -> ()
      } else {
      }
      %add3A_101 = arith.constant 48 : i32
      %add3A_102 = arith.addi %arg1, %add3A_101 : i32
      %lt3A_103 = arith.constant 125 : i32
      %lt3A_104 = arith.cmpi slt, %add3A_102, %lt3A_103 : i32
      %convert_element_type3A_105 = arith.extui %lt3A_104 : i1 to i32
      %cond3A_106 = arith.constant 0 : i32
      %cond3A_107 = arith.cmpi ne, %convert_element_type3A_105, %cond3A_106 : i32
      scf.if %cond3A_107 {
        %mul3A = arith.constant 400 : i32
        %mul3A_137 = arith.muli %add3A_102, %mul3A : i32
        %mul3A_138 = arith.constant 400 : i32
        %mul3A_139 = arith.muli %add3A_102, %mul3A_138 : i32
        %run_scoped3A = arith.constant 1 : i32
        "tpu.region"() ({
          %run_scoped3A_140 = tpu.sem_alloc : memref<!tpu.dma_semaphore, #tpu.memory_space<semaphore_mem>>
          %dma_start3A = arith.constant 0 : i32
          %dma_start3A_141 = tpu.memref_slice %arg6[%run_scoped3A, %mul3A_139, %dma_start3A] : memref<2x50000x32xbf16, #tpu.memory_space<hbm>> -> memref<1x400x32xbf16, #tpu.memory_space<hbm>>
          %dma_start3A_142 = tpu.memref_squeeze %dma_start3A_141 : memref<1x400x32xbf16, #tpu.memory_space<hbm>> -> memref<400x32xbf16, #tpu.memory_space<hbm>>
          %dma_start3A_143 = arith.constant 0 : i32
          %dma_start3A_144 = tpu.memref_slice %arg7[%mul3A_137, %dma_start3A_143] : memref<50000x32xbf16, #tpu.memory_space<vmem_shared>> -> memref<400x32xbf16, #tpu.memory_space<vmem_shared>>
          tpu.enqueue_dma source(%dma_start3A_144 : memref<400x32xbf16, #tpu.memory_space<vmem_shared>>) target(%dma_start3A_142 : memref<400x32xbf16, #tpu.memory_space<hbm>>) target_semaphore(%run_scoped3A_140 : memref<!tpu.dma_semaphore, #tpu.memory_space<semaphore_mem>>)
          %dma_wait3A = arith.constant 0 : i32
          %dma_wait3A_145 = tpu.memref_slice %arg6[%run_scoped3A, %mul3A_139, %dma_wait3A] : memref<2x50000x32xbf16, #tpu.memory_space<hbm>> -> memref<1x400x32xbf16, #tpu.memory_space<hbm>>
          %dma_wait3A_146 = tpu.memref_squeeze %dma_wait3A_145 : memref<1x400x32xbf16, #tpu.memory_space<hbm>> -> memref<400x32xbf16, #tpu.memory_space<hbm>>
          %dma_wait3A_147 = arith.constant 0 : i32
          %dma_wait3A_148 = tpu.memref_slice %arg7[%mul3A_137, %dma_wait3A_147] : memref<50000x32xbf16, #tpu.memory_space<vmem_shared>> -> memref<400x32xbf16, #tpu.memory_space<vmem_shared>>
          tpu.wait_dma2 semaphore(%run_scoped3A_140 : memref<!tpu.dma_semaphore, #tpu.memory_space<semaphore_mem>>) src(%dma_wait3A_148 : memref<400x32xbf16, #tpu.memory_space<vmem_shared>>) dst(%dma_wait3A_146 : memref<400x32xbf16, #tpu.memory_space<hbm>>)
          tpu.yield
        }) : () -> ()
      } else {
      }
      %add3A_108 = arith.constant 64 : i32
      %add3A_109 = arith.addi %arg1, %add3A_108 : i32
      %lt3A_110 = arith.constant 125 : i32
      %lt3A_111 = arith.cmpi slt, %add3A_109, %lt3A_110 : i32
      %convert_element_type3A_112 = arith.extui %lt3A_111 : i1 to i32
      %cond3A_113 = arith.constant 0 : i32
      %cond3A_114 = arith.cmpi ne, %convert_element_type3A_112, %cond3A_113 : i32
      scf.if %cond3A_114 {
        %mul3A = arith.constant 400 : i32
        %mul3A_137 = arith.muli %add3A_109, %mul3A : i32
        %mul3A_138 = arith.constant 400 : i32
        %mul3A_139 = arith.muli %add3A_109, %mul3A_138 : i32
        %run_scoped3A = arith.constant 1 : i32
        "tpu.region"() ({
          %run_scoped3A_140 = tpu.sem_alloc : memref<!tpu.dma_semaphore, #tpu.memory_space<semaphore_mem>>
          %dma_start3A = arith.constant 0 : i32
          %dma_start3A_141 = tpu.memref_slice %arg6[%run_scoped3A, %mul3A_139, %dma_start3A] : memref<2x50000x32xbf16, #tpu.memory_space<hbm>> -> memref<1x400x32xbf16, #tpu.memory_space<hbm>>
          %dma_start3A_142 = tpu.memref_squeeze %dma_start3A_141 : memref<1x400x32xbf16, #tpu.memory_space<hbm>> -> memref<400x32xbf16, #tpu.memory_space<hbm>>
          %dma_start3A_143 = arith.constant 0 : i32
          %dma_start3A_144 = tpu.memref_slice %arg7[%mul3A_137, %dma_start3A_143] : memref<50000x32xbf16, #tpu.memory_space<vmem_shared>> -> memref<400x32xbf16, #tpu.memory_space<vmem_shared>>
          tpu.enqueue_dma source(%dma_start3A_144 : memref<400x32xbf16, #tpu.memory_space<vmem_shared>>) target(%dma_start3A_142 : memref<400x32xbf16, #tpu.memory_space<hbm>>) target_semaphore(%run_scoped3A_140 : memref<!tpu.dma_semaphore, #tpu.memory_space<semaphore_mem>>)
          %dma_wait3A = arith.constant 0 : i32
          %dma_wait3A_145 = tpu.memref_slice %arg6[%run_scoped3A, %mul3A_139, %dma_wait3A] : memref<2x50000x32xbf16, #tpu.memory_space<hbm>> -> memref<1x400x32xbf16, #tpu.memory_space<hbm>>
          %dma_wait3A_146 = tpu.memref_squeeze %dma_wait3A_145 : memref<1x400x32xbf16, #tpu.memory_space<hbm>> -> memref<400x32xbf16, #tpu.memory_space<hbm>>
          %dma_wait3A_147 = arith.constant 0 : i32
          %dma_wait3A_148 = tpu.memref_slice %arg7[%mul3A_137, %dma_wait3A_147] : memref<50000x32xbf16, #tpu.memory_space<vmem_shared>> -> memref<400x32xbf16, #tpu.memory_space<vmem_shared>>
          tpu.wait_dma2 semaphore(%run_scoped3A_140 : memref<!tpu.dma_semaphore, #tpu.memory_space<semaphore_mem>>) src(%dma_wait3A_148 : memref<400x32xbf16, #tpu.memory_space<vmem_shared>>) dst(%dma_wait3A_146 : memref<400x32xbf16, #tpu.memory_space<hbm>>)
          tpu.yield
        }) : () -> ()
      } else {
      }
      %add3A_115 = arith.constant 80 : i32
      %add3A_116 = arith.addi %arg1, %add3A_115 : i32
      %lt3A_117 = arith.constant 125 : i32
      %lt3A_118 = arith.cmpi slt, %add3A_116, %lt3A_117 : i32
      %convert_element_type3A_119 = arith.extui %lt3A_118 : i1 to i32
      %cond3A_120 = arith.constant 0 : i32
      %cond3A_121 = arith.cmpi ne, %convert_element_type3A_119, %cond3A_120 : i32
      scf.if %cond3A_121 {
        %mul3A = arith.constant 400 : i32
        %mul3A_137 = arith.muli %add3A_116, %mul3A : i32
        %mul3A_138 = arith.constant 400 : i32
        %mul3A_139 = arith.muli %add3A_116, %mul3A_138 : i32
        %run_scoped3A = arith.constant 1 : i32
        "tpu.region"() ({
          %run_scoped3A_140 = tpu.sem_alloc : memref<!tpu.dma_semaphore, #tpu.memory_space<semaphore_mem>>
          %dma_start3A = arith.constant 0 : i32
          %dma_start3A_141 = tpu.memref_slice %arg6[%run_scoped3A, %mul3A_139, %dma_start3A] : memref<2x50000x32xbf16, #tpu.memory_space<hbm>> -> memref<1x400x32xbf16, #tpu.memory_space<hbm>>
          %dma_start3A_142 = tpu.memref_squeeze %dma_start3A_141 : memref<1x400x32xbf16, #tpu.memory_space<hbm>> -> memref<400x32xbf16, #tpu.memory_space<hbm>>
          %dma_start3A_143 = arith.constant 0 : i32
          %dma_start3A_144 = tpu.memref_slice %arg7[%mul3A_137, %dma_start3A_143] : memref<50000x32xbf16, #tpu.memory_space<vmem_shared>> -> memref<400x32xbf16, #tpu.memory_space<vmem_shared>>
          tpu.enqueue_dma source(%dma_start3A_144 : memref<400x32xbf16, #tpu.memory_space<vmem_shared>>) target(%dma_start3A_142 : memref<400x32xbf16, #tpu.memory_space<hbm>>) target_semaphore(%run_scoped3A_140 : memref<!tpu.dma_semaphore, #tpu.memory_space<semaphore_mem>>)
          %dma_wait3A = arith.constant 0 : i32
          %dma_wait3A_145 = tpu.memref_slice %arg6[%run_scoped3A, %mul3A_139, %dma_wait3A] : memref<2x50000x32xbf16, #tpu.memory_space<hbm>> -> memref<1x400x32xbf16, #tpu.memory_space<hbm>>
          %dma_wait3A_146 = tpu.memref_squeeze %dma_wait3A_145 : memref<1x400x32xbf16, #tpu.memory_space<hbm>> -> memref<400x32xbf16, #tpu.memory_space<hbm>>
          %dma_wait3A_147 = arith.constant 0 : i32
          %dma_wait3A_148 = tpu.memref_slice %arg7[%mul3A_137, %dma_wait3A_147] : memref<50000x32xbf16, #tpu.memory_space<vmem_shared>> -> memref<400x32xbf16, #tpu.memory_space<vmem_shared>>
          tpu.wait_dma2 semaphore(%run_scoped3A_140 : memref<!tpu.dma_semaphore, #tpu.memory_space<semaphore_mem>>) src(%dma_wait3A_148 : memref<400x32xbf16, #tpu.memory_space<vmem_shared>>) dst(%dma_wait3A_146 : memref<400x32xbf16, #tpu.memory_space<hbm>>)
          tpu.yield
        }) : () -> ()
      } else {
      }
      %add3A_122 = arith.constant 96 : i32
      %add3A_123 = arith.addi %arg1, %add3A_122 : i32
      %lt3A_124 = arith.constant 125 : i32
      %lt3A_125 = arith.cmpi slt, %add3A_123, %lt3A_124 : i32
      %convert_element_type3A_126 = arith.extui %lt3A_125 : i1 to i32
      %cond3A_127 = arith.constant 0 : i32
      %cond3A_128 = arith.cmpi ne, %convert_element_type3A_126, %cond3A_127 : i32
      scf.if %cond3A_128 {
        %mul3A = arith.constant 400 : i32
        %mul3A_137 = arith.muli %add3A_123, %mul3A : i32
        %mul3A_138 = arith.constant 400 : i32
        %mul3A_139 = arith.muli %add3A_123, %mul3A_138 : i32
        %run_scoped3A = arith.constant 1 : i32
        "tpu.region"() ({
          %run_scoped3A_140 = tpu.sem_alloc : memref<!tpu.dma_semaphore, #tpu.memory_space<semaphore_mem>>
          %dma_start3A = arith.constant 0 : i32
          %dma_start3A_141 = tpu.memref_slice %arg6[%run_scoped3A, %mul3A_139, %dma_start3A] : memref<2x50000x32xbf16, #tpu.memory_space<hbm>> -> memref<1x400x32xbf16, #tpu.memory_space<hbm>>
          %dma_start3A_142 = tpu.memref_squeeze %dma_start3A_141 : memref<1x400x32xbf16, #tpu.memory_space<hbm>> -> memref<400x32xbf16, #tpu.memory_space<hbm>>
          %dma_start3A_143 = arith.constant 0 : i32
          %dma_start3A_144 = tpu.memref_slice %arg7[%mul3A_137, %dma_start3A_143] : memref<50000x32xbf16, #tpu.memory_space<vmem_shared>> -> memref<400x32xbf16, #tpu.memory_space<vmem_shared>>
          tpu.enqueue_dma source(%dma_start3A_144 : memref<400x32xbf16, #tpu.memory_space<vmem_shared>>) target(%dma_start3A_142 : memref<400x32xbf16, #tpu.memory_space<hbm>>) target_semaphore(%run_scoped3A_140 : memref<!tpu.dma_semaphore, #tpu.memory_space<semaphore_mem>>)
          %dma_wait3A = arith.constant 0 : i32
          %dma_wait3A_145 = tpu.memref_slice %arg6[%run_scoped3A, %mul3A_139, %dma_wait3A] : memref<2x50000x32xbf16, #tpu.memory_space<hbm>> -> memref<1x400x32xbf16, #tpu.memory_space<hbm>>
          %dma_wait3A_146 = tpu.memref_squeeze %dma_wait3A_145 : memref<1x400x32xbf16, #tpu.memory_space<hbm>> -> memref<400x32xbf16, #tpu.memory_space<hbm>>
          %dma_wait3A_147 = arith.constant 0 : i32
          %dma_wait3A_148 = tpu.memref_slice %arg7[%mul3A_137, %dma_wait3A_147] : memref<50000x32xbf16, #tpu.memory_space<vmem_shared>> -> memref<400x32xbf16, #tpu.memory_space<vmem_shared>>
          tpu.wait_dma2 semaphore(%run_scoped3A_140 : memref<!tpu.dma_semaphore, #tpu.memory_space<semaphore_mem>>) src(%dma_wait3A_148 : memref<400x32xbf16, #tpu.memory_space<vmem_shared>>) dst(%dma_wait3A_146 : memref<400x32xbf16, #tpu.memory_space<hbm>>)
          tpu.yield
        }) : () -> ()
      } else {
      }
      %add3A_129 = arith.constant 112 : i32
      %add3A_130 = arith.addi %arg1, %add3A_129 : i32
      %lt3A_131 = arith.constant 125 : i32
      %lt3A_132 = arith.cmpi slt, %add3A_130, %lt3A_131 : i32
      %convert_element_type3A_133 = arith.extui %lt3A_132 : i1 to i32
      %cond3A_134 = arith.constant 0 : i32
      %cond3A_135 = arith.cmpi ne, %convert_element_type3A_133, %cond3A_134 : i32
      scf.if %cond3A_135 {
        %mul3A = arith.constant 400 : i32
        %mul3A_137 = arith.muli %add3A_130, %mul3A : i32
        %mul3A_138 = arith.constant 400 : i32
        %mul3A_139 = arith.muli %add3A_130, %mul3A_138 : i32
        %run_scoped3A = arith.constant 1 : i32
        "tpu.region"() ({
          %run_scoped3A_140 = tpu.sem_alloc : memref<!tpu.dma_semaphore, #tpu.memory_space<semaphore_mem>>
          %dma_start3A = arith.constant 0 : i32
          %dma_start3A_141 = tpu.memref_slice %arg6[%run_scoped3A, %mul3A_139, %dma_start3A] : memref<2x50000x32xbf16, #tpu.memory_space<hbm>> -> memref<1x400x32xbf16, #tpu.memory_space<hbm>>
          %dma_start3A_142 = tpu.memref_squeeze %dma_start3A_141 : memref<1x400x32xbf16, #tpu.memory_space<hbm>> -> memref<400x32xbf16, #tpu.memory_space<hbm>>
          %dma_start3A_143 = arith.constant 0 : i32
          %dma_start3A_144 = tpu.memref_slice %arg7[%mul3A_137, %dma_start3A_143] : memref<50000x32xbf16, #tpu.memory_space<vmem_shared>> -> memref<400x32xbf16, #tpu.memory_space<vmem_shared>>
          tpu.enqueue_dma source(%dma_start3A_144 : memref<400x32xbf16, #tpu.memory_space<vmem_shared>>) target(%dma_start3A_142 : memref<400x32xbf16, #tpu.memory_space<hbm>>) target_semaphore(%run_scoped3A_140 : memref<!tpu.dma_semaphore, #tpu.memory_space<semaphore_mem>>)
          %dma_wait3A = arith.constant 0 : i32
          %dma_wait3A_145 = tpu.memref_slice %arg6[%run_scoped3A, %mul3A_139, %dma_wait3A] : memref<2x50000x32xbf16, #tpu.memory_space<hbm>> -> memref<1x400x32xbf16, #tpu.memory_space<hbm>>
          %dma_wait3A_146 = tpu.memref_squeeze %dma_wait3A_145 : memref<1x400x32xbf16, #tpu.memory_space<hbm>> -> memref<400x32xbf16, #tpu.memory_space<hbm>>
          %dma_wait3A_147 = arith.constant 0 : i32
          %dma_wait3A_148 = tpu.memref_slice %arg7[%mul3A_137, %dma_wait3A_147] : memref<50000x32xbf16, #tpu.memory_space<vmem_shared>> -> memref<400x32xbf16, #tpu.memory_space<vmem_shared>>
          tpu.wait_dma2 semaphore(%run_scoped3A_140 : memref<!tpu.dma_semaphore, #tpu.memory_space<semaphore_mem>>) src(%dma_wait3A_148 : memref<400x32xbf16, #tpu.memory_space<vmem_shared>>) dst(%dma_wait3A_146 : memref<400x32xbf16, #tpu.memory_space<hbm>>)
          tpu.yield
        }) : () -> ()
      } else {
      }
      %barrier3A_136 = arith.constant 0 : index
      tpu.barrier barrier_id(%barrier3A_136)
    } else {
    }
    return
  }
}

module attributes {stable_mosaic.version = 14 : i64} {
  func.func @body(%arg0: i32, %arg1: memref<2048x100xf32, #tpu.memory_space<vmem>>, %arg2: memref<100x50xf32, #tpu.memory_space<vmem>>, %arg3: memref<1x50xf32, #tpu.memory_space<vmem>>, %arg4: memref<1x50xf32, #tpu.memory_space<vmem>>, %arg5: memref<2048x32xbf16, #tpu.memory_space<vmem>>, %arg6: memref<2048x32xbf16, #tpu.memory_space<vmem>>, %arg7: memref<2048xf32, #tpu.memory_space<vmem>>, %arg8: memref<2048xf32, #tpu.memory_space<vmem>>) attributes {dimension_semantics = [#tpu.dimension_semantics<arbitrary>], iteration_bounds = array<i64: 25>, scalar_prefetch = 0 : i64, scratch_operands = 0 : i64, tpu.core_type = #tpu.core_type<tc>, window_params = [{transform_indices = @transform_0, window_bounds = array<i64: 2048, 100>}, {pipeline_mode = #tpu.pipeline_mode<synchronous>, transform_indices = @transform_1, window_bounds = array<i64: 100, 50>}, {pipeline_mode = #tpu.pipeline_mode<synchronous>, transform_indices = @transform_2, window_bounds = array<i64: 1, 50>}, {pipeline_mode = #tpu.pipeline_mode<synchronous>, transform_indices = @transform_3, window_bounds = array<i64: 1, 50>}, {transform_indices = @transform_4, window_bounds = array<i64: 2048, 32>}, {transform_indices = @transform_5, window_bounds = array<i64: 2048, 32>}, {transform_indices = @transform_6, window_bounds = array<i64: 2048>}, {transform_indices = @transform_7, window_bounds = array<i64: 2048>}]} {
    %get3A = arith.constant 0 : index
    %get3A_0 = arith.constant 0 : index
    %get3A_1 = vector.load %arg1[%get3A, %get3A_0] : memref<2048x100xf32, #tpu.memory_space<vmem>>, vector<2048x100xf32>
    %get3A_2 = arith.constant 0 : index
    %get3A_3 = arith.constant 0 : index
    %get3A_4 = vector.load %arg2[%get3A_2, %get3A_3] : memref<100x50xf32, #tpu.memory_space<vmem>>, vector<100x50xf32>
    %dot_general3A = arith.constant dense<0.000000e+00> : vector<2048x50xf32>
    %dot_general3A_5 = tpu.matmul %get3A_1, %get3A_4, %dot_general3A {dimension_numbers = #tpu.dot_dimension_numbers<[1], [0], [0], [1], [0, 0, 1, 1], [], []>, transpose_lhs_hint = false} : vector<2048x100xf32>, vector<100x50xf32>, vector<2048x50xf32> -> vector<2048x50xf32>
    %get3A_6 = arith.constant 0 : index
    %get3A_7 = arith.constant 0 : index
    %get3A_8 = vector.load %arg3[%get3A_6, %get3A_7] : memref<1x50xf32, #tpu.memory_space<vmem>>, vector<1x50xf32>
    %mul3A = vector.broadcast %get3A_8 : vector<1x50xf32> to vector<2048x50xf32>
    %mul3A_9 = arith.mulf %dot_general3A_5, %mul3A : vector<2048x50xf32>
    %reduce_sum3A = arith.constant dense<0.000000e+00> : vector<2048xf32>
    %reduce_sum3A_10 = vector.multi_reduction <add>, %mul3A_9, %reduce_sum3A [1] : vector<2048x50xf32> to vector<2048xf32>
    %swap3A = arith.constant 0 : index
    %swap3A_11 = vector.load %arg7[%swap3A] : memref<2048xf32, #tpu.memory_space<vmem>>, vector<2048xf32>
    tpu.vector_store %arg7[%swap3A], %reduce_sum3A_10 {strides = array<i32>} : memref<2048xf32, #tpu.memory_space<vmem>>, vector<2048xf32>,
    %get3A_12 = arith.constant 0 : index
    %get3A_13 = arith.constant 0 : index
    %get3A_14 = vector.load %arg4[%get3A_12, %get3A_13] : memref<1x50xf32, #tpu.memory_space<vmem>>, vector<1x50xf32>
    %mul3A_15 = vector.broadcast %get3A_14 : vector<1x50xf32> to vector<2048x50xf32>
    %mul3A_16 = arith.mulf %dot_general3A_5, %mul3A_15 : vector<2048x50xf32>
    %reduce_sum3A_17 = arith.constant dense<0.000000e+00> : vector<2048xf32>
    %reduce_sum3A_18 = vector.multi_reduction <add>, %mul3A_16, %reduce_sum3A_17 [1] : vector<2048x50xf32> to vector<2048xf32>
    %swap3A_19 = arith.constant 0 : index
    %swap3A_20 = vector.load %arg8[%swap3A_19] : memref<2048xf32, #tpu.memory_space<vmem>>, vector<2048xf32>
    tpu.vector_store %arg8[%swap3A_19], %reduce_sum3A_18 {strides = array<i32>} : memref<2048xf32, #tpu.memory_space<vmem>>, vector<2048xf32>,
    %slice3A = vector.extract_strided_slice %dot_general3A_5 {offsets = [0, 0], sizes = [2048, 32], strides = [1, 1]} : vector<2048x50xf32> to vector<2048x32xf32>
    %convert_element_type3A = arith.truncf %slice3A : vector<2048x32xf32> to vector<2048x32xbf16>
    %swap3A_21 = arith.constant 0 : index
    %swap3A_22 = arith.constant 0 : index
    %swap3A_23 = vector.load %arg5[%swap3A_21, %swap3A_22] : memref<2048x32xbf16, #tpu.memory_space<vmem>>, vector<2048x32xbf16>
    tpu.vector_store %arg5[%swap3A_21, %swap3A_22], %convert_element_type3A {strides = array<i32>} : memref<2048x32xbf16, #tpu.memory_space<vmem>>, vector<2048x32xbf16>,
    %broadcast_in_dim3A = arith.constant 1.000000e+00 : f32
    %broadcast_in_dim3A_24 = vector.broadcast %broadcast_in_dim3A : f32 to vector<2048x1xf32>
    %broadcast_in_dim3A_25 = arith.constant 0.000000e+00 : f32
    %broadcast_in_dim3A_26 = vector.broadcast %broadcast_in_dim3A_25 : f32 to vector<2048x13xf32>
    %slice3A_27 = vector.extract_strided_slice %dot_general3A_5 {offsets = [0, 32], sizes = [2048, 18], strides = [1, 1]} : vector<2048x50xf32> to vector<2048x18xf32>
    %concatenate3A = tpu.concatenate %slice3A_27, %broadcast_in_dim3A_24, %broadcast_in_dim3A_26 in 1 : vector<2048x18xf32>, vector<2048x1xf32>, vector<2048x13xf32> -> vector<2048x32xf32>
    %convert_element_type3A_28 = arith.truncf %concatenate3A : vector<2048x32xf32> to vector<2048x32xbf16>
    %swap3A_29 = arith.constant 0 : index
    %swap3A_30 = arith.constant 0 : index
    %swap3A_31 = vector.load %arg6[%swap3A_29, %swap3A_30] : memref<2048x32xbf16, #tpu.memory_space<vmem>>, vector<2048x32xbf16>
    tpu.vector_store %arg6[%swap3A_29, %swap3A_30], %convert_element_type3A_28 {strides = array<i32>} : memref<2048x32xbf16, #tpu.memory_space<vmem>>, vector<2048x32xbf16>,
    return
  }
  func.func @transform_0(%arg0: i32) -> (i32, i32) {
    %c0_i32 = arith.constant 0 : i32
    %c0_i32_0 = arith.constant 0 : i32
    return %arg0, %c0_i32 : i32, i32
  }
  func.func @transform_1(%arg0: i32) -> (i32, i32) {
    %c0_i32 = arith.constant 0 : i32
    %c0_i32_0 = arith.constant 0 : i32
    %c0_i32_1 = arith.constant 0 : i32
    return %c0_i32, %c0_i32_0 : i32, i32
  }
  func.func @transform_2(%arg0: i32) -> (i32, i32) {
    %c0_i32 = arith.constant 0 : i32
    %c0_i32_0 = arith.constant 0 : i32
    %c0_i32_1 = arith.constant 0 : i32
    return %c0_i32, %c0_i32_0 : i32, i32
  }
  func.func @transform_3(%arg0: i32) -> (i32, i32) {
    %c0_i32 = arith.constant 0 : i32
    %c0_i32_0 = arith.constant 0 : i32
    %c0_i32_1 = arith.constant 0 : i32
    return %c0_i32, %c0_i32_0 : i32, i32
  }
  func.func @transform_4(%arg0: i32) -> (i32, i32) {
    %c0_i32 = arith.constant 0 : i32
    %c0_i32_0 = arith.constant 0 : i32
    return %arg0, %c0_i32 : i32, i32
  }
  func.func @transform_5(%arg0: i32) -> (i32, i32) {
    %c0_i32 = arith.constant 0 : i32
    %c0_i32_0 = arith.constant 0 : i32
    return %arg0, %c0_i32 : i32, i32
  }
  func.func @transform_6(%arg0: i32) -> i32 {
    %c0_i32 = arith.constant 0 : i32
    return %arg0 : i32
  }
  func.func @transform_7(%arg0: i32) -> i32 {
    %c0_i32 = arith.constant 0 : i32
    return %arg0 : i32
  }
}

module attributes {stable_mosaic.version = 14 : i64} {
  func.func @body(%arg0: i32, %arg1: memref<2x2048x32xbf16, #tpu.memory_space<vmem>>, %arg2: memref<1x50xf32, #tpu.memory_space<vmem>>, %arg3: memref<50x4xf32, #tpu.memory_space<vmem>>, %arg4: memref<1x4xf32, #tpu.memory_space<vmem>>, %arg5: memref<1x4xf32, #tpu.memory_space<vmem>>, %arg6: memref<2048x32xbf16, #tpu.memory_space<vmem>>, %arg7: memref<2048xf32, #tpu.memory_space<vmem>>, %arg8: memref<2048xf32, #tpu.memory_space<vmem>>) attributes {dimension_semantics = [#tpu.dimension_semantics<arbitrary>], iteration_bounds = array<i64: 25>, scalar_prefetch = 0 : i64, scratch_operands = 0 : i64, tpu.core_type = #tpu.core_type<tc>, window_params = [{transform_indices = @transform_0, window_bounds = array<i64: 2, 2048, 32>}, {pipeline_mode = #tpu.pipeline_mode<synchronous>, transform_indices = @transform_1, window_bounds = array<i64: 1, 50>}, {pipeline_mode = #tpu.pipeline_mode<synchronous>, transform_indices = @transform_2, window_bounds = array<i64: 50, 4>}, {pipeline_mode = #tpu.pipeline_mode<synchronous>, transform_indices = @transform_3, window_bounds = array<i64: 1, 4>}, {pipeline_mode = #tpu.pipeline_mode<synchronous>, transform_indices = @transform_4, window_bounds = array<i64: 1, 4>}, {transform_indices = @transform_5, window_bounds = array<i64: 2048, 32>}, {transform_indices = @transform_6, window_bounds = array<i64: 2048>}, {transform_indices = @transform_7, window_bounds = array<i64: 2048>}]} {
    %get3A = arith.constant 0 : index
    %get3A_0 = arith.constant 0 : index
    %get3A_1 = arith.constant 0 : index
    %get3A_2 = vector.load %arg1[%get3A, %get3A_0, %get3A_1] : memref<2x2048x32xbf16, #tpu.memory_space<vmem>>, vector<1x2048x32xbf16>
    %get3A_3 = vector.shape_cast %get3A_2 : vector<1x2048x32xbf16> to vector<2048x32xbf16>
    %get3A_4 = arith.constant 1 : index
    %get3A_5 = arith.constant 0 : index
    %get3A_6 = arith.constant 0 : index
    %get3A_7 = vector.load %arg1[%get3A_4, %get3A_5, %get3A_6] : memref<2x2048x32xbf16, #tpu.memory_space<vmem>>, vector<1x2048x32xbf16>
    %get3A_8 = vector.shape_cast %get3A_7 : vector<1x2048x32xbf16> to vector<2048x32xbf16>
    %slice3A = vector.extract_strided_slice %get3A_8 {offsets = [0, 0], sizes = [2048, 18], strides = [1, 1]} : vector<2048x32xbf16> to vector<2048x18xbf16>
    %concatenate3A = tpu.concatenate %get3A_3, %slice3A in 1 : vector<2048x32xbf16>, vector<2048x18xbf16> -> vector<2048x50xbf16>
    %convert_element_type3A = arith.extf %concatenate3A : vector<2048x50xbf16> to vector<2048x50xf32>
    %get3A_9 = arith.constant 1 : index
    %get3A_10 = arith.constant 0 : index
    %get3A_11 = arith.constant 0 : index
    %get3A_12 = vector.load %arg1[%get3A_9, %get3A_10, %get3A_11] : memref<2x2048x32xbf16, #tpu.memory_space<vmem>>, vector<1x2048x32xbf16>
    %get3A_13 = vector.shape_cast %get3A_12 : vector<1x2048x32xbf16> to vector<2048x32xbf16>
    %slice3A_14 = vector.extract_strided_slice %get3A_13 {offsets = [0, 18], sizes = [2048, 1], strides = [1, 1]} : vector<2048x32xbf16> to vector<2048x1xbf16>
    %convert_element_type3A_15 = arith.extf %slice3A_14 : vector<2048x1xbf16> to vector<2048x1xf32>
    %add3A = arith.constant 1.000000e-16 : f32
    %add3A_16 = vector.broadcast %add3A : f32 to vector<2048x1xf32>
    %add3A_17 = arith.addf %convert_element_type3A_15, %add3A_16 : vector<2048x1xf32>
    %div3A = vector.broadcast %add3A_17 : vector<2048x1xf32> to vector<2048x50xf32>
    %div3A_18 = arith.divf %convert_element_type3A, %div3A : vector<2048x50xf32>
    %get3A_19 = arith.constant 0 : index
    %get3A_20 = arith.constant 0 : index
    %get3A_21 = vector.load %arg2[%get3A_19, %get3A_20] : memref<1x50xf32, #tpu.memory_space<vmem>>, vector<1x50xf32>
    %add3A_22 = vector.broadcast %get3A_21 : vector<1x50xf32> to vector<2048x50xf32>
    %add3A_23 = arith.addf %div3A_18, %add3A_22 : vector<2048x50xf32>
    %max3A = arith.constant 0.000000e+00 : f32
    %max3A_24 = vector.broadcast %max3A : f32 to vector<2048x50xf32>
    %max3A_25 = arith.maximumf %add3A_23, %max3A_24 : vector<2048x50xf32>
    %get3A_26 = arith.constant 0 : index
    %get3A_27 = arith.constant 0 : index
    %get3A_28 = vector.load %arg3[%get3A_26, %get3A_27] : memref<50x4xf32, #tpu.memory_space<vmem>>, vector<50x4xf32>
    %dot_general3A = arith.constant dense<0.000000e+00> : vector<2048x4xf32>
    %dot_general3A_29 = tpu.matmul %max3A_25, %get3A_28, %dot_general3A {dimension_numbers = #tpu.dot_dimension_numbers<[1], [0], [0], [1], [0, 0, 1, 1], [], []>, transpose_lhs_hint = false} : vector<2048x50xf32>, vector<50x4xf32>, vector<2048x4xf32> -> vector<2048x4xf32>
    %get3A_30 = arith.constant 0 : index
    %get3A_31 = arith.constant 0 : index
    %get3A_32 = vector.load %arg4[%get3A_30, %get3A_31] : memref<1x4xf32, #tpu.memory_space<vmem>>, vector<1x4xf32>
    %mul3A = vector.broadcast %get3A_32 : vector<1x4xf32> to vector<2048x4xf32>
    %mul3A_33 = arith.mulf %dot_general3A_29, %mul3A : vector<2048x4xf32>
    %reduce_sum3A = arith.constant dense<0.000000e+00> : vector<2048xf32>
    %reduce_sum3A_34 = vector.multi_reduction <add>, %mul3A_33, %reduce_sum3A [1] : vector<2048x4xf32> to vector<2048xf32>
    %swap3A = arith.constant 0 : index
    %swap3A_35 = vector.load %arg7[%swap3A] : memref<2048xf32, #tpu.memory_space<vmem>>, vector<2048xf32>
    tpu.vector_store %arg7[%swap3A], %reduce_sum3A_34 {strides = array<i32>} : memref<2048xf32, #tpu.memory_space<vmem>>, vector<2048xf32>,
    %get3A_36 = arith.constant 0 : index
    %get3A_37 = arith.constant 0 : index
    %get3A_38 = vector.load %arg5[%get3A_36, %get3A_37] : memref<1x4xf32, #tpu.memory_space<vmem>>, vector<1x4xf32>
    %mul3A_39 = vector.broadcast %get3A_38 : vector<1x4xf32> to vector<2048x4xf32>
    %mul3A_40 = arith.mulf %dot_general3A_29, %mul3A_39 : vector<2048x4xf32>
    %reduce_sum3A_41 = arith.constant dense<0.000000e+00> : vector<2048xf32>
    %reduce_sum3A_42 = vector.multi_reduction <add>, %mul3A_40, %reduce_sum3A_41 [1] : vector<2048x4xf32> to vector<2048xf32>
    %swap3A_43 = arith.constant 0 : index
    %swap3A_44 = vector.load %arg8[%swap3A_43] : memref<2048xf32, #tpu.memory_space<vmem>>, vector<2048xf32>
    tpu.vector_store %arg8[%swap3A_43], %reduce_sum3A_42 {strides = array<i32>} : memref<2048xf32, #tpu.memory_space<vmem>>, vector<2048xf32>,
    %broadcast_in_dim3A = arith.constant 1.000000e+00 : f32
    %broadcast_in_dim3A_45 = vector.broadcast %broadcast_in_dim3A : f32 to vector<2048x1xf32>
    %broadcast_in_dim3A_46 = arith.constant 0.000000e+00 : f32
    %broadcast_in_dim3A_47 = vector.broadcast %broadcast_in_dim3A_46 : f32 to vector<2048x27xf32>
    %concatenate3A_48 = tpu.concatenate %dot_general3A_29, %broadcast_in_dim3A_45, %broadcast_in_dim3A_47 in 1 : vector<2048x4xf32>, vector<2048x1xf32>, vector<2048x27xf32> -> vector<2048x32xf32>
    %convert_element_type3A_49 = arith.truncf %concatenate3A_48 : vector<2048x32xf32> to vector<2048x32xbf16>
    %swap3A_50 = arith.constant 0 : index
    %swap3A_51 = arith.constant 0 : index
    %swap3A_52 = vector.load %arg6[%swap3A_50, %swap3A_51] : memref<2048x32xbf16, #tpu.memory_space<vmem>>, vector<2048x32xbf16>
    tpu.vector_store %arg6[%swap3A_50, %swap3A_51], %convert_element_type3A_49 {strides = array<i32>} : memref<2048x32xbf16, #tpu.memory_space<vmem>>, vector<2048x32xbf16>,
    return
  }
  func.func @transform_0(%arg0: i32) -> (i32, i32, i32) {
    %c0_i32 = arith.constant 0 : i32
    %c0_i32_0 = arith.constant 0 : i32
    %c0_i32_1 = arith.constant 0 : i32
    return %c0_i32, %arg0, %c0_i32_0 : i32, i32, i32
  }
  func.func @transform_1(%arg0: i32) -> (i32, i32) {
    %c0_i32 = arith.constant 0 : i32
    %c0_i32_0 = arith.constant 0 : i32
    %c0_i32_1 = arith.constant 0 : i32
    return %c0_i32, %c0_i32_0 : i32, i32
  }
  func.func @transform_2(%arg0: i32) -> (i32, i32) {
    %c0_i32 = arith.constant 0 : i32
    %c0_i32_0 = arith.constant 0 : i32
    %c0_i32_1 = arith.constant 0 : i32
    return %c0_i32, %c0_i32_0 : i32, i32
  }
  func.func @transform_3(%arg0: i32) -> (i32, i32) {
    %c0_i32 = arith.constant 0 : i32
    %c0_i32_0 = arith.constant 0 : i32
    %c0_i32_1 = arith.constant 0 : i32
    return %c0_i32, %c0_i32_0 : i32, i32
  }
  func.func @transform_4(%arg0: i32) -> (i32, i32) {
    %c0_i32 = arith.constant 0 : i32
    %c0_i32_0 = arith.constant 0 : i32
    %c0_i32_1 = arith.constant 0 : i32
    return %c0_i32, %c0_i32_0 : i32, i32
  }
  func.func @transform_5(%arg0: i32) -> (i32, i32) {
    %c0_i32 = arith.constant 0 : i32
    %c0_i32_0 = arith.constant 0 : i32
    return %arg0, %c0_i32 : i32, i32
  }
  func.func @transform_6(%arg0: i32) -> i32 {
    %c0_i32 = arith.constant 0 : i32
    return %arg0 : i32
  }
  func.func @transform_7(%arg0: i32) -> i32 {
    %c0_i32 = arith.constant 0 : i32
    return %arg0 : i32
  }
}

module attributes {stable_mosaic.version = 14 : i64} {
  func.func @body(%arg0: i32, %arg1: memref<2x2048x32xbf16, #tpu.memory_space<vmem>>, %arg2: memref<1x4xf32, #tpu.memory_space<vmem>>, %arg3: memref<2048x4xf32, #tpu.memory_space<vmem>>) attributes {dimension_semantics = [#tpu.dimension_semantics<arbitrary>], iteration_bounds = array<i64: 25>, scalar_prefetch = 0 : i64, scratch_operands = 0 : i64, tpu.core_type = #tpu.core_type<tc>, window_params = [{transform_indices = @transform_0, window_bounds = array<i64: 2, 2048, 32>}, {pipeline_mode = #tpu.pipeline_mode<synchronous>, transform_indices = @transform_1, window_bounds = array<i64: 1, 4>}, {transform_indices = @transform_2, window_bounds = array<i64: 2048, 4>}]} {
    %get3A = arith.constant 0 : index
    %get3A_0 = arith.constant 0 : index
    %get3A_1 = arith.constant 0 : index
    %get3A_2 = vector.load %arg1[%get3A, %get3A_0, %get3A_1] : memref<2x2048x32xbf16, #tpu.memory_space<vmem>>, vector<1x2048x32xbf16>
    %get3A_3 = vector.shape_cast %get3A_2 : vector<1x2048x32xbf16> to vector<2048x32xbf16>
    %convert_element_type3A = arith.extf %get3A_3 : vector<2048x32xbf16> to vector<2048x32xf32>
    %get3A_4 = arith.constant 1 : index
    %get3A_5 = arith.constant 0 : index
    %get3A_6 = arith.constant 0 : index
    %get3A_7 = vector.load %arg1[%get3A_4, %get3A_5, %get3A_6] : memref<2x2048x32xbf16, #tpu.memory_space<vmem>>, vector<1x2048x32xbf16>
    %get3A_8 = vector.shape_cast %get3A_7 : vector<1x2048x32xbf16> to vector<2048x32xbf16>
    %convert_element_type3A_9 = arith.extf %get3A_8 : vector<2048x32xbf16> to vector<2048x32xf32>
    %add3A = arith.addf %convert_element_type3A, %convert_element_type3A_9 : vector<2048x32xf32>
    %slice3A = vector.extract_strided_slice %add3A {offsets = [0, 4], sizes = [2048, 1], strides = [1, 1]} : vector<2048x32xf32> to vector<2048x1xf32>
    %add3A_10 = arith.constant 1.000000e-16 : f32
    %add3A_11 = vector.broadcast %add3A_10 : f32 to vector<2048x1xf32>
    %add3A_12 = arith.addf %slice3A, %add3A_11 : vector<2048x1xf32>
    %slice3A_13 = vector.extract_strided_slice %add3A {offsets = [0, 0], sizes = [2048, 4], strides = [1, 1]} : vector<2048x32xf32> to vector<2048x4xf32>
    %div3A = vector.broadcast %add3A_12 : vector<2048x1xf32> to vector<2048x4xf32>
    %div3A_14 = arith.divf %slice3A_13, %div3A : vector<2048x4xf32>
    %get3A_15 = arith.constant 0 : index
    %get3A_16 = arith.constant 0 : index
    %get3A_17 = vector.load %arg2[%get3A_15, %get3A_16] : memref<1x4xf32, #tpu.memory_space<vmem>>, vector<1x4xf32>
    %add3A_18 = vector.broadcast %get3A_17 : vector<1x4xf32> to vector<2048x4xf32>
    %add3A_19 = arith.addf %div3A_14, %add3A_18 : vector<2048x4xf32>
    %max3A = arith.constant 0.000000e+00 : f32
    %max3A_20 = vector.broadcast %max3A : f32 to vector<2048x4xf32>
    %max3A_21 = arith.maximumf %add3A_19, %max3A_20 : vector<2048x4xf32>
    %swap3A = arith.constant 0 : index
    %swap3A_22 = arith.constant 0 : index
    %swap3A_23 = vector.load %arg3[%swap3A, %swap3A_22] : memref<2048x4xf32, #tpu.memory_space<vmem>>, vector<2048x4xf32>
    tpu.vector_store %arg3[%swap3A, %swap3A_22], %max3A_21 {strides = array<i32>} : memref<2048x4xf32, #tpu.memory_space<vmem>>, vector<2048x4xf32>,
    return
  }
  func.func @transform_0(%arg0: i32) -> (i32, i32, i32) {
    %c0_i32 = arith.constant 0 : i32
    %c0_i32_0 = arith.constant 0 : i32
    %c0_i32_1 = arith.constant 0 : i32
    return %c0_i32, %arg0, %c0_i32_0 : i32, i32, i32
  }
  func.func @transform_1(%arg0: i32) -> (i32, i32) {
    %c0_i32 = arith.constant 0 : i32
    %c0_i32_0 = arith.constant 0 : i32
    %c0_i32_1 = arith.constant 0 : i32
    return %c0_i32, %c0_i32_0 : i32, i32
  }
  func.func @transform_2(%arg0: i32) -> (i32, i32) {
    %c0_i32 = arith.constant 0 : i32
    %c0_i32_0 = arith.constant 0 : i32
    return %arg0, %c0_i32 : i32, i32
  }
}

</mosaic_0001>

<sc_bundles>
// kernel: kernel.12.cloned.1.call-start
scs
__scs_entry_jumppad:
0x0: {  	(pc) =	sbr.rel $0x88, $3  }
0x1: {  	(tag) =	ssettag $0x0;
	lr =	simm.s32 $0x1  }
0x2: {  	[smem:$0x3F97] =	sst lr;
	_ =	strace $0xD0000000  }
0x3: {  	_ = 	snop  }
0x4: {  	_ = 	snop  }
0x5: {  	_ = 	snop  }
0x6: {  	_ = 	snop  }
0x7: {  	_ = 	snop  }
__scs_overlays_trampoline_lowered:
0x8: {  	[smem:$0x3FA6] =	sst s0  }
0x9: {  	[smem:$0x3FA7] =	sst s1  }
0xa: {  	[smem:$0x3FA8] =	sst s2  }
0xb: {  	[smem:$0x3FA9] =	sst s3  }
0xc: {  	[smem:$0x3FAA] =	sst s4  }
0xd: {  	[smem:$0x3FAB] =	sst s5  }
0xe: {  	[smem:$0x3FAC] =	sst s6  }
0xf: {  	[smem:$0x3FAD] =	sst s7  }
0x10: {  	[smem:$0x3FAE] =	sst s8  }
0x11: {  	[smem:$0x3FAF] =	sst s9;
	s0 =	simm.s32 @!p0 $0x0  }
0x12: {  	s1 =	sld [smem:$0x3F95];
	s0 =	simm.s32 @p0 $0x1  }
0x13: {  	[smem:$0x3FB0] =	sst s0;
	s0 =	simm.s32 @!p1 $0x0  }
0x14: {  	s2 =	sld [smem:$0x3F94];
	s0 =	simm.s32 @p1 $0x1  }
0x15: {  	[smem:$0x3FB1] =	sst s0;
	s0 =	simm.s32 @!p2 $0x0  }
0x16: {  	s3 =	sld [smem:$0x3FDB];
	s0 =	simm.s32 @p2 $0x1  }
0x17: {  	s4 =	simm.s32 $0x1BF5;
	[smem:$0x3FB3] =	sst s0  }
0x18: {  	s0 =	sld [smem:$0x3F96];
	_ =	swait.ge [sflag:s4], $0x0  }
0x19: {  	s7 =	sld [smem:$0x3F97]  }
0x1a: {  	s8 =	sadd.s32 $0xFFFFE003, lr  }
0x1b: {  	s9 =	sadd.s32 $0xFFFFFEF7, lr;
	s5 =	simm.s32 $0xFFFFFFFF;
	p2 =	slt.u32 s8, $0xFFFFF086  }
0x1c: {  	p1 =	slt.u32 s9, $0xF7A;
	s5 =	simm.s32 @!p2 $0x0  }
0x1d: {  	s5 =	simm.s32 @p1 $0x1;
	p0 =	seq.s32 s7, s2  }
0x1e: {  	s7 =	smul.u32 @!p0 $0xF7A, s2;
	p2 =	seq.s32 @!p0 s5, $0x0  }
0x1f: {  	s9 =	smul.u32 $0xF7A, s1;
	s8 =	simm.s32 @!p0 $0x1BF5;
	p2 =	por !p2, p0  }
0x20: {  	[sflag:s8] =	ssyncset.s32 @!p0 $0xFFFFF086;
	s6 =	sadd.s32 @!p0 s3, s7;
	s7 =	simm.s32 @!p0 $0x108  }
0x21: {  	s3 =	sadd.s32 s3, s9;
	s6 =	sadd.s32 @!p0 $0x88, s6;
	s7 =	simm.s32 @p2 $0x1082  }
0x22: {  	[simem:s7], [sflag:s8] =	dma.local @!p0 [hbm:s6], $0xF7A  }
0x23: {  	s9 =	sor.u32 $0xD0000000, s2;
	s6 =	simm.s32 $0x108;
	_ =	swait.ge @!p0 [sflag:s8], $0x0  }
0x24: {  	s3 =	sadd.s32 $0x88, s3;
	s6 =	simm.s32 @!p1 $0x1082;
	[sflag:s4] =	ssyncset.s32 $0xFFFFF086  }
0x25: {  	[simem:s6], [sflag:s4] =	dma.local [hbm:s3], $0xF7A  }
0x26: {  	[smem:$0x3F97] =	sst s1;
	(tag) =	ssettag s2;
	_ =	strace s9  }
0x27: {  	s1 =	sld [smem:$0x3FA7]  }
0x28: {  	s2 =	sld [smem:$0x3FA8]  }
0x29: {  	s4 =	sld [smem:$0x3FAA]  }
0x2a: {  	p0 =	seq.s32 s5, $0x0;
	s5 =	sld [smem:$0x3FAB]  }
0x2b: {  	s6 =	sld [smem:$0x3FAC]  }
0x2c: {  	s7 =	sld [smem:$0x3FAD]  }
0x2d: {  	s3 =	simm.s32 $0x108;
	s8 =	sld [smem:$0x3FAE]  }
0x2e: {  	s3 =	simm.s32 @!p0 $0x1082;
	s9 =	sld [smem:$0x3FAF]  }
0x2f: {  	lr =	sadd.s32 s0, s3;
	s0 =	sld [smem:$0x3FA6]  }
0x30: {  	s3 =	sld [smem:$0x3FA9]  }
0x31: {  	[smem:$0x3FB2] =	sst s10  }
0x32: {  	s10 =	sld [smem:$0x3FB0];
	_ =	sdelay $0x3  }
0x33: {  	p0 =	seq.s32 s10, $0x1;
	s10 =	sld [smem:$0x3FB2];
	_ =	sdelay $0x3  }
0x34: {  	[smem:$0x3FB2] =	sst s10  }
0x35: {  	s10 =	sld [smem:$0x3FB1];
	_ =	sdelay $0x3  }
0x36: {  	p1 =	seq.s32 s10, $0x1;
	s10 =	sld [smem:$0x3FB2];
	_ =	sdelay $0x3  }
0x37: {  	[smem:$0x3FB2] =	sst s10  }
0x38: {  	s10 =	sld [smem:$0x3FB3]  }
0x39: {  	_ = 	snop;
	(pc) =	sbr.ind lr, $3  }
0x3a: {  	_ = 	snop  }
0x3b: {  	_ = 	snop  }
0x3c: {  	p2 =	seq.s32 s10, $0x1;
	s10 =	sld [smem:$0x3FB2]  }
0x3d: {  	_ =	shalt  }
0x3e: {  	_ =	shalt  }
0x3f: {  	_ =	shalt  }
0x40: {  	_ =	shalt  }
0x41: {  	_ =	shalt  }
0x42: {  	_ =	shalt  }
0x43: {  	_ =	shalt  }
0x44: {  	_ =	shalt  }
0x45: {  	_ =	shalt  }
0x46: {  	_ =	shalt  }
0x47: {  	_ =	shalt  }
0x48: {  	_ =	shalt  }
0x49: {  	_ =	shalt  }
0x4a: {  	_ =	shalt  }
0x4b: {  	_ =	shalt  }
0x4c: {  	_ =	shalt  }
0x4d: {  	_ =	shalt  }
0x4e: {  	_ =	shalt  }
0x4f: {  	_ =	shalt  }
0x50: {  	_ =	shalt  }
0x51: {  	_ =	shalt  }
0x52: {  	_ =	shalt  }
0x53: {  	_ =	shalt  }
0x54: {  	_ =	shalt  }
0x55: {  	_ =	shalt  }
0x56: {  	_ =	shalt  }
0x57: {  	_ =	shalt  }
0x58: {  	_ =	shalt  }
0x59: {  	_ =	shalt  }
0x5a: {  	_ =	shalt  }
0x5b: {  	_ =	shalt  }
0x5c: {  	_ =	shalt  }
0x5d: {  	_ =	shalt  }
0x5e: {  	_ =	shalt  }
0x5f: {  	_ =	shalt  }
0x60: {  	_ =	shalt  }
0x61: {  	_ =	shalt  }
0x62: {  	_ =	shalt  }
0x63: {  	_ =	shalt  }
0x64: {  	_ =	shalt  }
0x65: {  	_ =	shalt  }
0x66: {  	_ =	shalt  }
0x67: {  	_ =	shalt  }
0x68: {  	_ =	shalt  }
0x69: {  	_ =	shalt  }
0x6a: {  	_ =	shalt  }
0x6b: {  	_ =	shalt  }
0x6c: {  	_ =	shalt  }
0x6d: {  	_ =	shalt  }
0x6e: {  	_ =	shalt  }
0x6f: {  	_ =	shalt  }
0x70: {  	_ =	shalt  }
0x71: {  	_ =	shalt  }
0x72: {  	_ =	shalt  }
0x73: {  	_ =	shalt  }
0x74: {  	_ =	shalt  }
0x75: {  	_ =	shalt  }
0x76: {  	_ =	shalt  }
0x77: {  	_ =	shalt  }
0x78: {  	_ =	shalt  }
0x79: {  	_ =	shalt  }
0x7a: {  	_ =	shalt  }
0x7b: {  	_ =	shalt  }
0x7c: {  	_ =	shalt  }
0x7d: {  	_ =	shalt  }
0x7e: {  	_ =	shalt  }
0x7f: {  	_ =	shalt  }
0x80: {  	_ =	shalt  }
0x81: {  	_ =	shalt  }
0x82: {  	_ =	shalt  }
0x83: {  	_ =	shalt  }
0x84: {  	_ =	shalt  }
0x85: {  	_ =	shalt  }
0x86: {  	_ =	shalt  }
0x87: {  	_ =	shalt  }
.Lfunc_end0:
.L_simem_size_0:
called_computation.1_lowered:
.L_overlay_start_0:
0x88: {  	s2 =	sld [smem:$0x3FD9]  }
0x89: {  	s3 =	sld [smem:$0x3FFE];
	_ =	sdelay $0x1  }
0x8a: {  	s1 =	srdreg.scid  }
0x8b: {  	s0 =	sand.u32 $0x1, s1  }
0x8c: {  	s14 =	sshll.u32 s0, $0xA;
	s2 =	sadd.s32 s3, s2  }
0x8d: {  	s2 =	sadd.s32 s2, s14  }
0x8e: {  	[smem:$0x3FBE] =	sst s2  }
0x8f: {  	_ = 	snop  }
0x90: {  	s2 =	sld [smem:$0x3FD0];
	_ =	sdelay $0x2  }
0x91: {  	s15 =	simm.s32 $0xA;
	s4 =	simm.s32 $0x10  }
0x92: {  	[smem:s4], [sflag:s15] =	dma.local [hbm:s2], $0x1  }
0x93: {  	_ =	swait.eq [sflag:s15], $0x1  }
0x94: {  	[sflag:s15] =	ssyncset.done $0x0  }
0x95: {  	[sflag:s15] =	ssyncadd.s32 $0xFFFFFFFF  }
0x96: {  	s16 =	sld [smem:$0x11];
	(tm) =	ssettm $0x1  }
0x97: {  	s17 =	sld [smem:$0x3FFB];
	_ =	sdelay $0x3  }
0x98: {  	_ =	strace s17  }
0x99: {  	s3 =	sld [smem:$0x3FFC];
	_ =	sdelay $0x3  }
0x9a: {  	_ =	strace s3  }
0x9b: {  	s3 =	sld [smem:$0x3FFD];
	_ =	sdelay $0x3  }
0x9c: {  	_ =	strace s3  }
0x9d: {  	_ =	strace $0x8FFFFFFF  }
0x9e: {  	s18 =	sld [smem:$0x3FDB];
	_ =	sdelay $0x1  }
0x9f: {  	s19 =	simm.s32 $_scs_section_size  }
0xa0: {  	s5 =	simm.s32 $_size__tile_overlayer_lowered;
	s6 =	simm.s32 $_tile_overlayer_lowered  }
0xa1: {  	s22 =	simm.s32 $0x1BFF;
	s21 =	sshll.u32 s6, $0x1;
	s3 =	sadd.s32 s19, s18  }
0xa2: {  	s7 =	simm.s32 $0x0;
	s20 =	sshll.u32 s5, $0x1;
	s5 =	sadd.s32 s21, s3  }
0xa3: {  	[timem:s7], [sflag:s22] =	dma.local [hbm:s5], s20  }
0xa4: {  	_ =	swait.ge [sflag:s22], s20  }
0xa5: {  	s4 =	ssub.s32 $0x0, s20;
	[sflag:s22] =	ssyncset.done $0x0  }
0xa6: {  	[sflag:s22] =	ssyncadd.s32 s4;
	_ =	sdelay $0x1  }
0xa7: {  	s23 =	simm.s32 $0x1B8B  }
0xa8: {  	_ =	swait.ge [sflag:s23], $0x1  }
0xa9: {  	[sflag:s23] =	ssyncset.done $0x0  }
0xaa: {  	s25 =	simm.s32 $0x1B8E;
	s24 =	sld [smem:$0x3FFE];
	[sflag:s23] =	ssyncadd.s32 $0xFFFFFFFF  }
0xab: {  	s26 =	simm.s32 $execute0_lowered;
	[smem:$0x3FD2] =	sst s25  }
0xac: {  	s5 =	sshll.u32 s26, $0x1;
	_ =	strace $0x80000049;
	[dreg:$0x1] =	wrdreg $0xFFFFFFFF  }
0xad: {  	s28 =	simm.s32 $_size_execute0_lowered;
	s3 =	sadd.s32 s3, s5;
	[dreg:$0x0] =	wrdreg $0x0  }
0xae: {  	s5 =	sshll.u32 s28, $0x1;
	[dreg:$0x2] =	wrdreg s3  }
0xaf: {  	[dreg:$0x3] =	wrdreg s5  }
0xb0: {  	[dreg:$0x4] =	wrdreg $0xC0  }
0xb1: {  	_ =	task [dreg:s7], $0x5FFFF  }
0xb2: {  	[dreg:$0x1] =	wrdreg $0xFFFFFFFF  }
0xb3: {  	[dreg:$0x0] =	wrdreg $0x60  }
0xb4: {  	[dreg:$0x2] =	wrdreg s24  }
0xb5: {  	[dreg:$0x3] =	wrdreg s16  }
0xb6: {  	[dreg:$0x4] =	wrdreg $0x0  }
0xb7: {  	[dreg:$0x5] =	wrdreg $0x9  }
0xb8: {  	_ =	task.clear_ibuf [dreg:s7], $0x6FFFF;
	_ =	strace $0x90000049  }
0xb9: {  	s29 =	simm.s32 $0x9;
	_ =	strace $0x8000004B  }
0xba: {  	_ =	swait.ge [sflag:s29], $0x1  }
0xbb: {  	[sflag:s29] =	ssyncadd.s32 $0xFFFFFFFF  }
0xbc: {  	_ =	strace $0x9000004B  }
0xbd: {  	_ =	sfence  }
0xbe: {  	s30 =	sld [smem:$0x0];
	_ =	sdelay $0x2  }
0xbf: {  	s31 =	sshll.u32 s1, $0xD;
	s1 =	sshrl.u32 s1, $0x2  }
0xc0: {  	s3 =	sand.u32 $0x4000, s31;
	s1 =	sadd.s32 s1, s30  }
0xc1: {  	s0 =	sor.u32 s3, s0;
	s1 =	sshll.u32 s1, $0x11  }
0xc2: {  	s0 =	sor.u32 s1, s0  }
0xc3: {  	s0 =	sadd.s32 $0x8F2B, s0  }
0xc4: {  	[sflag:s0] =	ssyncadd.remote.s32 $0x1  }
0xc5: {  	_ =	sfence.sel $0xFFFF  }
0xc6: {  	[dreg:$0x0] =	wrdreg $0xFFFFFFFF;
	(pc) =	sbr.abs _section_cstart, $3  }
0xc7: {  	[dreg:$0x1] =	wrdreg $0xFFFFFFFF  }
0xc8: {  	_ =	task.clear_ibuf [dreg:s7], $0x2FFFF;
	_ =	strace $0x9FFFFFFF  }
0xc9: {  	(tm) =	ssettm $0x7FFFFFFF  }
tec
execute0_lowered:
.L_overlay_start_1:
0x0: {  	(tag) =	ssettag $0x1  }
0x1: {  	s0 =	rddreg [dreg:$0x0]  }
0x2: {  	s20 =	rddreg [dreg:$0x1]  }
0x3: {  	s2 =	rddreg [dreg:$0x2];
	s3 =	simm.s32 $0x0  }
0x4: {  	s1 =	srdreg.scid;
	s5 =	stileid.u32;
	s30 =	simm.s32 $0xFEB0  }
0x5: {  	s31 =	simm.s32 $0x5;
	[smem:$0x7FF] =	sst s3;
	s4 =	sadd.s32 $0x1C600, s0  }
0x6: {  	s6 =	sadd.s32 $0x34E00, s0;
	s7 =	sadd.s32 $0xDFC00, s0;
	s8 =	sadd.s32 $0xC7400, s0  }
0x7: {  	s10 =	sand.u32 $0x1, s1;
	s11 =	smul.u32 $0x6400, s5;
	s12 =	sor.u32 $0x10, s5  }
0x8: {  	s9 =	sadd.s32 $0x3E00, s0;
	s0 =	sor.u32 $0x20, s5;
	s13 =	smul.u32 $0x6400, s12  }
0x9: {  	s14 =	sor.u32 $0x40, s5;
	s15 =	sor.u32 $0x50, s5;
	s21 =	smul.u32 $0x6400, s0  }
0xa: {  	p1 =	sgt.u32 s5, $0xC;
	p2 =	slt.u32 s5, $0xD;
	s25 =	smul.u32 $0x6400, s14  }
0xb: {  	_ =	strace $0x8000004A;
	s1 =	ssub.s32 $0x2, s10;
	s16 =	smul.u32 $0x6400, s15  }
0xc: {  	p0 =	seq.s32 s10, $0x1;
	s12 =	smul.u32 $0x3200, s12;
	s17 =	sshrl.u32 s1, $0x1  }
0xd: {  	s0 =	smul.u32 $0x3200, s0;
	s18 =	sshrl.u32 s11, $0x2;
	s1 =	ssub.s32 s1, s17  }
0xe: {  	s19 =	sshrl.u32 s13, $0x2;
	s10 =	sadd.s32 s18, s2;
	s23 =	sshrl.u32 s21, $0x2  }
0xf: {  	s17 =	sor.u32 $0x60, s5;
	s21 =	sshrl.u32 s16, $0x2;
	[dreg:$0x4] =	wrdreg s10  }
0x10: {  	s22 =	sadd.s32 s19, s2;
	s10 =	sor.u32 $0x30, s5;
	s18 =	smul.u32 $0x6400, s17  }
0x11: {  	s11 =	sadd.s32 s23, s2;
	s19 =	sor.u32 $0x70, s5;
	s23 =	smul.u32 $0x64, s5  }
0x12: {  	s28 =	smax.u32 s1, $0x1;
	s1 =	simm.s32 $0x7;
	s24 =	smul.u32 $0x6400, s10  }
0x13: {  	[dreg:$0x6] =	wrdreg s11;
	s11 =	sshrl.u32 s25, $0x2;
	s26 =	smul.u32 $0x6400, s19  }
0x14: {  	[dreg:$0x5] =	wrdreg s22;
	s10 =	smul.u32 $0x3200, s10;
	s11 =	sadd.s32 s11, s2  }
0x15: {  	s22 =	sshrl.u32 s18, $0x2;
	s25 =	sadd.s32 s7, s23;
	s16 =	sadd.s32 s8, s23  }
0x16: {  	s18 =	sadd.s32 s9, s23;
	s23 =	sshrl.u32 s0, $0x4;
	[dreg:$0x8] =	wrdreg s11  }
0x17: {  	s0 =	sshrl.u32 s0, $0x1;
	s13 =	sshrl.u32 s24, $0x2;
	[dreg:$0xc] =	wrdreg s25  }
0x18: {  	s24 =	sadd.s32 s22, s2;
	s11 =	sshrl.u32 s26, $0x2;
	[dreg:$0xd] =	wrdreg s16  }
0x19: {  	s26 =	smul.u32 $0x3200, s5;
	[dreg:$0xe] =	wrdreg s18;
	s22 =	sshrl.u32 s12, $0x4  }
0x1a: {  	s12 =	sshrl.u32 s12, $0x1;
	s25 =	smul.u32 $0x3200, s14;
	s0 =	sadd.s32 s0, s2  }
0x1b: {  	s13 =	sadd.s32 s13, s2;
	[dreg:$0xa] =	wrdreg s24;
	s11 =	sadd.s32 s11, s2  }
0x1c: {  	s18 =	sadd.s32 s20, s22;
	s24 =	sadd.s32 s12, s2;
	[dreg:$0x14] =	wrdreg s0  }
0x1d: {  	s22 =	sadd.s32 s20, s23;
	s12 =	sshrl.u32 s10, $0x1;
	[dreg:$0x7] =	wrdreg s13  }
0x1e: {  	s13 =	sadd.s32 s21, s2;
	[dreg:$0xb] =	wrdreg s11;
	s21 =	sshrl.u32 s26, $0x4  }
0x1f: {  	s11 =	sshrl.u32 s26, $0x1;
	[dreg:$0x12] =	wrdreg s24;
	s26 =	sshrl.u32 s10, $0x4  }
0x20: {  	s29 =	sadd.s32 s12, s2;
	s24 =	smul.u32 $0x3200, s17;
	[dreg:$0x11] =	wrdreg s18  }
0x21: {  	s23 =	sshrl.u32 s25, $0x1;
	s17 =	smul.u32 $0x3200, s19;
	[dreg:$0x13] =	wrdreg s22  }
0x22: {  	s10 =	simm.s32 $0x13A10;
	[dreg:$0x9] =	wrdreg s13;
	s11 =	sadd.s32 s11, s2  }
0x23: {  	s16 =	sadd.s32 s20, s21;
	s14 =	sadd.s32 s20, s26;
	[dreg:$0x10] =	wrdreg s11  }
0x24: {  	s13 =	smul.u32 $0x3200, s15;
	s21 =	sshrl.u32 s25, $0x4;
	[dreg:$0xf] =	wrdreg s16  }
0x25: {  	s0 =	sadd.s32 s23, s2;
	s15 =	sadd.s32 s20, s21;
	[dreg:$0x15] =	wrdreg s14  }
0x26: {  	s11 =	sshrl.u32 s24, $0x1;
	s12 =	sadd.s32 $0x186A0, s16;
	[dreg:$0x17] =	wrdreg s17  }
0x27: {  	s23 =	sshrl.u32 s17, $0x1;
	s16 =	sadd.s32 $0x186A0, s18;
	[dreg:$0x1b] =	wrdreg s12  }
0x28: {  	s18 =	sadd.s32 $0x186A0, s22;
	s25 =	sshrl.u32 s13, $0x4;
	[dreg:$0x1c] =	wrdreg s16  }
0x29: {  	s26 =	sshrl.u32 s13, $0x1;
	s13 =	sshrl.u32 s24, $0x4;
	[dreg:$0x1d] =	wrdreg s18  }
0x2a: {  	[dreg:$0x16] =	wrdreg s15;
	s22 =	sadd.s32 $0x186A0, s15;
	s19 =	sadd.s32 s20, s25  }
0x2b: {  	s24 =	sadd.s32 s20, s13;
	s20 =	sadd.s32 $0x186A0, s14;
	[dreg:$0x1f] =	wrdreg s22  }
0x2c: {  	s12 =	simm.s32 $0x1A130;
	s21 =	sadd.s32 s26, s2;
	[dreg:$0x1e] =	wrdreg s20  }
0x2d: {  	s25 =	sadd.s32 s11, s2;
	s26 =	sadd.s32 s23, s2;
	[dreg:$0x18] =	wrdreg s19  }
.Ltmp0:
0x2e: {  	s11 =	sshrl.u32 s26, $0x3;
	[dreg:$0x19] =	wrdreg s24;
	(pc) =	sbr.rel .LBB2_1-.Ltmp0, $4  }
0x2f: {  	s15 =	simm.s32 $0x130B0;
	s23 =	sadd.s32 $0x186A0, s19;
	[dreg:$0x1a] =	wrdreg s11  }
0x30: {  	s13 =	simm.s32 $0x16F30;
	s24 =	sadd.s32 $0x186A0, s24;
	[smem:$0x7FB] =	sst s23  }
0x31: {  	s14 =	simm.s32 $0x2;
	s26 =	sadd.s32 $0x186A00, s17;
	[smem:$0x7FC] =	sst s24  }
0x32: {  	v0 =	vimm.bf16 $0.0e+00;
	[smem:$0x7FD] =	sst s26;
	s23 =	simm.s32 $0xC990;
	s11 =	simm.s32 $0x320  }
.LBB2_34:
0x33: {  	s17 =	sshrl.u32 s17, $0x4;
	s18 =	rddreg [dreg:$0x1]  }
0x34: {  	s26 =	rddreg [dreg:$0x1a];
	s17 =	sadd.s32 s18, s17  }
0x35: {  	[hbm:s17], [sflag:s16] =	dma.local [spmem:s26], $0x320  }
0x36: {  	_ =	swait.ge [sflag:s1], $0x320  }
0x37: {  	[sflag:s1] =	ssyncset.done $0x0  }
0x38: {  	[sflag:s1] =	ssyncadd.s32 $0xFFFFFCE0  }
.LBB2_35:
0x39: {  	s3 =	sadd.s32 $0x1, s3  }
0x3a: {  	p3 =	sne.s32 s3, s28  }
.Ltmp1:
0x3b: {  	_ = 	snop;
	(pc) =	sbr.rel @!p3 .LBB2_36-.Ltmp1, $2  }
0x3c: {  	_ =	sdelay $0x1  }
0x3d: {  	[bflag:$0x0] =	sbarrier.arrive $0xFFFF;
	_ =	sdelay $0x1  }
.LBB2_1:
.Ltmp2:
0x3e: {  	(pc) =	sbr.rel @!p0 .LBB2_2-.Ltmp2, $2  }
0x3f: {  	_ =	sdelay $0x2  }
0x40: {  	s16 =	simm.s32 $0x40;
	s17 =	simm.s32 $0x0  }
.LBB2_18:
0x41: {  	p3 =	sne.s32 s16, $0x63C0;
	[tilespmem:s17+$0xFEB0] =	vst v0;
	s17 =	smov.u32 s16;
	s16 =	sadd.s32 $0x40, s16  }
.Ltmp3:
0x42: {  	(pc) =	sbr.rel @p3 .LBB2_18-.Ltmp3, $2  }
0x43: {  	_ =	sdelay $0x2  }
0x44: {  	s17 =	sshra.s32 s17, $0x2  }
0x45: {  	[tilespmem:s17+$0xFEB0] =	vst v0;
	s16 =	rddreg [dreg:$0x4]  }
0x46: {  	[spmem:s16] =	stream.linear.scatter [tilespmem:s30], [sflag:$0x7], $0x1900, $0x38;
	[tilespmem:$0x1A450] =	vst v63  }
0x47: {  	_ =	swait.ge [sflag:s1], $0x1900  }
0x48: {  	[sflag:s1] =	ssyncset.done $0x0  }
0x49: {  	s22 =	rddreg [dreg:$0x5];
	[sflag:s1] =	ssyncadd.s32 $0xFFFFE700  }
0x4a: {  	[spmem:s22] =	stream.linear.scatter [tilespmem:s30], [sflag:$0x7], $0x1900, $0x38;
	[tilespmem:$0x1A450] =	vst v63  }
0x4b: {  	_ =	swait.ge [sflag:s1], $0x1900  }
0x4c: {  	[sflag:s1] =	ssyncset.done $0x0  }
0x4d: {  	s24 =	rddreg [dreg:$0x6];
	[sflag:s1] =	ssyncadd.s32 $0xFFFFE700  }
0x4e: {  	[spmem:s24] =	stream.linear.scatter [tilespmem:s30], [sflag:$0x7], $0x1900, $0x38;
	[tilespmem:$0x1A450] =	vst v63  }
0x4f: {  	_ =	swait.ge [sflag:s1], $0x1900  }
0x50: {  	[sflag:s1] =	ssyncset.done $0x0  }
0x51: {  	s26 =	rddreg [dreg:$0x7];
	[sflag:s1] =	ssyncadd.s32 $0xFFFFE700  }
0x52: {  	[spmem:s26] =	stream.linear.scatter [tilespmem:s30], [sflag:$0x7], $0x1900, $0x38;
	[tilespmem:$0x1A450] =	vst v63  }
0x53: {  	_ =	swait.ge [sflag:s1], $0x1900  }
0x54: {  	[sflag:s1] =	ssyncset.done $0x0  }
0x55: {  	s17 =	rddreg [dreg:$0x8];
	[sflag:s1] =	ssyncadd.s32 $0xFFFFE700  }
0x56: {  	[spmem:s17] =	stream.linear.scatter [tilespmem:s30], [sflag:$0x7], $0x1900, $0x38;
	[tilespmem:$0x1A450] =	vst v63  }
0x57: {  	_ =	swait.ge [sflag:s1], $0x1900  }
0x58: {  	[sflag:s1] =	ssyncset.done $0x0  }
0x59: {  	s18 =	rddreg [dreg:$0x9];
	[sflag:s1] =	ssyncadd.s32 $0xFFFFE700  }
0x5a: {  	[spmem:s18] =	stream.linear.scatter [tilespmem:s30], [sflag:$0x7], $0x1900, $0x38;
	[tilespmem:$0x1A450] =	vst v63  }
0x5b: {  	_ =	swait.ge [sflag:s1], $0x1900  }
0x5c: {  	[sflag:s1] =	ssyncset.done $0x0  }
0x5d: {  	s19 =	rddreg [dreg:$0xa];
	[sflag:s1] =	ssyncadd.s32 $0xFFFFE700  }
0x5e: {  	[spmem:s19] =	stream.linear.scatter [tilespmem:s30], [sflag:$0x7], $0x1900, $0x38;
	[tilespmem:$0x1A450] =	vst v63  }
0x5f: {  	_ =	swait.ge [sflag:s1], $0x1900  }
0x60: {  	[sflag:s1] =	ssyncset.done $0x0  }
0x61: {  	s16 =	simm.s32 @!p1 $0xFEB0;
	s17 =	rddreg [dreg:$0xb];
	[sflag:s1] =	ssyncadd.s32 $0xFFFFE700  }
0x62: {  	[spmem:s17] =	stream.linear.scatter @!p1 [tilespmem:s16], [sflag:$0x7], $0x1900, $0x38;
	[tilespmem:$0x1A450] =	vst v63  }
0x63: {  	s16 =	simm.s32 @!p1 $0x7  }
0x64: {  	_ =	swait.ge @!p1 [sflag:s16], $0x1900  }
0x65: {  	[sflag:s16] =	ssyncset.done @!p1 $0x0  }
0x66: {  	[sflag:s16] =	ssyncadd.s32 @!p1 $0xFFFFE700  }
0x67: {  	[bflag:$0x0] =	sbarrier.arrive $0xFFFF  }
0x68: {  	s18 =	simm.s32 $0xC350;
	s16 =	simm.s32 $0x0;
	s20 =	rddreg [dreg:$0xc]  }
0x69: {  	[tilespmem:s18], [sflag:$0x1] =	stream.linear.gather [hbm4b:s20+s16], $0x320, $0x38;
	[tilespmem:$0x1A450] =	vst v63  }
.Ltmp4:
0x6a: {  	_ = 	snop;
	(pc) =	sbr.rel .LBB2_20-.Ltmp4, $4  }
0x6b: {  	s24 =	simm.s32 $0xC670;
	s22 =	rddreg [dreg:$0xd]  }
0x6c: {  	[tilespmem:s24], [sflag:$0x1] =	stream.linear.gather [hbm4b:s22+s16], $0x320, $0x38;
	[tilespmem:$0x1A450] =	vst v63  }
0x6d: {  	s26 =	rddreg [dreg:$0xe]  }
0x6e: {  	[tilespmem:s23], [sflag:$0x1] =	stream.linear.gather [hbm4b:s26+s16], $0x320, $0x38;
	[tilespmem:$0x1A450] =	vst v63  }
.LBB2_2:
0x6f: {  	p3 =	sne.s32 s16, $0x63C0;
	[tilespmem:s17+$0xFEB0] =	vst v0;
	s17 =	smov.u32 s16;
	s16 =	sadd.s32 $0x40, s16  }
.Ltmp5:
0x70: {  	(pc) =	sbr.rel @p3 .LBB2_2-.Ltmp5, $2  }
0x71: {  	_ =	sdelay $0x2  }
0x72: {  	s17 =	sshra.s32 s17, $0x2  }
0x73: {  	[tilespmem:s17+$0xFEB0] =	vst v0;
	s16 =	rddreg [dreg:$0x4]  }
0x74: {  	[spmem:s16] =	stream.linear.scatter [tilespmem:s30], [sflag:$0x7], $0x1900, $0x38;
	[tilespmem:$0x1A450] =	vst v63  }
0x75: {  	_ =	swait.ge [sflag:s1], $0x1900  }
0x76: {  	[sflag:s1] =	ssyncset.done $0x0  }
0x77: {  	s22 =	rddreg [dreg:$0x5];
	[sflag:s1] =	ssyncadd.s32 $0xFFFFE700  }
0x78: {  	[spmem:s22] =	stream.linear.scatter [tilespmem:s30], [sflag:$0x7], $0x1900, $0x38;
	[tilespmem:$0x1A450] =	vst v63  }
0x79: {  	_ =	swait.ge [sflag:s1], $0x1900  }
0x7a: {  	[sflag:s1] =	ssyncset.done $0x0  }
0x7b: {  	s24 =	rddreg [dreg:$0x6];
	[sflag:s1] =	ssyncadd.s32 $0xFFFFE700  }
0x7c: {  	[spmem:s24] =	stream.linear.scatter [tilespmem:s30], [sflag:$0x7], $0x1900, $0x38;
	[tilespmem:$0x1A450] =	vst v63  }
0x7d: {  	_ =	swait.ge [sflag:s1], $0x1900  }
0x7e: {  	[sflag:s1] =	ssyncset.done $0x0  }
0x7f: {  	s26 =	rddreg [dreg:$0x7];
	[sflag:s1] =	ssyncadd.s32 $0xFFFFE700  }
0x80: {  	[spmem:s26] =	stream.linear.scatter [tilespmem:s30], [sflag:$0x7], $0x1900, $0x38;
	[tilespmem:$0x1A450] =	vst v63  }
0x81: {  	_ =	swait.ge [sflag:s1], $0x1900  }
0x82: {  	[sflag:s1] =	ssyncset.done $0x0  }
0x83: {  	s17 =	rddreg [dreg:$0x8];
	[sflag:s1] =	ssyncadd.s32 $0xFFFFE700  }
0x84: {  	[spmem:s17] =	stream.linear.scatter [tilespmem:s30], [sflag:$0x7], $0x1900, $0x38;
	[tilespmem:$0x1A450] =	vst v63  }
0x85: {  	_ =	swait.ge [sflag:s1], $0x1900  }
0x86: {  	[sflag:s1] =	ssyncset.done $0x0  }
0x87: {  	s18 =	rddreg [dreg:$0x9];
	[sflag:s1] =	ssyncadd.s32 $0xFFFFE700  }
0x88: {  	[spmem:s18] =	stream.linear.scatter [tilespmem:s30], [sflag:$0x7], $0x1900, $0x38;
	[tilespmem:$0x1A450] =	vst v63  }
0x89: {  	_ =	swait.ge [sflag:s1], $0x1900  }
0x8a: {  	[sflag:s1] =	ssyncset.done $0x0  }
0x8b: {  	s19 =	rddreg [dreg:$0xa];
	[sflag:s1] =	ssyncadd.s32 $0xFFFFE700  }
0x8c: {  	[spmem:s19] =	stream.linear.scatter [tilespmem:s30], [sflag:$0x7], $0x1900, $0x38;
	[tilespmem:$0x1A450] =	vst v63  }
0x8d: {  	_ =	swait.ge [sflag:s1], $0x1900  }
0x8e: {  	[sflag:s1] =	ssyncset.done $0x0  }
0x8f: {  	s16 =	simm.s32 @!p1 $0xFEB0;
	s17 =	rddreg [dreg:$0xb];
	[sflag:s1] =	ssyncadd.s32 $0xFFFFE700  }
0x90: {  	[spmem:s17] =	stream.linear.scatter @!p1 [tilespmem:s16], [sflag:$0x7], $0x1900, $0x38;
	[tilespmem:$0x1A450] =	vst v63  }
0x91: {  	s16 =	simm.s32 @!p1 $0x7  }
0x92: {  	_ =	swait.ge @!p1 [sflag:s16], $0x1900  }
0x93: {  	[sflag:s16] =	ssyncset.done @!p1 $0x0  }
0x94: {  	[sflag:s16] =	ssyncadd.s32 @!p1 $0xFFFFE700  }
0x95: {  	[bflag:$0x0] =	sbarrier.arrive $0xFFFF  }
0x96: {  	s18 =	simm.s32 $0xC350;
	s16 =	simm.s32 $0x0;
	s20 =	rddreg [dreg:$0xc]  }
0x97: {  	[tilespmem:s18], [sflag:$0x1] =	stream.linear.gather [hbm4b:s20+s16], $0x320, $0x38;
	[tilespmem:$0x1A450] =	vst v63  }
.Ltmp6:
0x98: {  	_ = 	snop;
	(pc) =	sbr.rel .LBB2_4-.Ltmp6, $4  }
0x99: {  	s24 =	simm.s32 $0xC670;
	s22 =	rddreg [dreg:$0xd]  }
0x9a: {  	[tilespmem:s24], [sflag:$0x1] =	stream.linear.gather [hbm4b:s22+s16], $0x320, $0x38;
	[tilespmem:$0x1A450] =	vst v63  }
0x9b: {  	s26 =	rddreg [dreg:$0xe]  }
0x9c: {  	[tilespmem:s23], [sflag:$0x1] =	stream.linear.gather [hbm4b:s26+s16], $0x320, $0x38;
	[tilespmem:$0x1A450] =	vst v63  }
.LBB2_32:
0x9d: {  	s16 =	sadd.s32 $0x1, s16  }
0x9e: {  	p3 =	sne.s32 s16, $0x21  }
.Ltmp7:
0x9f: {  	_ = 	snop;
	(pc) =	sbr.rel @!p3 .LBB2_33-.Ltmp7, $1  }
0xa0: {  	_ =	sdelay $0x3  }
.LBB2_20:
0xa1: {  	s17 =	sshll.u32 s16, $0x5  }
0xa2: {  	s17 =	sor.u32 s5, s17  }
0xa3: {  	p3 =	sgt.u32 s17, $0x3E7  }
0xa4: {  	s18 =	simm.s32 @!p3 $0x1  }
0xa5: {  	_ =	swait.ge @!p3 [sflag:s18], $0x320  }
0xa6: {  	[sflag:s18] =	ssyncset.done @!p3 $0x0  }
0xa7: {  	[sflag:s18] =	ssyncadd.s32 @!p3 $0xFFFFFCE0  }
0xa8: {  	_ =	swait.ge @!p3 [sflag:s18], $0x320  }
0xa9: {  	[sflag:s18] =	ssyncset.done @!p3 $0x0  }
0xaa: {  	[sflag:s18] =	ssyncadd.s32 @!p3 $0xFFFFFCE0  }
0xab: {  	s19 =	sadd.s32 $0xFFFFFFD0, s17;
	s26 =	sadd.s32 $0xFFFFFFF0, s17;
	_ =	swait.ge @!p3 [sflag:s18], $0x320  }
0xac: {  	s20 =	simm.s32 @!p3 $0xC350;
	s22 =	simm.s32 @!p3 $0xCCB0;
	[sflag:s18] =	ssyncset.done @!p3 $0x0  }
0xad: {  	p4 =	sgt.u32 s26, $0x3E7;
	[sflag:s18] =	ssyncadd.s32 @!p3 $0xFFFFFCE0;
	s18 =	simm.s32 @!p3 $0x320  }
0xae: {  	[tilespmem:s22], [sflag:$0x2] =	stream.indirect.gather @!p3 [hbm4b:s6+s18], $0x10, s20, s18, $0xb8;
	[tilespmem:$0x1A450] =	vst v63  }
.Ltmp8:
0xaf: {  	p3 =	sgt.u32 s19, $0x3E7;
	(pc) =	sbr.rel @p4 .LBB2_26-.Ltmp8, $4  }
0xb0: {  	s18 =	simm.s32 @!p3 $0x6  }
0xb1: {  	_ =	swait.ge @!p3 [sflag:s18], $0x3200  }
0xb2: {  	[sflag:s18] =	ssyncset.done @!p3 $0x0  }
0xb3: {  	[sflag:s18] =	ssyncadd.s32 @!p3 $0xFFFFCE00  }
0xb4: {  	s18 =	simm.s32 $0x0  }
0xb5: {  	v1 =	vmov s18  }
0xb6: {  	_ =	swait.ge [sflag:s31], $0x3200  }
0xb7: {  	[sflag:s31] =	ssyncset.done $0x0  }
0xb8: {  	s24 =	simm.s32 $0x13D30;
	[sflag:s31] =	ssyncadd.s32 $0xFFFFCE00  }
0xb9: {  	v2 =	vld [tilespmem:s24+$0x0]  }
0xba: {  	v1 =	vld.idx.msk [tilespmem:v1+s10+$0x0], $0xffff;
	_ =	sdelay $0x3  }
0xbb: {  	s26 =	simm.s32 $0x1;
	v3 =	vunpack.i.u.bf16.f32 v2;
	v2 =	vunpack.i.l.bf16.f32 v2  }
0xbc: {  	v4 =	vmov s26;
	v2 =	vmul.f32 v2, v1;
	v1 =	vmul.f32 v3, v1;
	_ =	sdelay $0x1  }
0xbd: {  	s18 =	simm.s32 $0x16F30;
	v1 =	vpack.i.f32.bf16 v1, v2  }
0xbe: {  	s19 =	simm.s32 $0x13D40;
	[tilespmem:s18+$0x0] =	vst v1  }
0xbf: {  	v1 =	vld [tilespmem:s19+$0x0]  }
0xc0: {  	v3 =	vld.idx.msk [tilespmem:v4+s10+$0x0], $0xffff;
	_ =	sdelay $0x2  }
0xc1: {  	s20 =	simm.s32 $0x2  }
0xc2: {  	v4 =	vunpack.i.u.bf16.f32 v1;
	v2 =	vunpack.i.l.bf16.f32 v1;
	v1 =	vmov s20  }
0xc3: {  	s20 =	simm.s32 $0x3;
	v2 =	vmul.f32 v2, v3;
	v3 =	vmul.f32 v4, v3  }
.LBB2_22:
0xc4: {  	p3 =	sne.s32 s20, $0x31F  }
0xc5: {  	s18 =	sadd.s32 $0x10, s18;
	v2 =	vpack.i.f32.bf16 v3, v2  }
0xc6: {  	[tilespmem:s18+$0x0] =	vst v2  }
0xc7: {  	s19 =	sadd.s32 $0x10, s19;
	v3 =	vld.idx.msk [tilespmem:v1+s10+$0x0], $0xffff  }
0xc8: {  	v2 =	vld [tilespmem:s19+$0x0];
	_ =	sdelay $0x1  }
.Ltmp9:
0xc9: {  	(pc) =	sbr.rel @p3 .LBB2_22-.Ltmp9, $3  }
0xca: {  	_ =	sdelay $0x1  }
0xcb: {  	v1 =	vmov s20;
	v4 =	vunpack.i.u.bf16.f32 v2;
	v2 =	vunpack.i.l.bf16.f32 v2  }
0xcc: {  	s20 =	sadd.s32 $0x1, s20;
	v2 =	vmul.f32 v2, v3;
	v3 =	vmul.f32 v4, v3  }
0xcd: {  	_ = 	snop  }
0xce: {  	s18 =	sadd.s32 $0x10, s18;
	v2 =	vpack.i.f32.bf16 v3, v2  }
0xcf: {  	s19 =	sadd.s32 $0x10, s19;
	[tilespmem:s18+$0x0] =	vst v2  }
0xd0: {  	v2 =	vld [tilespmem:s19+$0x0]  }
0xd1: {  	v1 =	vld.idx.msk [tilespmem:v1+s10+$0x0], $0xffff;
	_ =	sdelay $0x3  }
0xd2: {  	v3 =	vunpack.i.u.bf16.f32 v2;
	v2 =	vunpack.i.l.bf16.f32 v2  }
0xd3: {  	v2 =	vmul.f32 v2, v1;
	v1 =	vmul.f32 v3, v1;
	_ =	sdelay $0x1  }
0xd4: {  	s18 =	sadd.s32 $0x10, s18;
	v1 =	vpack.i.f32.bf16 v1, v2  }
0xd5: {  	[tilespmem:s18+$0x0] =	vst v1;
	s18 =	simm.s32 $0x0  }
0xd6: {  	s19 =	simm.s32 $0x40;
	v1 =	vld [tilespmem:s18+$0x136F0]  }
.LBB2_24:
0xd7: {  	p3 =	sne.s32 s19, $0xC40  }
.Ltmp10:
0xd8: {  	_ = 	snop;
	(pc) =	sbr.rel @p3 .LBB2_24-.Ltmp10, $3  }
0xd9: {  	_ =	sdelay $0x1  }
0xda: {  	[tilespmem:s18+$0x1A130] =	vst v1;
	s18 =	sshra.s32 s19, $0x2;
	s19 =	sadd.s32 $0x40, s19  }
0xdb: {  	v1 =	vld [tilespmem:s18+$0x136F0]  }
0xdc: {  	_ =	sdelay $0x3  }
0xdd: {  	[tilespmem:s18+$0x1A130] =	vst v1  }
0xde: {  	[spmem:s2] =	stream.indirect.scatter.add.bf16 [tilespmem:s13], [sflag:$0x6], $0x10, s12, s11, $0xb8;
	[tilespmem:$0x1A450] =	vst v63  }
.LBB2_26:
0xdf: {  	s18 =	sor.u32 $0x10, s17  }
0xe0: {  	p3 =	sgt.u32 s18, $0x3E7  }
0xe1: {  	s19 =	smul.u32 @!p3 $0x64, s18;
	_ =	sdelay $0x1  }
0xe2: {  	s22 =	simm.s32 @!p3 $0x0;
	s24 =	simm.s32 @!p3 $0x133D0;
	s20 =	sadd.s32 @!p3 s7, s19  }
0xe3: {  	[tilespmem:s24], [sflag:$0x4] =	stream.linear.gather @!p3 [hbm4b:s20+s22], $0x320, $0x38;
	[tilespmem:$0x1A450] =	vst v63  }
0xe4: {  	s26 =	simm.s32 @!p3 $0x136F0;
	s20 =	sadd.s32 @!p3 s8, s19  }
0xe5: {  	[tilespmem:s26], [sflag:$0x4] =	stream.linear.gather @!p3 [hbm4b:s20+s22], $0x320, $0x38;
	[tilespmem:$0x1A450] =	vst v63  }
0xe6: {  	s19 =	sadd.s32 @!p3 s9, s19;
	s20 =	simm.s32 @!p3 $0x13A10  }
0xe7: {  	[tilespmem:s20], [sflag:$0x4] =	stream.linear.gather @!p3 [hbm4b:s19+s22], $0x320, $0x38;
	[tilespmem:$0x1A450] =	vst v63  }
0xe8: {  	s19 =	simm.s32 @!p3 $0x4  }
0xe9: {  	_ =	swait.ge @!p3 [sflag:s19], $0x320  }
0xea: {  	[sflag:s19] =	ssyncset.done @!p3 $0x0  }
0xeb: {  	[sflag:s19] =	ssyncadd.s32 @!p3 $0xFFFFFCE0  }
0xec: {  	_ =	swait.ge @!p3 [sflag:s19], $0x320  }
0xed: {  	[sflag:s19] =	ssyncset.done @!p3 $0x0  }
0xee: {  	[sflag:s19] =	ssyncadd.s32 @!p3 $0xFFFFFCE0  }
0xef: {  	_ =	swait.ge @!p3 [sflag:s19], $0x320  }
0xf0: {  	p4 =	sgt.u32 s18, $0x3F7;
	s26 =	sadd.s32 $0xFFFFFFE0, s17;
	[sflag:s19] =	ssyncset.done @!p3 $0x0  }
0xf1: {  	s20 =	simm.s32 @!p3 $0x13D30;
	[sflag:s19] =	ssyncadd.s32 @!p3 $0xFFFFFCE0;
	s19 =	simm.s32 @!p3 $0x320  }
0xf2: {  	[tilespmem:s20], [sflag:$0x5] =	stream.indirect.gather @!p3 [hbm4b:s6+s19], $0x10, s24, s19, $0xb8;
	[tilespmem:$0x1A450] =	vst v63  }
.Ltmp11:
0xf3: {  	p3 =	sgt.u32 s26, $0x3E7;
	(pc) =	sbr.rel @p4 .LBB2_32-.Ltmp11, $4  }
0xf4: {  	s17 =	simm.s32 @!p3 $0x3  }
0xf5: {  	_ =	swait.ge @!p3 [sflag:s17], $0x3200  }
0xf6: {  	[sflag:s17] =	ssyncset.done @!p3 $0x0  }
0xf7: {  	[sflag:s17] =	ssyncadd.s32 @!p3 $0xFFFFCE00  }
0xf8: {  	s17 =	simm.s32 $0x0  }
0xf9: {  	v1 =	vmov s17  }
0xfa: {  	_ =	swait.ge [sflag:s14], $0x3200  }
0xfb: {  	[sflag:s14] =	ssyncset.done $0x0  }
0xfc: {  	s24 =	simm.s32 $0xCCB0;
	[sflag:s14] =	ssyncadd.s32 $0xFFFFCE00  }
0xfd: {  	v2 =	vld [tilespmem:s24+$0x0]  }
0xfe: {  	v1 =	vld.idx.msk [tilespmem:v1+s23+$0x0], $0xffff;
	_ =	sdelay $0x3  }
0xff: {  	s26 =	simm.s32 $0x1;
	v3 =	vunpack.i.u.bf16.f32 v2;
	v2 =	vunpack.i.l.bf16.f32 v2  }
0x100: {  	v4 =	vmov s26;
	v2 =	vmul.f32 v2, v1;
	v1 =	vmul.f32 v3, v1;
	_ =	sdelay $0x1  }
0x101: {  	s17 =	simm.s32 $0xFEB0;
	v1 =	vpack.i.f32.bf16 v1, v2  }
0x102: {  	s19 =	simm.s32 $0xCCC0;
	[tilespmem:s17+$0x0] =	vst v1  }
0x103: {  	v1 =	vld [tilespmem:s19+$0x0]  }
0x104: {  	v3 =	vld.idx.msk [tilespmem:v4+s23+$0x0], $0xffff;
	_ =	sdelay $0x2  }
0x105: {  	s20 =	simm.s32 $0x2  }
0x106: {  	v4 =	vunpack.i.u.bf16.f32 v1;
	v2 =	vunpack.i.l.bf16.f32 v1;
	v1 =	vmov s20  }
0x107: {  	s20 =	simm.s32 $0x3;
	v2 =	vmul.f32 v2, v3;
	v3 =	vmul.f32 v4, v3  }
.LBB2_28:
0x108: {  	p3 =	sne.s32 s20, $0x31F  }
0x109: {  	s17 =	sadd.s32 $0x10, s17;
	v2 =	vpack.i.f32.bf16 v3, v2  }
0x10a: {  	[tilespmem:s17+$0x0] =	vst v2  }
0x10b: {  	s19 =	sadd.s32 $0x10, s19;
	v3 =	vld.idx.msk [tilespmem:v1+s23+$0x0], $0xffff  }
0x10c: {  	v2 =	vld [tilespmem:s19+$0x0];
	_ =	sdelay $0x1  }
.Ltmp12:
0x10d: {  	(pc) =	sbr.rel @p3 .LBB2_28-.Ltmp12, $3  }
0x10e: {  	_ =	sdelay $0x1  }
0x10f: {  	v1 =	vmov s20;
	v4 =	vunpack.i.u.bf16.f32 v2;
	v2 =	vunpack.i.l.bf16.f32 v2  }
0x110: {  	s20 =	sadd.s32 $0x1, s20;
	v2 =	vmul.f32 v2, v3;
	v3 =	vmul.f32 v4, v3  }
0x111: {  	_ = 	snop  }
0x112: {  	s17 =	sadd.s32 $0x10, s17;
	v2 =	vpack.i.f32.bf16 v3, v2  }
0x113: {  	s19 =	sadd.s32 $0x10, s19;
	[tilespmem:s17+$0x0] =	vst v2  }
0x114: {  	v2 =	vld [tilespmem:s19+$0x0]  }
0x115: {  	v1 =	vld.idx.msk [tilespmem:v1+s23+$0x0], $0xffff;
	_ =	sdelay $0x3  }
0x116: {  	v3 =	vunpack.i.u.bf16.f32 v2;
	v2 =	vunpack.i.l.bf16.f32 v2  }
0x117: {  	v2 =	vmul.f32 v2, v1;
	v1 =	vmul.f32 v3, v1;
	_ =	sdelay $0x1  }
0x118: {  	s17 =	sadd.s32 $0x10, s17;
	v1 =	vpack.i.f32.bf16 v1, v2  }
0x119: {  	[tilespmem:s17+$0x0] =	vst v1;
	s17 =	simm.s32 $0x0  }
0x11a: {  	s19 =	simm.s32 $0x40;
	v1 =	vld [tilespmem:s17+$0xC670]  }
.LBB2_30:
0x11b: {  	p3 =	sne.s32 s19, $0xC40  }
.Ltmp13:
0x11c: {  	_ = 	snop;
	(pc) =	sbr.rel @p3 .LBB2_30-.Ltmp13, $3  }
0x11d: {  	_ =	sdelay $0x1  }
0x11e: {  	[tilespmem:s17+$0x130B0] =	vst v1;
	s17 =	sshra.s32 s19, $0x2;
	s19 =	sadd.s32 $0x40, s19  }
0x11f: {  	v1 =	vld [tilespmem:s17+$0xC670]  }
0x120: {  	_ =	sdelay $0x2  }
0x121: {  	p3 =	sgt.u32 s18, $0x3D7  }
0x122: {  	[tilespmem:s17+$0x130B0] =	vst v1;
	s17 =	smul.u32 @!p3 $0x320, s18  }
0x123: {  	[spmem:s2] =	stream.indirect.scatter.add.bf16 [tilespmem:s30], [sflag:$0x3], $0x10, s15, s11, $0xb8;
	[tilespmem:$0x1A450] =	vst v63  }
0x124: {  	s17 =	sshrl.u32 @!p3 s17, $0x3  }
0x125: {  	s17 =	sadd.s32 @!p3 $0x640, s17  }
0x126: {  	s19 =	simm.s32 @!p3 $0x0;
	s20 =	simm.s32 @!p3 $0xC350;
	s18 =	sadd.s32 @!p3 s7, s17  }
0x127: {  	[tilespmem:s20], [sflag:$0x1] =	stream.linear.gather @!p3 [hbm4b:s18+s19], $0x320, $0x38;
	[tilespmem:$0x1A450] =	vst v63  }
.Ltmp14:
0x128: {  	_ = 	snop;
	(pc) =	sbr.rel .LBB2_32-.Ltmp14, $4  }
0x129: {  	s18 =	sadd.s32 @!p3 s8, s17;
	s20 =	simm.s32 @!p3 $0xC670  }
0x12a: {  	[tilespmem:s20], [sflag:$0x1] =	stream.linear.gather @!p3 [hbm4b:s18+s19], $0x320, $0x38;
	[tilespmem:$0x1A450] =	vst v63  }
0x12b: {  	s17 =	sadd.s32 @!p3 s9, s17;
	s18 =	simm.s32 @!p3 $0xC990  }
0x12c: {  	[tilespmem:s18], [sflag:$0x1] =	stream.linear.gather @!p3 [hbm4b:s17+s19], $0x320, $0x38;
	[tilespmem:$0x1A450] =	vst v63  }
.LBB2_15:
0x12d: {  	p3 =	sgt.u32 s18, $0x3D7  }
0x12e: {  	[tilespmem:s17+$0x130B0] =	vst v1;
	s17 =	smul.u32 @!p3 $0x320, s18  }
0x12f: {  	[spmem:s2] =	stream.indirect.scatter.add.bf16 [tilespmem:s30], [sflag:$0x3], $0x10, s15, s11, $0xb8;
	[tilespmem:$0x1A450] =	vst v63  }
0x130: {  	s17 =	sshrl.u32 @!p3 s17, $0x3  }
0x131: {  	s17 =	sadd.s32 @!p3 $0x640, s17  }
0x132: {  	s19 =	simm.s32 @!p3 $0x0;
	s20 =	simm.s32 @!p3 $0xC350;
	s18 =	sadd.s32 @!p3 s7, s17  }
0x133: {  	[tilespmem:s20], [sflag:$0x1] =	stream.linear.gather @!p3 [hbm4b:s18+s19], $0x320, $0x38;
	[tilespmem:$0x1A450] =	vst v63  }
0x134: {  	s18 =	sadd.s32 @!p3 s8, s17;
	s20 =	simm.s32 @!p3 $0xC670  }
0x135: {  	[tilespmem:s20], [sflag:$0x1] =	stream.linear.gather @!p3 [hbm4b:s18+s19], $0x320, $0x38;
	[tilespmem:$0x1A450] =	vst v63  }
0x136: {  	s17 =	sadd.s32 @!p3 s9, s17;
	s18 =	simm.s32 @!p3 $0xC990  }
0x137: {  	[tilespmem:s18], [sflag:$0x1] =	stream.linear.gather @!p3 [hbm4b:s17+s19], $0x320, $0x38;
	[tilespmem:$0x1A450] =	vst v63  }
.LBB2_16:
0x138: {  	s16 =	sadd.s32 $0x1, s16  }
0x139: {  	p3 =	sne.s32 s16, $0x21  }
.Ltmp15:
0x13a: {  	_ = 	snop;
	(pc) =	sbr.rel @!p3 .LBB2_17-.Ltmp15, $1  }
0x13b: {  	_ =	sdelay $0x3  }
.LBB2_4:
0x13c: {  	s17 =	sshll.u32 s16, $0x5  }
0x13d: {  	s17 =	sor.u32 s5, s17  }
0x13e: {  	p3 =	sgt.u32 s17, $0x3E7  }
0x13f: {  	s18 =	simm.s32 @!p3 $0x1  }
0x140: {  	_ =	swait.ge @!p3 [sflag:s18], $0x320  }
0x141: {  	[sflag:s18] =	ssyncset.done @!p3 $0x0  }
0x142: {  	[sflag:s18] =	ssyncadd.s32 @!p3 $0xFFFFFCE0  }
0x143: {  	_ =	swait.ge @!p3 [sflag:s18], $0x320  }
0x144: {  	[sflag:s18] =	ssyncset.done @!p3 $0x0  }
0x145: {  	[sflag:s18] =	ssyncadd.s32 @!p3 $0xFFFFFCE0  }
0x146: {  	s19 =	sadd.s32 $0xFFFFFFD0, s17;
	s26 =	sadd.s32 $0xFFFFFFF0, s17;
	_ =	swait.ge @!p3 [sflag:s18], $0x320  }
0x147: {  	s20 =	simm.s32 @!p3 $0xC350;
	s22 =	simm.s32 @!p3 $0xCCB0;
	[sflag:s18] =	ssyncset.done @!p3 $0x0  }
0x148: {  	p4 =	sgt.u32 s26, $0x3E7;
	[sflag:s18] =	ssyncadd.s32 @!p3 $0xFFFFFCE0;
	s18 =	simm.s32 @!p3 $0x320  }
0x149: {  	[tilespmem:s22], [sflag:$0x2] =	stream.indirect.gather @!p3 [hbm4b:s4+s18], $0x10, s20, s18, $0xb8;
	[tilespmem:$0x1A450] =	vst v63  }
.Ltmp16:
0x14a: {  	p3 =	sgt.u32 s19, $0x3E7;
	(pc) =	sbr.rel @p4 .LBB2_10-.Ltmp16, $4  }
0x14b: {  	s18 =	simm.s32 @!p3 $0x6  }
0x14c: {  	_ =	swait.ge @!p3 [sflag:s18], $0x3200  }
0x14d: {  	[sflag:s18] =	ssyncset.done @!p3 $0x0  }
0x14e: {  	[sflag:s18] =	ssyncadd.s32 @!p3 $0xFFFFCE00  }
0x14f: {  	s18 =	simm.s32 $0x0  }
0x150: {  	v1 =	vmov s18  }
0x151: {  	_ =	swait.ge [sflag:s31], $0x3200  }
0x152: {  	[sflag:s31] =	ssyncset.done $0x0  }
0x153: {  	s24 =	simm.s32 $0x13D30;
	[sflag:s31] =	ssyncadd.s32 $0xFFFFCE00  }
0x154: {  	v2 =	vld [tilespmem:s24+$0x0]  }
0x155: {  	v1 =	vld.idx.msk [tilespmem:v1+s10+$0x0], $0xffff;
	_ =	sdelay $0x3  }
0x156: {  	s26 =	simm.s32 $0x1;
	v3 =	vunpack.i.u.bf16.f32 v2;
	v2 =	vunpack.i.l.bf16.f32 v2  }
0x157: {  	v4 =	vmov s26;
	v2 =	vmul.f32 v2, v1;
	v1 =	vmul.f32 v3, v1;
	_ =	sdelay $0x1  }
0x158: {  	s18 =	simm.s32 $0x16F30;
	v1 =	vpack.i.f32.bf16 v1, v2  }
0x159: {  	s19 =	simm.s32 $0x13D40;
	[tilespmem:s18+$0x0] =	vst v1  }
0x15a: {  	v1 =	vld [tilespmem:s19+$0x0]  }
0x15b: {  	v3 =	vld.idx.msk [tilespmem:v4+s10+$0x0], $0xffff;
	_ =	sdelay $0x2  }
0x15c: {  	s20 =	simm.s32 $0x2  }
0x15d: {  	v4 =	vunpack.i.u.bf16.f32 v1;
	v2 =	vunpack.i.l.bf16.f32 v1;
	v1 =	vmov s20  }
0x15e: {  	s20 =	simm.s32 $0x3;
	v2 =	vmul.f32 v2, v3;
	v3 =	vmul.f32 v4, v3  }
.LBB2_6:
0x15f: {  	p3 =	sne.s32 s20, $0x31F  }
0x160: {  	s18 =	sadd.s32 $0x10, s18;
	v2 =	vpack.i.f32.bf16 v3, v2  }
0x161: {  	[tilespmem:s18+$0x0] =	vst v2  }
0x162: {  	s19 =	sadd.s32 $0x10, s19;
	v3 =	vld.idx.msk [tilespmem:v1+s10+$0x0], $0xffff  }
0x163: {  	v2 =	vld [tilespmem:s19+$0x0];
	_ =	sdelay $0x1  }
.Ltmp17:
0x164: {  	(pc) =	sbr.rel @p3 .LBB2_6-.Ltmp17, $3  }
0x165: {  	_ =	sdelay $0x1  }
0x166: {  	v1 =	vmov s20;
	v4 =	vunpack.i.u.bf16.f32 v2;
	v2 =	vunpack.i.l.bf16.f32 v2  }
0x167: {  	s20 =	sadd.s32 $0x1, s20;
	v2 =	vmul.f32 v2, v3;
	v3 =	vmul.f32 v4, v3  }
0x168: {  	_ = 	snop  }
0x169: {  	s18 =	sadd.s32 $0x10, s18;
	v2 =	vpack.i.f32.bf16 v3, v2  }
0x16a: {  	s19 =	sadd.s32 $0x10, s19;
	[tilespmem:s18+$0x0] =	vst v2  }
0x16b: {  	v2 =	vld [tilespmem:s19+$0x0]  }
0x16c: {  	v1 =	vld.idx.msk [tilespmem:v1+s10+$0x0], $0xffff;
	_ =	sdelay $0x3  }
0x16d: {  	v3 =	vunpack.i.u.bf16.f32 v2;
	v2 =	vunpack.i.l.bf16.f32 v2  }
0x16e: {  	v2 =	vmul.f32 v2, v1;
	v1 =	vmul.f32 v3, v1;
	_ =	sdelay $0x1  }
0x16f: {  	s18 =	sadd.s32 $0x10, s18;
	v1 =	vpack.i.f32.bf16 v1, v2  }
0x170: {  	[tilespmem:s18+$0x0] =	vst v1;
	s18 =	simm.s32 $0x0  }
0x171: {  	s19 =	simm.s32 $0x40;
	v1 =	vld [tilespmem:s18+$0x136F0]  }
.LBB2_8:
0x172: {  	p3 =	sne.s32 s19, $0xC40  }
.Ltmp18:
0x173: {  	_ = 	snop;
	(pc) =	sbr.rel @p3 .LBB2_8-.Ltmp18, $3  }
0x174: {  	_ =	sdelay $0x1  }
0x175: {  	[tilespmem:s18+$0x1A130] =	vst v1;
	s18 =	sshra.s32 s19, $0x2;
	s19 =	sadd.s32 $0x40, s19  }
0x176: {  	v1 =	vld [tilespmem:s18+$0x136F0]  }
0x177: {  	_ =	sdelay $0x3  }
0x178: {  	[tilespmem:s18+$0x1A130] =	vst v1  }
0x179: {  	[spmem:s2] =	stream.indirect.scatter.add.bf16 [tilespmem:s13], [sflag:$0x6], $0x10, s12, s11, $0xb8;
	[tilespmem:$0x1A450] =	vst v63  }
.LBB2_10:
0x17a: {  	s18 =	sor.u32 $0x10, s17  }
0x17b: {  	p3 =	sgt.u32 s18, $0x3E7  }
0x17c: {  	s19 =	smul.u32 @!p3 $0x64, s18;
	_ =	sdelay $0x1  }
0x17d: {  	s22 =	simm.s32 @!p3 $0x0;
	s24 =	simm.s32 @!p3 $0x133D0;
	s20 =	sadd.s32 @!p3 s7, s19  }
0x17e: {  	[tilespmem:s24], [sflag:$0x4] =	stream.linear.gather @!p3 [hbm4b:s20+s22], $0x320, $0x38;
	[tilespmem:$0x1A450] =	vst v63  }
0x17f: {  	s26 =	simm.s32 @!p3 $0x136F0;
	s20 =	sadd.s32 @!p3 s8, s19  }
0x180: {  	[tilespmem:s26], [sflag:$0x4] =	stream.linear.gather @!p3 [hbm4b:s20+s22], $0x320, $0x38;
	[tilespmem:$0x1A450] =	vst v63  }
0x181: {  	s19 =	sadd.s32 @!p3 s9, s19;
	s20 =	simm.s32 @!p3 $0x13A10  }
0x182: {  	[tilespmem:s20], [sflag:$0x4] =	stream.linear.gather @!p3 [hbm4b:s19+s22], $0x320, $0x38;
	[tilespmem:$0x1A450] =	vst v63  }
0x183: {  	s19 =	simm.s32 @!p3 $0x4  }
0x184: {  	_ =	swait.ge @!p3 [sflag:s19], $0x320  }
0x185: {  	[sflag:s19] =	ssyncset.done @!p3 $0x0  }
0x186: {  	[sflag:s19] =	ssyncadd.s32 @!p3 $0xFFFFFCE0  }
0x187: {  	_ =	swait.ge @!p3 [sflag:s19], $0x320  }
0x188: {  	[sflag:s19] =	ssyncset.done @!p3 $0x0  }
0x189: {  	[sflag:s19] =	ssyncadd.s32 @!p3 $0xFFFFFCE0  }
0x18a: {  	_ =	swait.ge @!p3 [sflag:s19], $0x320  }
0x18b: {  	p4 =	sgt.u32 s18, $0x3F7;
	s26 =	sadd.s32 $0xFFFFFFE0, s17;
	[sflag:s19] =	ssyncset.done @!p3 $0x0  }
0x18c: {  	s20 =	simm.s32 @!p3 $0x13D30;
	[sflag:s19] =	ssyncadd.s32 @!p3 $0xFFFFFCE0;
	s19 =	simm.s32 @!p3 $0x320  }
0x18d: {  	[tilespmem:s20], [sflag:$0x5] =	stream.indirect.gather @!p3 [hbm4b:s4+s19], $0x10, s24, s19, $0xb8;
	[tilespmem:$0x1A450] =	vst v63  }
.Ltmp19:
0x18e: {  	p3 =	sgt.u32 s26, $0x3E7;
	(pc) =	sbr.rel @p4 .LBB2_16-.Ltmp19, $4  }
0x18f: {  	s17 =	simm.s32 @!p3 $0x3  }
0x190: {  	_ =	swait.ge @!p3 [sflag:s17], $0x3200  }
0x191: {  	[sflag:s17] =	ssyncset.done @!p3 $0x0  }
0x192: {  	[sflag:s17] =	ssyncadd.s32 @!p3 $0xFFFFCE00  }
0x193: {  	s17 =	simm.s32 $0x0  }
0x194: {  	v1 =	vmov s17  }
0x195: {  	_ =	swait.ge [sflag:s14], $0x3200  }
0x196: {  	[sflag:s14] =	ssyncset.done $0x0  }
0x197: {  	s24 =	simm.s32 $0xCCB0;
	[sflag:s14] =	ssyncadd.s32 $0xFFFFCE00  }
0x198: {  	v2 =	vld [tilespmem:s24+$0x0]  }
0x199: {  	v1 =	vld.idx.msk [tilespmem:v1+s23+$0x0], $0xffff;
	_ =	sdelay $0x3  }
0x19a: {  	s26 =	simm.s32 $0x1;
	v3 =	vunpack.i.u.bf16.f32 v2;
	v2 =	vunpack.i.l.bf16.f32 v2  }
0x19b: {  	v4 =	vmov s26;
	v2 =	vmul.f32 v2, v1;
	v1 =	vmul.f32 v3, v1;
	_ =	sdelay $0x1  }
0x19c: {  	s17 =	simm.s32 $0xFEB0;
	v1 =	vpack.i.f32.bf16 v1, v2  }
0x19d: {  	s19 =	simm.s32 $0xCCC0;
	[tilespmem:s17+$0x0] =	vst v1  }
0x19e: {  	v1 =	vld [tilespmem:s19+$0x0]  }
0x19f: {  	v3 =	vld.idx.msk [tilespmem:v4+s23+$0x0], $0xffff;
	_ =	sdelay $0x2  }
0x1a0: {  	s20 =	simm.s32 $0x2  }
0x1a1: {  	v4 =	vunpack.i.u.bf16.f32 v1;
	v2 =	vunpack.i.l.bf16.f32 v1;
	v1 =	vmov s20  }
0x1a2: {  	s20 =	simm.s32 $0x3;
	v2 =	vmul.f32 v2, v3;
	v3 =	vmul.f32 v4, v3  }
.LBB2_12:
0x1a3: {  	p3 =	sne.s32 s20, $0x31F  }
0x1a4: {  	s17 =	sadd.s32 $0x10, s17;
	v2 =	vpack.i.f32.bf16 v3, v2  }
0x1a5: {  	[tilespmem:s17+$0x0] =	vst v2  }
0x1a6: {  	s19 =	sadd.s32 $0x10, s19;
	v3 =	vld.idx.msk [tilespmem:v1+s23+$0x0], $0xffff  }
0x1a7: {  	v2 =	vld [tilespmem:s19+$0x0];
	_ =	sdelay $0x1  }
.Ltmp20:
0x1a8: {  	(pc) =	sbr.rel @p3 .LBB2_12-.Ltmp20, $3  }
0x1a9: {  	_ =	sdelay $0x1  }
0x1aa: {  	v1 =	vmov s20;
	v4 =	vunpack.i.u.bf16.f32 v2;
	v2 =	vunpack.i.l.bf16.f32 v2  }
0x1ab: {  	s20 =	sadd.s32 $0x1, s20;
	v2 =	vmul.f32 v2, v3;
	v3 =	vmul.f32 v4, v3  }
0x1ac: {  	_ = 	snop  }
0x1ad: {  	s17 =	sadd.s32 $0x10, s17;
	v2 =	vpack.i.f32.bf16 v3, v2  }
0x1ae: {  	s19 =	sadd.s32 $0x10, s19;
	[tilespmem:s17+$0x0] =	vst v2  }
0x1af: {  	v2 =	vld [tilespmem:s19+$0x0]  }
0x1b0: {  	v1 =	vld.idx.msk [tilespmem:v1+s23+$0x0], $0xffff;
	_ =	sdelay $0x3  }
0x1b1: {  	v3 =	vunpack.i.u.bf16.f32 v2;
	v2 =	vunpack.i.l.bf16.f32 v2  }
0x1b2: {  	v2 =	vmul.f32 v2, v1;
	v1 =	vmul.f32 v3, v1;
	_ =	sdelay $0x1  }
0x1b3: {  	s17 =	sadd.s32 $0x10, s17;
	v1 =	vpack.i.f32.bf16 v1, v2  }
0x1b4: {  	[tilespmem:s17+$0x0] =	vst v1;
	s17 =	simm.s32 $0x0  }
0x1b5: {  	s19 =	simm.s32 $0x40;
	v1 =	vld [tilespmem:s17+$0xC670]  }
.LBB2_14:
0x1b6: {  	p3 =	sne.s32 s19, $0xC40  }
.Ltmp21:
0x1b7: {  	_ = 	snop;
	(pc) =	sbr.rel @p3 .LBB2_14-.Ltmp21, $3  }
0x1b8: {  	_ =	sdelay $0x1  }
0x1b9: {  	[tilespmem:s17+$0x130B0] =	vst v1;
	s17 =	sshra.s32 s19, $0x2;
	s19 =	sadd.s32 $0x40, s19  }
0x1ba: {  	v1 =	vld [tilespmem:s17+$0xC670]  }
.Ltmp22:
0x1bb: {  	_ = 	snop;
	(pc) =	sbr.rel .LBB2_15-.Ltmp22, $1  }
0x1bc: {  	_ =	sdelay $0x3  }
.LBB2_33:
0x1bd: {  	[bflag:$0x0] =	sbarrier.arrive $0xFFFF  }
0x1be: {  	s16 =	sshll.u32 s5, $0x6;
	s17 =	rddreg [dreg:$0x10]  }
0x1bf: {  	s16 =	sor.u32 $0x1C07, s16;
	s18 =	rddreg [dreg:$0x1b];
	s17 =	sshrl.u32 s17, $0x3  }
0x1c0: {  	[hbm:s18], [sflag:s16] =	dma.local [spmem:s17], $0x320  }
0x1c1: {  	_ =	swait.ge [sflag:s1], $0x320  }
0x1c2: {  	[sflag:s1] =	ssyncset.done $0x0;
	s18 =	rddreg [dreg:$0x12]  }
0x1c3: {  	s19 =	rddreg [dreg:$0x1c];
	[sflag:s1] =	ssyncadd.s32 $0xFFFFFCE0;
	s17 =	sshrl.u32 s18, $0x3  }
0x1c4: {  	[hbm:s19], [sflag:s16] =	dma.local [spmem:s17], $0x320  }
0x1c5: {  	_ =	swait.ge [sflag:s1], $0x320  }
0x1c6: {  	[sflag:s1] =	ssyncset.done $0x0;
	s20 =	rddreg [dreg:$0x14]  }
0x1c7: {  	s22 =	rddreg [dreg:$0x1d];
	[sflag:s1] =	ssyncadd.s32 $0xFFFFFCE0;
	s17 =	sshrl.u32 s20, $0x3  }
0x1c8: {  	[hbm:s22], [sflag:s16] =	dma.local [spmem:s17], $0x320  }
0x1c9: {  	_ =	swait.ge [sflag:s1], $0x320  }
0x1ca: {  	[sflag:s1] =	ssyncset.done $0x0  }
0x1cb: {  	s24 =	sshrl.u32 s29, $0x3;
	s26 =	rddreg [dreg:$0x1e];
	[sflag:s1] =	ssyncadd.s32 $0xFFFFFCE0  }
0x1cc: {  	[hbm:s26], [sflag:s16] =	dma.local [spmem:s24], $0x320  }
0x1cd: {  	_ =	swait.ge [sflag:s1], $0x320  }
0x1ce: {  	[sflag:s1] =	ssyncset.done $0x0  }
0x1cf: {  	s18 =	sshrl.u32 s0, $0x3;
	s19 =	rddreg [dreg:$0x1f];
	[sflag:s1] =	ssyncadd.s32 $0xFFFFFCE0  }
0x1d0: {  	[hbm:s19], [sflag:s16] =	dma.local [spmem:s18], $0x320  }
0x1d1: {  	_ =	swait.ge [sflag:s1], $0x320  }
0x1d2: {  	s22 =	sld [smem:$0x7FB]  }
0x1d3: {  	[sflag:s1] =	ssyncset.done $0x0  }
0x1d4: {  	s20 =	sshrl.u32 s21, $0x3;
	[sflag:s1] =	ssyncadd.s32 $0xFFFFFCE0  }
0x1d5: {  	[hbm:s22], [sflag:s16] =	dma.local [spmem:s20], $0x320  }
0x1d6: {  	_ =	swait.ge [sflag:s1], $0x320  }
0x1d7: {  	s26 =	sld [smem:$0x7FC]  }
0x1d8: {  	[sflag:s1] =	ssyncset.done $0x0  }
0x1d9: {  	s24 =	sshrl.u32 s25, $0x3;
	[sflag:s1] =	ssyncadd.s32 $0xFFFFFCE0  }
0x1da: {  	[hbm:s26], [sflag:s16] =	dma.local [spmem:s24], $0x320  }
.Ltmp23:
0x1db: {  	_ = 	snop;
	(pc) =	sbr.rel @p1 .LBB2_35-.Ltmp23, $4  }
.Ltmp24:
0x1dc: {  	_ = 	snop;
	(pc) =	sbr.rel @!p1 .LBB2_34-.Ltmp24, $4  }
0x1dd: {  	_ =	swait.ge [sflag:s1], $0x320  }
0x1de: {  	[sflag:s1] =	ssyncset.done $0x0;
	s17 =	sld [smem:$0x7FD]  }
0x1df: {  	[sflag:s1] =	ssyncadd.s32 $0xFFFFFCE0  }
0x1e0: {  	_ = 	snop  }
.LBB2_17:
0x1e1: {  	[bflag:$0x0] =	sbarrier.arrive $0xFFFF  }
0x1e2: {  	s16 =	sshll.u32 s5, $0x6;
	s17 =	rddreg [dreg:$0x10]  }
0x1e3: {  	s16 =	sor.u32 $0x1C07, s16;
	s18 =	rddreg [dreg:$0xf];
	s17 =	sshrl.u32 s17, $0x3  }
0x1e4: {  	[hbm:s18], [sflag:s16] =	dma.local [spmem:s17], $0x320  }
0x1e5: {  	_ =	swait.ge [sflag:s1], $0x320  }
0x1e6: {  	[sflag:s1] =	ssyncset.done $0x0;
	s18 =	rddreg [dreg:$0x12]  }
0x1e7: {  	s19 =	rddreg [dreg:$0x11];
	[sflag:s1] =	ssyncadd.s32 $0xFFFFFCE0;
	s17 =	sshrl.u32 s18, $0x3  }
0x1e8: {  	[hbm:s19], [sflag:s16] =	dma.local [spmem:s17], $0x320  }
0x1e9: {  	_ =	swait.ge [sflag:s1], $0x320  }
0x1ea: {  	[sflag:s1] =	ssyncset.done $0x0;
	s20 =	rddreg [dreg:$0x14]  }
0x1eb: {  	s22 =	rddreg [dreg:$0x13];
	[sflag:s1] =	ssyncadd.s32 $0xFFFFFCE0;
	s17 =	sshrl.u32 s20, $0x3  }
0x1ec: {  	[hbm:s22], [sflag:s16] =	dma.local [spmem:s17], $0x320  }
0x1ed: {  	_ =	swait.ge [sflag:s1], $0x320  }
0x1ee: {  	[sflag:s1] =	ssyncset.done $0x0  }
0x1ef: {  	s24 =	sshrl.u32 s29, $0x3;
	s26 =	rddreg [dreg:$0x15];
	[sflag:s1] =	ssyncadd.s32 $0xFFFFFCE0  }
0x1f0: {  	[hbm:s26], [sflag:s16] =	dma.local [spmem:s24], $0x320  }
0x1f1: {  	_ =	swait.ge [sflag:s1], $0x320  }
0x1f2: {  	[sflag:s1] =	ssyncset.done $0x0  }
0x1f3: {  	s18 =	sshrl.u32 s0, $0x3;
	s19 =	rddreg [dreg:$0x16];
	[sflag:s1] =	ssyncadd.s32 $0xFFFFFCE0  }
0x1f4: {  	[hbm:s19], [sflag:s16] =	dma.local [spmem:s18], $0x320  }
0x1f5: {  	_ =	swait.ge [sflag:s1], $0x320  }
0x1f6: {  	[sflag:s1] =	ssyncset.done $0x0  }
0x1f7: {  	s20 =	sshrl.u32 s21, $0x3;
	s22 =	rddreg [dreg:$0x18];
	[sflag:s1] =	ssyncadd.s32 $0xFFFFFCE0  }
0x1f8: {  	[hbm:s22], [sflag:s16] =	dma.local [spmem:s20], $0x320  }
0x1f9: {  	_ =	swait.ge [sflag:s1], $0x320  }
0x1fa: {  	[sflag:s1] =	ssyncset.done $0x0  }
0x1fb: {  	s24 =	sshrl.u32 s25, $0x3;
	s26 =	rddreg [dreg:$0x19];
	[sflag:s1] =	ssyncadd.s32 $0xFFFFFCE0  }
0x1fc: {  	[hbm:s26], [sflag:s16] =	dma.local [spmem:s24], $0x320  }
.Ltmp25:
0x1fd: {  	_ = 	snop;
	(pc) =	sbr.rel @p2 .LBB2_34-.Ltmp25, $4  }
.Ltmp26:
0x1fe: {  	_ = 	snop;
	(pc) =	sbr.rel @!p2 .LBB2_35-.Ltmp26, $4  }
0x1ff: {  	_ =	swait.ge [sflag:s1], $0x320  }
0x200: {  	[sflag:s1] =	ssyncset.done $0x0  }
0x201: {  	s17 =	rddreg [dreg:$0x17];
	[sflag:s1] =	ssyncadd.s32 $0xFFFFFCE0  }
0x202: {  	_ = 	snop  }
.LBB2_36:
0x203: {  	_ =	sfence.sel $0x180000  }
0x204: {  	[bflag:$0x0] =	sbarrier.arrive $0xFFFF  }
0x205: {  	_ =	strace $0x9000004A  }
0x206: {  	[bflag:$0x2] =	sbarrier.arrive $0xFFFF  }
0x207: {  	p0 =	sne.s32 s5, $0x0;
	s0 =	rddreg [dreg:$0x3]  }
0x208: {  	s0 =	sadd.s32 @!p0 $0x100000, s0  }
0x209: {  	[sflag:s0] =	ssyncadd.tile.s32 @!p0 $0x1;
	_ =	shalt  }
.Lfunc_end2:
_tile_overlayer_lowered:
.L_overlay_start_2:
0x20a: {  	(tag) =	ssettag $0x2  }
0x20b: {  	s0 =	rddreg [dreg:$0x0];
	s2 =	stileid.u32  }
0x20c: {  	s1 =	rddreg [dreg:$0x1];
	p0 =	sne.s32 s2, $0x0  }
0x20d: {  	s3 =	rddreg [dreg:$0x2];
	[bflag:$0x3] =	sbarrier.arrive $0xFFFF;
	s2 =	simm.s32 @!p0 $0x1C07  }
0x20e: {  	[timem:s3], [sflag:s2] =	dma.local @!p0 [hbm:s0], s1  }
0x20f: {  	s0 =	simm.s32 @!p0 $0x7  }
0x210: {  	_ =	swait.ge @!p0 [sflag:s0], s1  }
0x211: {  	s1 =	ssub.s32 @!p0 $0x0, s1;
	[sflag:s0] =	ssyncset.done @!p0 $0x0  }
0x212: {  	[sflag:s0] =	ssyncadd.s32 @!p0 s1  }
0x213: {  	[bflag:$0x3] =	sbarrier.arrive $0xFFFF  }
0x214: {  	_ =	shalt  }

// kernel: kernel.15.cloned.1.call-start
scs
__scs_entry_jumppad:
0x0: {  	(pc) =	sbr.rel $0x88, $3  }
0x1: {  	(tag) =	ssettag $0x0;
	lr =	simm.s32 $0x1  }
0x2: {  	[smem:$0x3F97] =	sst lr;
	_ =	strace $0xD0000000  }
0x3: {  	_ = 	snop  }
0x4: {  	_ = 	snop  }
0x5: {  	_ = 	snop  }
0x6: {  	_ = 	snop  }
0x7: {  	_ = 	snop  }
__scs_overlays_trampoline_lowered:
0x8: {  	[smem:$0x3FA6] =	sst s0  }
0x9: {  	[smem:$0x3FA7] =	sst s1  }
0xa: {  	[smem:$0x3FA8] =	sst s2  }
0xb: {  	[smem:$0x3FA9] =	sst s3  }
0xc: {  	[smem:$0x3FAA] =	sst s4  }
0xd: {  	[smem:$0x3FAB] =	sst s5  }
0xe: {  	[smem:$0x3FAC] =	sst s6  }
0xf: {  	[smem:$0x3FAD] =	sst s7  }
0x10: {  	[smem:$0x3FAE] =	sst s8  }
0x11: {  	[smem:$0x3FAF] =	sst s9;
	s0 =	simm.s32 @!p0 $0x0  }
0x12: {  	s1 =	sld [smem:$0x3F95];
	s0 =	simm.s32 @p0 $0x1  }
0x13: {  	[smem:$0x3FB0] =	sst s0;
	s0 =	simm.s32 @!p1 $0x0  }
0x14: {  	s2 =	sld [smem:$0x3F94];
	s0 =	simm.s32 @p1 $0x1  }
0x15: {  	[smem:$0x3FB1] =	sst s0;
	s0 =	simm.s32 @!p2 $0x0  }
0x16: {  	s3 =	sld [smem:$0x3FDB];
	s0 =	simm.s32 @p2 $0x1  }
0x17: {  	s4 =	simm.s32 $0x1BF5;
	[smem:$0x3FB3] =	sst s0  }
0x18: {  	s0 =	sld [smem:$0x3F96];
	_ =	swait.ge [sflag:s4], $0x0  }
0x19: {  	s7 =	sld [smem:$0x3F97]  }
0x1a: {  	s8 =	sadd.s32 $0xFFFFE003, lr  }
0x1b: {  	s9 =	sadd.s32 $0xFFFFFEF7, lr;
	s5 =	simm.s32 $0xFFFFFFFF;
	p2 =	slt.u32 s8, $0xFFFFF086  }
0x1c: {  	p1 =	slt.u32 s9, $0xF7A;
	s5 =	simm.s32 @!p2 $0x0  }
0x1d: {  	s5 =	simm.s32 @p1 $0x1;
	p0 =	seq.s32 s7, s2  }
0x1e: {  	s7 =	smul.u32 @!p0 $0xF7A, s2;
	p2 =	seq.s32 @!p0 s5, $0x0  }
0x1f: {  	s9 =	smul.u32 $0xF7A, s1;
	s8 =	simm.s32 @!p0 $0x1BF5;
	p2 =	por !p2, p0  }
0x20: {  	[sflag:s8] =	ssyncset.s32 @!p0 $0xFFFFF086;
	s6 =	sadd.s32 @!p0 s3, s7;
	s7 =	simm.s32 @!p0 $0x108  }
0x21: {  	s3 =	sadd.s32 s3, s9;
	s6 =	sadd.s32 @!p0 $0x88, s6;
	s7 =	simm.s32 @p2 $0x1082  }
0x22: {  	[simem:s7], [sflag:s8] =	dma.local @!p0 [hbm:s6], $0xF7A  }
0x23: {  	s9 =	sor.u32 $0xD0000000, s2;
	s6 =	simm.s32 $0x108;
	_ =	swait.ge @!p0 [sflag:s8], $0x0  }
0x24: {  	s3 =	sadd.s32 $0x88, s3;
	s6 =	simm.s32 @!p1 $0x1082;
	[sflag:s4] =	ssyncset.s32 $0xFFFFF086  }
0x25: {  	[simem:s6], [sflag:s4] =	dma.local [hbm:s3], $0xF7A  }
0x26: {  	[smem:$0x3F97] =	sst s1;
	(tag) =	ssettag s2;
	_ =	strace s9  }
0x27: {  	s1 =	sld [smem:$0x3FA7]  }
0x28: {  	s2 =	sld [smem:$0x3FA8]  }
0x29: {  	s4 =	sld [smem:$0x3FAA]  }
0x2a: {  	p0 =	seq.s32 s5, $0x0;
	s5 =	sld [smem:$0x3FAB]  }
0x2b: {  	s6 =	sld [smem:$0x3FAC]  }
0x2c: {  	s7 =	sld [smem:$0x3FAD]  }
0x2d: {  	s3 =	simm.s32 $0x108;
	s8 =	sld [smem:$0x3FAE]  }
0x2e: {  	s3 =	simm.s32 @!p0 $0x1082;
	s9 =	sld [smem:$0x3FAF]  }
0x2f: {  	lr =	sadd.s32 s0, s3;
	s0 =	sld [smem:$0x3FA6]  }
0x30: {  	s3 =	sld [smem:$0x3FA9]  }
0x31: {  	[smem:$0x3FB2] =	sst s10  }
0x32: {  	s10 =	sld [smem:$0x3FB0];
	_ =	sdelay $0x3  }
0x33: {  	p0 =	seq.s32 s10, $0x1;
	s10 =	sld [smem:$0x3FB2];
	_ =	sdelay $0x3  }
0x34: {  	[smem:$0x3FB2] =	sst s10  }
0x35: {  	s10 =	sld [smem:$0x3FB1];
	_ =	sdelay $0x3  }
0x36: {  	p1 =	seq.s32 s10, $0x1;
	s10 =	sld [smem:$0x3FB2];
	_ =	sdelay $0x3  }
0x37: {  	[smem:$0x3FB2] =	sst s10  }
0x38: {  	s10 =	sld [smem:$0x3FB3]  }
0x39: {  	_ = 	snop;
	(pc) =	sbr.ind lr, $3  }
0x3a: {  	_ = 	snop  }
0x3b: {  	_ = 	snop  }
0x3c: {  	p2 =	seq.s32 s10, $0x1;
	s10 =	sld [smem:$0x3FB2]  }
0x3d: {  	_ =	shalt  }
0x3e: {  	_ =	shalt  }
0x3f: {  	_ =	shalt  }
0x40: {  	_ =	shalt  }
0x41: {  	_ =	shalt  }
0x42: {  	_ =	shalt  }
0x43: {  	_ =	shalt  }
0x44: {  	_ =	shalt  }
0x45: {  	_ =	shalt  }
0x46: {  	_ =	shalt  }
0x47: {  	_ =	shalt  }
0x48: {  	_ =	shalt  }
0x49: {  	_ =	shalt  }
0x4a: {  	_ =	shalt  }
0x4b: {  	_ =	shalt  }
0x4c: {  	_ =	shalt  }
0x4d: {  	_ =	shalt  }
0x4e: {  	_ =	shalt  }
0x4f: {  	_ =	shalt  }
0x50: {  	_ =	shalt  }
0x51: {  	_ =	shalt  }
0x52: {  	_ =	shalt  }
0x53: {  	_ =	shalt  }
0x54: {  	_ =	shalt  }
0x55: {  	_ =	shalt  }
0x56: {  	_ =	shalt  }
0x57: {  	_ =	shalt  }
0x58: {  	_ =	shalt  }
0x59: {  	_ =	shalt  }
0x5a: {  	_ =	shalt  }
0x5b: {  	_ =	shalt  }
0x5c: {  	_ =	shalt  }
0x5d: {  	_ =	shalt  }
0x5e: {  	_ =	shalt  }
0x5f: {  	_ =	shalt  }
0x60: {  	_ =	shalt  }
0x61: {  	_ =	shalt  }
0x62: {  	_ =	shalt  }
0x63: {  	_ =	shalt  }
0x64: {  	_ =	shalt  }
0x65: {  	_ =	shalt  }
0x66: {  	_ =	shalt  }
0x67: {  	_ =	shalt  }
0x68: {  	_ =	shalt  }
0x69: {  	_ =	shalt  }
0x6a: {  	_ =	shalt  }
0x6b: {  	_ =	shalt  }
0x6c: {  	_ =	shalt  }
0x6d: {  	_ =	shalt  }
0x6e: {  	_ =	shalt  }
0x6f: {  	_ =	shalt  }
0x70: {  	_ =	shalt  }
0x71: {  	_ =	shalt  }
0x72: {  	_ =	shalt  }
0x73: {  	_ =	shalt  }
0x74: {  	_ =	shalt  }
0x75: {  	_ =	shalt  }
0x76: {  	_ =	shalt  }
0x77: {  	_ =	shalt  }
0x78: {  	_ =	shalt  }
0x79: {  	_ =	shalt  }
0x7a: {  	_ =	shalt  }
0x7b: {  	_ =	shalt  }
0x7c: {  	_ =	shalt  }
0x7d: {  	_ =	shalt  }
0x7e: {  	_ =	shalt  }
0x7f: {  	_ =	shalt  }
0x80: {  	_ =	shalt  }
0x81: {  	_ =	shalt  }
0x82: {  	_ =	shalt  }
0x83: {  	_ =	shalt  }
0x84: {  	_ =	shalt  }
0x85: {  	_ =	shalt  }
0x86: {  	_ =	shalt  }
0x87: {  	_ =	shalt  }
.Lfunc_end0:
.L_simem_size_0:
called_computation.2_lowered:
.L_overlay_start_0:
0x88: {  	s2 =	sld [smem:$0x3FD9]  }
0x89: {  	s3 =	sld [smem:$0x3FFE];
	_ =	sdelay $0x1  }
0x8a: {  	s1 =	srdreg.scid  }
0x8b: {  	s0 =	sand.u32 $0x1, s1  }
0x8c: {  	s14 =	sshll.u32 s0, $0xA;
	s2 =	sadd.s32 s3, s2  }
0x8d: {  	s2 =	sadd.s32 s2, s14  }
0x8e: {  	[smem:$0x3FBE] =	sst s2  }
0x8f: {  	_ = 	snop  }
0x90: {  	s2 =	sld [smem:$0x3FD0];
	_ =	sdelay $0x2  }
0x91: {  	s15 =	simm.s32 $0xA;
	s4 =	simm.s32 $0x10  }
0x92: {  	[smem:s4], [sflag:s15] =	dma.local [hbm:s2], $0x1  }
0x93: {  	_ =	swait.eq [sflag:s15], $0x1  }
0x94: {  	[sflag:s15] =	ssyncset.done $0x0  }
0x95: {  	s16 =	sld [smem:$0x10];
	[sflag:s15] =	ssyncadd.s32 $0xFFFFFFFF  }
0x96: {  	s17 =	sld [smem:$0x11];
	(tm) =	ssettm $0x1  }
0x97: {  	s18 =	sld [smem:$0x3FFB];
	_ =	sdelay $0x3  }
0x98: {  	_ =	strace s18  }
0x99: {  	s4 =	sld [smem:$0x3FFC];
	_ =	sdelay $0x3  }
0x9a: {  	_ =	strace s4  }
0x9b: {  	s4 =	sld [smem:$0x3FFD];
	_ =	sdelay $0x3  }
0x9c: {  	_ =	strace s4  }
0x9d: {  	_ =	strace $0x8FFFFFFF  }
0x9e: {  	s19 =	sld [smem:$0x3FDB];
	_ =	sdelay $0x1  }
0x9f: {  	s5 =	simm.s32 $_scs_section_size  }
0xa0: {  	s6 =	simm.s32 $_size__tile_overlayer_lowered;
	s7 =	simm.s32 $_tile_overlayer_lowered  }
0xa1: {  	s22 =	simm.s32 $0x1BFF;
	s21 =	sshll.u32 s7, $0x1;
	s4 =	sadd.s32 s5, s19  }
0xa2: {  	s8 =	simm.s32 $0x0;
	s20 =	sshll.u32 s6, $0x1;
	s6 =	sadd.s32 s21, s4  }
0xa3: {  	[timem:s8], [sflag:s22] =	dma.local [hbm:s6], s20  }
0xa4: {  	_ =	swait.ge [sflag:s22], s20  }
0xa5: {  	s5 =	ssub.s32 $0x0, s20;
	[sflag:s22] =	ssyncset.done $0x0  }
0xa6: {  	[sflag:s22] =	ssyncadd.s32 s5;
	_ =	sdelay $0x1  }
0xa7: {  	s23 =	simm.s32 $0x1B8B  }
0xa8: {  	_ =	swait.ge [sflag:s23], $0x1  }
0xa9: {  	[sflag:s23] =	ssyncset.done $0x0  }
0xaa: {  	s25 =	simm.s32 $0x1B8E;
	s24 =	sld [smem:$0x3FFE];
	[sflag:s23] =	ssyncadd.s32 $0xFFFFFFFF  }
0xab: {  	s26 =	simm.s32 $execute0_lowered;
	[smem:$0x3FD2] =	sst s25  }
0xac: {  	s6 =	sshll.u32 s26, $0x1;
	_ =	strace $0x8000004C;
	[dreg:$0x1] =	wrdreg $0xFFFFFFFF  }
0xad: {  	s28 =	simm.s32 $_size_execute0_lowered;
	s4 =	sadd.s32 s4, s6;
	[dreg:$0x0] =	wrdreg $0x0  }
0xae: {  	s6 =	sshll.u32 s28, $0x1;
	[dreg:$0x2] =	wrdreg s4  }
0xaf: {  	[dreg:$0x3] =	wrdreg s6  }
0xb0: {  	[dreg:$0x4] =	wrdreg $0xC0  }
0xb1: {  	_ =	task [dreg:s8], $0x5FFFF  }
0xb2: {  	[dreg:$0x1] =	wrdreg $0xFFFFFFFF  }
0xb3: {  	[dreg:$0x0] =	wrdreg $0x60  }
0xb4: {  	[dreg:$0x2] =	wrdreg s16  }
0xb5: {  	[dreg:$0x3] =	wrdreg s17  }
0xb6: {  	[dreg:$0x4] =	wrdreg s24  }
0xb7: {  	[dreg:$0x5] =	wrdreg $0x9  }
0xb8: {  	_ =	task.clear_ibuf [dreg:s8], $0x6FFFF;
	_ =	strace $0x9000004C  }
0xb9: {  	s29 =	simm.s32 $0x9;
	_ =	strace $0x8000004E  }
0xba: {  	_ =	swait.ge [sflag:s29], $0x1  }
0xbb: {  	[sflag:s29] =	ssyncadd.s32 $0xFFFFFFFF  }
0xbc: {  	_ =	strace $0x9000004E  }
0xbd: {  	_ =	sfence  }
0xbe: {  	s30 =	sld [smem:$0x0];
	_ =	sdelay $0x2  }
0xbf: {  	s31 =	sshll.u32 s1, $0xD;
	s1 =	sshrl.u32 s1, $0x2  }
0xc0: {  	s3 =	sand.u32 $0x4000, s31;
	s1 =	sadd.s32 s1, s30  }
0xc1: {  	s0 =	sor.u32 s3, s0;
	s1 =	sshll.u32 s1, $0x11  }
0xc2: {  	s0 =	sor.u32 s1, s0  }
0xc3: {  	s0 =	sadd.s32 $0x8F2B, s0  }
0xc4: {  	[sflag:s0] =	ssyncadd.remote.s32 $0x1  }
0xc5: {  	_ =	sfence.sel $0xFFFF  }
0xc6: {  	[dreg:$0x0] =	wrdreg $0xFFFFFFFF;
	(pc) =	sbr.abs _section_cstart, $3  }
0xc7: {  	[dreg:$0x1] =	wrdreg $0xFFFFFFFF  }
0xc8: {  	_ =	task.clear_ibuf [dreg:s8], $0x2FFFF;
	_ =	strace $0x9FFFFFFF  }
0xc9: {  	(tm) =	ssettm $0x7FFFFFFF  }
tec
execute0_lowered:
.L_overlay_start_1:
0x0: {  	(tag) =	ssettag $0x1  }
0x1: {  	s1 =	rddreg [dreg:$0x0]  }
0x2: {  	s2 =	rddreg [dreg:$0x1]  }
0x3: {  	s5 =	rddreg [dreg:$0x2]  }
0x4: {  	s0 =	rddreg [dreg:$0x3];
	s3 =	simm.s32 $0x0  }
0x5: {  	s4 =	srdreg.scid;
	s11 =	simm.s32 $0x1;
	s12 =	simm.s32 $0xC350  }
0x6: {  	s13 =	simm.s32 $0x186A0;
	s14 =	simm.s32 $0x2;
	s15 =	simm.s32 $0x19FA0  }
.Ltmp0:
0x7: {  	s16 =	simm.s32 $0x1B8A0;
	s4 =	sand.u32 $0x1, s4;
	(pc) =	sbr.rel .LBB2_1-.Ltmp0, $4  }
0x8: {  	s17 =	simm.s32 $0x0;
	[smem:$0x7FF] =	sst s3;
	s9 =	ssub.s32 $0x2, s4  }
0x9: {  	s6 =	sadd.s32 $0xDFC00, s5;
	s7 =	sadd.s32 $0xC7400, s5;
	s10 =	sshrl.u32 s9, $0x1  }
0xa: {  	s8 =	sadd.s32 $0x3E00, s5;
	s5 =	stileid.u32;
	s10 =	ssub.s32 s9, s10  }
0xb: {  	_ =	strace $0x8000004D;
	s9 =	sshll.u32 s5, $0x1;
	s10 =	smax.u32 s10, $0x1  }
.LBB2_7:
0xc: {  	s17 =	sadd.s32 $0x1, s17  }
0xd: {  	p0 =	sne.s32 s17, s10  }
.Ltmp1:
0xe: {  	_ = 	snop;
	(pc) =	sbr.rel @!p0 .LBB2_8-.Ltmp1, $1  }
0xf: {  	_ =	sdelay $0x3  }
.LBB2_1:
0x10: {  	[tilespmem:s3], [sflag:$0x1] =	stream.linear.gather [hbm4b:s1+s3], $0xC350, $0x38;
	[tilespmem:$0x1D1A0] =	vst v63  }
0x11: {  	_ =	swait.ge [sflag:s11], $0xC350  }
0x12: {  	[sflag:s11] =	ssyncset.done $0x0  }
.Ltmp2:
0x13: {  	[sflag:s11] =	ssyncadd.s32 $0xFFFF3CB0;
	(pc) =	sbr.rel .LBB2_2-.Ltmp2, $4  }
0x14: {  	[tilespmem:s12], [sflag:$0x1] =	stream.linear.gather [hbm4b:s2+s3], $0xC350, $0x38;
	[tilespmem:$0x1D1A0] =	vst v63  }
0x15: {  	_ =	swait.ge [sflag:s11], $0xC350  }
0x16: {  	[sflag:s11] =	ssyncset.done $0x0  }
0x17: {  	s18 =	simm.s32 $0x0;
	[sflag:s11] =	ssyncadd.s32 $0xFFFF3CB0  }
.LBB2_6:
0x18: {  	s18 =	sadd.s32 $0x1, s18  }
0x19: {  	p0 =	sne.s32 s18, $0x4  }
.Ltmp3:
0x1a: {  	_ = 	snop;
	(pc) =	sbr.rel @!p0 .LBB2_7-.Ltmp3, $1  }
0x1b: {  	_ =	sdelay $0x3  }
.LBB2_2:
0x1c: {  	s19 =	sshll.u32 s18, $0x5  }
0x1d: {  	s19 =	sor.u32 s19, s9  }
0x1e: {  	s19 =	sor.u32 s4, s19  }
0x1f: {  	p0 =	sgt.u32 s19, $0x7C  }
.Ltmp4:
0x20: {  	_ = 	snop;
	(pc) =	sbr.rel @p0 .LBB2_6-.Ltmp4, $1  }
0x21: {  	_ =	sdelay $0x3  }
0x22: {  	s19 =	smul.u32 $0x320, s19;
	_ =	sdelay $0x1  }
0x23: {  	s21 =	simm.s32 $0x0;
	s20 =	sadd.s32 s6, s19  }
0x24: {  	[tilespmem:s13], [sflag:$0x2] =	stream.linear.gather [hbm4b:s20+s21], $0x1900, $0x38;
	[tilespmem:$0x1D1A0] =	vst v63  }
0x25: {  	_ =	swait.ge [sflag:s14], $0x1900  }
0x26: {  	[sflag:s14] =	ssyncset.done $0x0  }
0x27: {  	s31 =	sadd.s32 s7, s19;
	[sflag:s14] =	ssyncadd.s32 $0xFFFFE700  }
0x28: {  	[tilespmem:s15], [sflag:$0x2] =	stream.linear.gather [hbm4b:s31+s21], $0x1900, $0x38;
	[tilespmem:$0x1D1A0] =	vst v63  }
0x29: {  	_ =	swait.ge [sflag:s14], $0x1900  }
0x2a: {  	[sflag:s14] =	ssyncset.done $0x0  }
0x2b: {  	s20 =	simm.s32 $0x0;
	[sflag:s14] =	ssyncadd.s32 $0xFFFFE700  }
0x2c: {  	v0 =	vld [tilespmem:s20+$0x19FA0]  }
0x2d: {  	v1 =	vld [tilespmem:s20+$0x186A0];
	_ =	sdelay $0x6  }
0x2e: {  	v0 =	vld.idx.msk [tilespmem:v0+s12+$0x0], $0xffff  }
0x2f: {  	v1 =	vld.idx.msk [tilespmem:v1+s3+$0x0], $0xffff;
	_ =	sdelay $0x4  }
0x30: {  	v0 =	vadd.f32 v0, v1;
	_ =	sdelay $0x1  }
0x31: {  	v1 =	vmul.f32 $2.000000030e-01, v0  }
0x32: {  	vm0 =	vge.f32 v0, $0.0e+00  }
0x33: {  	v0 =	vsel vm0, v0, v1  }
0x34: {  	v0 =	vmin.f32 v0, $6.000000000e+01  }
0x35: {  	v0 =	vmul.f32 $1.442695020e+00, v0;
	_ =	sdelay $0x1  }
0x36: {  	(erf) = vpow2.f32 v0;
	_ =	sdelay $0x1  }
0x37: {  	s22 =	simm.s32 $0x10  }
0x38: {  	s21 =	simm.s32 $0x80;
	v0 =	vld [tilespmem:s22+$0x19FA0]  }
.LBB2_4:
0x39: {  	p0 =	sne.s32 s21, $0x63C0;
	v1 =	vld [tilespmem:s22+$0x186A0];
	_ =	sdelay $0x4  }
0x3a: {  	v2 =	vpop (erf)  }
0x3b: {  	[tilespmem:s20+$0x1B8A0] =	vst v2;
	s20 =	smov.u32 s22  }
0x3c: {  	v0 =	vld.idx.msk [tilespmem:v0+s12+$0x0], $0xffff  }
0x3d: {  	v1 =	vld.idx.msk [tilespmem:v1+s3+$0x0], $0xffff;
	_ =	sdelay $0x5  }
0x3e: {  	v0 =	vadd.f32 v0, v1;
	_ =	sdelay $0x1  }
0x3f: {  	v1 =	vmul.f32 $2.000000030e-01, v0  }
0x40: {  	vm0 =	vge.f32 v0, $0.0e+00  }
0x41: {  	v0 =	vsel vm0, v0, v1  }
0x42: {  	v0 =	vmin.f32 v0, $6.000000000e+01  }
0x43: {  	v0 =	vmul.f32 $1.442695020e+00, v0  }
.Ltmp5:
0x44: {  	(pc) =	sbr.rel @p0 .LBB2_4-.Ltmp5, $3  }
0x45: {  	(erf) = vpow2.f32 v0;
	_ =	sdelay $0x1  }
0x46: {  	s22 =	sshra.s32 s21, $0x2  }
0x47: {  	s21 =	sadd.s32 $0x40, s21;
	v0 =	vld [tilespmem:s22+$0x19FA0]  }
0x48: {  	_ = 	snop  }
0x49: {  	v1 =	vld [tilespmem:s22+$0x186A0];
	_ =	sdelay $0x4  }
0x4a: {  	v2 =	vpop (erf)  }
0x4b: {  	[tilespmem:s20+$0x1B8A0] =	vst v2  }
0x4c: {  	v0 =	vld.idx.msk [tilespmem:v0+s12+$0x0], $0xffff  }
0x4d: {  	v1 =	vld.idx.msk [tilespmem:v1+s3+$0x0], $0xffff;
	_ =	sdelay $0x4  }
0x4e: {  	v0 =	vadd.f32 v0, v1;
	_ =	sdelay $0x1  }
0x4f: {  	v1 =	vmul.f32 $2.000000030e-01, v0  }
0x50: {  	vm0 =	vge.f32 v0, $0.0e+00  }
0x51: {  	v0 =	vsel vm0, v0, v1  }
0x52: {  	v0 =	vmin.f32 v0, $6.000000000e+01  }
0x53: {  	v0 =	vmul.f32 $1.442695020e+00, v0;
	_ =	sdelay $0x1  }
0x54: {  	(erf) = vpow2.f32 v0;
	_ =	sdelay $0x8  }
0x55: {  	v0 =	vpop (erf)  }
.Ltmp6:
0x56: {  	s19 =	sadd.s32 s8, s19;
	[tilespmem:s22+$0x1B8A0] =	vst v0;
	(pc) =	sbr.rel .LBB2_6-.Ltmp6, $4  }
0x57: {  	[hbm4b:s19+s3] =	stream.linear.scatter [tilespmem:s16], [sflag:$0x1], $0x1900, $0x38;
	[tilespmem:$0x1D1A0] =	vst v63  }
0x58: {  	_ =	swait.ge [sflag:s11], $0x1900  }
0x59: {  	[sflag:s11] =	ssyncset.done $0x0  }
0x5a: {  	[sflag:s11] =	ssyncadd.s32 $0xFFFFE700  }
.LBB2_8:
0x5b: {  	_ =	sfence.sel $0x180000  }
0x5c: {  	[bflag:$0x0] =	sbarrier.arrive $0xFFFF  }
0x5d: {  	p0 =	sne.s32 s5, $0x0;
	_ =	strace $0x9000004D  }
0x5e: {  	s0 =	sadd.s32 @!p0 $0x100000, s0;
	[bflag:$0x2] =	sbarrier.arrive $0xFFFF  }
0x5f: {  	[sflag:s0] =	ssyncadd.tile.s32 @!p0 $0x1;
	_ =	shalt  }
.Lfunc_end2:
_tile_overlayer_lowered:
.L_overlay_start_2:
0x60: {  	(tag) =	ssettag $0x2  }
0x61: {  	s0 =	rddreg [dreg:$0x0];
	s2 =	stileid.u32  }
0x62: {  	s1 =	rddreg [dreg:$0x1];
	p0 =	sne.s32 s2, $0x0  }
0x63: {  	s3 =	rddreg [dreg:$0x2];
	[bflag:$0x3] =	sbarrier.arrive $0xFFFF;
	s2 =	simm.s32 @!p0 $0x1C01  }
0x64: {  	[timem:s3], [sflag:s2] =	dma.local @!p0 [hbm:s0], s1  }
0x65: {  	s0 =	simm.s32 @!p0 $0x1  }
0x66: {  	_ =	swait.ge @!p0 [sflag:s0], s1  }
0x67: {  	s1 =	ssub.s32 @!p0 $0x0, s1;
	[sflag:s0] =	ssyncset.done @!p0 $0x0  }
0x68: {  	[sflag:s0] =	ssyncadd.s32 @!p0 s1  }
0x69: {  	[bflag:$0x3] =	sbarrier.arrive $0xFFFF  }
0x6a: {  	_ =	shalt  }

// kernel: kernel.18.cloned.1.call-start
scs
__scs_entry_jumppad:
0x0: {  	(pc) =	sbr.rel $0x88, $3  }
0x1: {  	(tag) =	ssettag $0x0;
	lr =	simm.s32 $0x1  }
0x2: {  	[smem:$0x3F97] =	sst lr;
	_ =	strace $0xD0000000  }
0x3: {  	_ = 	snop  }
0x4: {  	_ = 	snop  }
0x5: {  	_ = 	snop  }
0x6: {  	_ = 	snop  }
0x7: {  	_ = 	snop  }
__scs_overlays_trampoline_lowered:
0x8: {  	[smem:$0x3FA6] =	sst s0  }
0x9: {  	[smem:$0x3FA7] =	sst s1  }
0xa: {  	[smem:$0x3FA8] =	sst s2  }
0xb: {  	[smem:$0x3FA9] =	sst s3  }
0xc: {  	[smem:$0x3FAA] =	sst s4  }
0xd: {  	[smem:$0x3FAB] =	sst s5  }
0xe: {  	[smem:$0x3FAC] =	sst s6  }
0xf: {  	[smem:$0x3FAD] =	sst s7  }
0x10: {  	[smem:$0x3FAE] =	sst s8  }
0x11: {  	[smem:$0x3FAF] =	sst s9;
	s0 =	simm.s32 @!p0 $0x0  }
0x12: {  	s1 =	sld [smem:$0x3F95];
	s0 =	simm.s32 @p0 $0x1  }
0x13: {  	[smem:$0x3FB0] =	sst s0;
	s0 =	simm.s32 @!p1 $0x0  }
0x14: {  	s2 =	sld [smem:$0x3F94];
	s0 =	simm.s32 @p1 $0x1  }
0x15: {  	[smem:$0x3FB1] =	sst s0;
	s0 =	simm.s32 @!p2 $0x0  }
0x16: {  	s3 =	sld [smem:$0x3FDB];
	s0 =	simm.s32 @p2 $0x1  }
0x17: {  	s4 =	simm.s32 $0x1BF5;
	[smem:$0x3FB3] =	sst s0  }
0x18: {  	s0 =	sld [smem:$0x3F96];
	_ =	swait.ge [sflag:s4], $0x0  }
0x19: {  	s7 =	sld [smem:$0x3F97]  }
0x1a: {  	s8 =	sadd.s32 $0xFFFFE003, lr  }
0x1b: {  	s9 =	sadd.s32 $0xFFFFFEF7, lr;
	s5 =	simm.s32 $0xFFFFFFFF;
	p2 =	slt.u32 s8, $0xFFFFF086  }
0x1c: {  	p1 =	slt.u32 s9, $0xF7A;
	s5 =	simm.s32 @!p2 $0x0  }
0x1d: {  	s5 =	simm.s32 @p1 $0x1;
	p0 =	seq.s32 s7, s2  }
0x1e: {  	s7 =	smul.u32 @!p0 $0xF7A, s2;
	p2 =	seq.s32 @!p0 s5, $0x0  }
0x1f: {  	s9 =	smul.u32 $0xF7A, s1;
	s8 =	simm.s32 @!p0 $0x1BF5;
	p2 =	por !p2, p0  }
0x20: {  	[sflag:s8] =	ssyncset.s32 @!p0 $0xFFFFF086;
	s6 =	sadd.s32 @!p0 s3, s7;
	s7 =	simm.s32 @!p0 $0x108  }
0x21: {  	s3 =	sadd.s32 s3, s9;
	s6 =	sadd.s32 @!p0 $0x88, s6;
	s7 =	simm.s32 @p2 $0x1082  }
0x22: {  	[simem:s7], [sflag:s8] =	dma.local @!p0 [hbm:s6], $0xF7A  }
0x23: {  	s9 =	sor.u32 $0xD0000000, s2;
	s6 =	simm.s32 $0x108;
	_ =	swait.ge @!p0 [sflag:s8], $0x0  }
0x24: {  	s3 =	sadd.s32 $0x88, s3;
	s6 =	simm.s32 @!p1 $0x1082;
	[sflag:s4] =	ssyncset.s32 $0xFFFFF086  }
0x25: {  	[simem:s6], [sflag:s4] =	dma.local [hbm:s3], $0xF7A  }
0x26: {  	[smem:$0x3F97] =	sst s1;
	(tag) =	ssettag s2;
	_ =	strace s9  }
0x27: {  	s1 =	sld [smem:$0x3FA7]  }
0x28: {  	s2 =	sld [smem:$0x3FA8]  }
0x29: {  	s4 =	sld [smem:$0x3FAA]  }
0x2a: {  	p0 =	seq.s32 s5, $0x0;
	s5 =	sld [smem:$0x3FAB]  }
0x2b: {  	s6 =	sld [smem:$0x3FAC]  }
0x2c: {  	s7 =	sld [smem:$0x3FAD]  }
0x2d: {  	s3 =	simm.s32 $0x108;
	s8 =	sld [smem:$0x3FAE]  }
0x2e: {  	s3 =	simm.s32 @!p0 $0x1082;
	s9 =	sld [smem:$0x3FAF]  }
0x2f: {  	lr =	sadd.s32 s0, s3;
	s0 =	sld [smem:$0x3FA6]  }
0x30: {  	s3 =	sld [smem:$0x3FA9]  }
0x31: {  	[smem:$0x3FB2] =	sst s10  }
0x32: {  	s10 =	sld [smem:$0x3FB0];
	_ =	sdelay $0x3  }
0x33: {  	p0 =	seq.s32 s10, $0x1;
	s10 =	sld [smem:$0x3FB2];
	_ =	sdelay $0x3  }
0x34: {  	[smem:$0x3FB2] =	sst s10  }
0x35: {  	s10 =	sld [smem:$0x3FB1];
	_ =	sdelay $0x3  }
0x36: {  	p1 =	seq.s32 s10, $0x1;
	s10 =	sld [smem:$0x3FB2];
	_ =	sdelay $0x3  }
0x37: {  	[smem:$0x3FB2] =	sst s10  }
0x38: {  	s10 =	sld [smem:$0x3FB3]  }
0x39: {  	_ = 	snop;
	(pc) =	sbr.ind lr, $3  }
0x3a: {  	_ = 	snop  }
0x3b: {  	_ = 	snop  }
0x3c: {  	p2 =	seq.s32 s10, $0x1;
	s10 =	sld [smem:$0x3FB2]  }
0x3d: {  	_ =	shalt  }
0x3e: {  	_ =	shalt  }
0x3f: {  	_ =	shalt  }
0x40: {  	_ =	shalt  }
0x41: {  	_ =	shalt  }
0x42: {  	_ =	shalt  }
0x43: {  	_ =	shalt  }
0x44: {  	_ =	shalt  }
0x45: {  	_ =	shalt  }
0x46: {  	_ =	shalt  }
0x47: {  	_ =	shalt  }
0x48: {  	_ =	shalt  }
0x49: {  	_ =	shalt  }
0x4a: {  	_ =	shalt  }
0x4b: {  	_ =	shalt  }
0x4c: {  	_ =	shalt  }
0x4d: {  	_ =	shalt  }
0x4e: {  	_ =	shalt  }
0x4f: {  	_ =	shalt  }
0x50: {  	_ =	shalt  }
0x51: {  	_ =	shalt  }
0x52: {  	_ =	shalt  }
0x53: {  	_ =	shalt  }
0x54: {  	_ =	shalt  }
0x55: {  	_ =	shalt  }
0x56: {  	_ =	shalt  }
0x57: {  	_ =	shalt  }
0x58: {  	_ =	shalt  }
0x59: {  	_ =	shalt  }
0x5a: {  	_ =	shalt  }
0x5b: {  	_ =	shalt  }
0x5c: {  	_ =	shalt  }
0x5d: {  	_ =	shalt  }
0x5e: {  	_ =	shalt  }
0x5f: {  	_ =	shalt  }
0x60: {  	_ =	shalt  }
0x61: {  	_ =	shalt  }
0x62: {  	_ =	shalt  }
0x63: {  	_ =	shalt  }
0x64: {  	_ =	shalt  }
0x65: {  	_ =	shalt  }
0x66: {  	_ =	shalt  }
0x67: {  	_ =	shalt  }
0x68: {  	_ =	shalt  }
0x69: {  	_ =	shalt  }
0x6a: {  	_ =	shalt  }
0x6b: {  	_ =	shalt  }
0x6c: {  	_ =	shalt  }
0x6d: {  	_ =	shalt  }
0x6e: {  	_ =	shalt  }
0x6f: {  	_ =	shalt  }
0x70: {  	_ =	shalt  }
0x71: {  	_ =	shalt  }
0x72: {  	_ =	shalt  }
0x73: {  	_ =	shalt  }
0x74: {  	_ =	shalt  }
0x75: {  	_ =	shalt  }
0x76: {  	_ =	shalt  }
0x77: {  	_ =	shalt  }
0x78: {  	_ =	shalt  }
0x79: {  	_ =	shalt  }
0x7a: {  	_ =	shalt  }
0x7b: {  	_ =	shalt  }
0x7c: {  	_ =	shalt  }
0x7d: {  	_ =	shalt  }
0x7e: {  	_ =	shalt  }
0x7f: {  	_ =	shalt  }
0x80: {  	_ =	shalt  }
0x81: {  	_ =	shalt  }
0x82: {  	_ =	shalt  }
0x83: {  	_ =	shalt  }
0x84: {  	_ =	shalt  }
0x85: {  	_ =	shalt  }
0x86: {  	_ =	shalt  }
0x87: {  	_ =	shalt  }
.Lfunc_end0:
.L_simem_size_0:
called_computation.3_lowered:
.L_overlay_start_0:
0x88: {  	s2 =	sld [smem:$0x3FD9]  }
0x89: {  	s3 =	sld [smem:$0x3FFE];
	_ =	sdelay $0x1  }
0x8a: {  	s1 =	srdreg.scid  }
0x8b: {  	s0 =	sand.u32 $0x1, s1  }
0x8c: {  	s14 =	sshll.u32 s0, $0xA;
	s2 =	sadd.s32 s3, s2  }
0x8d: {  	s2 =	sadd.s32 s2, s14  }
0x8e: {  	[smem:$0x3FBE] =	sst s2  }
0x8f: {  	_ = 	snop  }
0x90: {  	s2 =	sld [smem:$0x3FD0];
	_ =	sdelay $0x2  }
0x91: {  	s15 =	simm.s32 $0xA;
	s4 =	simm.s32 $0x10  }
0x92: {  	[smem:s4], [sflag:s15] =	dma.local [hbm:s2], $0x1  }
0x93: {  	_ =	swait.eq [sflag:s15], $0x1  }
0x94: {  	[sflag:s15] =	ssyncset.done $0x0  }
0x95: {  	[sflag:s15] =	ssyncadd.s32 $0xFFFFFFFF  }
0x96: {  	s16 =	sld [smem:$0x11];
	(tm) =	ssettm $0x1  }
0x97: {  	s17 =	sld [smem:$0x3FFB];
	_ =	sdelay $0x3  }
0x98: {  	_ =	strace s17  }
0x99: {  	s3 =	sld [smem:$0x3FFC];
	_ =	sdelay $0x3  }
0x9a: {  	_ =	strace s3  }
0x9b: {  	s3 =	sld [smem:$0x3FFD];
	_ =	sdelay $0x3  }
0x9c: {  	_ =	strace s3  }
0x9d: {  	_ =	strace $0x8FFFFFFF  }
0x9e: {  	s18 =	sld [smem:$0x3FDB];
	_ =	sdelay $0x1  }
0x9f: {  	s19 =	simm.s32 $_scs_section_size  }
0xa0: {  	s5 =	simm.s32 $_size__tile_overlayer_lowered;
	s6 =	simm.s32 $_tile_overlayer_lowered  }
0xa1: {  	s22 =	simm.s32 $0x1BFF;
	s21 =	sshll.u32 s6, $0x1;
	s3 =	sadd.s32 s19, s18  }
0xa2: {  	s7 =	simm.s32 $0x0;
	s20 =	sshll.u32 s5, $0x1;
	s5 =	sadd.s32 s21, s3  }
0xa3: {  	[timem:s7], [sflag:s22] =	dma.local [hbm:s5], s20  }
0xa4: {  	_ =	swait.ge [sflag:s22], s20  }
0xa5: {  	s4 =	ssub.s32 $0x0, s20;
	[sflag:s22] =	ssyncset.done $0x0  }
0xa6: {  	[sflag:s22] =	ssyncadd.s32 s4;
	_ =	sdelay $0x1  }
0xa7: {  	s23 =	simm.s32 $0x1B8B  }
0xa8: {  	_ =	swait.ge [sflag:s23], $0x1  }
0xa9: {  	[sflag:s23] =	ssyncset.done $0x0  }
0xaa: {  	s25 =	simm.s32 $0x1B8E;
	s24 =	sld [smem:$0x3FFE];
	[sflag:s23] =	ssyncadd.s32 $0xFFFFFFFF  }
0xab: {  	s26 =	simm.s32 $execute0_lowered;
	[smem:$0x3FD2] =	sst s25  }
0xac: {  	s5 =	sshll.u32 s26, $0x1;
	_ =	strace $0x8000004F;
	[dreg:$0x1] =	wrdreg $0xFFFFFFFF  }
0xad: {  	s28 =	simm.s32 $_size_execute0_lowered;
	s3 =	sadd.s32 s3, s5;
	[dreg:$0x0] =	wrdreg $0x0  }
0xae: {  	s5 =	sshll.u32 s28, $0x1;
	[dreg:$0x2] =	wrdreg s3  }
0xaf: {  	[dreg:$0x3] =	wrdreg s5  }
0xb0: {  	[dreg:$0x4] =	wrdreg $0xC0  }
0xb1: {  	_ =	task [dreg:s7], $0x5FFFF  }
0xb2: {  	[dreg:$0x1] =	wrdreg $0xFFFFFFFF  }
0xb3: {  	[dreg:$0x0] =	wrdreg $0x60  }
0xb4: {  	[dreg:$0x2] =	wrdreg s24  }
0xb5: {  	[dreg:$0x3] =	wrdreg s16  }
0xb6: {  	[dreg:$0x4] =	wrdreg $0x0  }
0xb7: {  	[dreg:$0x5] =	wrdreg $0x9  }
0xb8: {  	_ =	task.clear_ibuf [dreg:s7], $0x6FFFF;
	_ =	strace $0x9000004F  }
0xb9: {  	s29 =	simm.s32 $0x9;
	_ =	strace $0x80000051  }
0xba: {  	_ =	swait.ge [sflag:s29], $0x1  }
0xbb: {  	[sflag:s29] =	ssyncadd.s32 $0xFFFFFFFF  }
0xbc: {  	_ =	strace $0x90000051  }
0xbd: {  	_ =	sfence  }
0xbe: {  	s30 =	sld [smem:$0x0];
	_ =	sdelay $0x2  }
0xbf: {  	s31 =	sshll.u32 s1, $0xD;
	s1 =	sshrl.u32 s1, $0x2  }
0xc0: {  	s3 =	sand.u32 $0x4000, s31;
	s1 =	sadd.s32 s1, s30  }
0xc1: {  	s0 =	sor.u32 s3, s0;
	s1 =	sshll.u32 s1, $0x11  }
0xc2: {  	s0 =	sor.u32 s1, s0  }
0xc3: {  	s0 =	sadd.s32 $0x8F2B, s0  }
0xc4: {  	[sflag:s0] =	ssyncadd.remote.s32 $0x1  }
0xc5: {  	_ =	sfence.sel $0xFFFF  }
0xc6: {  	[dreg:$0x0] =	wrdreg $0xFFFFFFFF;
	(pc) =	sbr.abs _section_cstart, $3  }
0xc7: {  	[dreg:$0x1] =	wrdreg $0xFFFFFFFF  }
0xc8: {  	_ =	task.clear_ibuf [dreg:s7], $0x2FFFF;
	_ =	strace $0x9FFFFFFF  }
0xc9: {  	(tm) =	ssettm $0x7FFFFFFF  }
tec
execute0_lowered:
.L_overlay_start_1:
0x0: {  	(tag) =	ssettag $0x1  }
0x1: {  	s0 =	rddreg [dreg:$0x0]  }
0x2: {  	s20 =	rddreg [dreg:$0x1]  }
0x3: {  	s2 =	rddreg [dreg:$0x2]  }
0x4: {  	s3 =	simm.s32 $0x0;
	s1 =	srdreg.scid;
	s4 =	stileid.u32  }
0x5: {  	s5 =	sadd.s32 $0x1C600, s0;
	s10 =	smul.u32 $0x6400, s4;
	s11 =	sor.u32 $0x10, s4  }
0x6: {  	s6 =	sadd.s32 $0xDFC00, s0;
	s12 =	sor.u32 $0x30, s4;
	s18 =	smul.u32 $0x6400, s11  }
0x7: {  	s1 =	sand.u32 $0x1, s1;
	s13 =	sor.u32 $0x40, s4;
	s23 =	smul.u32 $0x6400, s12  }
0x8: {  	s15 =	sor.u32 $0x50, s4;
	s9 =	ssub.s32 $0x2, s1;
	s14 =	smul.u32 $0x6400, s13  }
0x9: {  	p0 =	seq.s32 s1, $0x1;
	s1 =	sor.u32 $0x20, s4;
	s24 =	smul.u32 $0x6400, s15  }
0xa: {  	s7 =	sadd.s32 $0xC7400, s0;
	s8 =	sadd.s32 $0x3E00, s0;
	s22 =	smul.u32 $0x6400, s1  }
0xb: {  	s16 =	sshrl.u32 s9, $0x1;
	s17 =	sshrl.u32 s10, $0x2;
	s1 =	smul.u32 $0x3200, s1  }
0xc: {  	s0 =	ssub.s32 s9, s16;
	s19 =	sadd.s32 s17, s2;
	s16 =	sor.u32 $0x60, s4  }
0xd: {  	s21 =	sshrl.u32 s18, $0x2;
	s18 =	sor.u32 $0x70, s4;
	s17 =	smul.u32 $0x6400, s16  }
0xe: {  	[smem:$0x7FF] =	sst s3;
	s26 =	smul.u32 $0x6400, s18  }
0xf: {  	_ =	strace $0x80000050;
	[dreg:$0x4] =	wrdreg s19;
	s19 =	smul.u32 $0x3200, s4  }
0x10: {  	s28 =	simm.s32 $0x13A10;
	s10 =	sshrl.u32 s22, $0x2;
	s22 =	smul.u32 $0x3200, s11  }
0x11: {  	s30 =	simm.s32 $0x320;
	s31 =	simm.s32 $0x1A130;
	s11 =	smul.u32 $0x3200, s12  }
0x12: {  	s25 =	sshrl.u32 s14, $0x2;
	s9 =	sadd.s32 s21, s2;
	s12 =	smul.u32 $0x3200, s13  }
0x13: {  	[dreg:$0x5] =	wrdreg s9;
	s10 =	sadd.s32 s10, s2;
	s9 =	sshrl.u32 s23, $0x2  }
0x14: {  	[dreg:$0x6] =	wrdreg s10;
	s9 =	sadd.s32 s9, s2;
	s10 =	sshrl.u32 s24, $0x2  }
0x15: {  	s17 =	sshrl.u32 s17, $0x2;
	s21 =	sshrl.u32 s26, $0x2;
	s23 =	sshrl.u32 s19, $0x4  }
0x16: {  	s24 =	sshrl.u32 s19, $0x1;
	[dreg:$0x7] =	wrdreg s9;
	s9 =	sadd.s32 s25, s2  }
0x17: {  	s10 =	sadd.s32 s10, s2;
	s17 =	sadd.s32 s17, s2;
	[dreg:$0x8] =	wrdreg s9  }
0x18: {  	s14 =	sadd.s32 s20, s23;
	s25 =	sshrl.u32 s22, $0x4;
	[dreg:$0x9] =	wrdreg s10  }
0x19: {  	s23 =	sshrl.u32 s12, $0x4;
	[dreg:$0xa] =	wrdreg s17;
	s9 =	sadd.s32 s21, s2  }
0x1a: {  	s10 =	sshrl.u32 s22, $0x1;
	s19 =	sadd.s32 s20, s25;
	[dreg:$0xc] =	wrdreg s14  }
0x1b: {  	s22 =	smul.u32 $0x3200, s15;
	s14 =	sadd.s32 $0x186A0, s14;
	[dreg:$0xb] =	wrdreg s9  }
0x1c: {  	s17 =	sshrl.u32 s11, $0x4;
	s25 =	smul.u32 $0x3200, s16;
	[dreg:$0x1e] =	wrdreg s14  }
0x1d: {  	s15 =	sadd.s32 s20, s23;
	s9 =	sadd.s32 s24, s2;
	[dreg:$0xe] =	wrdreg s19  }
0x1e: {  	s26 =	sadd.s32 s10, s2;
	s10 =	sshrl.u32 s1, $0x4;
	[dreg:$0x13] =	wrdreg s15  }
0x1f: {  	s1 =	sshrl.u32 s1, $0x1;
	s13 =	sadd.s32 s20, s17;
	[dreg:$0xd] =	wrdreg s9  }
0x20: {  	[dreg:$0xf] =	wrdreg s26;
	s21 =	sadd.s32 s20, s10;
	s1 =	sadd.s32 s1, s2  }
0x21: {  	s16 =	sshrl.u32 s22, $0x4;
	s17 =	sshrl.u32 s22, $0x1;
	[dreg:$0x12] =	wrdreg s13  }
0x22: {  	s22 =	smul.u32 $0x64, s4;
	s23 =	sshrl.u32 s25, $0x4;
	[dreg:$0x11] =	wrdreg s1  }
0x23: {  	s1 =	sshrl.u32 s12, $0x1;
	s12 =	sadd.s32 s20, s16;
	[dreg:$0x10] =	wrdreg s21  }
0x24: {  	s10 =	sshrl.u32 s11, $0x1;
	s11 =	sadd.s32 s20, s23;
	[dreg:$0x14] =	wrdreg s12  }
0x25: {  	s29 =	sadd.s32 s17, s2;
	s17 =	sadd.s32 s6, s22;
	[dreg:$0x15] =	wrdreg s11  }
0x26: {  	s16 =	smul.u32 $0x3200, s18;
	s18 =	sadd.s32 s7, s22;
	[dreg:$0x17] =	wrdreg s17  }
0x27: {  	p1 =	sgt.u32 s4, $0xC;
	s20 =	sadd.s32 s8, s22;
	[dreg:$0x18] =	wrdreg s18  }
0x28: {  	s25 =	sshrl.u32 s25, $0x1;
	s9 =	sadd.s32 $0xC350, s22;
	[dreg:$0x19] =	wrdreg s20  }
0x29: {  	s26 =	sadd.s32 s1, s2;
	s23 =	sadd.s32 s6, s9;
	[dreg:$0x16] =	wrdreg s16  }
0x2a: {  	s1 =	sadd.s32 s25, s2;
	s25 =	sadd.s32 s7, s9;
	[dreg:$0x1a] =	wrdreg s23  }
0x2b: {  	p2 =	slt.u32 s4, $0xD;
	s9 =	sadd.s32 s8, s9;
	[dreg:$0x1b] =	wrdreg s25  }
0x2c: {  	s0 =	smax.u32 s0, $0x1;
	s18 =	sadd.s32 $0x186A0, s19;
	[dreg:$0x1c] =	wrdreg s9  }
0x2d: {  	s24 =	sadd.s32 s10, s2;
	s19 =	sadd.s32 $0x186A0, s21;
	[dreg:$0x1f] =	wrdreg s18  }
0x2e: {  	s22 =	sshrl.u32 s16, $0x1;
	s20 =	sadd.s32 $0x186A0, s13;
	[smem:$0x7F8] =	sst s19  }
0x2f: {  	s17 =	sadd.s32 $0x1F4, s4;
	s21 =	sadd.s32 $0x186A0, s15;
	[smem:$0x7F9] =	sst s20  }
0x30: {  	s10 =	sadd.s32 s22, s2;
	[smem:$0x7FA] =	sst s21;
	s22 =	sadd.s32 $0x186A0, s12  }
.Ltmp0:
0x31: {  	s23 =	sadd.s32 $0x186A0, s11;
	s25 =	sadd.s32 $0x186A00, s16;
	(pc) =	sbr.rel .LBB2_1-.Ltmp0, $4  }
0x32: {  	s21 =	simm.s32 $0xFEB0;
	s19 =	simm.s32 $0xC990;
	[smem:$0x7FB] =	sst s22  }
0x33: {  	s9 =	simm.s32 $0x16F30;
	s11 =	simm.s32 $0x130B0;
	[smem:$0x7FC] =	sst s23  }
0x34: {  	s10 =	sshrl.u32 s10, $0x3;
	[smem:$0x7FD] =	sst s25;
	s23 =	simm.s32 $0x7  }
0x35: {  	v0 =	vimm.bf16 $0.0e+00;
	s25 =	simm.s32 $0x5;
	[dreg:$0x1d] =	wrdreg s10;
	s10 =	simm.s32 $0x2  }
.LBB2_34:
0x36: {  	s13 =	sshrl.u32 s13, $0x4;
	s14 =	rddreg [dreg:$0x1]  }
0x37: {  	s22 =	rddreg [dreg:$0x1d];
	s13 =	sadd.s32 s14, s13  }
0x38: {  	[hbm:s13], [sflag:s12] =	dma.local [spmem:s22], $0x320  }
0x39: {  	_ =	swait.ge [sflag:s23], $0x320  }
0x3a: {  	[sflag:s23] =	ssyncset.done $0x0  }
0x3b: {  	[sflag:s23] =	ssyncadd.s32 $0xFFFFFCE0  }
.LBB2_35:
0x3c: {  	s3 =	sadd.s32 $0x1, s3  }
0x3d: {  	p3 =	sne.s32 s3, s0  }
.Ltmp1:
0x3e: {  	_ = 	snop;
	(pc) =	sbr.rel @!p3 .LBB2_36-.Ltmp1, $2  }
0x3f: {  	_ =	sdelay $0x1  }
0x40: {  	[bflag:$0x0] =	sbarrier.arrive $0xFFFF;
	_ =	sdelay $0x1  }
.LBB2_1:
.Ltmp2:
0x41: {  	(pc) =	sbr.rel @!p0 .LBB2_2-.Ltmp2, $2  }
0x42: {  	_ =	sdelay $0x2  }
0x43: {  	s12 =	simm.s32 $0x40;
	s13 =	simm.s32 $0x0  }
.LBB2_18:
0x44: {  	p3 =	sne.s32 s12, $0x63C0;
	[tilespmem:s13+$0xFEB0] =	vst v0;
	s13 =	smov.u32 s12;
	s12 =	sadd.s32 $0x40, s12  }
.Ltmp3:
0x45: {  	(pc) =	sbr.rel @p3 .LBB2_18-.Ltmp3, $2  }
0x46: {  	_ =	sdelay $0x2  }
0x47: {  	s13 =	sshra.s32 s13, $0x2  }
0x48: {  	[tilespmem:s13+$0xFEB0] =	vst v0;
	s12 =	rddreg [dreg:$0x4]  }
0x49: {  	[spmem:s12] =	stream.linear.scatter [tilespmem:s21], [sflag:$0x7], $0x1900, $0x38;
	[tilespmem:$0x1A450] =	vst v63  }
0x4a: {  	_ =	swait.ge [sflag:s23], $0x1900  }
0x4b: {  	[sflag:s23] =	ssyncset.done $0x0  }
0x4c: {  	s18 =	rddreg [dreg:$0x5];
	[sflag:s23] =	ssyncadd.s32 $0xFFFFE700  }
0x4d: {  	[spmem:s18] =	stream.linear.scatter [tilespmem:s21], [sflag:$0x7], $0x1900, $0x38;
	[tilespmem:$0x1A450] =	vst v63  }
0x4e: {  	_ =	swait.ge [sflag:s23], $0x1900  }
0x4f: {  	[sflag:s23] =	ssyncset.done $0x0  }
0x50: {  	s20 =	rddreg [dreg:$0x6];
	[sflag:s23] =	ssyncadd.s32 $0xFFFFE700  }
0x51: {  	[spmem:s20] =	stream.linear.scatter [tilespmem:s21], [sflag:$0x7], $0x1900, $0x38;
	[tilespmem:$0x1A450] =	vst v63  }
0x52: {  	_ =	swait.ge [sflag:s23], $0x1900  }
0x53: {  	[sflag:s23] =	ssyncset.done $0x0  }
0x54: {  	s22 =	rddreg [dreg:$0x7];
	[sflag:s23] =	ssyncadd.s32 $0xFFFFE700  }
0x55: {  	[spmem:s22] =	stream.linear.scatter [tilespmem:s21], [sflag:$0x7], $0x1900, $0x38;
	[tilespmem:$0x1A450] =	vst v63  }
0x56: {  	_ =	swait.ge [sflag:s23], $0x1900  }
0x57: {  	[sflag:s23] =	ssyncset.done $0x0  }
0x58: {  	s13 =	rddreg [dreg:$0x8];
	[sflag:s23] =	ssyncadd.s32 $0xFFFFE700  }
0x59: {  	[spmem:s13] =	stream.linear.scatter [tilespmem:s21], [sflag:$0x7], $0x1900, $0x38;
	[tilespmem:$0x1A450] =	vst v63  }
0x5a: {  	_ =	swait.ge [sflag:s23], $0x1900  }
0x5b: {  	[sflag:s23] =	ssyncset.done $0x0  }
0x5c: {  	s14 =	rddreg [dreg:$0x9];
	[sflag:s23] =	ssyncadd.s32 $0xFFFFE700  }
0x5d: {  	[spmem:s14] =	stream.linear.scatter [tilespmem:s21], [sflag:$0x7], $0x1900, $0x38;
	[tilespmem:$0x1A450] =	vst v63  }
0x5e: {  	_ =	swait.ge [sflag:s23], $0x1900  }
0x5f: {  	[sflag:s23] =	ssyncset.done $0x0  }
0x60: {  	s15 =	rddreg [dreg:$0xa];
	[sflag:s23] =	ssyncadd.s32 $0xFFFFE700  }
0x61: {  	[spmem:s15] =	stream.linear.scatter [tilespmem:s21], [sflag:$0x7], $0x1900, $0x38;
	[tilespmem:$0x1A450] =	vst v63  }
0x62: {  	_ =	swait.ge [sflag:s23], $0x1900  }
0x63: {  	[sflag:s23] =	ssyncset.done $0x0  }
0x64: {  	s12 =	simm.s32 @!p1 $0xFEB0;
	s13 =	rddreg [dreg:$0xb];
	[sflag:s23] =	ssyncadd.s32 $0xFFFFE700  }
0x65: {  	[spmem:s13] =	stream.linear.scatter @!p1 [tilespmem:s12], [sflag:$0x7], $0x1900, $0x38;
	[tilespmem:$0x1A450] =	vst v63  }
0x66: {  	s12 =	simm.s32 @!p1 $0x7  }
0x67: {  	_ =	swait.ge @!p1 [sflag:s12], $0x1900  }
0x68: {  	[sflag:s12] =	ssyncset.done @!p1 $0x0  }
0x69: {  	[sflag:s12] =	ssyncadd.s32 @!p1 $0xFFFFE700  }
0x6a: {  	[bflag:$0x0] =	sbarrier.arrive $0xFFFF  }
0x6b: {  	s14 =	simm.s32 $0xC350;
	s12 =	simm.s32 $0x0;
	s16 =	rddreg [dreg:$0x1a]  }
0x6c: {  	[tilespmem:s14], [sflag:$0x1] =	stream.linear.gather [hbm4b:s16+s12], $0x320, $0x38;
	[tilespmem:$0x1A450] =	vst v63  }
.Ltmp4:
0x6d: {  	_ = 	snop;
	(pc) =	sbr.rel .LBB2_20-.Ltmp4, $4  }
0x6e: {  	s20 =	simm.s32 $0xC670;
	s18 =	rddreg [dreg:$0x1b]  }
0x6f: {  	[tilespmem:s20], [sflag:$0x1] =	stream.linear.gather [hbm4b:s18+s12], $0x320, $0x38;
	[tilespmem:$0x1A450] =	vst v63  }
0x70: {  	s22 =	rddreg [dreg:$0x1c]  }
0x71: {  	[tilespmem:s19], [sflag:$0x1] =	stream.linear.gather [hbm4b:s22+s12], $0x320, $0x38;
	[tilespmem:$0x1A450] =	vst v63  }
.LBB2_2:
0x72: {  	p3 =	sne.s32 s12, $0x63C0;
	[tilespmem:s13+$0xFEB0] =	vst v0;
	s13 =	smov.u32 s12;
	s12 =	sadd.s32 $0x40, s12  }
.Ltmp5:
0x73: {  	(pc) =	sbr.rel @p3 .LBB2_2-.Ltmp5, $2  }
0x74: {  	_ =	sdelay $0x2  }
0x75: {  	s13 =	sshra.s32 s13, $0x2  }
0x76: {  	[tilespmem:s13+$0xFEB0] =	vst v0;
	s12 =	rddreg [dreg:$0x4]  }
0x77: {  	[spmem:s12] =	stream.linear.scatter [tilespmem:s21], [sflag:$0x7], $0x1900, $0x38;
	[tilespmem:$0x1A450] =	vst v63  }
0x78: {  	_ =	swait.ge [sflag:s23], $0x1900  }
0x79: {  	[sflag:s23] =	ssyncset.done $0x0  }
0x7a: {  	s18 =	rddreg [dreg:$0x5];
	[sflag:s23] =	ssyncadd.s32 $0xFFFFE700  }
0x7b: {  	[spmem:s18] =	stream.linear.scatter [tilespmem:s21], [sflag:$0x7], $0x1900, $0x38;
	[tilespmem:$0x1A450] =	vst v63  }
0x7c: {  	_ =	swait.ge [sflag:s23], $0x1900  }
0x7d: {  	[sflag:s23] =	ssyncset.done $0x0  }
0x7e: {  	s20 =	rddreg [dreg:$0x6];
	[sflag:s23] =	ssyncadd.s32 $0xFFFFE700  }
0x7f: {  	[spmem:s20] =	stream.linear.scatter [tilespmem:s21], [sflag:$0x7], $0x1900, $0x38;
	[tilespmem:$0x1A450] =	vst v63  }
0x80: {  	_ =	swait.ge [sflag:s23], $0x1900  }
0x81: {  	[sflag:s23] =	ssyncset.done $0x0  }
0x82: {  	s22 =	rddreg [dreg:$0x7];
	[sflag:s23] =	ssyncadd.s32 $0xFFFFE700  }
0x83: {  	[spmem:s22] =	stream.linear.scatter [tilespmem:s21], [sflag:$0x7], $0x1900, $0x38;
	[tilespmem:$0x1A450] =	vst v63  }
0x84: {  	_ =	swait.ge [sflag:s23], $0x1900  }
0x85: {  	[sflag:s23] =	ssyncset.done $0x0  }
0x86: {  	s13 =	rddreg [dreg:$0x8];
	[sflag:s23] =	ssyncadd.s32 $0xFFFFE700  }
0x87: {  	[spmem:s13] =	stream.linear.scatter [tilespmem:s21], [sflag:$0x7], $0x1900, $0x38;
	[tilespmem:$0x1A450] =	vst v63  }
0x88: {  	_ =	swait.ge [sflag:s23], $0x1900  }
0x89: {  	[sflag:s23] =	ssyncset.done $0x0  }
0x8a: {  	s14 =	rddreg [dreg:$0x9];
	[sflag:s23] =	ssyncadd.s32 $0xFFFFE700  }
0x8b: {  	[spmem:s14] =	stream.linear.scatter [tilespmem:s21], [sflag:$0x7], $0x1900, $0x38;
	[tilespmem:$0x1A450] =	vst v63  }
0x8c: {  	_ =	swait.ge [sflag:s23], $0x1900  }
0x8d: {  	[sflag:s23] =	ssyncset.done $0x0  }
0x8e: {  	s15 =	rddreg [dreg:$0xa];
	[sflag:s23] =	ssyncadd.s32 $0xFFFFE700  }
0x8f: {  	[spmem:s15] =	stream.linear.scatter [tilespmem:s21], [sflag:$0x7], $0x1900, $0x38;
	[tilespmem:$0x1A450] =	vst v63  }
0x90: {  	_ =	swait.ge [sflag:s23], $0x1900  }
0x91: {  	[sflag:s23] =	ssyncset.done $0x0  }
0x92: {  	s12 =	simm.s32 @!p1 $0xFEB0;
	s13 =	rddreg [dreg:$0xb];
	[sflag:s23] =	ssyncadd.s32 $0xFFFFE700  }
0x93: {  	[spmem:s13] =	stream.linear.scatter @!p1 [tilespmem:s12], [sflag:$0x7], $0x1900, $0x38;
	[tilespmem:$0x1A450] =	vst v63  }
0x94: {  	s12 =	simm.s32 @!p1 $0x7  }
0x95: {  	_ =	swait.ge @!p1 [sflag:s12], $0x1900  }
0x96: {  	[sflag:s12] =	ssyncset.done @!p1 $0x0  }
0x97: {  	[sflag:s12] =	ssyncadd.s32 @!p1 $0xFFFFE700  }
0x98: {  	[bflag:$0x0] =	sbarrier.arrive $0xFFFF  }
0x99: {  	s14 =	simm.s32 $0xC350;
	s12 =	simm.s32 $0x0;
	s16 =	rddreg [dreg:$0x17]  }
0x9a: {  	[tilespmem:s14], [sflag:$0x1] =	stream.linear.gather [hbm4b:s16+s12], $0x320, $0x38;
	[tilespmem:$0x1A450] =	vst v63  }
.Ltmp6:
0x9b: {  	_ = 	snop;
	(pc) =	sbr.rel .LBB2_4-.Ltmp6, $4  }
0x9c: {  	s20 =	simm.s32 $0xC670;
	s18 =	rddreg [dreg:$0x18]  }
0x9d: {  	[tilespmem:s20], [sflag:$0x1] =	stream.linear.gather [hbm4b:s18+s12], $0x320, $0x38;
	[tilespmem:$0x1A450] =	vst v63  }
0x9e: {  	s22 =	rddreg [dreg:$0x19]  }
0x9f: {  	[tilespmem:s19], [sflag:$0x1] =	stream.linear.gather [hbm4b:s22+s12], $0x320, $0x38;
	[tilespmem:$0x1A450] =	vst v63  }
.LBB2_32:
0xa0: {  	s12 =	sadd.s32 $0x1, s12  }
0xa1: {  	p3 =	sne.s32 s12, $0x12  }
.Ltmp7:
0xa2: {  	_ = 	snop;
	(pc) =	sbr.rel @!p3 .LBB2_33-.Ltmp7, $1  }
0xa3: {  	_ =	sdelay $0x3  }
.LBB2_20:
0xa4: {  	s13 =	sshll.u32 s12, $0x5  }
0xa5: {  	s14 =	sadd.s32 s17, s13  }
0xa6: {  	p3 =	sgt.u32 s14, $0x3E7  }
0xa7: {  	s15 =	simm.s32 @!p3 $0x1  }
0xa8: {  	_ =	swait.ge @!p3 [sflag:s15], $0x320  }
0xa9: {  	[sflag:s15] =	ssyncset.done @!p3 $0x0  }
0xaa: {  	[sflag:s15] =	ssyncadd.s32 @!p3 $0xFFFFFCE0  }
0xab: {  	_ =	swait.ge @!p3 [sflag:s15], $0x320  }
0xac: {  	[sflag:s15] =	ssyncset.done @!p3 $0x0  }
0xad: {  	[sflag:s15] =	ssyncadd.s32 @!p3 $0xFFFFFCE0  }
0xae: {  	s20 =	sadd.s32 $0xFFFFFDDC, s14;
	s22 =	sadd.s32 $0xFFFFFDFC, s14;
	_ =	swait.ge @!p3 [sflag:s15], $0x320  }
0xaf: {  	s16 =	simm.s32 @!p3 $0xC350;
	s18 =	simm.s32 @!p3 $0xCCB0;
	[sflag:s15] =	ssyncset.done @!p3 $0x0  }
0xb0: {  	p4 =	sgt.u32 s22, $0x1F3;
	[sflag:s15] =	ssyncadd.s32 @!p3 $0xFFFFFCE0;
	s15 =	simm.s32 @!p3 $0x320  }
0xb1: {  	[tilespmem:s18], [sflag:$0x2] =	stream.indirect.gather @!p3 [hbm4b:s5+s15], $0x10, s16, s15, $0xb8;
	[tilespmem:$0x1A450] =	vst v63  }
.Ltmp8:
0xb2: {  	p3 =	sgt.u32 s20, $0x1F3;
	(pc) =	sbr.rel @p4 .LBB2_26-.Ltmp8, $4  }
0xb3: {  	s15 =	simm.s32 @!p3 $0x6  }
0xb4: {  	_ =	swait.ge @!p3 [sflag:s15], $0x3200  }
0xb5: {  	[sflag:s15] =	ssyncset.done @!p3 $0x0  }
0xb6: {  	[sflag:s15] =	ssyncadd.s32 @!p3 $0xFFFFCE00  }
0xb7: {  	s15 =	simm.s32 $0x0  }
0xb8: {  	v1 =	vmov s15  }
0xb9: {  	_ =	swait.ge [sflag:s25], $0x3200  }
0xba: {  	[sflag:s25] =	ssyncset.done $0x0  }
0xbb: {  	s20 =	simm.s32 $0x13D30;
	[sflag:s25] =	ssyncadd.s32 $0xFFFFCE00  }
0xbc: {  	v2 =	vld [tilespmem:s20+$0x0]  }
0xbd: {  	v1 =	vld.idx.msk [tilespmem:v1+s28+$0x0], $0xffff;
	_ =	sdelay $0x3  }
0xbe: {  	s22 =	simm.s32 $0x1;
	v3 =	vunpack.i.u.bf16.f32 v2;
	v2 =	vunpack.i.l.bf16.f32 v2  }
0xbf: {  	v4 =	vmov s22;
	v2 =	vmul.f32 v2, v1;
	v1 =	vmul.f32 v3, v1;
	_ =	sdelay $0x1  }
0xc0: {  	s15 =	simm.s32 $0x16F30;
	v1 =	vpack.i.f32.bf16 v1, v2  }
0xc1: {  	s16 =	simm.s32 $0x13D40;
	[tilespmem:s15+$0x0] =	vst v1  }
0xc2: {  	v1 =	vld [tilespmem:s16+$0x0]  }
0xc3: {  	v3 =	vld.idx.msk [tilespmem:v4+s28+$0x0], $0xffff;
	_ =	sdelay $0x2  }
0xc4: {  	s18 =	simm.s32 $0x2  }
0xc5: {  	v4 =	vunpack.i.u.bf16.f32 v1;
	v2 =	vunpack.i.l.bf16.f32 v1;
	v1 =	vmov s18  }
0xc6: {  	s18 =	simm.s32 $0x3;
	v2 =	vmul.f32 v2, v3;
	v3 =	vmul.f32 v4, v3  }
.LBB2_22:
0xc7: {  	p3 =	sne.s32 s18, $0x31F  }
0xc8: {  	s15 =	sadd.s32 $0x10, s15;
	v2 =	vpack.i.f32.bf16 v3, v2  }
0xc9: {  	[tilespmem:s15+$0x0] =	vst v2  }
0xca: {  	s16 =	sadd.s32 $0x10, s16;
	v3 =	vld.idx.msk [tilespmem:v1+s28+$0x0], $0xffff  }
0xcb: {  	v2 =	vld [tilespmem:s16+$0x0];
	_ =	sdelay $0x1  }
.Ltmp9:
0xcc: {  	(pc) =	sbr.rel @p3 .LBB2_22-.Ltmp9, $3  }
0xcd: {  	_ =	sdelay $0x1  }
0xce: {  	v1 =	vmov s18;
	v4 =	vunpack.i.u.bf16.f32 v2;
	v2 =	vunpack.i.l.bf16.f32 v2  }
0xcf: {  	s18 =	sadd.s32 $0x1, s18;
	v2 =	vmul.f32 v2, v3;
	v3 =	vmul.f32 v4, v3  }
0xd0: {  	_ = 	snop  }
0xd1: {  	s15 =	sadd.s32 $0x10, s15;
	v2 =	vpack.i.f32.bf16 v3, v2  }
0xd2: {  	s16 =	sadd.s32 $0x10, s16;
	[tilespmem:s15+$0x0] =	vst v2  }
0xd3: {  	v2 =	vld [tilespmem:s16+$0x0]  }
0xd4: {  	v1 =	vld.idx.msk [tilespmem:v1+s28+$0x0], $0xffff;
	_ =	sdelay $0x3  }
0xd5: {  	v3 =	vunpack.i.u.bf16.f32 v2;
	v2 =	vunpack.i.l.bf16.f32 v2  }
0xd6: {  	v2 =	vmul.f32 v2, v1;
	v1 =	vmul.f32 v3, v1;
	_ =	sdelay $0x1  }
0xd7: {  	s15 =	sadd.s32 $0x10, s15;
	v1 =	vpack.i.f32.bf16 v1, v2  }
0xd8: {  	[tilespmem:s15+$0x0] =	vst v1;
	s15 =	simm.s32 $0x0  }
0xd9: {  	s16 =	simm.s32 $0x40;
	v1 =	vld [tilespmem:s15+$0x136F0]  }
.LBB2_24:
0xda: {  	p3 =	sne.s32 s16, $0xC40  }
.Ltmp10:
0xdb: {  	_ = 	snop;
	(pc) =	sbr.rel @p3 .LBB2_24-.Ltmp10, $3  }
0xdc: {  	_ =	sdelay $0x1  }
0xdd: {  	[tilespmem:s15+$0x1A130] =	vst v1;
	s15 =	sshra.s32 s16, $0x2;
	s16 =	sadd.s32 $0x40, s16  }
0xde: {  	v1 =	vld [tilespmem:s15+$0x136F0]  }
0xdf: {  	_ =	sdelay $0x3  }
0xe0: {  	[tilespmem:s15+$0x1A130] =	vst v1  }
0xe1: {  	[spmem:s2] =	stream.indirect.scatter.add.bf16 [tilespmem:s9], [sflag:$0x6], $0x10, s31, s30, $0xb8;
	[tilespmem:$0x1A450] =	vst v63  }
.LBB2_26:
0xe2: {  	p3 =	sgt.u32 s14, $0x3D7  }
0xe3: {  	s14 =	smul.u32 @!p3 $0x320, s14;
	_ =	sdelay $0x1  }
0xe4: {  	s14 =	sshrl.u32 @!p3 s14, $0x3  }
0xe5: {  	s14 =	sadd.s32 @!p3 $0x640, s14  }
0xe6: {  	s16 =	simm.s32 @!p3 $0x0;
	s18 =	simm.s32 @!p3 $0x133D0;
	s15 =	sadd.s32 @!p3 s6, s14  }
0xe7: {  	[tilespmem:s18], [sflag:$0x4] =	stream.linear.gather @!p3 [hbm4b:s15+s16], $0x320, $0x38;
	[tilespmem:$0x1A450] =	vst v63  }
0xe8: {  	s13 =	sadd.s32 s13, s17;
	s15 =	sadd.s32 @!p3 s7, s14;
	s18 =	simm.s32 @!p3 $0x136F0  }
0xe9: {  	[tilespmem:s18], [sflag:$0x4] =	stream.linear.gather @!p3 [hbm4b:s15+s16], $0x320, $0x38;
	[tilespmem:$0x1A450] =	vst v63  }
0xea: {  	s13 =	sadd.s32 $0x10, s13;
	s14 =	sadd.s32 @!p3 s8, s14;
	s15 =	simm.s32 @!p3 $0x13A10  }
0xeb: {  	[tilespmem:s15], [sflag:$0x4] =	stream.linear.gather @!p3 [hbm4b:s14+s16], $0x320, $0x38;
	[tilespmem:$0x1A450] =	vst v63  }
0xec: {  	p3 =	sgt.u32 s13, $0x3E7  }
0xed: {  	s14 =	simm.s32 @!p3 $0x4  }
0xee: {  	_ =	swait.ge @!p3 [sflag:s14], $0x320  }
0xef: {  	[sflag:s14] =	ssyncset.done @!p3 $0x0  }
0xf0: {  	[sflag:s14] =	ssyncadd.s32 @!p3 $0xFFFFFCE0  }
0xf1: {  	_ =	swait.ge @!p3 [sflag:s14], $0x320  }
0xf2: {  	[sflag:s14] =	ssyncset.done @!p3 $0x0  }
0xf3: {  	[sflag:s14] =	ssyncadd.s32 @!p3 $0xFFFFFCE0  }
0xf4: {  	s22 =	sadd.s32 $0xFFFFFDDC, s13;
	_ =	swait.ge @!p3 [sflag:s14], $0x320  }
0xf5: {  	p4 =	sgt.u32 s13, $0x3F7;
	s15 =	simm.s32 @!p3 $0x133D0;
	[sflag:s14] =	ssyncset.done @!p3 $0x0  }
0xf6: {  	s16 =	simm.s32 @!p3 $0x13D30;
	[sflag:s14] =	ssyncadd.s32 @!p3 $0xFFFFFCE0;
	s14 =	simm.s32 @!p3 $0x320  }
0xf7: {  	[tilespmem:s16], [sflag:$0x5] =	stream.indirect.gather @!p3 [hbm4b:s5+s14], $0x10, s15, s14, $0xb8;
	[tilespmem:$0x1A450] =	vst v63  }
.Ltmp11:
0xf8: {  	p3 =	sgt.u32 s22, $0x1F3;
	(pc) =	sbr.rel @p4 .LBB2_32-.Ltmp11, $4  }
0xf9: {  	s14 =	simm.s32 @!p3 $0x3  }
0xfa: {  	_ =	swait.ge @!p3 [sflag:s14], $0x3200  }
0xfb: {  	[sflag:s14] =	ssyncset.done @!p3 $0x0  }
0xfc: {  	[sflag:s14] =	ssyncadd.s32 @!p3 $0xFFFFCE00  }
0xfd: {  	s14 =	simm.s32 $0x0  }
0xfe: {  	v1 =	vmov s14  }
0xff: {  	_ =	swait.ge [sflag:s10], $0x3200  }
0x100: {  	[sflag:s10] =	ssyncset.done $0x0  }
0x101: {  	s20 =	simm.s32 $0xCCB0;
	[sflag:s10] =	ssyncadd.s32 $0xFFFFCE00  }
0x102: {  	v2 =	vld [tilespmem:s20+$0x0]  }
0x103: {  	v1 =	vld.idx.msk [tilespmem:v1+s19+$0x0], $0xffff;
	_ =	sdelay $0x3  }
0x104: {  	s22 =	simm.s32 $0x1;
	v3 =	vunpack.i.u.bf16.f32 v2;
	v2 =	vunpack.i.l.bf16.f32 v2  }
0x105: {  	v4 =	vmov s22;
	v2 =	vmul.f32 v2, v1;
	v1 =	vmul.f32 v3, v1;
	_ =	sdelay $0x1  }
0x106: {  	s14 =	simm.s32 $0xFEB0;
	v1 =	vpack.i.f32.bf16 v1, v2  }
0x107: {  	s15 =	simm.s32 $0xCCC0;
	[tilespmem:s14+$0x0] =	vst v1  }
0x108: {  	v1 =	vld [tilespmem:s15+$0x0]  }
0x109: {  	v3 =	vld.idx.msk [tilespmem:v4+s19+$0x0], $0xffff;
	_ =	sdelay $0x2  }
0x10a: {  	s16 =	simm.s32 $0x2  }
0x10b: {  	v4 =	vunpack.i.u.bf16.f32 v1;
	v2 =	vunpack.i.l.bf16.f32 v1;
	v1 =	vmov s16  }
0x10c: {  	s16 =	simm.s32 $0x3;
	v2 =	vmul.f32 v2, v3;
	v3 =	vmul.f32 v4, v3  }
.LBB2_28:
0x10d: {  	p3 =	sne.s32 s16, $0x31F  }
0x10e: {  	s14 =	sadd.s32 $0x10, s14;
	v2 =	vpack.i.f32.bf16 v3, v2  }
0x10f: {  	[tilespmem:s14+$0x0] =	vst v2  }
0x110: {  	s15 =	sadd.s32 $0x10, s15;
	v3 =	vld.idx.msk [tilespmem:v1+s19+$0x0], $0xffff  }
0x111: {  	v2 =	vld [tilespmem:s15+$0x0];
	_ =	sdelay $0x1  }
.Ltmp12:
0x112: {  	(pc) =	sbr.rel @p3 .LBB2_28-.Ltmp12, $3  }
0x113: {  	_ =	sdelay $0x1  }
0x114: {  	v1 =	vmov s16;
	v4 =	vunpack.i.u.bf16.f32 v2;
	v2 =	vunpack.i.l.bf16.f32 v2  }
0x115: {  	s16 =	sadd.s32 $0x1, s16;
	v2 =	vmul.f32 v2, v3;
	v3 =	vmul.f32 v4, v3  }
0x116: {  	_ = 	snop  }
0x117: {  	s14 =	sadd.s32 $0x10, s14;
	v2 =	vpack.i.f32.bf16 v3, v2  }
0x118: {  	s15 =	sadd.s32 $0x10, s15;
	[tilespmem:s14+$0x0] =	vst v2  }
0x119: {  	v2 =	vld [tilespmem:s15+$0x0]  }
0x11a: {  	v1 =	vld.idx.msk [tilespmem:v1+s19+$0x0], $0xffff;
	_ =	sdelay $0x3  }
0x11b: {  	v3 =	vunpack.i.u.bf16.f32 v2;
	v2 =	vunpack.i.l.bf16.f32 v2  }
0x11c: {  	v2 =	vmul.f32 v2, v1;
	v1 =	vmul.f32 v3, v1;
	_ =	sdelay $0x1  }
0x11d: {  	s14 =	sadd.s32 $0x10, s14;
	v1 =	vpack.i.f32.bf16 v1, v2  }
0x11e: {  	[tilespmem:s14+$0x0] =	vst v1;
	s14 =	simm.s32 $0x0  }
0x11f: {  	s15 =	simm.s32 $0x40;
	v1 =	vld [tilespmem:s14+$0xC670]  }
.LBB2_30:
0x120: {  	p3 =	sne.s32 s15, $0xC40  }
.Ltmp13:
0x121: {  	_ = 	snop;
	(pc) =	sbr.rel @p3 .LBB2_30-.Ltmp13, $3  }
0x122: {  	_ =	sdelay $0x1  }
0x123: {  	[tilespmem:s14+$0x130B0] =	vst v1;
	s14 =	sshra.s32 s15, $0x2;
	s15 =	sadd.s32 $0x40, s15  }
0x124: {  	v1 =	vld [tilespmem:s14+$0xC670]  }
0x125: {  	p3 =	sgt.u32 s13, $0x3D7  }
0x126: {  	s13 =	smul.u32 @!p3 $0x320, s13;
	_ =	sdelay $0x1  }
0x127: {  	s13 =	sshrl.u32 @!p3 s13, $0x3  }
0x128: {  	[tilespmem:s14+$0x130B0] =	vst v1;
	s13 =	sadd.s32 @!p3 $0x640, s13  }
0x129: {  	[spmem:s2] =	stream.indirect.scatter.add.bf16 [tilespmem:s21], [sflag:$0x3], $0x10, s11, s30, $0xb8;
	[tilespmem:$0x1A450] =	vst v63  }
0x12a: {  	s15 =	simm.s32 @!p3 $0x0;
	s16 =	simm.s32 @!p3 $0xC350;
	s14 =	sadd.s32 @!p3 s6, s13  }
0x12b: {  	[tilespmem:s16], [sflag:$0x1] =	stream.linear.gather @!p3 [hbm4b:s14+s15], $0x320, $0x38;
	[tilespmem:$0x1A450] =	vst v63  }
.Ltmp14:
0x12c: {  	_ = 	snop;
	(pc) =	sbr.rel .LBB2_32-.Ltmp14, $4  }
0x12d: {  	s14 =	sadd.s32 @!p3 s7, s13;
	s16 =	simm.s32 @!p3 $0xC670  }
0x12e: {  	[tilespmem:s16], [sflag:$0x1] =	stream.linear.gather @!p3 [hbm4b:s14+s15], $0x320, $0x38;
	[tilespmem:$0x1A450] =	vst v63  }
0x12f: {  	s13 =	sadd.s32 @!p3 s8, s13;
	s14 =	simm.s32 @!p3 $0xC990  }
0x130: {  	[tilespmem:s14], [sflag:$0x1] =	stream.linear.gather @!p3 [hbm4b:s13+s15], $0x320, $0x38;
	[tilespmem:$0x1A450] =	vst v63  }
.LBB2_15:
0x131: {  	p3 =	sgt.u32 s14, $0x1E3  }
0x132: {  	[tilespmem:s13+$0x130B0] =	vst v1;
	s13 =	smul.u32 @!p3 $0x320, s14  }
0x133: {  	[spmem:s2] =	stream.indirect.scatter.add.bf16 [tilespmem:s21], [sflag:$0x3], $0x10, s11, s30, $0xb8;
	[tilespmem:$0x1A450] =	vst v63  }
0x134: {  	s13 =	sshrl.u32 @!p3 s13, $0x3  }
0x135: {  	s13 =	sadd.s32 @!p3 $0x640, s13  }
0x136: {  	s15 =	simm.s32 @!p3 $0x0;
	s16 =	simm.s32 @!p3 $0xC350;
	s14 =	sadd.s32 @!p3 s6, s13  }
0x137: {  	[tilespmem:s16], [sflag:$0x1] =	stream.linear.gather @!p3 [hbm4b:s14+s15], $0x320, $0x38;
	[tilespmem:$0x1A450] =	vst v63  }
0x138: {  	s14 =	sadd.s32 @!p3 s7, s13;
	s16 =	simm.s32 @!p3 $0xC670  }
0x139: {  	[tilespmem:s16], [sflag:$0x1] =	stream.linear.gather @!p3 [hbm4b:s14+s15], $0x320, $0x38;
	[tilespmem:$0x1A450] =	vst v63  }
0x13a: {  	s13 =	sadd.s32 @!p3 s8, s13;
	s14 =	simm.s32 @!p3 $0xC990  }
0x13b: {  	[tilespmem:s14], [sflag:$0x1] =	stream.linear.gather @!p3 [hbm4b:s13+s15], $0x320, $0x38;
	[tilespmem:$0x1A450] =	vst v63  }
.LBB2_16:
0x13c: {  	s12 =	sadd.s32 $0x1, s12  }
0x13d: {  	p3 =	sne.s32 s12, $0x12  }
.Ltmp15:
0x13e: {  	_ = 	snop;
	(pc) =	sbr.rel @!p3 .LBB2_17-.Ltmp15, $1  }
0x13f: {  	_ =	sdelay $0x3  }
.LBB2_4:
0x140: {  	s13 =	sshll.u32 s12, $0x5  }
0x141: {  	s13 =	sor.u32 s4, s13  }
0x142: {  	p3 =	sgt.u32 s13, $0x1F3  }
0x143: {  	s14 =	simm.s32 @!p3 $0x1  }
0x144: {  	_ =	swait.ge @!p3 [sflag:s14], $0x320  }
0x145: {  	[sflag:s14] =	ssyncset.done @!p3 $0x0  }
0x146: {  	[sflag:s14] =	ssyncadd.s32 @!p3 $0xFFFFFCE0  }
0x147: {  	_ =	swait.ge @!p3 [sflag:s14], $0x320  }
0x148: {  	[sflag:s14] =	ssyncset.done @!p3 $0x0  }
0x149: {  	[sflag:s14] =	ssyncadd.s32 @!p3 $0xFFFFFCE0  }
0x14a: {  	s15 =	sadd.s32 $0xFFFFFFD0, s13;
	s22 =	sadd.s32 $0xFFFFFFF0, s13;
	_ =	swait.ge @!p3 [sflag:s14], $0x320  }
0x14b: {  	s16 =	simm.s32 @!p3 $0xC350;
	s18 =	simm.s32 @!p3 $0xCCB0;
	[sflag:s14] =	ssyncset.done @!p3 $0x0  }
0x14c: {  	p4 =	sgt.u32 s22, $0x1F3;
	[sflag:s14] =	ssyncadd.s32 @!p3 $0xFFFFFCE0;
	s14 =	simm.s32 @!p3 $0x320  }
0x14d: {  	[tilespmem:s18], [sflag:$0x2] =	stream.indirect.gather @!p3 [hbm4b:s5+s14], $0x10, s16, s14, $0xb8;
	[tilespmem:$0x1A450] =	vst v63  }
.Ltmp16:
0x14e: {  	p3 =	sgt.u32 s15, $0x1F3;
	(pc) =	sbr.rel @p4 .LBB2_10-.Ltmp16, $4  }
0x14f: {  	s14 =	simm.s32 @!p3 $0x6  }
0x150: {  	_ =	swait.ge @!p3 [sflag:s14], $0x3200  }
0x151: {  	[sflag:s14] =	ssyncset.done @!p3 $0x0  }
0x152: {  	[sflag:s14] =	ssyncadd.s32 @!p3 $0xFFFFCE00  }
0x153: {  	s14 =	simm.s32 $0x0  }
0x154: {  	v1 =	vmov s14  }
0x155: {  	_ =	swait.ge [sflag:s25], $0x3200  }
0x156: {  	[sflag:s25] =	ssyncset.done $0x0  }
0x157: {  	s20 =	simm.s32 $0x13D30;
	[sflag:s25] =	ssyncadd.s32 $0xFFFFCE00  }
0x158: {  	v2 =	vld [tilespmem:s20+$0x0]  }
0x159: {  	v1 =	vld.idx.msk [tilespmem:v1+s28+$0x0], $0xffff;
	_ =	sdelay $0x3  }
0x15a: {  	s22 =	simm.s32 $0x1;
	v3 =	vunpack.i.u.bf16.f32 v2;
	v2 =	vunpack.i.l.bf16.f32 v2  }
0x15b: {  	v4 =	vmov s22;
	v2 =	vmul.f32 v2, v1;
	v1 =	vmul.f32 v3, v1;
	_ =	sdelay $0x1  }
0x15c: {  	s14 =	simm.s32 $0x16F30;
	v1 =	vpack.i.f32.bf16 v1, v2  }
0x15d: {  	s15 =	simm.s32 $0x13D40;
	[tilespmem:s14+$0x0] =	vst v1  }
0x15e: {  	v1 =	vld [tilespmem:s15+$0x0]  }
0x15f: {  	v3 =	vld.idx.msk [tilespmem:v4+s28+$0x0], $0xffff;
	_ =	sdelay $0x2  }
0x160: {  	s16 =	simm.s32 $0x2  }
0x161: {  	v4 =	vunpack.i.u.bf16.f32 v1;
	v2 =	vunpack.i.l.bf16.f32 v1;
	v1 =	vmov s16  }
0x162: {  	s16 =	simm.s32 $0x3;
	v2 =	vmul.f32 v2, v3;
	v3 =	vmul.f32 v4, v3  }
.LBB2_6:
0x163: {  	p3 =	sne.s32 s16, $0x31F  }
0x164: {  	s14 =	sadd.s32 $0x10, s14;
	v2 =	vpack.i.f32.bf16 v3, v2  }
0x165: {  	[tilespmem:s14+$0x0] =	vst v2  }
0x166: {  	s15 =	sadd.s32 $0x10, s15;
	v3 =	vld.idx.msk [tilespmem:v1+s28+$0x0], $0xffff  }
0x167: {  	v2 =	vld [tilespmem:s15+$0x0];
	_ =	sdelay $0x1  }
.Ltmp17:
0x168: {  	(pc) =	sbr.rel @p3 .LBB2_6-.Ltmp17, $3  }
0x169: {  	_ =	sdelay $0x1  }
0x16a: {  	v1 =	vmov s16;
	v4 =	vunpack.i.u.bf16.f32 v2;
	v2 =	vunpack.i.l.bf16.f32 v2  }
0x16b: {  	s16 =	sadd.s32 $0x1, s16;
	v2 =	vmul.f32 v2, v3;
	v3 =	vmul.f32 v4, v3  }
0x16c: {  	_ = 	snop  }
0x16d: {  	s14 =	sadd.s32 $0x10, s14;
	v2 =	vpack.i.f32.bf16 v3, v2  }
0x16e: {  	s15 =	sadd.s32 $0x10, s15;
	[tilespmem:s14+$0x0] =	vst v2  }
0x16f: {  	v2 =	vld [tilespmem:s15+$0x0]  }
0x170: {  	v1 =	vld.idx.msk [tilespmem:v1+s28+$0x0], $0xffff;
	_ =	sdelay $0x3  }
0x171: {  	v3 =	vunpack.i.u.bf16.f32 v2;
	v2 =	vunpack.i.l.bf16.f32 v2  }
0x172: {  	v2 =	vmul.f32 v2, v1;
	v1 =	vmul.f32 v3, v1;
	_ =	sdelay $0x1  }
0x173: {  	s14 =	sadd.s32 $0x10, s14;
	v1 =	vpack.i.f32.bf16 v1, v2  }
0x174: {  	[tilespmem:s14+$0x0] =	vst v1;
	s14 =	simm.s32 $0x0  }
0x175: {  	s15 =	simm.s32 $0x40;
	v1 =	vld [tilespmem:s14+$0x136F0]  }
.LBB2_8:
0x176: {  	p3 =	sne.s32 s15, $0xC40  }
.Ltmp18:
0x177: {  	_ = 	snop;
	(pc) =	sbr.rel @p3 .LBB2_8-.Ltmp18, $3  }
0x178: {  	_ =	sdelay $0x1  }
0x179: {  	[tilespmem:s14+$0x1A130] =	vst v1;
	s14 =	sshra.s32 s15, $0x2;
	s15 =	sadd.s32 $0x40, s15  }
0x17a: {  	v1 =	vld [tilespmem:s14+$0x136F0]  }
0x17b: {  	_ =	sdelay $0x3  }
0x17c: {  	[tilespmem:s14+$0x1A130] =	vst v1  }
0x17d: {  	[spmem:s2] =	stream.indirect.scatter.add.bf16 [tilespmem:s9], [sflag:$0x6], $0x10, s31, s30, $0xb8;
	[tilespmem:$0x1A450] =	vst v63  }
.LBB2_10:
0x17e: {  	s14 =	sor.u32 $0x10, s13  }
0x17f: {  	p3 =	sgt.u32 s14, $0x1F3  }
0x180: {  	s15 =	smul.u32 @!p3 $0x64, s14;
	_ =	sdelay $0x1  }
0x181: {  	s18 =	simm.s32 @!p3 $0x0;
	s20 =	simm.s32 @!p3 $0x133D0;
	s16 =	sadd.s32 @!p3 s6, s15  }
0x182: {  	[tilespmem:s20], [sflag:$0x4] =	stream.linear.gather @!p3 [hbm4b:s16+s18], $0x320, $0x38;
	[tilespmem:$0x1A450] =	vst v63  }
0x183: {  	s22 =	simm.s32 @!p3 $0x136F0;
	s16 =	sadd.s32 @!p3 s7, s15  }
0x184: {  	[tilespmem:s22], [sflag:$0x4] =	stream.linear.gather @!p3 [hbm4b:s16+s18], $0x320, $0x38;
	[tilespmem:$0x1A450] =	vst v63  }
0x185: {  	s15 =	sadd.s32 @!p3 s8, s15;
	s16 =	simm.s32 @!p3 $0x13A10  }
0x186: {  	[tilespmem:s16], [sflag:$0x4] =	stream.linear.gather @!p3 [hbm4b:s15+s18], $0x320, $0x38;
	[tilespmem:$0x1A450] =	vst v63  }
0x187: {  	s15 =	simm.s32 @!p3 $0x4  }
0x188: {  	_ =	swait.ge @!p3 [sflag:s15], $0x320  }
0x189: {  	[sflag:s15] =	ssyncset.done @!p3 $0x0  }
0x18a: {  	[sflag:s15] =	ssyncadd.s32 @!p3 $0xFFFFFCE0  }
0x18b: {  	_ =	swait.ge @!p3 [sflag:s15], $0x320  }
0x18c: {  	[sflag:s15] =	ssyncset.done @!p3 $0x0  }
0x18d: {  	[sflag:s15] =	ssyncadd.s32 @!p3 $0xFFFFFCE0  }
0x18e: {  	_ =	swait.ge @!p3 [sflag:s15], $0x320  }
0x18f: {  	p4 =	sgt.u32 s14, $0x203;
	s22 =	sadd.s32 $0xFFFFFFE0, s13;
	[sflag:s15] =	ssyncset.done @!p3 $0x0  }
0x190: {  	s16 =	simm.s32 @!p3 $0x13D30;
	[sflag:s15] =	ssyncadd.s32 @!p3 $0xFFFFFCE0;
	s15 =	simm.s32 @!p3 $0x320  }
0x191: {  	[tilespmem:s16], [sflag:$0x5] =	stream.indirect.gather @!p3 [hbm4b:s5+s15], $0x10, s20, s15, $0xb8;
	[tilespmem:$0x1A450] =	vst v63  }
.Ltmp19:
0x192: {  	p3 =	sgt.u32 s22, $0x1F3;
	(pc) =	sbr.rel @p4 .LBB2_16-.Ltmp19, $4  }
0x193: {  	s13 =	simm.s32 @!p3 $0x3  }
0x194: {  	_ =	swait.ge @!p3 [sflag:s13], $0x3200  }
0x195: {  	[sflag:s13] =	ssyncset.done @!p3 $0x0  }
0x196: {  	[sflag:s13] =	ssyncadd.s32 @!p3 $0xFFFFCE00  }
0x197: {  	s13 =	simm.s32 $0x0  }
0x198: {  	v1 =	vmov s13  }
0x199: {  	_ =	swait.ge [sflag:s10], $0x3200  }
0x19a: {  	[sflag:s10] =	ssyncset.done $0x0  }
0x19b: {  	s20 =	simm.s32 $0xCCB0;
	[sflag:s10] =	ssyncadd.s32 $0xFFFFCE00  }
0x19c: {  	v2 =	vld [tilespmem:s20+$0x0]  }
0x19d: {  	v1 =	vld.idx.msk [tilespmem:v1+s19+$0x0], $0xffff;
	_ =	sdelay $0x3  }
0x19e: {  	s22 =	simm.s32 $0x1;
	v3 =	vunpack.i.u.bf16.f32 v2;
	v2 =	vunpack.i.l.bf16.f32 v2  }
0x19f: {  	v4 =	vmov s22;
	v2 =	vmul.f32 v2, v1;
	v1 =	vmul.f32 v3, v1;
	_ =	sdelay $0x1  }
0x1a0: {  	s13 =	simm.s32 $0xFEB0;
	v1 =	vpack.i.f32.bf16 v1, v2  }
0x1a1: {  	s15 =	simm.s32 $0xCCC0;
	[tilespmem:s13+$0x0] =	vst v1  }
0x1a2: {  	v1 =	vld [tilespmem:s15+$0x0]  }
0x1a3: {  	v3 =	vld.idx.msk [tilespmem:v4+s19+$0x0], $0xffff;
	_ =	sdelay $0x2  }
0x1a4: {  	s16 =	simm.s32 $0x2  }
0x1a5: {  	v4 =	vunpack.i.u.bf16.f32 v1;
	v2 =	vunpack.i.l.bf16.f32 v1;
	v1 =	vmov s16  }
0x1a6: {  	s16 =	simm.s32 $0x3;
	v2 =	vmul.f32 v2, v3;
	v3 =	vmul.f32 v4, v3  }
.LBB2_12:
0x1a7: {  	p3 =	sne.s32 s16, $0x31F  }
0x1a8: {  	s13 =	sadd.s32 $0x10, s13;
	v2 =	vpack.i.f32.bf16 v3, v2  }
0x1a9: {  	[tilespmem:s13+$0x0] =	vst v2  }
0x1aa: {  	s15 =	sadd.s32 $0x10, s15;
	v3 =	vld.idx.msk [tilespmem:v1+s19+$0x0], $0xffff  }
0x1ab: {  	v2 =	vld [tilespmem:s15+$0x0];
	_ =	sdelay $0x1  }
.Ltmp20:
0x1ac: {  	(pc) =	sbr.rel @p3 .LBB2_12-.Ltmp20, $3  }
0x1ad: {  	_ =	sdelay $0x1  }
0x1ae: {  	v1 =	vmov s16;
	v4 =	vunpack.i.u.bf16.f32 v2;
	v2 =	vunpack.i.l.bf16.f32 v2  }
0x1af: {  	s16 =	sadd.s32 $0x1, s16;
	v2 =	vmul.f32 v2, v3;
	v3 =	vmul.f32 v4, v3  }
0x1b0: {  	_ = 	snop  }
0x1b1: {  	s13 =	sadd.s32 $0x10, s13;
	v2 =	vpack.i.f32.bf16 v3, v2  }
0x1b2: {  	s15 =	sadd.s32 $0x10, s15;
	[tilespmem:s13+$0x0] =	vst v2  }
0x1b3: {  	v2 =	vld [tilespmem:s15+$0x0]  }
0x1b4: {  	v1 =	vld.idx.msk [tilespmem:v1+s19+$0x0], $0xffff;
	_ =	sdelay $0x3  }
0x1b5: {  	v3 =	vunpack.i.u.bf16.f32 v2;
	v2 =	vunpack.i.l.bf16.f32 v2  }
0x1b6: {  	v2 =	vmul.f32 v2, v1;
	v1 =	vmul.f32 v3, v1;
	_ =	sdelay $0x1  }
0x1b7: {  	s13 =	sadd.s32 $0x10, s13;
	v1 =	vpack.i.f32.bf16 v1, v2  }
0x1b8: {  	[tilespmem:s13+$0x0] =	vst v1;
	s13 =	simm.s32 $0x0  }
0x1b9: {  	s15 =	simm.s32 $0x40;
	v1 =	vld [tilespmem:s13+$0xC670]  }
.LBB2_14:
0x1ba: {  	p3 =	sne.s32 s15, $0xC40  }
.Ltmp21:
0x1bb: {  	_ = 	snop;
	(pc) =	sbr.rel @p3 .LBB2_14-.Ltmp21, $3  }
0x1bc: {  	_ =	sdelay $0x1  }
0x1bd: {  	[tilespmem:s13+$0x130B0] =	vst v1;
	s13 =	sshra.s32 s15, $0x2;
	s15 =	sadd.s32 $0x40, s15  }
0x1be: {  	v1 =	vld [tilespmem:s13+$0xC670]  }
.Ltmp22:
0x1bf: {  	_ = 	snop;
	(pc) =	sbr.rel .LBB2_15-.Ltmp22, $1  }
0x1c0: {  	_ =	sdelay $0x3  }
.LBB2_33:
0x1c1: {  	[bflag:$0x0] =	sbarrier.arrive $0xFFFF  }
0x1c2: {  	s12 =	sshll.u32 s4, $0x6;
	s13 =	rddreg [dreg:$0xd]  }
0x1c3: {  	s12 =	sor.u32 $0x1C07, s12;
	s14 =	rddreg [dreg:$0x1e];
	s13 =	sshrl.u32 s13, $0x3  }
0x1c4: {  	[hbm:s14], [sflag:s12] =	dma.local [spmem:s13], $0x320  }
0x1c5: {  	_ =	swait.ge [sflag:s23], $0x320  }
0x1c6: {  	[sflag:s23] =	ssyncset.done $0x0;
	s14 =	rddreg [dreg:$0xf]  }
0x1c7: {  	s15 =	rddreg [dreg:$0x1f];
	[sflag:s23] =	ssyncadd.s32 $0xFFFFFCE0;
	s13 =	sshrl.u32 s14, $0x3  }
0x1c8: {  	[hbm:s15], [sflag:s12] =	dma.local [spmem:s13], $0x320  }
0x1c9: {  	_ =	swait.ge [sflag:s23], $0x320  }
0x1ca: {  	s18 =	sld [smem:$0x7F8]  }
0x1cb: {  	[sflag:s23] =	ssyncset.done $0x0;
	s16 =	rddreg [dreg:$0x11]  }
0x1cc: {  	[sflag:s23] =	ssyncadd.s32 $0xFFFFFCE0;
	s13 =	sshrl.u32 s16, $0x3  }
0x1cd: {  	[hbm:s18], [sflag:s12] =	dma.local [spmem:s13], $0x320  }
0x1ce: {  	_ =	swait.ge [sflag:s23], $0x320  }
0x1cf: {  	s22 =	sld [smem:$0x7F9]  }
0x1d0: {  	[sflag:s23] =	ssyncset.done $0x0  }
0x1d1: {  	s20 =	sshrl.u32 s24, $0x3;
	[sflag:s23] =	ssyncadd.s32 $0xFFFFFCE0  }
0x1d2: {  	[hbm:s22], [sflag:s12] =	dma.local [spmem:s20], $0x320  }
0x1d3: {  	_ =	swait.ge [sflag:s23], $0x320  }
0x1d4: {  	s15 =	sld [smem:$0x7FA]  }
0x1d5: {  	[sflag:s23] =	ssyncset.done $0x0  }
0x1d6: {  	s14 =	sshrl.u32 s26, $0x3;
	[sflag:s23] =	ssyncadd.s32 $0xFFFFFCE0  }
0x1d7: {  	[hbm:s15], [sflag:s12] =	dma.local [spmem:s14], $0x320  }
0x1d8: {  	_ =	swait.ge [sflag:s23], $0x320  }
0x1d9: {  	s18 =	sld [smem:$0x7FB]  }
0x1da: {  	[sflag:s23] =	ssyncset.done $0x0  }
0x1db: {  	s16 =	sshrl.u32 s29, $0x3;
	[sflag:s23] =	ssyncadd.s32 $0xFFFFFCE0  }
0x1dc: {  	[hbm:s18], [sflag:s12] =	dma.local [spmem:s16], $0x320  }
0x1dd: {  	_ =	swait.ge [sflag:s23], $0x320  }
0x1de: {  	s22 =	sld [smem:$0x7FC]  }
0x1df: {  	[sflag:s23] =	ssyncset.done $0x0  }
0x1e0: {  	s20 =	sshrl.u32 s1, $0x3;
	[sflag:s23] =	ssyncadd.s32 $0xFFFFFCE0  }
0x1e1: {  	[hbm:s22], [sflag:s12] =	dma.local [spmem:s20], $0x320  }
.Ltmp23:
0x1e2: {  	_ = 	snop;
	(pc) =	sbr.rel @p1 .LBB2_35-.Ltmp23, $4  }
.Ltmp24:
0x1e3: {  	_ = 	snop;
	(pc) =	sbr.rel @!p1 .LBB2_34-.Ltmp24, $4  }
0x1e4: {  	_ =	swait.ge [sflag:s23], $0x320  }
0x1e5: {  	[sflag:s23] =	ssyncset.done $0x0;
	s13 =	sld [smem:$0x7FD]  }
0x1e6: {  	[sflag:s23] =	ssyncadd.s32 $0xFFFFFCE0  }
0x1e7: {  	_ = 	snop  }
.LBB2_17:
0x1e8: {  	[bflag:$0x0] =	sbarrier.arrive $0xFFFF  }
0x1e9: {  	s12 =	sshll.u32 s4, $0x6;
	s13 =	rddreg [dreg:$0xd]  }
0x1ea: {  	s12 =	sor.u32 $0x1C07, s12;
	s14 =	rddreg [dreg:$0xc];
	s13 =	sshrl.u32 s13, $0x3  }
0x1eb: {  	[hbm:s14], [sflag:s12] =	dma.local [spmem:s13], $0x320  }
0x1ec: {  	_ =	swait.ge [sflag:s23], $0x320  }
0x1ed: {  	[sflag:s23] =	ssyncset.done $0x0;
	s14 =	rddreg [dreg:$0xf]  }
0x1ee: {  	s15 =	rddreg [dreg:$0xe];
	[sflag:s23] =	ssyncadd.s32 $0xFFFFFCE0;
	s13 =	sshrl.u32 s14, $0x3  }
0x1ef: {  	[hbm:s15], [sflag:s12] =	dma.local [spmem:s13], $0x320  }
0x1f0: {  	_ =	swait.ge [sflag:s23], $0x320  }
0x1f1: {  	[sflag:s23] =	ssyncset.done $0x0;
	s16 =	rddreg [dreg:$0x11]  }
0x1f2: {  	s18 =	rddreg [dreg:$0x10];
	[sflag:s23] =	ssyncadd.s32 $0xFFFFFCE0;
	s13 =	sshrl.u32 s16, $0x3  }
0x1f3: {  	[hbm:s18], [sflag:s12] =	dma.local [spmem:s13], $0x320  }
0x1f4: {  	_ =	swait.ge [sflag:s23], $0x320  }
0x1f5: {  	[sflag:s23] =	ssyncset.done $0x0  }
0x1f6: {  	s20 =	sshrl.u32 s24, $0x3;
	s22 =	rddreg [dreg:$0x12];
	[sflag:s23] =	ssyncadd.s32 $0xFFFFFCE0  }
0x1f7: {  	[hbm:s22], [sflag:s12] =	dma.local [spmem:s20], $0x320  }
0x1f8: {  	_ =	swait.ge [sflag:s23], $0x320  }
0x1f9: {  	[sflag:s23] =	ssyncset.done $0x0  }
0x1fa: {  	s14 =	sshrl.u32 s26, $0x3;
	s15 =	rddreg [dreg:$0x13];
	[sflag:s23] =	ssyncadd.s32 $0xFFFFFCE0  }
0x1fb: {  	[hbm:s15], [sflag:s12] =	dma.local [spmem:s14], $0x320  }
0x1fc: {  	_ =	swait.ge [sflag:s23], $0x320  }
0x1fd: {  	[sflag:s23] =	ssyncset.done $0x0  }
0x1fe: {  	s16 =	sshrl.u32 s29, $0x3;
	s18 =	rddreg [dreg:$0x14];
	[sflag:s23] =	ssyncadd.s32 $0xFFFFFCE0  }
0x1ff: {  	[hbm:s18], [sflag:s12] =	dma.local [spmem:s16], $0x320  }
0x200: {  	_ =	swait.ge [sflag:s23], $0x320  }
0x201: {  	[sflag:s23] =	ssyncset.done $0x0  }
0x202: {  	s20 =	sshrl.u32 s1, $0x3;
	s22 =	rddreg [dreg:$0x15];
	[sflag:s23] =	ssyncadd.s32 $0xFFFFFCE0  }
0x203: {  	[hbm:s22], [sflag:s12] =	dma.local [spmem:s20], $0x320  }
.Ltmp25:
0x204: {  	_ = 	snop;
	(pc) =	sbr.rel @p2 .LBB2_34-.Ltmp25, $4  }
.Ltmp26:
0x205: {  	_ = 	snop;
	(pc) =	sbr.rel @!p2 .LBB2_35-.Ltmp26, $4  }
0x206: {  	_ =	swait.ge [sflag:s23], $0x320  }
0x207: {  	[sflag:s23] =	ssyncset.done $0x0  }
0x208: {  	s13 =	rddreg [dreg:$0x16];
	[sflag:s23] =	ssyncadd.s32 $0xFFFFFCE0  }
0x209: {  	_ = 	snop  }
.LBB2_36:
0x20a: {  	_ =	sfence.sel $0x180000  }
0x20b: {  	[bflag:$0x0] =	sbarrier.arrive $0xFFFF  }
0x20c: {  	_ =	strace $0x90000050  }
0x20d: {  	[bflag:$0x2] =	sbarrier.arrive $0xFFFF  }
0x20e: {  	p0 =	sne.s32 s4, $0x0;
	s0 =	rddreg [dreg:$0x3]  }
0x20f: {  	s0 =	sadd.s32 @!p0 $0x100000, s0  }
0x210: {  	[sflag:s0] =	ssyncadd.tile.s32 @!p0 $0x1;
	_ =	shalt  }
.Lfunc_end2:
_tile_overlayer_lowered:
.L_overlay_start_2:
0x211: {  	(tag) =	ssettag $0x2  }
0x212: {  	s0 =	rddreg [dreg:$0x0];
	s2 =	stileid.u32  }
0x213: {  	s1 =	rddreg [dreg:$0x1];
	p0 =	sne.s32 s2, $0x0  }
0x214: {  	s3 =	rddreg [dreg:$0x2];
	[bflag:$0x3] =	sbarrier.arrive $0xFFFF;
	s2 =	simm.s32 @!p0 $0x1C07  }
0x215: {  	[timem:s3], [sflag:s2] =	dma.local @!p0 [hbm:s0], s1  }
0x216: {  	s0 =	simm.s32 @!p0 $0x7  }
0x217: {  	_ =	swait.ge @!p0 [sflag:s0], s1  }
0x218: {  	s1 =	ssub.s32 @!p0 $0x0, s1;
	[sflag:s0] =	ssyncset.done @!p0 $0x0  }
0x219: {  	[sflag:s0] =	ssyncadd.s32 @!p0 s1  }
0x21a: {  	[bflag:$0x3] =	sbarrier.arrive $0xFFFF  }
0x21b: {  	_ =	shalt  }

// kernel: kernel.9.cloned.1.call-start
scs
__scs_entry_jumppad:
0x0: {  	(pc) =	sbr.rel $0x88, $3  }
0x1: {  	(tag) =	ssettag $0x0;
	lr =	simm.s32 $0x1  }
0x2: {  	[smem:$0x3F97] =	sst lr;
	_ =	strace $0xD0000000  }
0x3: {  	_ = 	snop  }
0x4: {  	_ = 	snop  }
0x5: {  	_ = 	snop  }
0x6: {  	_ = 	snop  }
0x7: {  	_ = 	snop  }
__scs_overlays_trampoline_lowered:
0x8: {  	[smem:$0x3FA6] =	sst s0  }
0x9: {  	[smem:$0x3FA7] =	sst s1  }
0xa: {  	[smem:$0x3FA8] =	sst s2  }
0xb: {  	[smem:$0x3FA9] =	sst s3  }
0xc: {  	[smem:$0x3FAA] =	sst s4  }
0xd: {  	[smem:$0x3FAB] =	sst s5  }
0xe: {  	[smem:$0x3FAC] =	sst s6  }
0xf: {  	[smem:$0x3FAD] =	sst s7  }
0x10: {  	[smem:$0x3FAE] =	sst s8  }
0x11: {  	[smem:$0x3FAF] =	sst s9;
	s0 =	simm.s32 @!p0 $0x0  }
0x12: {  	s1 =	sld [smem:$0x3F95];
	s0 =	simm.s32 @p0 $0x1  }
0x13: {  	[smem:$0x3FB0] =	sst s0;
	s0 =	simm.s32 @!p1 $0x0  }
0x14: {  	s2 =	sld [smem:$0x3F94];
	s0 =	simm.s32 @p1 $0x1  }
0x15: {  	[smem:$0x3FB1] =	sst s0;
	s0 =	simm.s32 @!p2 $0x0  }
0x16: {  	s3 =	sld [smem:$0x3FDB];
	s0 =	simm.s32 @p2 $0x1  }
0x17: {  	s4 =	simm.s32 $0x1BF5;
	[smem:$0x3FB3] =	sst s0  }
0x18: {  	s0 =	sld [smem:$0x3F96];
	_ =	swait.ge [sflag:s4], $0x0  }
0x19: {  	s7 =	sld [smem:$0x3F97]  }
0x1a: {  	s8 =	sadd.s32 $0xFFFFE003, lr  }
0x1b: {  	s9 =	sadd.s32 $0xFFFFFEF7, lr;
	s5 =	simm.s32 $0xFFFFFFFF;
	p2 =	slt.u32 s8, $0xFFFFF086  }
0x1c: {  	p1 =	slt.u32 s9, $0xF7A;
	s5 =	simm.s32 @!p2 $0x0  }
0x1d: {  	s5 =	simm.s32 @p1 $0x1;
	p0 =	seq.s32 s7, s2  }
0x1e: {  	s7 =	smul.u32 @!p0 $0xF7A, s2;
	p2 =	seq.s32 @!p0 s5, $0x0  }
0x1f: {  	s9 =	smul.u32 $0xF7A, s1;
	s8 =	simm.s32 @!p0 $0x1BF5;
	p2 =	por !p2, p0  }
0x20: {  	[sflag:s8] =	ssyncset.s32 @!p0 $0xFFFFF086;
	s6 =	sadd.s32 @!p0 s3, s7;
	s7 =	simm.s32 @!p0 $0x108  }
0x21: {  	s3 =	sadd.s32 s3, s9;
	s6 =	sadd.s32 @!p0 $0x88, s6;
	s7 =	simm.s32 @p2 $0x1082  }
0x22: {  	[simem:s7], [sflag:s8] =	dma.local @!p0 [hbm:s6], $0xF7A  }
0x23: {  	s9 =	sor.u32 $0xD0000000, s2;
	s6 =	simm.s32 $0x108;
	_ =	swait.ge @!p0 [sflag:s8], $0x0  }
0x24: {  	s3 =	sadd.s32 $0x88, s3;
	s6 =	simm.s32 @!p1 $0x1082;
	[sflag:s4] =	ssyncset.s32 $0xFFFFF086  }
0x25: {  	[simem:s6], [sflag:s4] =	dma.local [hbm:s3], $0xF7A  }
0x26: {  	[smem:$0x3F97] =	sst s1;
	(tag) =	ssettag s2;
	_ =	strace s9  }
0x27: {  	s1 =	sld [smem:$0x3FA7]  }
0x28: {  	s2 =	sld [smem:$0x3FA8]  }
0x29: {  	s4 =	sld [smem:$0x3FAA]  }
0x2a: {  	p0 =	seq.s32 s5, $0x0;
	s5 =	sld [smem:$0x3FAB]  }
0x2b: {  	s6 =	sld [smem:$0x3FAC]  }
0x2c: {  	s7 =	sld [smem:$0x3FAD]  }
0x2d: {  	s3 =	simm.s32 $0x108;
	s8 =	sld [smem:$0x3FAE]  }
0x2e: {  	s3 =	simm.s32 @!p0 $0x1082;
	s9 =	sld [smem:$0x3FAF]  }
0x2f: {  	lr =	sadd.s32 s0, s3;
	s0 =	sld [smem:$0x3FA6]  }
0x30: {  	s3 =	sld [smem:$0x3FA9]  }
0x31: {  	[smem:$0x3FB2] =	sst s10  }
0x32: {  	s10 =	sld [smem:$0x3FB0];
	_ =	sdelay $0x3  }
0x33: {  	p0 =	seq.s32 s10, $0x1;
	s10 =	sld [smem:$0x3FB2];
	_ =	sdelay $0x3  }
0x34: {  	[smem:$0x3FB2] =	sst s10  }
0x35: {  	s10 =	sld [smem:$0x3FB1];
	_ =	sdelay $0x3  }
0x36: {  	p1 =	seq.s32 s10, $0x1;
	s10 =	sld [smem:$0x3FB2];
	_ =	sdelay $0x3  }
0x37: {  	[smem:$0x3FB2] =	sst s10  }
0x38: {  	s10 =	sld [smem:$0x3FB3]  }
0x39: {  	_ = 	snop;
	(pc) =	sbr.ind lr, $3  }
0x3a: {  	_ = 	snop  }
0x3b: {  	_ = 	snop  }
0x3c: {  	p2 =	seq.s32 s10, $0x1;
	s10 =	sld [smem:$0x3FB2]  }
0x3d: {  	_ =	shalt  }
0x3e: {  	_ =	shalt  }
0x3f: {  	_ =	shalt  }
0x40: {  	_ =	shalt  }
0x41: {  	_ =	shalt  }
0x42: {  	_ =	shalt  }
0x43: {  	_ =	shalt  }
0x44: {  	_ =	shalt  }
0x45: {  	_ =	shalt  }
0x46: {  	_ =	shalt  }
0x47: {  	_ =	shalt  }
0x48: {  	_ =	shalt  }
0x49: {  	_ =	shalt  }
0x4a: {  	_ =	shalt  }
0x4b: {  	_ =	shalt  }
0x4c: {  	_ =	shalt  }
0x4d: {  	_ =	shalt  }
0x4e: {  	_ =	shalt  }
0x4f: {  	_ =	shalt  }
0x50: {  	_ =	shalt  }
0x51: {  	_ =	shalt  }
0x52: {  	_ =	shalt  }
0x53: {  	_ =	shalt  }
0x54: {  	_ =	shalt  }
0x55: {  	_ =	shalt  }
0x56: {  	_ =	shalt  }
0x57: {  	_ =	shalt  }
0x58: {  	_ =	shalt  }
0x59: {  	_ =	shalt  }
0x5a: {  	_ =	shalt  }
0x5b: {  	_ =	shalt  }
0x5c: {  	_ =	shalt  }
0x5d: {  	_ =	shalt  }
0x5e: {  	_ =	shalt  }
0x5f: {  	_ =	shalt  }
0x60: {  	_ =	shalt  }
0x61: {  	_ =	shalt  }
0x62: {  	_ =	shalt  }
0x63: {  	_ =	shalt  }
0x64: {  	_ =	shalt  }
0x65: {  	_ =	shalt  }
0x66: {  	_ =	shalt  }
0x67: {  	_ =	shalt  }
0x68: {  	_ =	shalt  }
0x69: {  	_ =	shalt  }
0x6a: {  	_ =	shalt  }
0x6b: {  	_ =	shalt  }
0x6c: {  	_ =	shalt  }
0x6d: {  	_ =	shalt  }
0x6e: {  	_ =	shalt  }
0x6f: {  	_ =	shalt  }
0x70: {  	_ =	shalt  }
0x71: {  	_ =	shalt  }
0x72: {  	_ =	shalt  }
0x73: {  	_ =	shalt  }
0x74: {  	_ =	shalt  }
0x75: {  	_ =	shalt  }
0x76: {  	_ =	shalt  }
0x77: {  	_ =	shalt  }
0x78: {  	_ =	shalt  }
0x79: {  	_ =	shalt  }
0x7a: {  	_ =	shalt  }
0x7b: {  	_ =	shalt  }
0x7c: {  	_ =	shalt  }
0x7d: {  	_ =	shalt  }
0x7e: {  	_ =	shalt  }
0x7f: {  	_ =	shalt  }
0x80: {  	_ =	shalt  }
0x81: {  	_ =	shalt  }
0x82: {  	_ =	shalt  }
0x83: {  	_ =	shalt  }
0x84: {  	_ =	shalt  }
0x85: {  	_ =	shalt  }
0x86: {  	_ =	shalt  }
0x87: {  	_ =	shalt  }
.Lfunc_end0:
.L_simem_size_0:
called_computation_lowered:
.L_overlay_start_0:
0x88: {  	s2 =	sld [smem:$0x3FD9]  }
0x89: {  	s3 =	sld [smem:$0x3FFE];
	_ =	sdelay $0x1  }
0x8a: {  	s1 =	srdreg.scid  }
0x8b: {  	s0 =	sand.u32 $0x1, s1  }
0x8c: {  	s14 =	sshll.u32 s0, $0xA;
	s2 =	sadd.s32 s3, s2  }
0x8d: {  	s2 =	sadd.s32 s2, s14  }
0x8e: {  	[smem:$0x3FBE] =	sst s2  }
0x8f: {  	_ = 	snop  }
0x90: {  	s2 =	sld [smem:$0x3FD0];
	_ =	sdelay $0x2  }
0x91: {  	s15 =	simm.s32 $0xA;
	s4 =	simm.s32 $0x10  }
0x92: {  	[smem:s4], [sflag:s15] =	dma.local [hbm:s2], $0x1  }
0x93: {  	_ =	swait.eq [sflag:s15], $0x1  }
0x94: {  	[sflag:s15] =	ssyncset.done $0x0  }
0x95: {  	s16 =	sld [smem:$0x10];
	[sflag:s15] =	ssyncadd.s32 $0xFFFFFFFF  }
0x96: {  	s17 =	sld [smem:$0x11];
	(tm) =	ssettm $0x1  }
0x97: {  	s18 =	sld [smem:$0x3FFB];
	_ =	sdelay $0x3  }
0x98: {  	_ =	strace s18  }
0x99: {  	s4 =	sld [smem:$0x3FFC];
	_ =	sdelay $0x3  }
0x9a: {  	_ =	strace s4  }
0x9b: {  	s4 =	sld [smem:$0x3FFD];
	_ =	sdelay $0x3  }
0x9c: {  	_ =	strace s4  }
0x9d: {  	_ =	strace $0x8FFFFFFF  }
0x9e: {  	s19 =	sld [smem:$0x3FDB];
	_ =	sdelay $0x1  }
0x9f: {  	s5 =	simm.s32 $_scs_section_size  }
0xa0: {  	s6 =	simm.s32 $_size__tile_overlayer_lowered;
	s7 =	simm.s32 $_tile_overlayer_lowered  }
0xa1: {  	s22 =	simm.s32 $0x1BFF;
	s21 =	sshll.u32 s7, $0x1;
	s4 =	sadd.s32 s5, s19  }
0xa2: {  	s8 =	simm.s32 $0x0;
	s20 =	sshll.u32 s6, $0x1;
	s6 =	sadd.s32 s21, s4  }
0xa3: {  	[timem:s8], [sflag:s22] =	dma.local [hbm:s6], s20  }
0xa4: {  	_ =	swait.ge [sflag:s22], s20  }
0xa5: {  	s5 =	ssub.s32 $0x0, s20;
	[sflag:s22] =	ssyncset.done $0x0  }
0xa6: {  	[sflag:s22] =	ssyncadd.s32 s5;
	_ =	sdelay $0x1  }
0xa7: {  	s23 =	simm.s32 $0x1B8B  }
0xa8: {  	_ =	swait.ge [sflag:s23], $0x1  }
0xa9: {  	[sflag:s23] =	ssyncset.done $0x0  }
0xaa: {  	s25 =	simm.s32 $0x1B8E;
	s24 =	sld [smem:$0x3FFE];
	[sflag:s23] =	ssyncadd.s32 $0xFFFFFFFF  }
0xab: {  	s26 =	simm.s32 $execute0_lowered;
	[smem:$0x3FD2] =	sst s25  }
0xac: {  	s6 =	sshll.u32 s26, $0x1;
	_ =	strace $0x80000046;
	[dreg:$0x1] =	wrdreg $0xFFFFFFFF  }
0xad: {  	s28 =	simm.s32 $_size_execute0_lowered;
	s4 =	sadd.s32 s4, s6;
	[dreg:$0x0] =	wrdreg $0x0  }
0xae: {  	s6 =	sshll.u32 s28, $0x1;
	[dreg:$0x2] =	wrdreg s4  }
0xaf: {  	[dreg:$0x3] =	wrdreg s6  }
0xb0: {  	[dreg:$0x4] =	wrdreg $0xC0  }
0xb1: {  	_ =	task [dreg:s8], $0x5FFFF  }
0xb2: {  	[dreg:$0x1] =	wrdreg $0xFFFFFFFF  }
0xb3: {  	[dreg:$0x0] =	wrdreg $0x60  }
0xb4: {  	[dreg:$0x2] =	wrdreg s16  }
0xb5: {  	[dreg:$0x3] =	wrdreg s17  }
0xb6: {  	[dreg:$0x4] =	wrdreg s24  }
0xb7: {  	[dreg:$0x5] =	wrdreg $0x9  }
0xb8: {  	_ =	task.clear_ibuf [dreg:s8], $0x6FFFF;
	_ =	strace $0x90000046  }
0xb9: {  	s29 =	simm.s32 $0x9;
	_ =	strace $0x80000048  }
0xba: {  	_ =	swait.ge [sflag:s29], $0x1  }
0xbb: {  	[sflag:s29] =	ssyncadd.s32 $0xFFFFFFFF  }
0xbc: {  	_ =	strace $0x90000048  }
0xbd: {  	_ =	sfence  }
0xbe: {  	s30 =	sld [smem:$0x0];
	_ =	sdelay $0x2  }
0xbf: {  	s31 =	sshll.u32 s1, $0xD;
	s1 =	sshrl.u32 s1, $0x2  }
0xc0: {  	s3 =	sand.u32 $0x4000, s31;
	s1 =	sadd.s32 s1, s30  }
0xc1: {  	s0 =	sor.u32 s3, s0;
	s1 =	sshll.u32 s1, $0x11  }
0xc2: {  	s0 =	sor.u32 s1, s0  }
0xc3: {  	s0 =	sadd.s32 $0x8F2B, s0  }
0xc4: {  	[sflag:s0] =	ssyncadd.remote.s32 $0x1  }
0xc5: {  	_ =	sfence.sel $0xFFFF  }
0xc6: {  	[dreg:$0x0] =	wrdreg $0xFFFFFFFF;
	(pc) =	sbr.abs _section_cstart, $3  }
0xc7: {  	[dreg:$0x1] =	wrdreg $0xFFFFFFFF  }
0xc8: {  	_ =	task.clear_ibuf [dreg:s8], $0x2FFFF;
	_ =	strace $0x9FFFFFFF  }
0xc9: {  	(tm) =	ssettm $0x7FFFFFFF  }
tec
execute0_lowered:
.L_overlay_start_1:
0x0: {  	(tag) =	ssettag $0x1  }
0x1: {  	s1 =	rddreg [dreg:$0x0]  }
0x2: {  	s2 =	rddreg [dreg:$0x1]  }
0x3: {  	s5 =	rddreg [dreg:$0x2]  }
0x4: {  	s0 =	rddreg [dreg:$0x3];
	s3 =	simm.s32 $0x0  }
0x5: {  	s4 =	srdreg.scid;
	s11 =	simm.s32 $0x1;
	s12 =	simm.s32 $0xC350  }
0x6: {  	s13 =	simm.s32 $0x186A0;
	s14 =	simm.s32 $0x2;
	s15 =	simm.s32 $0x19FA0  }
.Ltmp0:
0x7: {  	s16 =	simm.s32 $0x1B8A0;
	s4 =	sand.u32 $0x1, s4;
	(pc) =	sbr.rel .LBB2_1-.Ltmp0, $4  }
0x8: {  	s17 =	simm.s32 $0x0;
	[smem:$0x7FF] =	sst s3;
	s9 =	ssub.s32 $0x2, s4  }
0x9: {  	s6 =	sadd.s32 $0xDFC00, s5;
	s7 =	sadd.s32 $0xC7400, s5;
	s10 =	sshrl.u32 s9, $0x1  }
0xa: {  	s8 =	sadd.s32 $0x3E00, s5;
	s5 =	stileid.u32;
	s10 =	ssub.s32 s9, s10  }
0xb: {  	_ =	strace $0x80000047;
	s9 =	sshll.u32 s5, $0x1;
	s10 =	smax.u32 s10, $0x1  }
.LBB2_7:
0xc: {  	s17 =	sadd.s32 $0x1, s17  }
0xd: {  	p0 =	sne.s32 s17, s10  }
.Ltmp1:
0xe: {  	_ = 	snop;
	(pc) =	sbr.rel @!p0 .LBB2_8-.Ltmp1, $1  }
0xf: {  	_ =	sdelay $0x3  }
.LBB2_1:
0x10: {  	[tilespmem:s3], [sflag:$0x1] =	stream.linear.gather [hbm4b:s1+s3], $0xC350, $0x38;
	[tilespmem:$0x1D1A0] =	vst v63  }
0x11: {  	_ =	swait.ge [sflag:s11], $0xC350  }
0x12: {  	[sflag:s11] =	ssyncset.done $0x0  }
.Ltmp2:
0x13: {  	[sflag:s11] =	ssyncadd.s32 $0xFFFF3CB0;
	(pc) =	sbr.rel .LBB2_2-.Ltmp2, $4  }
0x14: {  	[tilespmem:s12], [sflag:$0x1] =	stream.linear.gather [hbm4b:s2+s3], $0xC350, $0x38;
	[tilespmem:$0x1D1A0] =	vst v63  }
0x15: {  	_ =	swait.ge [sflag:s11], $0xC350  }
0x16: {  	[sflag:s11] =	ssyncset.done $0x0  }
0x17: {  	s18 =	simm.s32 $0x0;
	[sflag:s11] =	ssyncadd.s32 $0xFFFF3CB0  }
.LBB2_6:
0x18: {  	s18 =	sadd.s32 $0x1, s18  }
0x19: {  	p0 =	sne.s32 s18, $0x4  }
.Ltmp3:
0x1a: {  	_ = 	snop;
	(pc) =	sbr.rel @!p0 .LBB2_7-.Ltmp3, $1  }
0x1b: {  	_ =	sdelay $0x3  }
.LBB2_2:
0x1c: {  	s19 =	sshll.u32 s18, $0x5  }
0x1d: {  	s19 =	sor.u32 s19, s9  }
0x1e: {  	s19 =	sor.u32 s4, s19  }
0x1f: {  	p0 =	sgt.u32 s19, $0x7C  }
.Ltmp4:
0x20: {  	_ = 	snop;
	(pc) =	sbr.rel @p0 .LBB2_6-.Ltmp4, $1  }
0x21: {  	_ =	sdelay $0x3  }
0x22: {  	s19 =	smul.u32 $0x320, s19;
	_ =	sdelay $0x1  }
0x23: {  	s21 =	simm.s32 $0x0;
	s20 =	sadd.s32 s6, s19  }
0x24: {  	[tilespmem:s13], [sflag:$0x2] =	stream.linear.gather [hbm4b:s20+s21], $0x1900, $0x38;
	[tilespmem:$0x1D1A0] =	vst v63  }
0x25: {  	_ =	swait.ge [sflag:s14], $0x1900  }
0x26: {  	[sflag:s14] =	ssyncset.done $0x0  }
0x27: {  	s31 =	sadd.s32 s7, s19;
	[sflag:s14] =	ssyncadd.s32 $0xFFFFE700  }
0x28: {  	[tilespmem:s15], [sflag:$0x2] =	stream.linear.gather [hbm4b:s31+s21], $0x1900, $0x38;
	[tilespmem:$0x1D1A0] =	vst v63  }
0x29: {  	_ =	swait.ge [sflag:s14], $0x1900  }
0x2a: {  	[sflag:s14] =	ssyncset.done $0x0  }
0x2b: {  	s20 =	simm.s32 $0x0;
	[sflag:s14] =	ssyncadd.s32 $0xFFFFE700  }
0x2c: {  	v0 =	vld [tilespmem:s20+$0x19FA0]  }
0x2d: {  	v1 =	vld [tilespmem:s20+$0x186A0];
	_ =	sdelay $0x6  }
0x2e: {  	v0 =	vld.idx.msk [tilespmem:v0+s12+$0x0], $0xffff  }
0x2f: {  	v1 =	vld.idx.msk [tilespmem:v1+s3+$0x0], $0xffff;
	_ =	sdelay $0x4  }
0x30: {  	v0 =	vadd.f32 v0, v1;
	_ =	sdelay $0x1  }
0x31: {  	v1 =	vmul.f32 $2.000000030e-01, v0  }
0x32: {  	vm0 =	vge.f32 v0, $0.0e+00  }
0x33: {  	v0 =	vsel vm0, v0, v1  }
0x34: {  	v0 =	vmin.f32 v0, $6.000000000e+01  }
0x35: {  	v0 =	vmul.f32 $1.442695020e+00, v0;
	_ =	sdelay $0x1  }
0x36: {  	(erf) = vpow2.f32 v0;
	_ =	sdelay $0x1  }
0x37: {  	s22 =	simm.s32 $0x10  }
0x38: {  	s21 =	simm.s32 $0x80;
	v0 =	vld [tilespmem:s22+$0x19FA0]  }
.LBB2_4:
0x39: {  	p0 =	sne.s32 s21, $0x63C0;
	v1 =	vld [tilespmem:s22+$0x186A0];
	_ =	sdelay $0x4  }
0x3a: {  	v2 =	vpop (erf)  }
0x3b: {  	[tilespmem:s20+$0x1B8A0] =	vst v2;
	s20 =	smov.u32 s22  }
0x3c: {  	v0 =	vld.idx.msk [tilespmem:v0+s12+$0x0], $0xffff  }
0x3d: {  	v1 =	vld.idx.msk [tilespmem:v1+s3+$0x0], $0xffff;
	_ =	sdelay $0x5  }
0x3e: {  	v0 =	vadd.f32 v0, v1;
	_ =	sdelay $0x1  }
0x3f: {  	v1 =	vmul.f32 $2.000000030e-01, v0  }
0x40: {  	vm0 =	vge.f32 v0, $0.0e+00  }
0x41: {  	v0 =	vsel vm0, v0, v1  }
0x42: {  	v0 =	vmin.f32 v0, $6.000000000e+01  }
0x43: {  	v0 =	vmul.f32 $1.442695020e+00, v0  }
.Ltmp5:
0x44: {  	(pc) =	sbr.rel @p0 .LBB2_4-.Ltmp5, $3  }
0x45: {  	(erf) = vpow2.f32 v0;
	_ =	sdelay $0x1  }
0x46: {  	s22 =	sshra.s32 s21, $0x2  }
0x47: {  	s21 =	sadd.s32 $0x40, s21;
	v0 =	vld [tilespmem:s22+$0x19FA0]  }
0x48: {  	_ = 	snop  }
0x49: {  	v1 =	vld [tilespmem:s22+$0x186A0];
	_ =	sdelay $0x4  }
0x4a: {  	v2 =	vpop (erf)  }
0x4b: {  	[tilespmem:s20+$0x1B8A0] =	vst v2  }
0x4c: {  	v0 =	vld.idx.msk [tilespmem:v0+s12+$0x0], $0xffff  }
0x4d: {  	v1 =	vld.idx.msk [tilespmem:v1+s3+$0x0], $0xffff;
	_ =	sdelay $0x4  }
0x4e: {  	v0 =	vadd.f32 v0, v1;
	_ =	sdelay $0x1  }
0x4f: {  	v1 =	vmul.f32 $2.000000030e-01, v0  }
0x50: {  	vm0 =	vge.f32 v0, $0.0e+00  }
0x51: {  	v0 =	vsel vm0, v0, v1  }
0x52: {  	v0 =	vmin.f32 v0, $6.000000000e+01  }
0x53: {  	v0 =	vmul.f32 $1.442695020e+00, v0;
	_ =	sdelay $0x1  }
0x54: {  	(erf) = vpow2.f32 v0;
	_ =	sdelay $0x8  }
0x55: {  	v0 =	vpop (erf)  }
.Ltmp6:
0x56: {  	s19 =	sadd.s32 s8, s19;
	[tilespmem:s22+$0x1B8A0] =	vst v0;
	(pc) =	sbr.rel .LBB2_6-.Ltmp6, $4  }
0x57: {  	[hbm4b:s19+s3] =	stream.linear.scatter [tilespmem:s16], [sflag:$0x1], $0x1900, $0x38;
	[tilespmem:$0x1D1A0] =	vst v63  }
0x58: {  	_ =	swait.ge [sflag:s11], $0x1900  }
0x59: {  	[sflag:s11] =	ssyncset.done $0x0  }
0x5a: {  	[sflag:s11] =	ssyncadd.s32 $0xFFFFE700  }
.LBB2_8:
0x5b: {  	_ =	sfence.sel $0x180000  }
0x5c: {  	[bflag:$0x0] =	sbarrier.arrive $0xFFFF  }
0x5d: {  	p0 =	sne.s32 s5, $0x0;
	_ =	strace $0x90000047  }
0x5e: {  	s0 =	sadd.s32 @!p0 $0x100000, s0;
	[bflag:$0x2] =	sbarrier.arrive $0xFFFF  }
0x5f: {  	[sflag:s0] =	ssyncadd.tile.s32 @!p0 $0x1;
	_ =	shalt  }
.Lfunc_end2:
_tile_overlayer_lowered:
.L_overlay_start_2:
0x60: {  	(tag) =	ssettag $0x2  }
0x61: {  	s0 =	rddreg [dreg:$0x0];
	s2 =	stileid.u32  }
0x62: {  	s1 =	rddreg [dreg:$0x1];
	p0 =	sne.s32 s2, $0x0  }
0x63: {  	s3 =	rddreg [dreg:$0x2];
	[bflag:$0x3] =	sbarrier.arrive $0xFFFF;
	s2 =	simm.s32 @!p0 $0x1C01  }
0x64: {  	[timem:s3], [sflag:s2] =	dma.local @!p0 [hbm:s0], s1  }
0x65: {  	s0 =	simm.s32 @!p0 $0x1  }
0x66: {  	_ =	swait.ge @!p0 [sflag:s0], s1  }
0x67: {  	s1 =	ssub.s32 @!p0 $0x0, s1;
	[sflag:s0] =	ssyncset.done @!p0 $0x0  }
0x68: {  	[sflag:s0] =	ssyncadd.s32 @!p0 s1  }
0x69: {  	[bflag:$0x3] =	sbarrier.arrive $0xFFFF  }
0x6a: {  	_ =	shalt  }

</sc_bundles>
